<compile_context>
chip_gen: v7x
topology: tpu7x:2x2x1
jax: 0.10.2.dev20260603
libtpu: 0.0.44.dev20260713+nightly
codegen_flags: <defaults>
</compile_context>

<pallas_src>
import jax
import jax.numpy as jnp
from jax import lax
from jax.experimental import pallas as pl
from jax.experimental.pallas import tpu as pltpu
from jax.experimental.pallas import tpu_sc as plsc

B, S, H = 4, 8192, 1024
L = 16
NC, NS = 2, 16
NW = NC * NS
CT = H // 128
GP = 128 // L
CHR = 256
U = 8

S_SC = 2048
S_TC = S - S_SC
NCH = S_SC // CHR
CHT = 2048
NCHT = S_TC // CHT


def _sc_pool(hid_ref, om_ref, os_ref, ot_ref,
             buf2, macc, sacc, tacc, stm, sts, stt, sem0, sem1):
    wid = lax.axis_index("s") * NC + lax.axis_index("c")
    b = wid // CT
    col0 = pl.multiple_of((wid % CT) * 128, 128)
    row0 = b * S
    sems = (sem0, sem1)

    minf = jnp.full((L,), -jnp.inf, jnp.float32)
    zero = jnp.zeros((L,), jnp.float32)

    def copy_chunk(cc, k):
        r = pl.multiple_of(row0 + cc * CHR, CHR)
        return pltpu.make_async_copy(
            hid_ref.at[pl.ds(r, CHR), pl.ds(col0, 128)],
            buf2.at[k], sems[k])

    for j in range(GP):
        macc[j] = minf
        sacc[j] = zero
        tacc[j] = zero

    copy_chunk(0, 0).start()

    def body(cc, carry):
        nxt = cc + 1
        par = lax.rem(cc, 2)

        @pl.when(jnp.logical_and(nxt < NCH, par == 0))
        def _():
            copy_chunk(nxt, 1).start()

        @pl.when(jnp.logical_and(nxt < NCH, par == 1))
        def _():
            copy_chunk(nxt, 0).start()

        @pl.when(par == 0)
        def _():
            copy_chunk(cc, 0).wait()

        @pl.when(par == 1)
        def _():
            copy_chunk(cc, 1).wait()

        for j in range(GP):
            cs = pl.ds(j * L, L)

            def p1(r, mm, cs=cs, par=par):
                m0, m1 = mm
                rb = r * U
                for u in range(0, U, 2):
                    m0 = jnp.maximum(m0, buf2[par, rb + u, cs])
                    m1 = jnp.maximum(m1, buf2[par, rb + u + 1, cs])
                return m0, m1

            m0, m1 = lax.fori_loop(0, CHR // U, p1, (minf, minf))
            mc = jnp.maximum(m0, m1)
            mp = macc[j]
            mN = jnp.maximum(mp, mc)
            alpha = jnp.exp(mp - mN)
            s0 = sacc[j] * alpha
            t0 = tacc[j] * alpha
            s1 = zero
            t1 = zero

            def p2(r, carry, cs=cs, mN=mN, par=par):
                a0, b0, a1, b1 = carry
                rb = r * U
                for u in range(0, U, 2):
                    x0 = buf2[par, rb + u, cs]
                    x1 = buf2[par, rb + u + 1, cs]
                    e0 = jnp.exp(x0 - mN)
                    e1 = jnp.exp(x1 - mN)
                    a0 += e0
                    b0 += x0 * e0
                    a1 += e1
                    b1 += x1 * e1
                return (a0, b0, a1, b1)

            s0, t0, s1, t1 = lax.fori_loop(
                0, CHR // U, p2, (s0, t0, s1, t1))
            macc[j] = mN
            sacc[j] = s0 + s1
            tacc[j] = t0 + t1
        return carry

    lax.fori_loop(0, NCH, body, 0)

    for j in range(GP):
        cs = pl.ds(j * L, L)
        stm[cs] = macc[j]
        sts[cs] = sacc[j]
        stt[cs] = tacc[j]
    dst = pl.ds(b * H + col0, 128)
    pltpu.sync_copy(stm, om_ref.at[dst])
    pltpu.sync_copy(sts, os_ref.at[dst])
    pltpu.sync_copy(stt, ot_ref.at[dst])


_sc_pool_call = pl.kernel(
    _sc_pool,
    out_type=(
        jax.ShapeDtypeStruct((B * H,), jnp.float32),
        jax.ShapeDtypeStruct((B * H,), jnp.float32),
        jax.ShapeDtypeStruct((B * H,), jnp.float32),
    ),
    mesh=plsc.VectorSubcoreMesh(core_axis_name="c", subcore_axis_name="s"),
    scratch_types=[
        pltpu.VMEM((2, CHR, 128), jnp.float32),
        pltpu.VMEM((GP, L), jnp.float32),
        pltpu.VMEM((GP, L), jnp.float32),
        pltpu.VMEM((GP, L), jnp.float32),
        pltpu.VMEM((128,), jnp.float32),
        pltpu.VMEM((128,), jnp.float32),
        pltpu.VMEM((128,), jnp.float32),
        pltpu.SemaphoreType.DMA,
        pltpu.SemaphoreType.DMA,
    ],
)


def _tc_pool_body(x_ref, om_ref, os_ref, ot_ref, macc, sacc, tacc):
    c = pl.program_id(1)

    @pl.when(c == 0)
    def _():
        macc[...] = jnp.full((1, H), -jnp.inf, jnp.float32)
        sacc[...] = jnp.zeros((1, H), jnp.float32)
        tacc[...] = jnp.zeros((1, H), jnp.float32)

    x = x_ref[0]
    mc = jnp.max(x, axis=0, keepdims=True)
    mp = macc[...]
    mN = jnp.maximum(mp, mc)
    alpha = jnp.exp(mp - mN)
    e = jnp.exp(x - mN)
    ones = jnp.ones((1, CHT), jnp.float32)
    se = lax.dot_general(ones, e, (((1,), (0,)), ((), ())),
                         preferred_element_type=jnp.float32)
    te = lax.dot_general(ones, x * e, (((1,), (0,)), ((), ())),
                         preferred_element_type=jnp.float32)
    sacc[...] = sacc[...] * alpha + se
    tacc[...] = tacc[...] * alpha + te
    macc[...] = mN

    @pl.when(c == NCHT - 1)
    def _():
        om_ref[0] = macc[...]
        os_ref[0] = sacc[...]
        ot_ref[0] = tacc[...]


_tc_pool = pl.pallas_call(
    _tc_pool_body,
    grid=(B, NCHT),
    in_specs=[pl.BlockSpec((1, CHT, H),
                           lambda b, c: (b, S_SC // CHT + c, 0))],
    out_specs=[pl.BlockSpec((1, 1, H), lambda b, c: (b, 0, 0))] * 3,
    out_shape=[jax.ShapeDtypeStruct((B, 1, H), jnp.float32)] * 3,
    scratch_shapes=[pltpu.VMEM((1, H), jnp.float32)] * 3,
)


def _tc_final_body(msc_ref, ssc_ref, tsc_ref, mtc_ref, stc_ref, ttc_ref,
                   w_ref, b_ref, o_ref):
    msc = msc_ref[...].reshape(B, H)
    mtc = mtc_ref[...].reshape(B, H)
    mM = jnp.maximum(msc, mtc)
    asc = jnp.exp(msc - mM)
    atc = jnp.exp(mtc - mM)
    s = ssc_ref[...].reshape(B, H) * asc + stc_ref[...].reshape(B, H) * atc
    t = tsc_ref[...].reshape(B, H) * asc + ttc_ref[...].reshape(B, H) * atc
    pooled = t / s
    acc = lax.dot_general(
        pooled, w_ref[...], (((1,), (1,)), ((), ())),
        preferred_element_type=jnp.float32,
    )
    o_ref[...] = jnp.tanh(acc + b_ref[...])


_tc_final = pl.pallas_call(
    _tc_final_body,
    out_shape=jax.ShapeDtypeStruct((B, H), jnp.float32),
)


@jax.jit
def kernel(hidden_states, W, b):
    hid2 = hidden_states.reshape(B * S, H)
    msc, ssc, tsc = _sc_pool_call(hid2)
    mtc, stc, ttc = _tc_pool(hidden_states)
    return _tc_final(msc, ssc, tsc, mtc, stc, ttc,
                     W.astype(jnp.float32), b.reshape(1, H))

# --- scband reference (transcript-rebuilt; emitter-appended) ---
"""Pipeline reference for scband-my-bert-pooler-55825984913418 (READ-ONLY COPY).

The authoritative reference and input builder live on the scoring server;
editing this copy changes nothing except your own understanding.
"""

import jax, jax.numpy as jnp
import numpy as np

B, S, H = 4, 8192, 1024

def setup_inputs(seed: int = 0) -> dict:
    key = jax.random.key(seed)
    k1, k2, k3 = jax.random.split(key, 3)
    hidden_states = jax.random.normal(k1, (B, S, H), dtype=jnp.float32)
    # Linear(hidden_size, hidden_size) parameters, torch default init scale
    bound = 1.0 / np.sqrt(H)
    W = jax.random.uniform(k2, (H, H), dtype=jnp.float32, minval=-bound, maxval=bound)
    b = jax.random.uniform(k3, (H,), dtype=jnp.float32, minval=-bound, maxval=bound)
    return {"hidden_states": hidden_states, "W": W, "b": b}

def reference(hidden_states, W, b):
    # permute(0, 2, 1): [B, S, H] -> [B, H, S]
    h = jnp.transpose(hidden_states, (0, 2, 1))
    # softmax over the token dimension (dim=2)
    prob = jax.nn.softmax(h, axis=2)
    # eval path: output[i, j] = dot(h[i, j], prob[i, j]) over tokens -> [B, H]
    output = jnp.sum(h * prob, axis=2)
    # Linear + Tanh
    out = output @ W.T + b
    return jnp.tanh(out)

if __name__ == "__main__":
    import jax
    _d = setup_inputs()
    print(jax.jit(kernel)(*tuple(_d.values())))

</pallas_src>

<mosaic_0001>
#map = affine_map<(d0, d1) -> (0, 0)>
#map1 = affine_map<(d0, d1) -> (0)>
module attributes {stable_mosaic.version = 14 : i64} {
  func.func @_sc_pool(%arg0: i32, %arg1: i32, %arg2: memref<32768x1024xf32, #tpu.memory_space<hbm>>, %arg3: memref<4096xf32, #tpu.memory_space<hbm>>, %arg4: memref<4096xf32, #tpu.memory_space<hbm>>, %arg5: memref<4096xf32, #tpu.memory_space<hbm>>, %arg6: memref<2x256x128xf32, #tpu.memory_space<vmem>>, %arg7: memref<8x16xf32, #tpu.memory_space<vmem>>, %arg8: memref<8x16xf32, #tpu.memory_space<vmem>>, %arg9: memref<8x16xf32, #tpu.memory_space<vmem>>, %arg10: memref<128xf32, #tpu.memory_space<vmem>>, %arg11: memref<128xf32, #tpu.memory_space<vmem>>, %arg12: memref<128xf32, #tpu.memory_space<vmem>>, %arg13: memref<!tpu.dma_semaphore, #tpu.memory_space<semaphore_mem>>, %arg14: memref<!tpu.dma_semaphore, #tpu.memory_space<semaphore_mem>>) attributes {dimension_semantics = [#tpu.dimension_semantics<core_parallel>, #tpu.dimension_semantics<subcore_parallel>], iteration_bounds = array<i64: 2, 16>, scalar_prefetch = 0 : i64, scratch_operands = 9 : i64, tpu.core_type = #tpu.core_type<sc_vector_subcore>, window_params = [{transform_indices = #map}, {transform_indices = #map1}, {transform_indices = #map1}, {transform_indices = #map1}]} {
    %mul3A = arith.constant 2 : i32
    %mul3A_0 = arith.muli %arg1, %mul3A : i32
    %add3A = arith.addi %mul3A_0, %arg0 : i32
    %jit3A = arith.constant 8 : i32
    %div3A = arith.divsi %add3A, %jit3A : i32
    %sign3A = arith.constant 0 : i32
    %sign3A_1 = arith.cmpi sgt, %add3A, %sign3A : i32
    %sign3A_2 = arith.extui %sign3A_1 : i1 to i32
    %sign3A_3 = arith.constant 0 : i32
    %sign3A_4 = arith.cmpi slt, %add3A, %sign3A_3 : i32
    %sign3A_5 = arith.extui %sign3A_4 : i1 to i32
    %sign3A_6 = arith.subi %sign3A_2, %sign3A_5 : i32
    %sign3A_7 = arith.constant 0 : i32
    %sign3A_8 = arith.cmpi sgt, %jit3A, %sign3A_7 : i32
    %sign3A_9 = arith.extui %sign3A_8 : i1 to i32
    %sign3A_10 = arith.constant 0 : i32
    %sign3A_11 = arith.cmpi slt, %jit3A, %sign3A_10 : i32
    %sign3A_12 = arith.extui %sign3A_11 : i1 to i32
    %sign3A_13 = arith.subi %sign3A_9, %sign3A_12 : i32
    %ne3A = arith.cmpi ne, %sign3A_6, %sign3A_13 : i32
    %rem3A = arith.remsi %add3A, %jit3A : i32
    %ne3A_14 = arith.constant 0 : i32
    %ne3A_15 = arith.cmpi ne, %rem3A, %ne3A_14 : i32
    %and3A = arith.andi %ne3A, %ne3A_15 : i1
    %sub3A = arith.constant 1 : i32
    %sub3A_16 = arith.subi %div3A, %sub3A : i32
    %select_n3A = arith.select %and3A, %sub3A_16, %div3A : i32
    %jit3A_17 = arith.constant 8 : i32
    %eq3A = arith.constant 0 : i32
    %eq3A_18 = arith.cmpi eq, %jit3A_17, %eq3A : i32
    %jit3A_19 = arith.constant 1 : i32
    %select_n3A_20 = arith.select %eq3A_18, %jit3A_19, %jit3A_17 : i32
    %rem3A_21 = arith.remsi %add3A, %select_n3A_20 : i32
    %ne3A_22 = arith.constant 0 : i32
    %ne3A_23 = arith.cmpi ne, %rem3A_21, %ne3A_22 : i32
    %lt3A = arith.constant 0 : i32
    %lt3A_24 = arith.cmpi slt, %rem3A_21, %lt3A : i32
    %lt3A_25 = arith.constant 0 : i32
    %lt3A_26 = arith.cmpi slt, %select_n3A_20, %lt3A_25 : i32
    %ne3A_27 = arith.xori %lt3A_24, %lt3A_26 : i1
    %and3A_28 = arith.andi %ne3A_27, %ne3A_23 : i1
    %add3A_29 = arith.addi %rem3A_21, %select_n3A_20 : i32
    %select_n3A_30 = arith.select %and3A_28, %add3A_29, %rem3A_21 : i32
    %mul3A_31 = arith.constant 128 : i32
    %mul3A_32 = arith.muli %select_n3A_30, %mul3A_31 : i32
    %multiple_of3A = tpu.assume_multiple %mul3A_32, 128 : i32
    %mul3A_33 = arith.constant 8192 : i32
    %mul3A_34 = arith.muli %select_n3A, %mul3A_33 : i32
    %broadcast_in_dim3A = arith.constant 0xFF800000 : f32
    %broadcast_in_dim3A_35 = vector.broadcast %broadcast_in_dim3A : f32 to vector<16xf32>
    %broadcast_in_dim3A_36 = arith.constant 0.000000e+00 : f32
    %broadcast_in_dim3A_37 = vector.broadcast %broadcast_in_dim3A_36 : f32 to vector<16xf32>
    %swap3A = arith.constant 0 : i32
    %swap3A_38 = arith.index_cast %swap3A : i32 to index
    %swap3A_39 = arith.constant 0 : index
    %swap3A_40 = tpu.vector_load %arg7[%swap3A_38, %swap3A_39] {strides = array<i32>} : memref<8x16xf32, #tpu.memory_space<vmem>>, vector<1x16xf32>,
    %swap3A_41 = vector.shape_cast %swap3A_40 : vector<1x16xf32> to vector<16xf32>
    %swap3A_42 = vector.shape_cast %broadcast_in_dim3A_35 : vector<16xf32> to vector<1x16xf32>
    tpu.vector_store %arg7[%swap3A_38, %swap3A_39], %swap3A_42 {strides = array<i32>} : memref<8x16xf32, #tpu.memory_space<vmem>>, vector<1x16xf32>,
    %swap3A_43 = arith.constant 0 : i32
    %swap3A_44 = arith.index_cast %swap3A_43 : i32 to index
    %swap3A_45 = arith.constant 0 : index
    %swap3A_46 = tpu.vector_load %arg8[%swap3A_44, %swap3A_45] {strides = array<i32>} : memref<8x16xf32, #tpu.memory_space<vmem>>, vector<1x16xf32>,
    %swap3A_47 = vector.shape_cast %swap3A_46 : vector<1x16xf32> to vector<16xf32>
    %swap3A_48 = vector.shape_cast %broadcast_in_dim3A_37 : vector<16xf32> to vector<1x16xf32>
    tpu.vector_store %arg8[%swap3A_44, %swap3A_45], %swap3A_48 {strides = array<i32>} : memref<8x16xf32, #tpu.memory_space<vmem>>, vector<1x16xf32>,
    %swap3A_49 = arith.constant 0 : i32
    %swap3A_50 = arith.index_cast %swap3A_49 : i32 to index
    %swap3A_51 = arith.constant 0 : index
    %swap3A_52 = tpu.vector_load %arg9[%swap3A_50, %swap3A_51] {strides = array<i32>} : memref<8x16xf32, #tpu.memory_space<vmem>>, vector<1x16xf32>,
    %swap3A_53 = vector.shape_cast %swap3A_52 : vector<1x16xf32> to vector<16xf32>
    %swap3A_54 = vector.shape_cast %broadcast_in_dim3A_37 : vector<16xf32> to vector<1x16xf32>
    tpu.vector_store %arg9[%swap3A_50, %swap3A_51], %swap3A_54 {strides = array<i32>} : memref<8x16xf32, #tpu.memory_space<vmem>>, vector<1x16xf32>,
    %swap3A_55 = arith.constant 1 : i32
    %swap3A_56 = arith.index_cast %swap3A_55 : i32 to index
    %swap3A_57 = arith.constant 0 : index
    %swap3A_58 = tpu.vector_load %arg7[%swap3A_56, %swap3A_57] {strides = array<i32>} : memref<8x16xf32, #tpu.memory_space<vmem>>, vector<1x16xf32>,
    %swap3A_59 = vector.shape_cast %swap3A_58 : vector<1x16xf32> to vector<16xf32>
    %swap3A_60 = vector.shape_cast %broadcast_in_dim3A_35 : vector<16xf32> to vector<1x16xf32>
    tpu.vector_store %arg7[%swap3A_56, %swap3A_57], %swap3A_60 {strides = array<i32>} : memref<8x16xf32, #tpu.memory_space<vmem>>, vector<1x16xf32>,
    %swap3A_61 = arith.constant 1 : i32
    %swap3A_62 = arith.index_cast %swap3A_61 : i32 to index
    %swap3A_63 = arith.constant 0 : index
    %swap3A_64 = tpu.vector_load %arg8[%swap3A_62, %swap3A_63] {strides = array<i32>} : memref<8x16xf32, #tpu.memory_space<vmem>>, vector<1x16xf32>,
    %swap3A_65 = vector.shape_cast %swap3A_64 : vector<1x16xf32> to vector<16xf32>
    %swap3A_66 = vector.shape_cast %broadcast_in_dim3A_37 : vector<16xf32> to vector<1x16xf32>
    tpu.vector_store %arg8[%swap3A_62, %swap3A_63], %swap3A_66 {strides = array<i32>} : memref<8x16xf32, #tpu.memory_space<vmem>>, vector<1x16xf32>,
    %swap3A_67 = arith.constant 1 : i32
    %swap3A_68 = arith.index_cast %swap3A_67 : i32 to index
    %swap3A_69 = arith.constant 0 : index
    %swap3A_70 = tpu.vector_load %arg9[%swap3A_68, %swap3A_69] {strides = array<i32>} : memref<8x16xf32, #tpu.memory_space<vmem>>, vector<1x16xf32>,
    %swap3A_71 = vector.shape_cast %swap3A_70 : vector<1x16xf32> to vector<16xf32>
    %swap3A_72 = vector.shape_cast %broadcast_in_dim3A_37 : vector<16xf32> to vector<1x16xf32>
    tpu.vector_store %arg9[%swap3A_68, %swap3A_69], %swap3A_72 {strides = array<i32>} : memref<8x16xf32, #tpu.memory_space<vmem>>, vector<1x16xf32>,
    %swap3A_73 = arith.constant 2 : i32
    %swap3A_74 = arith.index_cast %swap3A_73 : i32 to index
    %swap3A_75 = arith.constant 0 : index
    %swap3A_76 = tpu.vector_load %arg7[%swap3A_74, %swap3A_75] {strides = array<i32>} : memref<8x16xf32, #tpu.memory_space<vmem>>, vector<1x16xf32>,
    %swap3A_77 = vector.shape_cast %swap3A_76 : vector<1x16xf32> to vector<16xf32>
    %swap3A_78 = vector.shape_cast %broadcast_in_dim3A_35 : vector<16xf32> to vector<1x16xf32>
    tpu.vector_store %arg7[%swap3A_74, %swap3A_75], %swap3A_78 {strides = array<i32>} : memref<8x16xf32, #tpu.memory_space<vmem>>, vector<1x16xf32>,
    %swap3A_79 = arith.constant 2 : i32
    %swap3A_80 = arith.index_cast %swap3A_79 : i32 to index
    %swap3A_81 = arith.constant 0 : index
    %swap3A_82 = tpu.vector_load %arg8[%swap3A_80, %swap3A_81] {strides = array<i32>} : memref<8x16xf32, #tpu.memory_space<vmem>>, vector<1x16xf32>,
    %swap3A_83 = vector.shape_cast %swap3A_82 : vector<1x16xf32> to vector<16xf32>
    %swap3A_84 = vector.shape_cast %broadcast_in_dim3A_37 : vector<16xf32> to vector<1x16xf32>
    tpu.vector_store %arg8[%swap3A_80, %swap3A_81], %swap3A_84 {strides = array<i32>} : memref<8x16xf32, #tpu.memory_space<vmem>>, vector<1x16xf32>,
    %swap3A_85 = arith.constant 2 : i32
    %swap3A_86 = arith.index_cast %swap3A_85 : i32 to index
    %swap3A_87 = arith.constant 0 : index
    %swap3A_88 = tpu.vector_load %arg9[%swap3A_86, %swap3A_87] {strides = array<i32>} : memref<8x16xf32, #tpu.memory_space<vmem>>, vector<1x16xf32>,
    %swap3A_89 = vector.shape_cast %swap3A_88 : vector<1x16xf32> to vector<16xf32>
    %swap3A_90 = vector.shape_cast %broadcast_in_dim3A_37 : vector<16xf32> to vector<1x16xf32>
    tpu.vector_store %arg9[%swap3A_86, %swap3A_87], %swap3A_90 {strides = array<i32>} : memref<8x16xf32, #tpu.memory_space<vmem>>, vector<1x16xf32>,
    %swap3A_91 = arith.constant 3 : i32
    %swap3A_92 = arith.index_cast %swap3A_91 : i32 to index
    %swap3A_93 = arith.constant 0 : index
    %swap3A_94 = tpu.vector_load %arg7[%swap3A_92, %swap3A_93] {strides = array<i32>} : memref<8x16xf32, #tpu.memory_space<vmem>>, vector<1x16xf32>,
    %swap3A_95 = vector.shape_cast %swap3A_94 : vector<1x16xf32> to vector<16xf32>
    %swap3A_96 = vector.shape_cast %broadcast_in_dim3A_35 : vector<16xf32> to vector<1x16xf32>
    tpu.vector_store %arg7[%swap3A_92, %swap3A_93], %swap3A_96 {strides = array<i32>} : memref<8x16xf32, #tpu.memory_space<vmem>>, vector<1x16xf32>,
    %swap3A_97 = arith.constant 3 : i32
    %swap3A_98 = arith.index_cast %swap3A_97 : i32 to index
    %swap3A_99 = arith.constant 0 : index
    %swap3A_100 = tpu.vector_load %arg8[%swap3A_98, %swap3A_99] {strides = array<i32>} : memref<8x16xf32, #tpu.memory_space<vmem>>, vector<1x16xf32>,
    %swap3A_101 = vector.shape_cast %swap3A_100 : vector<1x16xf32> to vector<16xf32>
    %swap3A_102 = vector.shape_cast %broadcast_in_dim3A_37 : vector<16xf32> to vector<1x16xf32>
    tpu.vector_store %arg8[%swap3A_98, %swap3A_99], %swap3A_102 {strides = array<i32>} : memref<8x16xf32, #tpu.memory_space<vmem>>, vector<1x16xf32>,
    %swap3A_103 = arith.constant 3 : i32
    %swap3A_104 = arith.index_cast %swap3A_103 : i32 to index
    %swap3A_105 = arith.constant 0 : index
    %swap3A_106 = tpu.vector_load %arg9[%swap3A_104, %swap3A_105] {strides = array<i32>} : memref<8x16xf32, #tpu.memory_space<vmem>>, vector<1x16xf32>,
    %swap3A_107 = vector.shape_cast %swap3A_106 : vector<1x16xf32> to vector<16xf32>
    %swap3A_108 = vector.shape_cast %broadcast_in_dim3A_37 : vector<16xf32> to vector<1x16xf32>
    tpu.vector_store %arg9[%swap3A_104, %swap3A_105], %swap3A_108 {strides = array<i32>} : memref<8x16xf32, #tpu.memory_space<vmem>>, vector<1x16xf32>,
    %swap3A_109 = arith.constant 4 : i32
    %swap3A_110 = arith.index_cast %swap3A_109 : i32 to index
    %swap3A_111 = arith.constant 0 : index
    %swap3A_112 = tpu.vector_load %arg7[%swap3A_110, %swap3A_111] {strides = array<i32>} : memref<8x16xf32, #tpu.memory_space<vmem>>, vector<1x16xf32>,
    %swap3A_113 = vector.shape_cast %swap3A_112 : vector<1x16xf32> to vector<16xf32>
    %swap3A_114 = vector.shape_cast %broadcast_in_dim3A_35 : vector<16xf32> to vector<1x16xf32>
    tpu.vector_store %arg7[%swap3A_110, %swap3A_111], %swap3A_114 {strides = array<i32>} : memref<8x16xf32, #tpu.memory_space<vmem>>, vector<1x16xf32>,
    %swap3A_115 = arith.constant 4 : i32
    %swap3A_116 = arith.index_cast %swap3A_115 : i32 to index
    %swap3A_117 = arith.constant 0 : index
    %swap3A_118 = tpu.vector_load %arg8[%swap3A_116, %swap3A_117] {strides = array<i32>} : memref<8x16xf32, #tpu.memory_space<vmem>>, vector<1x16xf32>,
    %swap3A_119 = vector.shape_cast %swap3A_118 : vector<1x16xf32> to vector<16xf32>
    %swap3A_120 = vector.shape_cast %broadcast_in_dim3A_37 : vector<16xf32> to vector<1x16xf32>
    tpu.vector_store %arg8[%swap3A_116, %swap3A_117], %swap3A_120 {strides = array<i32>} : memref<8x16xf32, #tpu.memory_space<vmem>>, vector<1x16xf32>,
    %swap3A_121 = arith.constant 4 : i32
    %swap3A_122 = arith.index_cast %swap3A_121 : i32 to index
    %swap3A_123 = arith.constant 0 : index
    %swap3A_124 = tpu.vector_load %arg9[%swap3A_122, %swap3A_123] {strides = array<i32>} : memref<8x16xf32, #tpu.memory_space<vmem>>, vector<1x16xf32>,
    %swap3A_125 = vector.shape_cast %swap3A_124 : vector<1x16xf32> to vector<16xf32>
    %swap3A_126 = vector.shape_cast %broadcast_in_dim3A_37 : vector<16xf32> to vector<1x16xf32>
    tpu.vector_store %arg9[%swap3A_122, %swap3A_123], %swap3A_126 {strides = array<i32>} : memref<8x16xf32, #tpu.memory_space<vmem>>, vector<1x16xf32>,
    %swap3A_127 = arith.constant 5 : i32
    %swap3A_128 = arith.index_cast %swap3A_127 : i32 to index
    %swap3A_129 = arith.constant 0 : index
    %swap3A_130 = tpu.vector_load %arg7[%swap3A_128, %swap3A_129] {strides = array<i32>} : memref<8x16xf32, #tpu.memory_space<vmem>>, vector<1x16xf32>,
    %swap3A_131 = vector.shape_cast %swap3A_130 : vector<1x16xf32> to vector<16xf32>
    %swap3A_132 = vector.shape_cast %broadcast_in_dim3A_35 : vector<16xf32> to vector<1x16xf32>
    tpu.vector_store %arg7[%swap3A_128, %swap3A_129], %swap3A_132 {strides = array<i32>} : memref<8x16xf32, #tpu.memory_space<vmem>>, vector<1x16xf32>,
    %swap3A_133 = arith.constant 5 : i32
    %swap3A_134 = arith.index_cast %swap3A_133 : i32 to index
    %swap3A_135 = arith.constant 0 : index
    %swap3A_136 = tpu.vector_load %arg8[%swap3A_134, %swap3A_135] {strides = array<i32>} : memref<8x16xf32, #tpu.memory_space<vmem>>, vector<1x16xf32>,
    %swap3A_137 = vector.shape_cast %swap3A_136 : vector<1x16xf32> to vector<16xf32>
    %swap3A_138 = vector.shape_cast %broadcast_in_dim3A_37 : vector<16xf32> to vector<1x16xf32>
    tpu.vector_store %arg8[%swap3A_134, %swap3A_135], %swap3A_138 {strides = array<i32>} : memref<8x16xf32, #tpu.memory_space<vmem>>, vector<1x16xf32>,
    %swap3A_139 = arith.constant 5 : i32
    %swap3A_140 = arith.index_cast %swap3A_139 : i32 to index
    %swap3A_141 = arith.constant 0 : index
    %swap3A_142 = tpu.vector_load %arg9[%swap3A_140, %swap3A_141] {strides = array<i32>} : memref<8x16xf32, #tpu.memory_space<vmem>>, vector<1x16xf32>,
    %swap3A_143 = vector.shape_cast %swap3A_142 : vector<1x16xf32> to vector<16xf32>
    %swap3A_144 = vector.shape_cast %broadcast_in_dim3A_37 : vector<16xf32> to vector<1x16xf32>
    tpu.vector_store %arg9[%swap3A_140, %swap3A_141], %swap3A_144 {strides = array<i32>} : memref<8x16xf32, #tpu.memory_space<vmem>>, vector<1x16xf32>,
    %swap3A_145 = arith.constant 6 : i32
    %swap3A_146 = arith.index_cast %swap3A_145 : i32 to index
    %swap3A_147 = arith.constant 0 : index
    %swap3A_148 = tpu.vector_load %arg7[%swap3A_146, %swap3A_147] {strides = array<i32>} : memref<8x16xf32, #tpu.memory_space<vmem>>, vector<1x16xf32>,
    %swap3A_149 = vector.shape_cast %swap3A_148 : vector<1x16xf32> to vector<16xf32>
    %swap3A_150 = vector.shape_cast %broadcast_in_dim3A_35 : vector<16xf32> to vector<1x16xf32>
    tpu.vector_store %arg7[%swap3A_146, %swap3A_147], %swap3A_150 {strides = array<i32>} : memref<8x16xf32, #tpu.memory_space<vmem>>, vector<1x16xf32>,
    %swap3A_151 = arith.constant 6 : i32
    %swap3A_152 = arith.index_cast %swap3A_151 : i32 to index
    %swap3A_153 = arith.constant 0 : index
    %swap3A_154 = tpu.vector_load %arg8[%swap3A_152, %swap3A_153] {strides = array<i32>} : memref<8x16xf32, #tpu.memory_space<vmem>>, vector<1x16xf32>,
    %swap3A_155 = vector.shape_cast %swap3A_154 : vector<1x16xf32> to vector<16xf32>
    %swap3A_156 = vector.shape_cast %broadcast_in_dim3A_37 : vector<16xf32> to vector<1x16xf32>
    tpu.vector_store %arg8[%swap3A_152, %swap3A_153], %swap3A_156 {strides = array<i32>} : memref<8x16xf32, #tpu.memory_space<vmem>>, vector<1x16xf32>,
    %swap3A_157 = arith.constant 6 : i32
    %swap3A_158 = arith.index_cast %swap3A_157 : i32 to index
    %swap3A_159 = arith.constant 0 : index
    %swap3A_160 = tpu.vector_load %arg9[%swap3A_158, %swap3A_159] {strides = array<i32>} : memref<8x16xf32, #tpu.memory_space<vmem>>, vector<1x16xf32>,
    %swap3A_161 = vector.shape_cast %swap3A_160 : vector<1x16xf32> to vector<16xf32>
    %swap3A_162 = vector.shape_cast %broadcast_in_dim3A_37 : vector<16xf32> to vector<1x16xf32>
    tpu.vector_store %arg9[%swap3A_158, %swap3A_159], %swap3A_162 {strides = array<i32>} : memref<8x16xf32, #tpu.memory_space<vmem>>, vector<1x16xf32>,
    %swap3A_163 = arith.constant 7 : i32
    %swap3A_164 = arith.index_cast %swap3A_163 : i32 to index
    %swap3A_165 = arith.constant 0 : index
    %swap3A_166 = tpu.vector_load %arg7[%swap3A_164, %swap3A_165] {strides = array<i32>} : memref<8x16xf32, #tpu.memory_space<vmem>>, vector<1x16xf32>,
    %swap3A_167 = vector.shape_cast %swap3A_166 : vector<1x16xf32> to vector<16xf32>
    %swap3A_168 = vector.shape_cast %broadcast_in_dim3A_35 : vector<16xf32> to vector<1x16xf32>
    tpu.vector_store %arg7[%swap3A_164, %swap3A_165], %swap3A_168 {strides = array<i32>} : memref<8x16xf32, #tpu.memory_space<vmem>>, vector<1x16xf32>,
    %swap3A_169 = arith.constant 7 : i32
    %swap3A_170 = arith.index_cast %swap3A_169 : i32 to index
    %swap3A_171 = arith.constant 0 : index
    %swap3A_172 = tpu.vector_load %arg8[%swap3A_170, %swap3A_171] {strides = array<i32>} : memref<8x16xf32, #tpu.memory_space<vmem>>, vector<1x16xf32>,
    %swap3A_173 = vector.shape_cast %swap3A_172 : vector<1x16xf32> to vector<16xf32>
    %swap3A_174 = vector.shape_cast %broadcast_in_dim3A_37 : vector<16xf32> to vector<1x16xf32>
    tpu.vector_store %arg8[%swap3A_170, %swap3A_171], %swap3A_174 {strides = array<i32>} : memref<8x16xf32, #tpu.memory_space<vmem>>, vector<1x16xf32>,
    %swap3A_175 = arith.constant 7 : i32
    %swap3A_176 = arith.index_cast %swap3A_175 : i32 to index
    %swap3A_177 = arith.constant 0 : index
    %swap3A_178 = tpu.vector_load %arg9[%swap3A_176, %swap3A_177] {strides = array<i32>} : memref<8x16xf32, #tpu.memory_space<vmem>>, vector<1x16xf32>,
    %swap3A_179 = vector.shape_cast %swap3A_178 : vector<1x16xf32> to vector<16xf32>
    %swap3A_180 = vector.shape_cast %broadcast_in_dim3A_37 : vector<16xf32> to vector<1x16xf32>
    tpu.vector_store %arg9[%swap3A_176, %swap3A_177], %swap3A_180 {strides = array<i32>} : memref<8x16xf32, #tpu.memory_space<vmem>>, vector<1x16xf32>,
    %add3A_181 = arith.constant 0 : i32
    %add3A_182 = arith.addi %mul3A_34, %add3A_181 : i32
    %multiple_of3A_183 = tpu.assume_multiple %add3A_182, 256 : i32
    %dma_start3A = arith.constant 0 : i32
    %dma_start3A_184 = arith.constant 0 : i32
    %dma_start3A_185 = arith.constant 0 : i32
    %dma_start3A_186 = tpu.memref_slice %arg6[%dma_start3A, %dma_start3A_184, %dma_start3A_185] : memref<2x256x128xf32, #tpu.memory_space<vmem>> -> memref<1x256x128xf32, #tpu.memory_space<vmem>>
    %dma_start3A_187 = tpu.memref_squeeze %dma_start3A_186 : memref<1x256x128xf32, #tpu.memory_space<vmem>> -> memref<256x128xf32, #tpu.memory_space<vmem>>
    %dma_start3A_188 = tpu.memref_slice %arg2[%multiple_of3A_183, %multiple_of3A] : memref<32768x1024xf32, #tpu.memory_space<hbm>> -> memref<256x128xf32, #tpu.memory_space<hbm>>
    %dma_start3A_189 = arith.constant 0 : i32
    %dma_start3A_190 = arith.constant 0 : i32
    %dma_start3A_191 = tpu.memref_slice %arg6[%dma_start3A, %dma_start3A_189, %dma_start3A_190] : memref<2x256x128xf32, #tpu.memory_space<vmem>> -> memref<1x256x128xf32, #tpu.memory_space<vmem>>
    %dma_start3A_192 = tpu.memref_squeeze %dma_start3A_191 : memref<1x256x128xf32, #tpu.memory_space<vmem>> -> memref<256x128xf32, #tpu.memory_space<vmem>>
    %dma_start3A_193 = tpu.memref_slice %arg2[%multiple_of3A_183, %multiple_of3A] : memref<32768x1024xf32, #tpu.memory_space<hbm>> -> memref<256x128xf32, #tpu.memory_space<hbm>>
    tpu.enqueue_dma source(%dma_start3A_193 : memref<256x128xf32, #tpu.memory_space<hbm>>) target(%dma_start3A_192 : memref<256x128xf32, #tpu.memory_space<vmem>>) target_semaphore(%arg13 : memref<!tpu.dma_semaphore, #tpu.memory_space<semaphore_mem>>)
    %scan3A = arith.constant 0 : i32
    %scan3A_194 = arith.constant 0 : i32
    %scan3A_195 = arith.constant 8 : i32
    %scan3A_196 = arith.addi %scan3A_194, %scan3A_195 : i32
    %scan3A_197 = arith.constant 1 : i32
    scf.for %scan3A_417 = %scan3A_194 to %scan3A_196 step %scan3A_197  : i32 {
      %add3A_418 = arith.constant 1 : i32
      %add3A_419 = arith.addi %scan3A_417, %add3A_418 : i32
      %rem3A_420 = arith.constant 2 : i32
      %rem3A_421 = arith.remsi %scan3A_417, %rem3A_420 : i32
      %lt3A_422 = arith.constant 8 : i32
      %lt3A_423 = arith.cmpi slt, %add3A_419, %lt3A_422 : i32
      %eq3A_424 = arith.constant 0 : i32
      %eq3A_425 = arith.cmpi eq, %rem3A_421, %eq3A_424 : i32
      %and3A_426 = arith.andi %lt3A_423, %eq3A_425 : i1
      %convert_element_type3A = arith.extui %and3A_426 : i1 to i32
      %cond3A = arith.constant 0 : i32
      %cond3A_427 = arith.cmpi ne, %convert_element_type3A, %cond3A : i32
      scf.if %cond3A_427 {
        %mul3A_868 = arith.constant 256 : i32
        %mul3A_869 = arith.muli %add3A_419, %mul3A_868 : i32
        %add3A_870 = arith.addi %mul3A_34, %mul3A_869 : i32
        %multiple_of3A_871 = tpu.assume_multiple %add3A_870, 256 : i32
        %dma_start3A_872 = arith.constant 1 : i32
        %dma_start3A_873 = arith.constant 0 : i32
        %dma_start3A_874 = arith.constant 0 : i32
        %dma_start3A_875 = tpu.memref_slice %arg6[%dma_start3A_872, %dma_start3A_873, %dma_start3A_874] : memref<2x256x128xf32, #tpu.memory_space<vmem>> -> memref<1x256x128xf32, #tpu.memory_space<vmem>>
        %dma_start3A_876 = tpu.memref_squeeze %dma_start3A_875 : memref<1x256x128xf32, #tpu.memory_space<vmem>> -> memref<256x128xf32, #tpu.memory_space<vmem>>
        %dma_start3A_877 = tpu.memref_slice %arg2[%multiple_of3A_871, %multiple_of3A] : memref<32768x1024xf32, #tpu.memory_space<hbm>> -> memref<256x128xf32, #tpu.memory_space<hbm>>
        %dma_start3A_878 = arith.constant 0 : i32
        %dma_start3A_879 = arith.constant 0 : i32
        %dma_start3A_880 = tpu.memref_slice %arg6[%dma_start3A_872, %dma_start3A_878, %dma_start3A_879] : memref<2x256x128xf32, #tpu.memory_space<vmem>> -> memref<1x256x128xf32, #tpu.memory_space<vmem>>
        %dma_start3A_881 = tpu.memref_squeeze %dma_start3A_880 : memref<1x256x128xf32, #tpu.memory_space<vmem>> -> memref<256x128xf32, #tpu.memory_space<vmem>>
        %dma_start3A_882 = tpu.memref_slice %arg2[%multiple_of3A_871, %multiple_of3A] : memref<32768x1024xf32, #tpu.memory_space<hbm>> -> memref<256x128xf32, #tpu.memory_space<hbm>>
        tpu.enqueue_dma source(%dma_start3A_882 : memref<256x128xf32, #tpu.memory_space<hbm>>) target(%dma_start3A_881 : memref<256x128xf32, #tpu.memory_space<vmem>>) target_semaphore(%arg14 : memref<!tpu.dma_semaphore, #tpu.memory_space<semaphore_mem>>)
      } else {
      }
      %lt3A_428 = arith.constant 8 : i32
      %lt3A_429 = arith.cmpi slt, %add3A_419, %lt3A_428 : i32
      %eq3A_430 = arith.constant 1 : i32
      %eq3A_431 = arith.cmpi eq, %rem3A_421, %eq3A_430 : i32
      %and3A_432 = arith.andi %lt3A_429, %eq3A_431 : i1
      %convert_element_type3A_433 = arith.extui %and3A_432 : i1 to i32
      %cond3A_434 = arith.constant 0 : i32
      %cond3A_435 = arith.cmpi ne, %convert_element_type3A_433, %cond3A_434 : i32
      scf.if %cond3A_435 {
        %mul3A_868 = arith.constant 256 : i32
        %mul3A_869 = arith.muli %add3A_419, %mul3A_868 : i32
        %add3A_870 = arith.addi %mul3A_34, %mul3A_869 : i32
        %multiple_of3A_871 = tpu.assume_multiple %add3A_870, 256 : i32
        %dma_start3A_872 = arith.constant 0 : i32
        %dma_start3A_873 = arith.constant 0 : i32
        %dma_start3A_874 = arith.constant 0 : i32
        %dma_start3A_875 = tpu.memref_slice %arg6[%dma_start3A_872, %dma_start3A_873, %dma_start3A_874] : memref<2x256x128xf32, #tpu.memory_space<vmem>> -> memref<1x256x128xf32, #tpu.memory_space<vmem>>
        %dma_start3A_876 = tpu.memref_squeeze %dma_start3A_875 : memref<1x256x128xf32, #tpu.memory_space<vmem>> -> memref<256x128xf32, #tpu.memory_space<vmem>>
        %dma_start3A_877 = tpu.memref_slice %arg2[%multiple_of3A_871, %multiple_of3A] : memref<32768x1024xf32, #tpu.memory_space<hbm>> -> memref<256x128xf32, #tpu.memory_space<hbm>>
        %dma_start3A_878 = arith.constant 0 : i32
        %dma_start3A_879 = arith.constant 0 : i32
        %dma_start3A_880 = tpu.memref_slice %arg6[%dma_start3A_872, %dma_start3A_878, %dma_start3A_879] : memref<2x256x128xf32, #tpu.memory_space<vmem>> -> memref<1x256x128xf32, #tpu.memory_space<vmem>>
        %dma_start3A_881 = tpu.memref_squeeze %dma_start3A_880 : memref<1x256x128xf32, #tpu.memory_space<vmem>> -> memref<256x128xf32, #tpu.memory_space<vmem>>
        %dma_start3A_882 = tpu.memref_slice %arg2[%multiple_of3A_871, %multiple_of3A] : memref<32768x1024xf32, #tpu.memory_space<hbm>> -> memref<256x128xf32, #tpu.memory_space<hbm>>
        tpu.enqueue_dma source(%dma_start3A_882 : memref<256x128xf32, #tpu.memory_space<hbm>>) target(%dma_start3A_881 : memref<256x128xf32, #tpu.memory_space<vmem>>) target_semaphore(%arg13 : memref<!tpu.dma_semaphore, #tpu.memory_space<semaphore_mem>>)
      } else {
      }
      %eq3A_436 = arith.constant 0 : i32
      %eq3A_437 = arith.cmpi eq, %rem3A_421, %eq3A_436 : i32
      %convert_element_type3A_438 = arith.extui %eq3A_437 : i1 to i32
      %cond3A_439 = arith.constant 0 : i32
      %cond3A_440 = arith.cmpi ne, %convert_element_type3A_438, %cond3A_439 : i32
      scf.if %cond3A_440 {
        %mul3A_868 = arith.constant 256 : i32
        %mul3A_869 = arith.muli %scan3A_417, %mul3A_868 : i32
        %add3A_870 = arith.addi %mul3A_34, %mul3A_869 : i32
        %multiple_of3A_871 = tpu.assume_multiple %add3A_870, 256 : i32
        %dma_wait3A = arith.constant 0 : i32
        %dma_wait3A_872 = arith.constant 0 : i32
        %dma_wait3A_873 = arith.constant 0 : i32
        %dma_wait3A_874 = tpu.memref_slice %arg6[%dma_wait3A, %dma_wait3A_872, %dma_wait3A_873] : memref<2x256x128xf32, #tpu.memory_space<vmem>> -> memref<1x256x128xf32, #tpu.memory_space<vmem>>
        %dma_wait3A_875 = tpu.memref_squeeze %dma_wait3A_874 : memref<1x256x128xf32, #tpu.memory_space<vmem>> -> memref<256x128xf32, #tpu.memory_space<vmem>>
        %dma_wait3A_876 = tpu.memref_slice %arg2[%multiple_of3A_871, %multiple_of3A] : memref<32768x1024xf32, #tpu.memory_space<hbm>> -> memref<256x128xf32, #tpu.memory_space<hbm>>
        %dma_wait3A_877 = arith.constant 0 : i32
        %dma_wait3A_878 = arith.constant 0 : i32
        %dma_wait3A_879 = tpu.memref_slice %arg6[%dma_wait3A, %dma_wait3A_877, %dma_wait3A_878] : memref<2x256x128xf32, #tpu.memory_space<vmem>> -> memref<1x256x128xf32, #tpu.memory_space<vmem>>
        %dma_wait3A_880 = tpu.memref_squeeze %dma_wait3A_879 : memref<1x256x128xf32, #tpu.memory_space<vmem>> -> memref<256x128xf32, #tpu.memory_space<vmem>>
        %dma_wait3A_881 = tpu.memref_slice %arg2[%multiple_of3A_871, %multiple_of3A] : memref<32768x1024xf32, #tpu.memory_space<hbm>> -> memref<256x128xf32, #tpu.memory_space<hbm>>
        tpu.wait_dma2 semaphore(%arg13 : memref<!tpu.dma_semaphore, #tpu.memory_space<semaphore_mem>>) src(%dma_wait3A_881 : memref<256x128xf32, #tpu.memory_space<hbm>>) dst(%dma_wait3A_880 : memref<256x128xf32, #tpu.memory_space<vmem>>)
      } else {
      }
      %eq3A_441 = arith.constant 1 : i32
      %eq3A_442 = arith.cmpi eq, %rem3A_421, %eq3A_441 : i32
      %convert_element_type3A_443 = arith.extui %eq3A_442 : i1 to i32
      %cond3A_444 = arith.constant 0 : i32
      %cond3A_445 = arith.cmpi ne, %convert_element_type3A_443, %cond3A_444 : i32
      scf.if %cond3A_445 {
        %mul3A_868 = arith.constant 256 : i32
        %mul3A_869 = arith.muli %scan3A_417, %mul3A_868 : i32
        %add3A_870 = arith.addi %mul3A_34, %mul3A_869 : i32
        %multiple_of3A_871 = tpu.assume_multiple %add3A_870, 256 : i32
        %dma_wait3A = arith.constant 1 : i32
        %dma_wait3A_872 = arith.constant 0 : i32
        %dma_wait3A_873 = arith.constant 0 : i32
        %dma_wait3A_874 = tpu.memref_slice %arg6[%dma_wait3A, %dma_wait3A_872, %dma_wait3A_873] : memref<2x256x128xf32, #tpu.memory_space<vmem>> -> memref<1x256x128xf32, #tpu.memory_space<vmem>>
        %dma_wait3A_875 = tpu.memref_squeeze %dma_wait3A_874 : memref<1x256x128xf32, #tpu.memory_space<vmem>> -> memref<256x128xf32, #tpu.memory_space<vmem>>
        %dma_wait3A_876 = tpu.memref_slice %arg2[%multiple_of3A_871, %multiple_of3A] : memref<32768x1024xf32, #tpu.memory_space<hbm>> -> memref<256x128xf32, #tpu.memory_space<hbm>>
        %dma_wait3A_877 = arith.constant 0 : i32
        %dma_wait3A_878 = arith.constant 0 : i32
        %dma_wait3A_879 = tpu.memref_slice %arg6[%dma_wait3A, %dma_wait3A_877, %dma_wait3A_878] : memref<2x256x128xf32, #tpu.memory_space<vmem>> -> memref<1x256x128xf32, #tpu.memory_space<vmem>>
        %dma_wait3A_880 = tpu.memref_squeeze %dma_wait3A_879 : memref<1x256x128xf32, #tpu.memory_space<vmem>> -> memref<256x128xf32, #tpu.memory_space<vmem>>
        %dma_wait3A_881 = tpu.memref_slice %arg2[%multiple_of3A_871, %multiple_of3A] : memref<32768x1024xf32, #tpu.memory_space<hbm>> -> memref<256x128xf32, #tpu.memory_space<hbm>>
        tpu.wait_dma2 semaphore(%arg14 : memref<!tpu.dma_semaphore, #tpu.memory_space<semaphore_mem>>) src(%dma_wait3A_881 : memref<256x128xf32, #tpu.memory_space<hbm>>) dst(%dma_wait3A_880 : memref<256x128xf32, #tpu.memory_space<vmem>>)
      } else {
      }
      %scan3A_446 = arith.constant 0 : i32
      %scan3A_447 = arith.constant 32 : i32
      %scan3A_448 = arith.addi %scan3A_446, %scan3A_447 : i32
      %scan3A_449 = arith.constant 1 : i32
      %scan3A_450:2 = scf.for %scan3A_868 = %scan3A_446 to %scan3A_448 step %scan3A_449 iter_args(%scan3A_869 = %broadcast_in_dim3A_35, %scan3A_870 = %broadcast_in_dim3A_35) -> (vector<16xf32>, vector<16xf32>)  : i32 {
        %mul3A_871 = arith.constant 8 : i32
        %mul3A_872 = arith.muli %scan3A_868, %mul3A_871 : i32
        %add3A_873 = arith.constant 0 : i32
        %add3A_874 = arith.addi %mul3A_872, %add3A_873 : i32
        %get3A_875 = arith.index_cast %rem3A_421 : i32 to index
        %get3A_876 = arith.index_cast %add3A_874 : i32 to index
        %get3A_877 = arith.constant 0 : index
        %get3A_878 = tpu.vector_load %arg6[%get3A_875, %get3A_876, %get3A_877] {strides = array<i32>} : memref<2x256x128xf32, #tpu.memory_space<vmem>>, vector<1x1x16xf32>,
        %get3A_879 = vector.shape_cast %get3A_878 : vector<1x1x16xf32> to vector<16xf32>
        %max3A_880 = arith.maximumf %scan3A_869, %get3A_879 : vector<16xf32>
        %add3A_881 = arith.constant 0 : i32
        %add3A_882 = arith.addi %mul3A_872, %add3A_881 : i32
        %add3A_883 = arith.constant 1 : i32
        %add3A_884 = arith.addi %add3A_882, %add3A_883 : i32
        %get3A_885 = arith.index_cast %rem3A_421 : i32 to index
        %get3A_886 = arith.index_cast %add3A_884 : i32 to index
        %get3A_887 = arith.constant 0 : index
        %get3A_888 = tpu.vector_load %arg6[%get3A_885, %get3A_886, %get3A_887] {strides = array<i32>} : memref<2x256x128xf32, #tpu.memory_space<vmem>>, vector<1x1x16xf32>,
        %get3A_889 = vector.shape_cast %get3A_888 : vector<1x1x16xf32> to vector<16xf32>
        %max3A_890 = arith.maximumf %scan3A_870, %get3A_889 : vector<16xf32>
        %add3A_891 = arith.constant 2 : i32
        %add3A_892 = arith.addi %mul3A_872, %add3A_891 : i32
        %get3A_893 = arith.index_cast %rem3A_421 : i32 to index
        %get3A_894 = arith.index_cast %add3A_892 : i32 to index
        %get3A_895 = arith.constant 0 : index
        %get3A_896 = tpu.vector_load %arg6[%get3A_893, %get3A_894, %get3A_895] {strides = array<i32>} : memref<2x256x128xf32, #tpu.memory_space<vmem>>, vector<1x1x16xf32>,
        %get3A_897 = vector.shape_cast %get3A_896 : vector<1x1x16xf32> to vector<16xf32>
        %max3A_898 = arith.maximumf %max3A_880, %get3A_897 : vector<16xf32>
        %add3A_899 = arith.constant 2 : i32
        %add3A_900 = arith.addi %mul3A_872, %add3A_899 : i32
        %add3A_901 = arith.constant 1 : i32
        %add3A_902 = arith.addi %add3A_900, %add3A_901 : i32
        %get3A_903 = arith.index_cast %rem3A_421 : i32 to index
        %get3A_904 = arith.index_cast %add3A_902 : i32 to index
        %get3A_905 = arith.constant 0 : index
        %get3A_906 = tpu.vector_load %arg6[%get3A_903, %get3A_904, %get3A_905] {strides = array<i32>} : memref<2x256x128xf32, #tpu.memory_space<vmem>>, vector<1x1x16xf32>,
        %get3A_907 = vector.shape_cast %get3A_906 : vector<1x1x16xf32> to vector<16xf32>
        %max3A_908 = arith.maximumf %max3A_890, %get3A_907 : vector<16xf32>
        %add3A_909 = arith.constant 4 : i32
        %add3A_910 = arith.addi %mul3A_872, %add3A_909 : i32
        %get3A_911 = arith.index_cast %rem3A_421 : i32 to index
        %get3A_912 = arith.index_cast %add3A_910 : i32 to index
        %get3A_913 = arith.constant 0 : index
        %get3A_914 = tpu.vector_load %arg6[%get3A_911, %get3A_912, %get3A_913] {strides = array<i32>} : memref<2x256x128xf32, #tpu.memory_space<vmem>>, vector<1x1x16xf32>,
        %get3A_915 = vector.shape_cast %get3A_914 : vector<1x1x16xf32> to vector<16xf32>
        %max3A_916 = arith.maximumf %max3A_898, %get3A_915 : vector<16xf32>
        %add3A_917 = arith.constant 4 : i32
        %add3A_918 = arith.addi %mul3A_872, %add3A_917 : i32
        %add3A_919 = arith.constant 1 : i32
        %add3A_920 = arith.addi %add3A_918, %add3A_919 : i32
        %get3A_921 = arith.index_cast %rem3A_421 : i32 to index
        %get3A_922 = arith.index_cast %add3A_920 : i32 to index
        %get3A_923 = arith.constant 0 : index
        %get3A_924 = tpu.vector_load %arg6[%get3A_921, %get3A_922, %get3A_923] {strides = array<i32>} : memref<2x256x128xf32, #tpu.memory_space<vmem>>, vector<1x1x16xf32>,
        %get3A_925 = vector.shape_cast %get3A_924 : vector<1x1x16xf32> to vector<16xf32>
        %max3A_926 = arith.maximumf %max3A_908, %get3A_925 : vector<16xf32>
        %add3A_927 = arith.constant 6 : i32
        %add3A_928 = arith.addi %mul3A_872, %add3A_927 : i32
        %get3A_929 = arith.index_cast %rem3A_421 : i32 to index
        %get3A_930 = arith.index_cast %add3A_928 : i32 to index
        %get3A_931 = arith.constant 0 : index
        %get3A_932 = tpu.vector_load %arg6[%get3A_929, %get3A_930, %get3A_931] {strides = array<i32>} : memref<2x256x128xf32, #tpu.memory_space<vmem>>, vector<1x1x16xf32>,
        %get3A_933 = vector.shape_cast %get3A_932 : vector<1x1x16xf32> to vector<16xf32>
        %max3A_934 = arith.maximumf %max3A_916, %get3A_933 : vector<16xf32>
        %add3A_935 = arith.constant 6 : i32
        %add3A_936 = arith.addi %mul3A_872, %add3A_935 : i32
        %add3A_937 = arith.constant 1 : i32
        %add3A_938 = arith.addi %add3A_936, %add3A_937 : i32
        %get3A_939 = arith.index_cast %rem3A_421 : i32 to index
        %get3A_940 = arith.index_cast %add3A_938 : i32 to index
        %get3A_941 = arith.constant 0 : index
        %get3A_942 = tpu.vector_load %arg6[%get3A_939, %get3A_940, %get3A_941] {strides = array<i32>} : memref<2x256x128xf32, #tpu.memory_space<vmem>>, vector<1x1x16xf32>,
        %get3A_943 = vector.shape_cast %get3A_942 : vector<1x1x16xf32> to vector<16xf32>
        %max3A_944 = arith.maximumf %max3A_926, %get3A_943 : vector<16xf32>
        scf.yield %max3A_934, %max3A_944 : vector<16xf32>, vector<16xf32>
      }
      %scan3A_451 = arith.constant 32 : i32
      %max3A = arith.maximumf %scan3A_450#0, %scan3A_450#1 : vector<16xf32>
      %get3A_452 = arith.constant 0 : i32
      %get3A_453 = arith.index_cast %get3A_452 : i32 to index
      %get3A_454 = arith.constant 0 : index
      %get3A_455 = tpu.vector_load %arg7[%get3A_453, %get3A_454] {strides = array<i32>} : memref<8x16xf32, #tpu.memory_space<vmem>>, vector<1x16xf32>,
      %get3A_456 = vector.shape_cast %get3A_455 : vector<1x16xf32> to vector<16xf32>
      %max3A_457 = arith.maximumf %get3A_456, %max3A : vector<16xf32>
      %sub3A_458 = arith.subf %get3A_456, %max3A_457 : vector<16xf32>
      %exp3A = math.exp %sub3A_458 : vector<16xf32>
      %get3A_459 = arith.constant 0 : i32
      %get3A_460 = arith.index_cast %get3A_459 : i32 to index
      %get3A_461 = arith.constant 0 : index
      %get3A_462 = tpu.vector_load %arg8[%get3A_460, %get3A_461] {strides = array<i32>} : memref<8x16xf32, #tpu.memory_space<vmem>>, vector<1x16xf32>,
      %get3A_463 = vector.shape_cast %get3A_462 : vector<1x16xf32> to vector<16xf32>
      %mul3A_464 = arith.mulf %get3A_463, %exp3A : vector<16xf32>
      %get3A_465 = arith.constant 0 : i32
      %get3A_466 = arith.index_cast %get3A_465 : i32 to index
      %get3A_467 = arith.constant 0 : index
      %get3A_468 = tpu.vector_load %arg9[%get3A_466, %get3A_467] {strides = array<i32>} : memref<8x16xf32, #tpu.memory_space<vmem>>, vector<1x16xf32>,
      %get3A_469 = vector.shape_cast %get3A_468 : vector<1x16xf32> to vector<16xf32>
      %mul3A_470 = arith.mulf %get3A_469, %exp3A : vector<16xf32>
      %scan3A_471 = arith.constant 0 : i32
      %scan3A_472 = arith.constant 32 : i32
      %scan3A_473 = arith.addi %scan3A_471, %scan3A_472 : i32
      %scan3A_474 = arith.constant 1 : i32
      %scan3A_475:4 = scf.for %scan3A_868 = %scan3A_471 to %scan3A_473 step %scan3A_474 iter_args(%scan3A_869 = %mul3A_464, %scan3A_870 = %mul3A_470, %scan3A_871 = %broadcast_in_dim3A_37, %scan3A_872 = %broadcast_in_dim3A_37) -> (vector<16xf32>, vector<16xf32>, vector<16xf32>, vector<16xf32>)  : i32 {
        %mul3A_873 = arith.constant 8 : i32
        %mul3A_874 = arith.muli %scan3A_868, %mul3A_873 : i32
        %add3A_875 = arith.constant 0 : i32
        %add3A_876 = arith.addi %mul3A_874, %add3A_875 : i32
        %get3A_877 = arith.index_cast %rem3A_421 : i32 to index
        %get3A_878 = arith.index_cast %add3A_876 : i32 to index
        %get3A_879 = arith.constant 0 : index
        %get3A_880 = tpu.vector_load %arg6[%get3A_877, %get3A_878, %get3A_879] {strides = array<i32>} : memref<2x256x128xf32, #tpu.memory_space<vmem>>, vector<1x1x16xf32>,
        %get3A_881 = vector.shape_cast %get3A_880 : vector<1x1x16xf32> to vector<16xf32>
        %add3A_882 = arith.constant 0 : i32
        %add3A_883 = arith.addi %mul3A_874, %add3A_882 : i32
        %add3A_884 = arith.constant 1 : i32
        %add3A_885 = arith.addi %add3A_883, %add3A_884 : i32
        %get3A_886 = arith.index_cast %rem3A_421 : i32 to index
        %get3A_887 = arith.index_cast %add3A_885 : i32 to index
        %get3A_888 = arith.constant 0 : index
        %get3A_889 = tpu.vector_load %arg6[%get3A_886, %get3A_887, %get3A_888] {strides = array<i32>} : memref<2x256x128xf32, #tpu.memory_space<vmem>>, vector<1x1x16xf32>,
        %get3A_890 = vector.shape_cast %get3A_889 : vector<1x1x16xf32> to vector<16xf32>
        %sub3A_891 = arith.subf %get3A_881, %max3A_457 : vector<16xf32>
        %exp3A_892 = math.exp %sub3A_891 : vector<16xf32>
        %sub3A_893 = arith.subf %get3A_890, %max3A_457 : vector<16xf32>
        %exp3A_894 = math.exp %sub3A_893 : vector<16xf32>
        %add3A_895 = arith.addf %scan3A_869, %exp3A_892 : vector<16xf32>
        %mul3A_896 = arith.mulf %get3A_881, %exp3A_892 : vector<16xf32>
        %add3A_897 = arith.addf %scan3A_870, %mul3A_896 : vector<16xf32>
        %add3A_898 = arith.addf %scan3A_871, %exp3A_894 : vector<16xf32>
        %mul3A_899 = arith.mulf %get3A_890, %exp3A_894 : vector<16xf32>
        %add3A_900 = arith.addf %scan3A_872, %mul3A_899 : vector<16xf32>
        %add3A_901 = arith.constant 2 : i32
        %add3A_902 = arith.addi %mul3A_874, %add3A_901 : i32
        %get3A_903 = arith.index_cast %rem3A_421 : i32 to index
        %get3A_904 = arith.index_cast %add3A_902 : i32 to index
        %get3A_905 = arith.constant 0 : index
        %get3A_906 = tpu.vector_load %arg6[%get3A_903, %get3A_904, %get3A_905] {strides = array<i32>} : memref<2x256x128xf32, #tpu.memory_space<vmem>>, vector<1x1x16xf32>,
        %get3A_907 = vector.shape_cast %get3A_906 : vector<1x1x16xf32> to vector<16xf32>
        %add3A_908 = arith.constant 2 : i32
        %add3A_909 = arith.addi %mul3A_874, %add3A_908 : i32
        %add3A_910 = arith.constant 1 : i32
        %add3A_911 = arith.addi %add3A_909, %add3A_910 : i32
        %get3A_912 = arith.index_cast %rem3A_421 : i32 to index
        %get3A_913 = arith.index_cast %add3A_911 : i32 to index
        %get3A_914 = arith.constant 0 : index
        %get3A_915 = tpu.vector_load %arg6[%get3A_912, %get3A_913, %get3A_914] {strides = array<i32>} : memref<2x256x128xf32, #tpu.memory_space<vmem>>, vector<1x1x16xf32>,
        %get3A_916 = vector.shape_cast %get3A_915 : vector<1x1x16xf32> to vector<16xf32>
        %sub3A_917 = arith.subf %get3A_907, %max3A_457 : vector<16xf32>
        %exp3A_918 = math.exp %sub3A_917 : vector<16xf32>
        %sub3A_919 = arith.subf %get3A_916, %max3A_457 : vector<16xf32>
        %exp3A_920 = math.exp %sub3A_919 : vector<16xf32>
        %add3A_921 = arith.addf %add3A_895, %exp3A_918 : vector<16xf32>
        %mul3A_922 = arith.mulf %get3A_907, %exp3A_918 : vector<16xf32>
        %add3A_923 = arith.addf %add3A_897, %mul3A_922 : vector<16xf32>
        %add3A_924 = arith.addf %add3A_898, %exp3A_920 : vector<16xf32>
        %mul3A_925 = arith.mulf %get3A_916, %exp3A_920 : vector<16xf32>
        %add3A_926 = arith.addf %add3A_900, %mul3A_925 : vector<16xf32>
        %add3A_927 = arith.constant 4 : i32
        %add3A_928 = arith.addi %mul3A_874, %add3A_927 : i32
        %get3A_929 = arith.index_cast %rem3A_421 : i32 to index
        %get3A_930 = arith.index_cast %add3A_928 : i32 to index
        %get3A_931 = arith.constant 0 : index
        %get3A_932 = tpu.vector_load %arg6[%get3A_929, %get3A_930, %get3A_931] {strides = array<i32>} : memref<2x256x128xf32, #tpu.memory_space<vmem>>, vector<1x1x16xf32>,
        %get3A_933 = vector.shape_cast %get3A_932 : vector<1x1x16xf32> to vector<16xf32>
        %add3A_934 = arith.constant 4 : i32
        %add3A_935 = arith.addi %mul3A_874, %add3A_934 : i32
        %add3A_936 = arith.constant 1 : i32
        %add3A_937 = arith.addi %add3A_935, %add3A_936 : i32
        %get3A_938 = arith.index_cast %rem3A_421 : i32 to index
        %get3A_939 = arith.index_cast %add3A_937 : i32 to index
        %get3A_940 = arith.constant 0 : index
        %get3A_941 = tpu.vector_load %arg6[%get3A_938, %get3A_939, %get3A_940] {strides = array<i32>} : memref<2x256x128xf32, #tpu.memory_space<vmem>>, vector<1x1x16xf32>,
        %get3A_942 = vector.shape_cast %get3A_941 : vector<1x1x16xf32> to vector<16xf32>
        %sub3A_943 = arith.subf %get3A_933, %max3A_457 : vector<16xf32>
        %exp3A_944 = math.exp %sub3A_943 : vector<16xf32>
        %sub3A_945 = arith.subf %get3A_942, %max3A_457 : vector<16xf32>
        %exp3A_946 = math.exp %sub3A_945 : vector<16xf32>
        %add3A_947 = arith.addf %add3A_921, %exp3A_944 : vector<16xf32>
        %mul3A_948 = arith.mulf %get3A_933, %exp3A_944 : vector<16xf32>
        %add3A_949 = arith.addf %add3A_923, %mul3A_948 : vector<16xf32>
        %add3A_950 = arith.addf %add3A_924, %exp3A_946 : vector<16xf32>
        %mul3A_951 = arith.mulf %get3A_942, %exp3A_946 : vector<16xf32>
        %add3A_952 = arith.addf %add3A_926, %mul3A_951 : vector<16xf32>
        %add3A_953 = arith.constant 6 : i32
        %add3A_954 = arith.addi %mul3A_874, %add3A_953 : i32
        %get3A_955 = arith.index_cast %rem3A_421 : i32 to index
        %get3A_956 = arith.index_cast %add3A_954 : i32 to index
        %get3A_957 = arith.constant 0 : index
        %get3A_958 = tpu.vector_load %arg6[%get3A_955, %get3A_956, %get3A_957] {strides = array<i32>} : memref<2x256x128xf32, #tpu.memory_space<vmem>>, vector<1x1x16xf32>,
        %get3A_959 = vector.shape_cast %get3A_958 : vector<1x1x16xf32> to vector<16xf32>
        %add3A_960 = arith.constant 6 : i32
        %add3A_961 = arith.addi %mul3A_874, %add3A_960 : i32
        %add3A_962 = arith.constant 1 : i32
        %add3A_963 = arith.addi %add3A_961, %add3A_962 : i32
        %get3A_964 = arith.index_cast %rem3A_421 : i32 to index
        %get3A_965 = arith.index_cast %add3A_963 : i32 to index
        %get3A_966 = arith.constant 0 : index
        %get3A_967 = tpu.vector_load %arg6[%get3A_964, %get3A_965, %get3A_966] {strides = array<i32>} : memref<2x256x128xf32, #tpu.memory_space<vmem>>, vector<1x1x16xf32>,
        %get3A_968 = vector.shape_cast %get3A_967 : vector<1x1x16xf32> to vector<16xf32>
        %sub3A_969 = arith.subf %get3A_959, %max3A_457 : vector<16xf32>
        %exp3A_970 = math.exp %sub3A_969 : vector<16xf32>
        %sub3A_971 = arith.subf %get3A_968, %max3A_457 : vector<16xf32>
        %exp3A_972 = math.exp %sub3A_971 : vector<16xf32>
        %add3A_973 = arith.addf %add3A_947, %exp3A_970 : vector<16xf32>
        %mul3A_974 = arith.mulf %get3A_959, %exp3A_970 : vector<16xf32>
        %add3A_975 = arith.addf %add3A_949, %mul3A_974 : vector<16xf32>
        %add3A_976 = arith.addf %add3A_950, %exp3A_972 : vector<16xf32>
        %mul3A_977 = arith.mulf %get3A_968, %exp3A_972 : vector<16xf32>
        %add3A_978 = arith.addf %add3A_952, %mul3A_977 : vector<16xf32>
        scf.yield %add3A_973, %add3A_975, %add3A_976, %add3A_978 : vector<16xf32>, vector<16xf32>, vector<16xf32>, vector<16xf32>
      }
      %scan3A_476 = arith.constant 32 : i32
      %swap3A_477 = arith.constant 0 : i32
      %swap3A_478 = arith.index_cast %swap3A_477 : i32 to index
      %swap3A_479 = arith.constant 0 : index
      %swap3A_480 = tpu.vector_load %arg7[%swap3A_478, %swap3A_479] {strides = array<i32>} : memref<8x16xf32, #tpu.memory_space<vmem>>, vector<1x16xf32>,
      %swap3A_481 = vector.shape_cast %swap3A_480 : vector<1x16xf32> to vector<16xf32>
      %swap3A_482 = vector.shape_cast %max3A_457 : vector<16xf32> to vector<1x16xf32>
      tpu.vector_store %arg7[%swap3A_478, %swap3A_479], %swap3A_482 {strides = array<i32>} : memref<8x16xf32, #tpu.memory_space<vmem>>, vector<1x16xf32>,
      %add3A_483 = arith.addf %scan3A_475#0, %scan3A_475#2 : vector<16xf32>
      %swap3A_484 = arith.constant 0 : i32
      %swap3A_485 = arith.index_cast %swap3A_484 : i32 to index
      %swap3A_486 = arith.constant 0 : index
      %swap3A_487 = tpu.vector_load %arg8[%swap3A_485, %swap3A_486] {strides = array<i32>} : memref<8x16xf32, #tpu.memory_space<vmem>>, vector<1x16xf32>,
      %swap3A_488 = vector.shape_cast %swap3A_487 : vector<1x16xf32> to vector<16xf32>
      %swap3A_489 = vector.shape_cast %add3A_483 : vector<16xf32> to vector<1x16xf32>
      tpu.vector_store %arg8[%swap3A_485, %swap3A_486], %swap3A_489 {strides = array<i32>} : memref<8x16xf32, #tpu.memory_space<vmem>>, vector<1x16xf32>,
      %add3A_490 = arith.addf %scan3A_475#1, %scan3A_475#3 : vector<16xf32>
      %swap3A_491 = arith.constant 0 : i32
      %swap3A_492 = arith.index_cast %swap3A_491 : i32 to index
      %swap3A_493 = arith.constant 0 : index
      %swap3A_494 = tpu.vector_load %arg9[%swap3A_492, %swap3A_493] {strides = array<i32>} : memref<8x16xf32, #tpu.memory_space<vmem>>, vector<1x16xf32>,
      %swap3A_495 = vector.shape_cast %swap3A_494 : vector<1x16xf32> to vector<16xf32>
      %swap3A_496 = vector.shape_cast %add3A_490 : vector<16xf32> to vector<1x16xf32>
      tpu.vector_store %arg9[%swap3A_492, %swap3A_493], %swap3A_496 {strides = array<i32>} : memref<8x16xf32, #tpu.memory_space<vmem>>, vector<1x16xf32>,
      %scan3A_497 = arith.constant 0 : i32
      %scan3A_498 = arith.constant 32 : i32
      %scan3A_499 = arith.addi %scan3A_497, %scan3A_498 : i32
      %scan3A_500 = arith.constant 1 : i32
      %scan3A_501:2 = scf.for %scan3A_868 = %scan3A_497 to %scan3A_499 step %scan3A_500 iter_args(%scan3A_869 = %broadcast_in_dim3A_35, %scan3A_870 = %broadcast_in_dim3A_35) -> (vector<16xf32>, vector<16xf32>)  : i32 {
        %mul3A_871 = arith.constant 8 : i32
        %mul3A_872 = arith.muli %scan3A_868, %mul3A_871 : i32
        %add3A_873 = arith.constant 0 : i32
        %add3A_874 = arith.addi %mul3A_872, %add3A_873 : i32
        %get3A_875 = arith.index_cast %rem3A_421 : i32 to index
        %get3A_876 = arith.index_cast %add3A_874 : i32 to index
        %get3A_877 = arith.constant 16 : index
        %get3A_878 = tpu.vector_load %arg6[%get3A_875, %get3A_876, %get3A_877] {strides = array<i32>} : memref<2x256x128xf32, #tpu.memory_space<vmem>>, vector<1x1x16xf32>,
        %get3A_879 = vector.shape_cast %get3A_878 : vector<1x1x16xf32> to vector<16xf32>
        %max3A_880 = arith.maximumf %scan3A_869, %get3A_879 : vector<16xf32>
        %add3A_881 = arith.constant 0 : i32
        %add3A_882 = arith.addi %mul3A_872, %add3A_881 : i32
        %add3A_883 = arith.constant 1 : i32
        %add3A_884 = arith.addi %add3A_882, %add3A_883 : i32
        %get3A_885 = arith.index_cast %rem3A_421 : i32 to index
        %get3A_886 = arith.index_cast %add3A_884 : i32 to index
        %get3A_887 = arith.constant 16 : index
        %get3A_888 = tpu.vector_load %arg6[%get3A_885, %get3A_886, %get3A_887] {strides = array<i32>} : memref<2x256x128xf32, #tpu.memory_space<vmem>>, vector<1x1x16xf32>,
        %get3A_889 = vector.shape_cast %get3A_888 : vector<1x1x16xf32> to vector<16xf32>
        %max3A_890 = arith.maximumf %scan3A_870, %get3A_889 : vector<16xf32>
        %add3A_891 = arith.constant 2 : i32
        %add3A_892 = arith.addi %mul3A_872, %add3A_891 : i32
        %get3A_893 = arith.index_cast %rem3A_421 : i32 to index
        %get3A_894 = arith.index_cast %add3A_892 : i32 to index
        %get3A_895 = arith.constant 16 : index
        %get3A_896 = tpu.vector_load %arg6[%get3A_893, %get3A_894, %get3A_895] {strides = array<i32>} : memref<2x256x128xf32, #tpu.memory_space<vmem>>, vector<1x1x16xf32>,
        %get3A_897 = vector.shape_cast %get3A_896 : vector<1x1x16xf32> to vector<16xf32>
        %max3A_898 = arith.maximumf %max3A_880, %get3A_897 : vector<16xf32>
        %add3A_899 = arith.constant 2 : i32
        %add3A_900 = arith.addi %mul3A_872, %add3A_899 : i32
        %add3A_901 = arith.constant 1 : i32
        %add3A_902 = arith.addi %add3A_900, %add3A_901 : i32
        %get3A_903 = arith.index_cast %rem3A_421 : i32 to index
        %get3A_904 = arith.index_cast %add3A_902 : i32 to index
        %get3A_905 = arith.constant 16 : index
        %get3A_906 = tpu.vector_load %arg6[%get3A_903, %get3A_904, %get3A_905] {strides = array<i32>} : memref<2x256x128xf32, #tpu.memory_space<vmem>>, vector<1x1x16xf32>,
        %get3A_907 = vector.shape_cast %get3A_906 : vector<1x1x16xf32> to vector<16xf32>
        %max3A_908 = arith.maximumf %max3A_890, %get3A_907 : vector<16xf32>
        %add3A_909 = arith.constant 4 : i32
        %add3A_910 = arith.addi %mul3A_872, %add3A_909 : i32
        %get3A_911 = arith.index_cast %rem3A_421 : i32 to index
        %get3A_912 = arith.index_cast %add3A_910 : i32 to index
        %get3A_913 = arith.constant 16 : index
        %get3A_914 = tpu.vector_load %arg6[%get3A_911, %get3A_912, %get3A_913] {strides = array<i32>} : memref<2x256x128xf32, #tpu.memory_space<vmem>>, vector<1x1x16xf32>,
        %get3A_915 = vector.shape_cast %get3A_914 : vector<1x1x16xf32> to vector<16xf32>
        %max3A_916 = arith.maximumf %max3A_898, %get3A_915 : vector<16xf32>
        %add3A_917 = arith.constant 4 : i32
        %add3A_918 = arith.addi %mul3A_872, %add3A_917 : i32
        %add3A_919 = arith.constant 1 : i32
        %add3A_920 = arith.addi %add3A_918, %add3A_919 : i32
        %get3A_921 = arith.index_cast %rem3A_421 : i32 to index
        %get3A_922 = arith.index_cast %add3A_920 : i32 to index
        %get3A_923 = arith.constant 16 : index
        %get3A_924 = tpu.vector_load %arg6[%get3A_921, %get3A_922, %get3A_923] {strides = array<i32>} : memref<2x256x128xf32, #tpu.memory_space<vmem>>, vector<1x1x16xf32>,
        %get3A_925 = vector.shape_cast %get3A_924 : vector<1x1x16xf32> to vector<16xf32>
        %max3A_926 = arith.maximumf %max3A_908, %get3A_925 : vector<16xf32>
        %add3A_927 = arith.constant 6 : i32
        %add3A_928 = arith.addi %mul3A_872, %add3A_927 : i32
        %get3A_929 = arith.index_cast %rem3A_421 : i32 to index
        %get3A_930 = arith.index_cast %add3A_928 : i32 to index
        %get3A_931 = arith.constant 16 : index
        %get3A_932 = tpu.vector_load %arg6[%get3A_929, %get3A_930, %get3A_931] {strides = array<i32>} : memref<2x256x128xf32, #tpu.memory_space<vmem>>, vector<1x1x16xf32>,
        %get3A_933 = vector.shape_cast %get3A_932 : vector<1x1x16xf32> to vector<16xf32>
        %max3A_934 = arith.maximumf %max3A_916, %get3A_933 : vector<16xf32>
        %add3A_935 = arith.constant 6 : i32
        %add3A_936 = arith.addi %mul3A_872, %add3A_935 : i32
        %add3A_937 = arith.constant 1 : i32
        %add3A_938 = arith.addi %add3A_936, %add3A_937 : i32
        %get3A_939 = arith.index_cast %rem3A_421 : i32 to index
        %get3A_940 = arith.index_cast %add3A_938 : i32 to index
        %get3A_941 = arith.constant 16 : index
        %get3A_942 = tpu.vector_load %arg6[%get3A_939, %get3A_940, %get3A_941] {strides = array<i32>} : memref<2x256x128xf32, #tpu.memory_space<vmem>>, vector<1x1x16xf32>,
        %get3A_943 = vector.shape_cast %get3A_942 : vector<1x1x16xf32> to vector<16xf32>
        %max3A_944 = arith.maximumf %max3A_926, %get3A_943 : vector<16xf32>
        scf.yield %max3A_934, %max3A_944 : vector<16xf32>, vector<16xf32>
      }
      %scan3A_502 = arith.constant 32 : i32
      %max3A_503 = arith.maximumf %scan3A_501#0, %scan3A_501#1 : vector<16xf32>
      %get3A_504 = arith.constant 1 : i32
      %get3A_505 = arith.index_cast %get3A_504 : i32 to index
      %get3A_506 = arith.constant 0 : index
      %get3A_507 = tpu.vector_load %arg7[%get3A_505, %get3A_506] {strides = array<i32>} : memref<8x16xf32, #tpu.memory_space<vmem>>, vector<1x16xf32>,
      %get3A_508 = vector.shape_cast %get3A_507 : vector<1x16xf32> to vector<16xf32>
      %max3A_509 = arith.maximumf %get3A_508, %max3A_503 : vector<16xf32>
      %sub3A_510 = arith.subf %get3A_508, %max3A_509 : vector<16xf32>
      %exp3A_511 = math.exp %sub3A_510 : vector<16xf32>
      %get3A_512 = arith.constant 1 : i32
      %get3A_513 = arith.index_cast %get3A_512 : i32 to index
      %get3A_514 = arith.constant 0 : index
      %get3A_515 = tpu.vector_load %arg8[%get3A_513, %get3A_514] {strides = array<i32>} : memref<8x16xf32, #tpu.memory_space<vmem>>, vector<1x16xf32>,
      %get3A_516 = vector.shape_cast %get3A_515 : vector<1x16xf32> to vector<16xf32>
      %mul3A_517 = arith.mulf %get3A_516, %exp3A_511 : vector<16xf32>
      %get3A_518 = arith.constant 1 : i32
      %get3A_519 = arith.index_cast %get3A_518 : i32 to index
      %get3A_520 = arith.constant 0 : index
      %get3A_521 = tpu.vector_load %arg9[%get3A_519, %get3A_520] {strides = array<i32>} : memref<8x16xf32, #tpu.memory_space<vmem>>, vector<1x16xf32>,
      %get3A_522 = vector.shape_cast %get3A_521 : vector<1x16xf32> to vector<16xf32>
      %mul3A_523 = arith.mulf %get3A_522, %exp3A_511 : vector<16xf32>
      %scan3A_524 = arith.constant 0 : i32
      %scan3A_525 = arith.constant 32 : i32
      %scan3A_526 = arith.addi %scan3A_524, %scan3A_525 : i32
      %scan3A_527 = arith.constant 1 : i32
      %scan3A_528:4 = scf.for %scan3A_868 = %scan3A_524 to %scan3A_526 step %scan3A_527 iter_args(%scan3A_869 = %mul3A_517, %scan3A_870 = %mul3A_523, %scan3A_871 = %broadcast_in_dim3A_37, %scan3A_872 = %broadcast_in_dim3A_37) -> (vector<16xf32>, vector<16xf32>, vector<16xf32>, vector<16xf32>)  : i32 {
        %mul3A_873 = arith.constant 8 : i32
        %mul3A_874 = arith.muli %scan3A_868, %mul3A_873 : i32
        %add3A_875 = arith.constant 0 : i32
        %add3A_876 = arith.addi %mul3A_874, %add3A_875 : i32
        %get3A_877 = arith.index_cast %rem3A_421 : i32 to index
        %get3A_878 = arith.index_cast %add3A_876 : i32 to index
        %get3A_879 = arith.constant 16 : index
        %get3A_880 = tpu.vector_load %arg6[%get3A_877, %get3A_878, %get3A_879] {strides = array<i32>} : memref<2x256x128xf32, #tpu.memory_space<vmem>>, vector<1x1x16xf32>,
        %get3A_881 = vector.shape_cast %get3A_880 : vector<1x1x16xf32> to vector<16xf32>
        %add3A_882 = arith.constant 0 : i32
        %add3A_883 = arith.addi %mul3A_874, %add3A_882 : i32
        %add3A_884 = arith.constant 1 : i32
        %add3A_885 = arith.addi %add3A_883, %add3A_884 : i32
        %get3A_886 = arith.index_cast %rem3A_421 : i32 to index
        %get3A_887 = arith.index_cast %add3A_885 : i32 to index
        %get3A_888 = arith.constant 16 : index
        %get3A_889 = tpu.vector_load %arg6[%get3A_886, %get3A_887, %get3A_888] {strides = array<i32>} : memref<2x256x128xf32, #tpu.memory_space<vmem>>, vector<1x1x16xf32>,
        %get3A_890 = vector.shape_cast %get3A_889 : vector<1x1x16xf32> to vector<16xf32>
        %sub3A_891 = arith.subf %get3A_881, %max3A_509 : vector<16xf32>
        %exp3A_892 = math.exp %sub3A_891 : vector<16xf32>
        %sub3A_893 = arith.subf %get3A_890, %max3A_509 : vector<16xf32>
        %exp3A_894 = math.exp %sub3A_893 : vector<16xf32>
        %add3A_895 = arith.addf %scan3A_869, %exp3A_892 : vector<16xf32>
        %mul3A_896 = arith.mulf %get3A_881, %exp3A_892 : vector<16xf32>
        %add3A_897 = arith.addf %scan3A_870, %mul3A_896 : vector<16xf32>
        %add3A_898 = arith.addf %scan3A_871, %exp3A_894 : vector<16xf32>
        %mul3A_899 = arith.mulf %get3A_890, %exp3A_894 : vector<16xf32>
        %add3A_900 = arith.addf %scan3A_872, %mul3A_899 : vector<16xf32>
        %add3A_901 = arith.constant 2 : i32
        %add3A_902 = arith.addi %mul3A_874, %add3A_901 : i32
        %get3A_903 = arith.index_cast %rem3A_421 : i32 to index
        %get3A_904 = arith.index_cast %add3A_902 : i32 to index
        %get3A_905 = arith.constant 16 : index
        %get3A_906 = tpu.vector_load %arg6[%get3A_903, %get3A_904, %get3A_905] {strides = array<i32>} : memref<2x256x128xf32, #tpu.memory_space<vmem>>, vector<1x1x16xf32>,
        %get3A_907 = vector.shape_cast %get3A_906 : vector<1x1x16xf32> to vector<16xf32>
        %add3A_908 = arith.constant 2 : i32
        %add3A_909 = arith.addi %mul3A_874, %add3A_908 : i32
        %add3A_910 = arith.constant 1 : i32
        %add3A_911 = arith.addi %add3A_909, %add3A_910 : i32
        %get3A_912 = arith.index_cast %rem3A_421 : i32 to index
        %get3A_913 = arith.index_cast %add3A_911 : i32 to index
        %get3A_914 = arith.constant 16 : index
        %get3A_915 = tpu.vector_load %arg6[%get3A_912, %get3A_913, %get3A_914] {strides = array<i32>} : memref<2x256x128xf32, #tpu.memory_space<vmem>>, vector<1x1x16xf32>,
        %get3A_916 = vector.shape_cast %get3A_915 : vector<1x1x16xf32> to vector<16xf32>
        %sub3A_917 = arith.subf %get3A_907, %max3A_509 : vector<16xf32>
        %exp3A_918 = math.exp %sub3A_917 : vector<16xf32>
        %sub3A_919 = arith.subf %get3A_916, %max3A_509 : vector<16xf32>
        %exp3A_920 = math.exp %sub3A_919 : vector<16xf32>
        %add3A_921 = arith.addf %add3A_895, %exp3A_918 : vector<16xf32>
        %mul3A_922 = arith.mulf %get3A_907, %exp3A_918 : vector<16xf32>
        %add3A_923 = arith.addf %add3A_897, %mul3A_922 : vector<16xf32>
        %add3A_924 = arith.addf %add3A_898, %exp3A_920 : vector<16xf32>
        %mul3A_925 = arith.mulf %get3A_916, %exp3A_920 : vector<16xf32>
        %add3A_926 = arith.addf %add3A_900, %mul3A_925 : vector<16xf32>
        %add3A_927 = arith.constant 4 : i32
        %add3A_928 = arith.addi %mul3A_874, %add3A_927 : i32
        %get3A_929 = arith.index_cast %rem3A_421 : i32 to index
        %get3A_930 = arith.index_cast %add3A_928 : i32 to index
        %get3A_931 = arith.constant 16 : index
        %get3A_932 = tpu.vector_load %arg6[%get3A_929, %get3A_930, %get3A_931] {strides = array<i32>} : memref<2x256x128xf32, #tpu.memory_space<vmem>>, vector<1x1x16xf32>,
        %get3A_933 = vector.shape_cast %get3A_932 : vector<1x1x16xf32> to vector<16xf32>
        %add3A_934 = arith.constant 4 : i32
        %add3A_935 = arith.addi %mul3A_874, %add3A_934 : i32
        %add3A_936 = arith.constant 1 : i32
        %add3A_937 = arith.addi %add3A_935, %add3A_936 : i32
        %get3A_938 = arith.index_cast %rem3A_421 : i32 to index
        %get3A_939 = arith.index_cast %add3A_937 : i32 to index
        %get3A_940 = arith.constant 16 : index
        %get3A_941 = tpu.vector_load %arg6[%get3A_938, %get3A_939, %get3A_940] {strides = array<i32>} : memref<2x256x128xf32, #tpu.memory_space<vmem>>, vector<1x1x16xf32>,
        %get3A_942 = vector.shape_cast %get3A_941 : vector<1x1x16xf32> to vector<16xf32>
        %sub3A_943 = arith.subf %get3A_933, %max3A_509 : vector<16xf32>
        %exp3A_944 = math.exp %sub3A_943 : vector<16xf32>
        %sub3A_945 = arith.subf %get3A_942, %max3A_509 : vector<16xf32>
        %exp3A_946 = math.exp %sub3A_945 : vector<16xf32>
        %add3A_947 = arith.addf %add3A_921, %exp3A_944 : vector<16xf32>
        %mul3A_948 = arith.mulf %get3A_933, %exp3A_944 : vector<16xf32>
        %add3A_949 = arith.addf %add3A_923, %mul3A_948 : vector<16xf32>
        %add3A_950 = arith.addf %add3A_924, %exp3A_946 : vector<16xf32>
        %mul3A_951 = arith.mulf %get3A_942, %exp3A_946 : vector<16xf32>
        %add3A_952 = arith.addf %add3A_926, %mul3A_951 : vector<16xf32>
        %add3A_953 = arith.constant 6 : i32
        %add3A_954 = arith.addi %mul3A_874, %add3A_953 : i32
        %get3A_955 = arith.index_cast %rem3A_421 : i32 to index
        %get3A_956 = arith.index_cast %add3A_954 : i32 to index
        %get3A_957 = arith.constant 16 : index
        %get3A_958 = tpu.vector_load %arg6[%get3A_955, %get3A_956, %get3A_957] {strides = array<i32>} : memref<2x256x128xf32, #tpu.memory_space<vmem>>, vector<1x1x16xf32>,
        %get3A_959 = vector.shape_cast %get3A_958 : vector<1x1x16xf32> to vector<16xf32>
        %add3A_960 = arith.constant 6 : i32
        %add3A_961 = arith.addi %mul3A_874, %add3A_960 : i32
        %add3A_962 = arith.constant 1 : i32
        %add3A_963 = arith.addi %add3A_961, %add3A_962 : i32
        %get3A_964 = arith.index_cast %rem3A_421 : i32 to index
        %get3A_965 = arith.index_cast %add3A_963 : i32 to index
        %get3A_966 = arith.constant 16 : index
        %get3A_967 = tpu.vector_load %arg6[%get3A_964, %get3A_965, %get3A_966] {strides = array<i32>} : memref<2x256x128xf32, #tpu.memory_space<vmem>>, vector<1x1x16xf32>,
        %get3A_968 = vector.shape_cast %get3A_967 : vector<1x1x16xf32> to vector<16xf32>
        %sub3A_969 = arith.subf %get3A_959, %max3A_509 : vector<16xf32>
        %exp3A_970 = math.exp %sub3A_969 : vector<16xf32>
        %sub3A_971 = arith.subf %get3A_968, %max3A_509 : vector<16xf32>
        %exp3A_972 = math.exp %sub3A_971 : vector<16xf32>
        %add3A_973 = arith.addf %add3A_947, %exp3A_970 : vector<16xf32>
        %mul3A_974 = arith.mulf %get3A_959, %exp3A_970 : vector<16xf32>
        %add3A_975 = arith.addf %add3A_949, %mul3A_974 : vector<16xf32>
        %add3A_976 = arith.addf %add3A_950, %exp3A_972 : vector<16xf32>
        %mul3A_977 = arith.mulf %get3A_968, %exp3A_972 : vector<16xf32>
        %add3A_978 = arith.addf %add3A_952, %mul3A_977 : vector<16xf32>
        scf.yield %add3A_973, %add3A_975, %add3A_976, %add3A_978 : vector<16xf32>, vector<16xf32>, vector<16xf32>, vector<16xf32>
      }
      %scan3A_529 = arith.constant 32 : i32
      %swap3A_530 = arith.constant 1 : i32
      %swap3A_531 = arith.index_cast %swap3A_530 : i32 to index
      %swap3A_532 = arith.constant 0 : index
      %swap3A_533 = tpu.vector_load %arg7[%swap3A_531, %swap3A_532] {strides = array<i32>} : memref<8x16xf32, #tpu.memory_space<vmem>>, vector<1x16xf32>,
      %swap3A_534 = vector.shape_cast %swap3A_533 : vector<1x16xf32> to vector<16xf32>
      %swap3A_535 = vector.shape_cast %max3A_509 : vector<16xf32> to vector<1x16xf32>
      tpu.vector_store %arg7[%swap3A_531, %swap3A_532], %swap3A_535 {strides = array<i32>} : memref<8x16xf32, #tpu.memory_space<vmem>>, vector<1x16xf32>,
      %add3A_536 = arith.addf %scan3A_528#0, %scan3A_528#2 : vector<16xf32>
      %swap3A_537 = arith.constant 1 : i32
      %swap3A_538 = arith.index_cast %swap3A_537 : i32 to index
      %swap3A_539 = arith.constant 0 : index
      %swap3A_540 = tpu.vector_load %arg8[%swap3A_538, %swap3A_539] {strides = array<i32>} : memref<8x16xf32, #tpu.memory_space<vmem>>, vector<1x16xf32>,
      %swap3A_541 = vector.shape_cast %swap3A_540 : vector<1x16xf32> to vector<16xf32>
      %swap3A_542 = vector.shape_cast %add3A_536 : vector<16xf32> to vector<1x16xf32>
      tpu.vector_store %arg8[%swap3A_538, %swap3A_539], %swap3A_542 {strides = array<i32>} : memref<8x16xf32, #tpu.memory_space<vmem>>, vector<1x16xf32>,
      %add3A_543 = arith.addf %scan3A_528#1, %scan3A_528#3 : vector<16xf32>
      %swap3A_544 = arith.constant 1 : i32
      %swap3A_545 = arith.index_cast %swap3A_544 : i32 to index
      %swap3A_546 = arith.constant 0 : index
      %swap3A_547 = tpu.vector_load %arg9[%swap3A_545, %swap3A_546] {strides = array<i32>} : memref<8x16xf32, #tpu.memory_space<vmem>>, vector<1x16xf32>,
      %swap3A_548 = vector.shape_cast %swap3A_547 : vector<1x16xf32> to vector<16xf32>
      %swap3A_549 = vector.shape_cast %add3A_543 : vector<16xf32> to vector<1x16xf32>
      tpu.vector_store %arg9[%swap3A_545, %swap3A_546], %swap3A_549 {strides = array<i32>} : memref<8x16xf32, #tpu.memory_space<vmem>>, vector<1x16xf32>,
      %scan3A_550 = arith.constant 0 : i32
      %scan3A_551 = arith.constant 32 : i32
      %scan3A_552 = arith.addi %scan3A_550, %scan3A_551 : i32
      %scan3A_553 = arith.constant 1 : i32
      %scan3A_554:2 = scf.for %scan3A_868 = %scan3A_550 to %scan3A_552 step %scan3A_553 iter_args(%scan3A_869 = %broadcast_in_dim3A_35, %scan3A_870 = %broadcast_in_dim3A_35) -> (vector<16xf32>, vector<16xf32>)  : i32 {
        %mul3A_871 = arith.constant 8 : i32
        %mul3A_872 = arith.muli %scan3A_868, %mul3A_871 : i32
        %add3A_873 = arith.constant 0 : i32
        %add3A_874 = arith.addi %mul3A_872, %add3A_873 : i32
        %get3A_875 = arith.index_cast %rem3A_421 : i32 to index
        %get3A_876 = arith.index_cast %add3A_874 : i32 to index
        %get3A_877 = arith.constant 32 : index
        %get3A_878 = tpu.vector_load %arg6[%get3A_875, %get3A_876, %get3A_877] {strides = array<i32>} : memref<2x256x128xf32, #tpu.memory_space<vmem>>, vector<1x1x16xf32>,
        %get3A_879 = vector.shape_cast %get3A_878 : vector<1x1x16xf32> to vector<16xf32>
        %max3A_880 = arith.maximumf %scan3A_869, %get3A_879 : vector<16xf32>
        %add3A_881 = arith.constant 0 : i32
        %add3A_882 = arith.addi %mul3A_872, %add3A_881 : i32
        %add3A_883 = arith.constant 1 : i32
        %add3A_884 = arith.addi %add3A_882, %add3A_883 : i32
        %get3A_885 = arith.index_cast %rem3A_421 : i32 to index
        %get3A_886 = arith.index_cast %add3A_884 : i32 to index
        %get3A_887 = arith.constant 32 : index
        %get3A_888 = tpu.vector_load %arg6[%get3A_885, %get3A_886, %get3A_887] {strides = array<i32>} : memref<2x256x128xf32, #tpu.memory_space<vmem>>, vector<1x1x16xf32>,
        %get3A_889 = vector.shape_cast %get3A_888 : vector<1x1x16xf32> to vector<16xf32>
        %max3A_890 = arith.maximumf %scan3A_870, %get3A_889 : vector<16xf32>
        %add3A_891 = arith.constant 2 : i32
        %add3A_892 = arith.addi %mul3A_872, %add3A_891 : i32
        %get3A_893 = arith.index_cast %rem3A_421 : i32 to index
        %get3A_894 = arith.index_cast %add3A_892 : i32 to index
        %get3A_895 = arith.constant 32 : index
        %get3A_896 = tpu.vector_load %arg6[%get3A_893, %get3A_894, %get3A_895] {strides = array<i32>} : memref<2x256x128xf32, #tpu.memory_space<vmem>>, vector<1x1x16xf32>,
        %get3A_897 = vector.shape_cast %get3A_896 : vector<1x1x16xf32> to vector<16xf32>
        %max3A_898 = arith.maximumf %max3A_880, %get3A_897 : vector<16xf32>
        %add3A_899 = arith.constant 2 : i32
        %add3A_900 = arith.addi %mul3A_872, %add3A_899 : i32
        %add3A_901 = arith.constant 1 : i32
        %add3A_902 = arith.addi %add3A_900, %add3A_901 : i32
        %get3A_903 = arith.index_cast %rem3A_421 : i32 to index
        %get3A_904 = arith.index_cast %add3A_902 : i32 to index
        %get3A_905 = arith.constant 32 : index
        %get3A_906 = tpu.vector_load %arg6[%get3A_903, %get3A_904, %get3A_905] {strides = array<i32>} : memref<2x256x128xf32, #tpu.memory_space<vmem>>, vector<1x1x16xf32>,
        %get3A_907 = vector.shape_cast %get3A_906 : vector<1x1x16xf32> to vector<16xf32>
        %max3A_908 = arith.maximumf %max3A_890, %get3A_907 : vector<16xf32>
        %add3A_909 = arith.constant 4 : i32
        %add3A_910 = arith.addi %mul3A_872, %add3A_909 : i32
        %get3A_911 = arith.index_cast %rem3A_421 : i32 to index
        %get3A_912 = arith.index_cast %add3A_910 : i32 to index
        %get3A_913 = arith.constant 32 : index
        %get3A_914 = tpu.vector_load %arg6[%get3A_911, %get3A_912, %get3A_913] {strides = array<i32>} : memref<2x256x128xf32, #tpu.memory_space<vmem>>, vector<1x1x16xf32>,
        %get3A_915 = vector.shape_cast %get3A_914 : vector<1x1x16xf32> to vector<16xf32>
        %max3A_916 = arith.maximumf %max3A_898, %get3A_915 : vector<16xf32>
        %add3A_917 = arith.constant 4 : i32
        %add3A_918 = arith.addi %mul3A_872, %add3A_917 : i32
        %add3A_919 = arith.constant 1 : i32
        %add3A_920 = arith.addi %add3A_918, %add3A_919 : i32
        %get3A_921 = arith.index_cast %rem3A_421 : i32 to index
        %get3A_922 = arith.index_cast %add3A_920 : i32 to index
        %get3A_923 = arith.constant 32 : index
        %get3A_924 = tpu.vector_load %arg6[%get3A_921, %get3A_922, %get3A_923] {strides = array<i32>} : memref<2x256x128xf32, #tpu.memory_space<vmem>>, vector<1x1x16xf32>,
        %get3A_925 = vector.shape_cast %get3A_924 : vector<1x1x16xf32> to vector<16xf32>
        %max3A_926 = arith.maximumf %max3A_908, %get3A_925 : vector<16xf32>
        %add3A_927 = arith.constant 6 : i32
        %add3A_928 = arith.addi %mul3A_872, %add3A_927 : i32
        %get3A_929 = arith.index_cast %rem3A_421 : i32 to index
        %get3A_930 = arith.index_cast %add3A_928 : i32 to index
        %get3A_931 = arith.constant 32 : index
        %get3A_932 = tpu.vector_load %arg6[%get3A_929, %get3A_930, %get3A_931] {strides = array<i32>} : memref<2x256x128xf32, #tpu.memory_space<vmem>>, vector<1x1x16xf32>,
        %get3A_933 = vector.shape_cast %get3A_932 : vector<1x1x16xf32> to vector<16xf32>
        %max3A_934 = arith.maximumf %max3A_916, %get3A_933 : vector<16xf32>
        %add3A_935 = arith.constant 6 : i32
        %add3A_936 = arith.addi %mul3A_872, %add3A_935 : i32
        %add3A_937 = arith.constant 1 : i32
        %add3A_938 = arith.addi %add3A_936, %add3A_937 : i32
        %get3A_939 = arith.index_cast %rem3A_421 : i32 to index
        %get3A_940 = arith.index_cast %add3A_938 : i32 to index
        %get3A_941 = arith.constant 32 : index
        %get3A_942 = tpu.vector_load %arg6[%get3A_939, %get3A_940, %get3A_941] {strides = array<i32>} : memref<2x256x128xf32, #tpu.memory_space<vmem>>, vector<1x1x16xf32>,
        %get3A_943 = vector.shape_cast %get3A_942 : vector<1x1x16xf32> to vector<16xf32>
        %max3A_944 = arith.maximumf %max3A_926, %get3A_943 : vector<16xf32>
        scf.yield %max3A_934, %max3A_944 : vector<16xf32>, vector<16xf32>
      }
      %scan3A_555 = arith.constant 32 : i32
      %max3A_556 = arith.maximumf %scan3A_554#0, %scan3A_554#1 : vector<16xf32>
      %get3A_557 = arith.constant 2 : i32
      %get3A_558 = arith.index_cast %get3A_557 : i32 to index
      %get3A_559 = arith.constant 0 : index
      %get3A_560 = tpu.vector_load %arg7[%get3A_558, %get3A_559] {strides = array<i32>} : memref<8x16xf32, #tpu.memory_space<vmem>>, vector<1x16xf32>,
      %get3A_561 = vector.shape_cast %get3A_560 : vector<1x16xf32> to vector<16xf32>
      %max3A_562 = arith.maximumf %get3A_561, %max3A_556 : vector<16xf32>
      %sub3A_563 = arith.subf %get3A_561, %max3A_562 : vector<16xf32>
      %exp3A_564 = math.exp %sub3A_563 : vector<16xf32>
      %get3A_565 = arith.constant 2 : i32
      %get3A_566 = arith.index_cast %get3A_565 : i32 to index
      %get3A_567 = arith.constant 0 : index
      %get3A_568 = tpu.vector_load %arg8[%get3A_566, %get3A_567] {strides = array<i32>} : memref<8x16xf32, #tpu.memory_space<vmem>>, vector<1x16xf32>,
      %get3A_569 = vector.shape_cast %get3A_568 : vector<1x16xf32> to vector<16xf32>
      %mul3A_570 = arith.mulf %get3A_569, %exp3A_564 : vector<16xf32>
      %get3A_571 = arith.constant 2 : i32
      %get3A_572 = arith.index_cast %get3A_571 : i32 to index
      %get3A_573 = arith.constant 0 : index
      %get3A_574 = tpu.vector_load %arg9[%get3A_572, %get3A_573] {strides = array<i32>} : memref<8x16xf32, #tpu.memory_space<vmem>>, vector<1x16xf32>,
      %get3A_575 = vector.shape_cast %get3A_574 : vector<1x16xf32> to vector<16xf32>
      %mul3A_576 = arith.mulf %get3A_575, %exp3A_564 : vector<16xf32>
      %scan3A_577 = arith.constant 0 : i32
      %scan3A_578 = arith.constant 32 : i32
      %scan3A_579 = arith.addi %scan3A_577, %scan3A_578 : i32
      %scan3A_580 = arith.constant 1 : i32
      %scan3A_581:4 = scf.for %scan3A_868 = %scan3A_577 to %scan3A_579 step %scan3A_580 iter_args(%scan3A_869 = %mul3A_570, %scan3A_870 = %mul3A_576, %scan3A_871 = %broadcast_in_dim3A_37, %scan3A_872 = %broadcast_in_dim3A_37) -> (vector<16xf32>, vector<16xf32>, vector<16xf32>, vector<16xf32>)  : i32 {
        %mul3A_873 = arith.constant 8 : i32
        %mul3A_874 = arith.muli %scan3A_868, %mul3A_873 : i32
        %add3A_875 = arith.constant 0 : i32
        %add3A_876 = arith.addi %mul3A_874, %add3A_875 : i32
        %get3A_877 = arith.index_cast %rem3A_421 : i32 to index
        %get3A_878 = arith.index_cast %add3A_876 : i32 to index
        %get3A_879 = arith.constant 32 : index
        %get3A_880 = tpu.vector_load %arg6[%get3A_877, %get3A_878, %get3A_879] {strides = array<i32>} : memref<2x256x128xf32, #tpu.memory_space<vmem>>, vector<1x1x16xf32>,
        %get3A_881 = vector.shape_cast %get3A_880 : vector<1x1x16xf32> to vector<16xf32>
        %add3A_882 = arith.constant 0 : i32
        %add3A_883 = arith.addi %mul3A_874, %add3A_882 : i32
        %add3A_884 = arith.constant 1 : i32
        %add3A_885 = arith.addi %add3A_883, %add3A_884 : i32
        %get3A_886 = arith.index_cast %rem3A_421 : i32 to index
        %get3A_887 = arith.index_cast %add3A_885 : i32 to index
        %get3A_888 = arith.constant 32 : index
        %get3A_889 = tpu.vector_load %arg6[%get3A_886, %get3A_887, %get3A_888] {strides = array<i32>} : memref<2x256x128xf32, #tpu.memory_space<vmem>>, vector<1x1x16xf32>,
        %get3A_890 = vector.shape_cast %get3A_889 : vector<1x1x16xf32> to vector<16xf32>
        %sub3A_891 = arith.subf %get3A_881, %max3A_562 : vector<16xf32>
        %exp3A_892 = math.exp %sub3A_891 : vector<16xf32>
        %sub3A_893 = arith.subf %get3A_890, %max3A_562 : vector<16xf32>
        %exp3A_894 = math.exp %sub3A_893 : vector<16xf32>
        %add3A_895 = arith.addf %scan3A_869, %exp3A_892 : vector<16xf32>
        %mul3A_896 = arith.mulf %get3A_881, %exp3A_892 : vector<16xf32>
        %add3A_897 = arith.addf %scan3A_870, %mul3A_896 : vector<16xf32>
        %add3A_898 = arith.addf %scan3A_871, %exp3A_894 : vector<16xf32>
        %mul3A_899 = arith.mulf %get3A_890, %exp3A_894 : vector<16xf32>
        %add3A_900 = arith.addf %scan3A_872, %mul3A_899 : vector<16xf32>
        %add3A_901 = arith.constant 2 : i32
        %add3A_902 = arith.addi %mul3A_874, %add3A_901 : i32
        %get3A_903 = arith.index_cast %rem3A_421 : i32 to index
        %get3A_904 = arith.index_cast %add3A_902 : i32 to index
        %get3A_905 = arith.constant 32 : index
        %get3A_906 = tpu.vector_load %arg6[%get3A_903, %get3A_904, %get3A_905] {strides = array<i32>} : memref<2x256x128xf32, #tpu.memory_space<vmem>>, vector<1x1x16xf32>,
        %get3A_907 = vector.shape_cast %get3A_906 : vector<1x1x16xf32> to vector<16xf32>
        %add3A_908 = arith.constant 2 : i32
        %add3A_909 = arith.addi %mul3A_874, %add3A_908 : i32
        %add3A_910 = arith.constant 1 : i32
        %add3A_911 = arith.addi %add3A_909, %add3A_910 : i32
        %get3A_912 = arith.index_cast %rem3A_421 : i32 to index
        %get3A_913 = arith.index_cast %add3A_911 : i32 to index
        %get3A_914 = arith.constant 32 : index
        %get3A_915 = tpu.vector_load %arg6[%get3A_912, %get3A_913, %get3A_914] {strides = array<i32>} : memref<2x256x128xf32, #tpu.memory_space<vmem>>, vector<1x1x16xf32>,
        %get3A_916 = vector.shape_cast %get3A_915 : vector<1x1x16xf32> to vector<16xf32>
        %sub3A_917 = arith.subf %get3A_907, %max3A_562 : vector<16xf32>
        %exp3A_918 = math.exp %sub3A_917 : vector<16xf32>
        %sub3A_919 = arith.subf %get3A_916, %max3A_562 : vector<16xf32>
        %exp3A_920 = math.exp %sub3A_919 : vector<16xf32>
        %add3A_921 = arith.addf %add3A_895, %exp3A_918 : vector<16xf32>
        %mul3A_922 = arith.mulf %get3A_907, %exp3A_918 : vector<16xf32>
        %add3A_923 = arith.addf %add3A_897, %mul3A_922 : vector<16xf32>
        %add3A_924 = arith.addf %add3A_898, %exp3A_920 : vector<16xf32>
        %mul3A_925 = arith.mulf %get3A_916, %exp3A_920 : vector<16xf32>
        %add3A_926 = arith.addf %add3A_900, %mul3A_925 : vector<16xf32>
        %add3A_927 = arith.constant 4 : i32
        %add3A_928 = arith.addi %mul3A_874, %add3A_927 : i32
        %get3A_929 = arith.index_cast %rem3A_421 : i32 to index
        %get3A_930 = arith.index_cast %add3A_928 : i32 to index
        %get3A_931 = arith.constant 32 : index
        %get3A_932 = tpu.vector_load %arg6[%get3A_929, %get3A_930, %get3A_931] {strides = array<i32>} : memref<2x256x128xf32, #tpu.memory_space<vmem>>, vector<1x1x16xf32>,
        %get3A_933 = vector.shape_cast %get3A_932 : vector<1x1x16xf32> to vector<16xf32>
        %add3A_934 = arith.constant 4 : i32
        %add3A_935 = arith.addi %mul3A_874, %add3A_934 : i32
        %add3A_936 = arith.constant 1 : i32
        %add3A_937 = arith.addi %add3A_935, %add3A_936 : i32
        %get3A_938 = arith.index_cast %rem3A_421 : i32 to index
        %get3A_939 = arith.index_cast %add3A_937 : i32 to index
        %get3A_940 = arith.constant 32 : index
        %get3A_941 = tpu.vector_load %arg6[%get3A_938, %get3A_939, %get3A_940] {strides = array<i32>} : memref<2x256x128xf32, #tpu.memory_space<vmem>>, vector<1x1x16xf32>,
        %get3A_942 = vector.shape_cast %get3A_941 : vector<1x1x16xf32> to vector<16xf32>
        %sub3A_943 = arith.subf %get3A_933, %max3A_562 : vector<16xf32>
        %exp3A_944 = math.exp %sub3A_943 : vector<16xf32>
        %sub3A_945 = arith.subf %get3A_942, %max3A_562 : vector<16xf32>
        %exp3A_946 = math.exp %sub3A_945 : vector<16xf32>
        %add3A_947 = arith.addf %add3A_921, %exp3A_944 : vector<16xf32>
        %mul3A_948 = arith.mulf %get3A_933, %exp3A_944 : vector<16xf32>
        %add3A_949 = arith.addf %add3A_923, %mul3A_948 : vector<16xf32>
        %add3A_950 = arith.addf %add3A_924, %exp3A_946 : vector<16xf32>
        %mul3A_951 = arith.mulf %get3A_942, %exp3A_946 : vector<16xf32>
        %add3A_952 = arith.addf %add3A_926, %mul3A_951 : vector<16xf32>
        %add3A_953 = arith.constant 6 : i32
        %add3A_954 = arith.addi %mul3A_874, %add3A_953 : i32
        %get3A_955 = arith.index_cast %rem3A_421 : i32 to index
        %get3A_956 = arith.index_cast %add3A_954 : i32 to index
        %get3A_957 = arith.constant 32 : index
        %get3A_958 = tpu.vector_load %arg6[%get3A_955, %get3A_956, %get3A_957] {strides = array<i32>} : memref<2x256x128xf32, #tpu.memory_space<vmem>>, vector<1x1x16xf32>,
        %get3A_959 = vector.shape_cast %get3A_958 : vector<1x1x16xf32> to vector<16xf32>
        %add3A_960 = arith.constant 6 : i32
        %add3A_961 = arith.addi %mul3A_874, %add3A_960 : i32
        %add3A_962 = arith.constant 1 : i32
        %add3A_963 = arith.addi %add3A_961, %add3A_962 : i32
        %get3A_964 = arith.index_cast %rem3A_421 : i32 to index
        %get3A_965 = arith.index_cast %add3A_963 : i32 to index
        %get3A_966 = arith.constant 32 : index
        %get3A_967 = tpu.vector_load %arg6[%get3A_964, %get3A_965, %get3A_966] {strides = array<i32>} : memref<2x256x128xf32, #tpu.memory_space<vmem>>, vector<1x1x16xf32>,
        %get3A_968 = vector.shape_cast %get3A_967 : vector<1x1x16xf32> to vector<16xf32>
        %sub3A_969 = arith.subf %get3A_959, %max3A_562 : vector<16xf32>
        %exp3A_970 = math.exp %sub3A_969 : vector<16xf32>
        %sub3A_971 = arith.subf %get3A_968, %max3A_562 : vector<16xf32>
        %exp3A_972 = math.exp %sub3A_971 : vector<16xf32>
        %add3A_973 = arith.addf %add3A_947, %exp3A_970 : vector<16xf32>
        %mul3A_974 = arith.mulf %get3A_959, %exp3A_970 : vector<16xf32>
        %add3A_975 = arith.addf %add3A_949, %mul3A_974 : vector<16xf32>
        %add3A_976 = arith.addf %add3A_950, %exp3A_972 : vector<16xf32>
        %mul3A_977 = arith.mulf %get3A_968, %exp3A_972 : vector<16xf32>
        %add3A_978 = arith.addf %add3A_952, %mul3A_977 : vector<16xf32>
        scf.yield %add3A_973, %add3A_975, %add3A_976, %add3A_978 : vector<16xf32>, vector<16xf32>, vector<16xf32>, vector<16xf32>
      }
      %scan3A_582 = arith.constant 32 : i32
      %swap3A_583 = arith.constant 2 : i32
      %swap3A_584 = arith.index_cast %swap3A_583 : i32 to index
      %swap3A_585 = arith.constant 0 : index
      %swap3A_586 = tpu.vector_load %arg7[%swap3A_584, %swap3A_585] {strides = array<i32>} : memref<8x16xf32, #tpu.memory_space<vmem>>, vector<1x16xf32>,
      %swap3A_587 = vector.shape_cast %swap3A_586 : vector<1x16xf32> to vector<16xf32>
      %swap3A_588 = vector.shape_cast %max3A_562 : vector<16xf32> to vector<1x16xf32>
      tpu.vector_store %arg7[%swap3A_584, %swap3A_585], %swap3A_588 {strides = array<i32>} : memref<8x16xf32, #tpu.memory_space<vmem>>, vector<1x16xf32>,
      %add3A_589 = arith.addf %scan3A_581#0, %scan3A_581#2 : vector<16xf32>
      %swap3A_590 = arith.constant 2 : i32
      %swap3A_591 = arith.index_cast %swap3A_590 : i32 to index
      %swap3A_592 = arith.constant 0 : index
      %swap3A_593 = tpu.vector_load %arg8[%swap3A_591, %swap3A_592] {strides = array<i32>} : memref<8x16xf32, #tpu.memory_space<vmem>>, vector<1x16xf32>,
      %swap3A_594 = vector.shape_cast %swap3A_593 : vector<1x16xf32> to vector<16xf32>
      %swap3A_595 = vector.shape_cast %add3A_589 : vector<16xf32> to vector<1x16xf32>
      tpu.vector_store %arg8[%swap3A_591, %swap3A_592], %swap3A_595 {strides = array<i32>} : memref<8x16xf32, #tpu.memory_space<vmem>>, vector<1x16xf32>,
      %add3A_596 = arith.addf %scan3A_581#1, %scan3A_581#3 : vector<16xf32>
      %swap3A_597 = arith.constant 2 : i32
      %swap3A_598 = arith.index_cast %swap3A_597 : i32 to index
      %swap3A_599 = arith.constant 0 : index
      %swap3A_600 = tpu.vector_load %arg9[%swap3A_598, %swap3A_599] {strides = array<i32>} : memref<8x16xf32, #tpu.memory_space<vmem>>, vector<1x16xf32>,
      %swap3A_601 = vector.shape_cast %swap3A_600 : vector<1x16xf32> to vector<16xf32>
      %swap3A_602 = vector.shape_cast %add3A_596 : vector<16xf32> to vector<1x16xf32>
      tpu.vector_store %arg9[%swap3A_598, %swap3A_599], %swap3A_602 {strides = array<i32>} : memref<8x16xf32, #tpu.memory_space<vmem>>, vector<1x16xf32>,
      %scan3A_603 = arith.constant 0 : i32
      %scan3A_604 = arith.constant 32 : i32
      %scan3A_605 = arith.addi %scan3A_603, %scan3A_604 : i32
      %scan3A_606 = arith.constant 1 : i32
      %scan3A_607:2 = scf.for %scan3A_868 = %scan3A_603 to %scan3A_605 step %scan3A_606 iter_args(%scan3A_869 = %broadcast_in_dim3A_35, %scan3A_870 = %broadcast_in_dim3A_35) -> (vector<16xf32>, vector<16xf32>)  : i32 {
        %mul3A_871 = arith.constant 8 : i32
        %mul3A_872 = arith.muli %scan3A_868, %mul3A_871 : i32
        %add3A_873 = arith.constant 0 : i32
        %add3A_874 = arith.addi %mul3A_872, %add3A_873 : i32
        %get3A_875 = arith.index_cast %rem3A_421 : i32 to index
        %get3A_876 = arith.index_cast %add3A_874 : i32 to index
        %get3A_877 = arith.constant 48 : index
        %get3A_878 = tpu.vector_load %arg6[%get3A_875, %get3A_876, %get3A_877] {strides = array<i32>} : memref<2x256x128xf32, #tpu.memory_space<vmem>>, vector<1x1x16xf32>,
        %get3A_879 = vector.shape_cast %get3A_878 : vector<1x1x16xf32> to vector<16xf32>
        %max3A_880 = arith.maximumf %scan3A_869, %get3A_879 : vector<16xf32>
        %add3A_881 = arith.constant 0 : i32
        %add3A_882 = arith.addi %mul3A_872, %add3A_881 : i32
        %add3A_883 = arith.constant 1 : i32
        %add3A_884 = arith.addi %add3A_882, %add3A_883 : i32
        %get3A_885 = arith.index_cast %rem3A_421 : i32 to index
        %get3A_886 = arith.index_cast %add3A_884 : i32 to index
        %get3A_887 = arith.constant 48 : index
        %get3A_888 = tpu.vector_load %arg6[%get3A_885, %get3A_886, %get3A_887] {strides = array<i32>} : memref<2x256x128xf32, #tpu.memory_space<vmem>>, vector<1x1x16xf32>,
        %get3A_889 = vector.shape_cast %get3A_888 : vector<1x1x16xf32> to vector<16xf32>
        %max3A_890 = arith.maximumf %scan3A_870, %get3A_889 : vector<16xf32>
        %add3A_891 = arith.constant 2 : i32
        %add3A_892 = arith.addi %mul3A_872, %add3A_891 : i32
        %get3A_893 = arith.index_cast %rem3A_421 : i32 to index
        %get3A_894 = arith.index_cast %add3A_892 : i32 to index
        %get3A_895 = arith.constant 48 : index
        %get3A_896 = tpu.vector_load %arg6[%get3A_893, %get3A_894, %get3A_895] {strides = array<i32>} : memref<2x256x128xf32, #tpu.memory_space<vmem>>, vector<1x1x16xf32>,
        %get3A_897 = vector.shape_cast %get3A_896 : vector<1x1x16xf32> to vector<16xf32>
        %max3A_898 = arith.maximumf %max3A_880, %get3A_897 : vector<16xf32>
        %add3A_899 = arith.constant 2 : i32
        %add3A_900 = arith.addi %mul3A_872, %add3A_899 : i32
        %add3A_901 = arith.constant 1 : i32
        %add3A_902 = arith.addi %add3A_900, %add3A_901 : i32
        %get3A_903 = arith.index_cast %rem3A_421 : i32 to index
        %get3A_904 = arith.index_cast %add3A_902 : i32 to index
        %get3A_905 = arith.constant 48 : index
        %get3A_906 = tpu.vector_load %arg6[%get3A_903, %get3A_904, %get3A_905] {strides = array<i32>} : memref<2x256x128xf32, #tpu.memory_space<vmem>>, vector<1x1x16xf32>,
        %get3A_907 = vector.shape_cast %get3A_906 : vector<1x1x16xf32> to vector<16xf32>
        %max3A_908 = arith.maximumf %max3A_890, %get3A_907 : vector<16xf32>
        %add3A_909 = arith.constant 4 : i32
        %add3A_910 = arith.addi %mul3A_872, %add3A_909 : i32
        %get3A_911 = arith.index_cast %rem3A_421 : i32 to index
        %get3A_912 = arith.index_cast %add3A_910 : i32 to index
        %get3A_913 = arith.constant 48 : index
        %get3A_914 = tpu.vector_load %arg6[%get3A_911, %get3A_912, %get3A_913] {strides = array<i32>} : memref<2x256x128xf32, #tpu.memory_space<vmem>>, vector<1x1x16xf32>,
        %get3A_915 = vector.shape_cast %get3A_914 : vector<1x1x16xf32> to vector<16xf32>
        %max3A_916 = arith.maximumf %max3A_898, %get3A_915 : vector<16xf32>
        %add3A_917 = arith.constant 4 : i32
        %add3A_918 = arith.addi %mul3A_872, %add3A_917 : i32
        %add3A_919 = arith.constant 1 : i32
        %add3A_920 = arith.addi %add3A_918, %add3A_919 : i32
        %get3A_921 = arith.index_cast %rem3A_421 : i32 to index
        %get3A_922 = arith.index_cast %add3A_920 : i32 to index
        %get3A_923 = arith.constant 48 : index
        %get3A_924 = tpu.vector_load %arg6[%get3A_921, %get3A_922, %get3A_923] {strides = array<i32>} : memref<2x256x128xf32, #tpu.memory_space<vmem>>, vector<1x1x16xf32>,
        %get3A_925 = vector.shape_cast %get3A_924 : vector<1x1x16xf32> to vector<16xf32>
        %max3A_926 = arith.maximumf %max3A_908, %get3A_925 : vector<16xf32>
        %add3A_927 = arith.constant 6 : i32
        %add3A_928 = arith.addi %mul3A_872, %add3A_927 : i32
        %get3A_929 = arith.index_cast %rem3A_421 : i32 to index
        %get3A_930 = arith.index_cast %add3A_928 : i32 to index
        %get3A_931 = arith.constant 48 : index
        %get3A_932 = tpu.vector_load %arg6[%get3A_929, %get3A_930, %get3A_931] {strides = array<i32>} : memref<2x256x128xf32, #tpu.memory_space<vmem>>, vector<1x1x16xf32>,
        %get3A_933 = vector.shape_cast %get3A_932 : vector<1x1x16xf32> to vector<16xf32>
        %max3A_934 = arith.maximumf %max3A_916, %get3A_933 : vector<16xf32>
        %add3A_935 = arith.constant 6 : i32
        %add3A_936 = arith.addi %mul3A_872, %add3A_935 : i32
        %add3A_937 = arith.constant 1 : i32
        %add3A_938 = arith.addi %add3A_936, %add3A_937 : i32
        %get3A_939 = arith.index_cast %rem3A_421 : i32 to index
        %get3A_940 = arith.index_cast %add3A_938 : i32 to index
        %get3A_941 = arith.constant 48 : index
        %get3A_942 = tpu.vector_load %arg6[%get3A_939, %get3A_940, %get3A_941] {strides = array<i32>} : memref<2x256x128xf32, #tpu.memory_space<vmem>>, vector<1x1x16xf32>,
        %get3A_943 = vector.shape_cast %get3A_942 : vector<1x1x16xf32> to vector<16xf32>
        %max3A_944 = arith.maximumf %max3A_926, %get3A_943 : vector<16xf32>
        scf.yield %max3A_934, %max3A_944 : vector<16xf32>, vector<16xf32>
      }
      %scan3A_608 = arith.constant 32 : i32
      %max3A_609 = arith.maximumf %scan3A_607#0, %scan3A_607#1 : vector<16xf32>
      %get3A_610 = arith.constant 3 : i32
      %get3A_611 = arith.index_cast %get3A_610 : i32 to index
      %get3A_612 = arith.constant 0 : index
      %get3A_613 = tpu.vector_load %arg7[%get3A_611, %get3A_612] {strides = array<i32>} : memref<8x16xf32, #tpu.memory_space<vmem>>, vector<1x16xf32>,
      %get3A_614 = vector.shape_cast %get3A_613 : vector<1x16xf32> to vector<16xf32>
      %max3A_615 = arith.maximumf %get3A_614, %max3A_609 : vector<16xf32>
      %sub3A_616 = arith.subf %get3A_614, %max3A_615 : vector<16xf32>
      %exp3A_617 = math.exp %sub3A_616 : vector<16xf32>
      %get3A_618 = arith.constant 3 : i32
      %get3A_619 = arith.index_cast %get3A_618 : i32 to index
      %get3A_620 = arith.constant 0 : index
      %get3A_621 = tpu.vector_load %arg8[%get3A_619, %get3A_620] {strides = array<i32>} : memref<8x16xf32, #tpu.memory_space<vmem>>, vector<1x16xf32>,
      %get3A_622 = vector.shape_cast %get3A_621 : vector<1x16xf32> to vector<16xf32>
      %mul3A_623 = arith.mulf %get3A_622, %exp3A_617 : vector<16xf32>
      %get3A_624 = arith.constant 3 : i32
      %get3A_625 = arith.index_cast %get3A_624 : i32 to index
      %get3A_626 = arith.constant 0 : index
      %get3A_627 = tpu.vector_load %arg9[%get3A_625, %get3A_626] {strides = array<i32>} : memref<8x16xf32, #tpu.memory_space<vmem>>, vector<1x16xf32>,
      %get3A_628 = vector.shape_cast %get3A_627 : vector<1x16xf32> to vector<16xf32>
      %mul3A_629 = arith.mulf %get3A_628, %exp3A_617 : vector<16xf32>
      %scan3A_630 = arith.constant 0 : i32
      %scan3A_631 = arith.constant 32 : i32
      %scan3A_632 = arith.addi %scan3A_630, %scan3A_631 : i32
      %scan3A_633 = arith.constant 1 : i32
      %scan3A_634:4 = scf.for %scan3A_868 = %scan3A_630 to %scan3A_632 step %scan3A_633 iter_args(%scan3A_869 = %mul3A_623, %scan3A_870 = %mul3A_629, %scan3A_871 = %broadcast_in_dim3A_37, %scan3A_872 = %broadcast_in_dim3A_37) -> (vector<16xf32>, vector<16xf32>, vector<16xf32>, vector<16xf32>)  : i32 {
        %mul3A_873 = arith.constant 8 : i32
        %mul3A_874 = arith.muli %scan3A_868, %mul3A_873 : i32
        %add3A_875 = arith.constant 0 : i32
        %add3A_876 = arith.addi %mul3A_874, %add3A_875 : i32
        %get3A_877 = arith.index_cast %rem3A_421 : i32 to index
        %get3A_878 = arith.index_cast %add3A_876 : i32 to index
        %get3A_879 = arith.constant 48 : index
        %get3A_880 = tpu.vector_load %arg6[%get3A_877, %get3A_878, %get3A_879] {strides = array<i32>} : memref<2x256x128xf32, #tpu.memory_space<vmem>>, vector<1x1x16xf32>,
        %get3A_881 = vector.shape_cast %get3A_880 : vector<1x1x16xf32> to vector<16xf32>
        %add3A_882 = arith.constant 0 : i32
        %add3A_883 = arith.addi %mul3A_874, %add3A_882 : i32
        %add3A_884 = arith.constant 1 : i32
        %add3A_885 = arith.addi %add3A_883, %add3A_884 : i32
        %get3A_886 = arith.index_cast %rem3A_421 : i32 to index
        %get3A_887 = arith.index_cast %add3A_885 : i32 to index
        %get3A_888 = arith.constant 48 : index
        %get3A_889 = tpu.vector_load %arg6[%get3A_886, %get3A_887, %get3A_888] {strides = array<i32>} : memref<2x256x128xf32, #tpu.memory_space<vmem>>, vector<1x1x16xf32>,
        %get3A_890 = vector.shape_cast %get3A_889 : vector<1x1x16xf32> to vector<16xf32>
        %sub3A_891 = arith.subf %get3A_881, %max3A_615 : vector<16xf32>
        %exp3A_892 = math.exp %sub3A_891 : vector<16xf32>
        %sub3A_893 = arith.subf %get3A_890, %max3A_615 : vector<16xf32>
        %exp3A_894 = math.exp %sub3A_893 : vector<16xf32>
        %add3A_895 = arith.addf %scan3A_869, %exp3A_892 : vector<16xf32>
        %mul3A_896 = arith.mulf %get3A_881, %exp3A_892 : vector<16xf32>
        %add3A_897 = arith.addf %scan3A_870, %mul3A_896 : vector<16xf32>
        %add3A_898 = arith.addf %scan3A_871, %exp3A_894 : vector<16xf32>
        %mul3A_899 = arith.mulf %get3A_890, %exp3A_894 : vector<16xf32>
        %add3A_900 = arith.addf %scan3A_872, %mul3A_899 : vector<16xf32>
        %add3A_901 = arith.constant 2 : i32
        %add3A_902 = arith.addi %mul3A_874, %add3A_901 : i32
        %get3A_903 = arith.index_cast %rem3A_421 : i32 to index
        %get3A_904 = arith.index_cast %add3A_902 : i32 to index
        %get3A_905 = arith.constant 48 : index
        %get3A_906 = tpu.vector_load %arg6[%get3A_903, %get3A_904, %get3A_905] {strides = array<i32>} : memref<2x256x128xf32, #tpu.memory_space<vmem>>, vector<1x1x16xf32>,
        %get3A_907 = vector.shape_cast %get3A_906 : vector<1x1x16xf32> to vector<16xf32>
        %add3A_908 = arith.constant 2 : i32
        %add3A_909 = arith.addi %mul3A_874, %add3A_908 : i32
        %add3A_910 = arith.constant 1 : i32
        %add3A_911 = arith.addi %add3A_909, %add3A_910 : i32
        %get3A_912 = arith.index_cast %rem3A_421 : i32 to index
        %get3A_913 = arith.index_cast %add3A_911 : i32 to index
        %get3A_914 = arith.constant 48 : index
        %get3A_915 = tpu.vector_load %arg6[%get3A_912, %get3A_913, %get3A_914] {strides = array<i32>} : memref<2x256x128xf32, #tpu.memory_space<vmem>>, vector<1x1x16xf32>,
        %get3A_916 = vector.shape_cast %get3A_915 : vector<1x1x16xf32> to vector<16xf32>
        %sub3A_917 = arith.subf %get3A_907, %max3A_615 : vector<16xf32>
        %exp3A_918 = math.exp %sub3A_917 : vector<16xf32>
        %sub3A_919 = arith.subf %get3A_916, %max3A_615 : vector<16xf32>
        %exp3A_920 = math.exp %sub3A_919 : vector<16xf32>
        %add3A_921 = arith.addf %add3A_895, %exp3A_918 : vector<16xf32>
        %mul3A_922 = arith.mulf %get3A_907, %exp3A_918 : vector<16xf32>
        %add3A_923 = arith.addf %add3A_897, %mul3A_922 : vector<16xf32>
        %add3A_924 = arith.addf %add3A_898, %exp3A_920 : vector<16xf32>
        %mul3A_925 = arith.mulf %get3A_916, %exp3A_920 : vector<16xf32>
        %add3A_926 = arith.addf %add3A_900, %mul3A_925 : vector<16xf32>
        %add3A_927 = arith.constant 4 : i32
        %add3A_928 = arith.addi %mul3A_874, %add3A_927 : i32
        %get3A_929 = arith.index_cast %rem3A_421 : i32 to index
        %get3A_930 = arith.index_cast %add3A_928 : i32 to index
        %get3A_931 = arith.constant 48 : index
        %get3A_932 = tpu.vector_load %arg6[%get3A_929, %get3A_930, %get3A_931] {strides = array<i32>} : memref<2x256x128xf32, #tpu.memory_space<vmem>>, vector<1x1x16xf32>,
        %get3A_933 = vector.shape_cast %get3A_932 : vector<1x1x16xf32> to vector<16xf32>
        %add3A_934 = arith.constant 4 : i32
        %add3A_935 = arith.addi %mul3A_874, %add3A_934 : i32
        %add3A_936 = arith.constant 1 : i32
        %add3A_937 = arith.addi %add3A_935, %add3A_936 : i32
        %get3A_938 = arith.index_cast %rem3A_421 : i32 to index
        %get3A_939 = arith.index_cast %add3A_937 : i32 to index
        %get3A_940 = arith.constant 48 : index
        %get3A_941 = tpu.vector_load %arg6[%get3A_938, %get3A_939, %get3A_940] {strides = array<i32>} : memref<2x256x128xf32, #tpu.memory_space<vmem>>, vector<1x1x16xf32>,
        %get3A_942 = vector.shape_cast %get3A_941 : vector<1x1x16xf32> to vector<16xf32>
        %sub3A_943 = arith.subf %get3A_933, %max3A_615 : vector<16xf32>
        %exp3A_944 = math.exp %sub3A_943 : vector<16xf32>
        %sub3A_945 = arith.subf %get3A_942, %max3A_615 : vector<16xf32>
        %exp3A_946 = math.exp %sub3A_945 : vector<16xf32>
        %add3A_947 = arith.addf %add3A_921, %exp3A_944 : vector<16xf32>
        %mul3A_948 = arith.mulf %get3A_933, %exp3A_944 : vector<16xf32>
        %add3A_949 = arith.addf %add3A_923, %mul3A_948 : vector<16xf32>
        %add3A_950 = arith.addf %add3A_924, %exp3A_946 : vector<16xf32>
        %mul3A_951 = arith.mulf %get3A_942, %exp3A_946 : vector<16xf32>
        %add3A_952 = arith.addf %add3A_926, %mul3A_951 : vector<16xf32>
        %add3A_953 = arith.constant 6 : i32
        %add3A_954 = arith.addi %mul3A_874, %add3A_953 : i32
        %get3A_955 = arith.index_cast %rem3A_421 : i32 to index
        %get3A_956 = arith.index_cast %add3A_954 : i32 to index
        %get3A_957 = arith.constant 48 : index
        %get3A_958 = tpu.vector_load %arg6[%get3A_955, %get3A_956, %get3A_957] {strides = array<i32>} : memref<2x256x128xf32, #tpu.memory_space<vmem>>, vector<1x1x16xf32>,
        %get3A_959 = vector.shape_cast %get3A_958 : vector<1x1x16xf32> to vector<16xf32>
        %add3A_960 = arith.constant 6 : i32
        %add3A_961 = arith.addi %mul3A_874, %add3A_960 : i32
        %add3A_962 = arith.constant 1 : i32
        %add3A_963 = arith.addi %add3A_961, %add3A_962 : i32
        %get3A_964 = arith.index_cast %rem3A_421 : i32 to index
        %get3A_965 = arith.index_cast %add3A_963 : i32 to index
        %get3A_966 = arith.constant 48 : index
        %get3A_967 = tpu.vector_load %arg6[%get3A_964, %get3A_965, %get3A_966] {strides = array<i32>} : memref<2x256x128xf32, #tpu.memory_space<vmem>>, vector<1x1x16xf32>,
        %get3A_968 = vector.shape_cast %get3A_967 : vector<1x1x16xf32> to vector<16xf32>
        %sub3A_969 = arith.subf %get3A_959, %max3A_615 : vector<16xf32>
        %exp3A_970 = math.exp %sub3A_969 : vector<16xf32>
        %sub3A_971 = arith.subf %get3A_968, %max3A_615 : vector<16xf32>
        %exp3A_972 = math.exp %sub3A_971 : vector<16xf32>
        %add3A_973 = arith.addf %add3A_947, %exp3A_970 : vector<16xf32>
        %mul3A_974 = arith.mulf %get3A_959, %exp3A_970 : vector<16xf32>
        %add3A_975 = arith.addf %add3A_949, %mul3A_974 : vector<16xf32>
        %add3A_976 = arith.addf %add3A_950, %exp3A_972 : vector<16xf32>
        %mul3A_977 = arith.mulf %get3A_968, %exp3A_972 : vector<16xf32>
        %add3A_978 = arith.addf %add3A_952, %mul3A_977 : vector<16xf32>
        scf.yield %add3A_973, %add3A_975, %add3A_976, %add3A_978 : vector<16xf32>, vector<16xf32>, vector<16xf32>, vector<16xf32>
      }
      %scan3A_635 = arith.constant 32 : i32
      %swap3A_636 = arith.constant 3 : i32
      %swap3A_637 = arith.index_cast %swap3A_636 : i32 to index
      %swap3A_638 = arith.constant 0 : index
      %swap3A_639 = tpu.vector_load %arg7[%swap3A_637, %swap3A_638] {strides = array<i32>} : memref<8x16xf32, #tpu.memory_space<vmem>>, vector<1x16xf32>,
      %swap3A_640 = vector.shape_cast %swap3A_639 : vector<1x16xf32> to vector<16xf32>
      %swap3A_641 = vector.shape_cast %max3A_615 : vector<16xf32> to vector<1x16xf32>
      tpu.vector_store %arg7[%swap3A_637, %swap3A_638], %swap3A_641 {strides = array<i32>} : memref<8x16xf32, #tpu.memory_space<vmem>>, vector<1x16xf32>,
      %add3A_642 = arith.addf %scan3A_634#0, %scan3A_634#2 : vector<16xf32>
      %swap3A_643 = arith.constant 3 : i32
      %swap3A_644 = arith.index_cast %swap3A_643 : i32 to index
      %swap3A_645 = arith.constant 0 : index
      %swap3A_646 = tpu.vector_load %arg8[%swap3A_644, %swap3A_645] {strides = array<i32>} : memref<8x16xf32, #tpu.memory_space<vmem>>, vector<1x16xf32>,
      %swap3A_647 = vector.shape_cast %swap3A_646 : vector<1x16xf32> to vector<16xf32>
      %swap3A_648 = vector.shape_cast %add3A_642 : vector<16xf32> to vector<1x16xf32>
      tpu.vector_store %arg8[%swap3A_644, %swap3A_645], %swap3A_648 {strides = array<i32>} : memref<8x16xf32, #tpu.memory_space<vmem>>, vector<1x16xf32>,
      %add3A_649 = arith.addf %scan3A_634#1, %scan3A_634#3 : vector<16xf32>
      %swap3A_650 = arith.constant 3 : i32
      %swap3A_651 = arith.index_cast %swap3A_650 : i32 to index
      %swap3A_652 = arith.constant 0 : index
      %swap3A_653 = tpu.vector_load %arg9[%swap3A_651, %swap3A_652] {strides = array<i32>} : memref<8x16xf32, #tpu.memory_space<vmem>>, vector<1x16xf32>,
      %swap3A_654 = vector.shape_cast %swap3A_653 : vector<1x16xf32> to vector<16xf32>
      %swap3A_655 = vector.shape_cast %add3A_649 : vector<16xf32> to vector<1x16xf32>
      tpu.vector_store %arg9[%swap3A_651, %swap3A_652], %swap3A_655 {strides = array<i32>} : memref<8x16xf32, #tpu.memory_space<vmem>>, vector<1x16xf32>,
      %scan3A_656 = arith.constant 0 : i32
      %scan3A_657 = arith.constant 32 : i32
      %scan3A_658 = arith.addi %scan3A_656, %scan3A_657 : i32
      %scan3A_659 = arith.constant 1 : i32
      %scan3A_660:2 = scf.for %scan3A_868 = %scan3A_656 to %scan3A_658 step %scan3A_659 iter_args(%scan3A_869 = %broadcast_in_dim3A_35, %scan3A_870 = %broadcast_in_dim3A_35) -> (vector<16xf32>, vector<16xf32>)  : i32 {
        %mul3A_871 = arith.constant 8 : i32
        %mul3A_872 = arith.muli %scan3A_868, %mul3A_871 : i32
        %add3A_873 = arith.constant 0 : i32
        %add3A_874 = arith.addi %mul3A_872, %add3A_873 : i32
        %get3A_875 = arith.index_cast %rem3A_421 : i32 to index
        %get3A_876 = arith.index_cast %add3A_874 : i32 to index
        %get3A_877 = arith.constant 64 : index
        %get3A_878 = tpu.vector_load %arg6[%get3A_875, %get3A_876, %get3A_877] {strides = array<i32>} : memref<2x256x128xf32, #tpu.memory_space<vmem>>, vector<1x1x16xf32>,
        %get3A_879 = vector.shape_cast %get3A_878 : vector<1x1x16xf32> to vector<16xf32>
        %max3A_880 = arith.maximumf %scan3A_869, %get3A_879 : vector<16xf32>
        %add3A_881 = arith.constant 0 : i32
        %add3A_882 = arith.addi %mul3A_872, %add3A_881 : i32
        %add3A_883 = arith.constant 1 : i32
        %add3A_884 = arith.addi %add3A_882, %add3A_883 : i32
        %get3A_885 = arith.index_cast %rem3A_421 : i32 to index
        %get3A_886 = arith.index_cast %add3A_884 : i32 to index
        %get3A_887 = arith.constant 64 : index
        %get3A_888 = tpu.vector_load %arg6[%get3A_885, %get3A_886, %get3A_887] {strides = array<i32>} : memref<2x256x128xf32, #tpu.memory_space<vmem>>, vector<1x1x16xf32>,
        %get3A_889 = vector.shape_cast %get3A_888 : vector<1x1x16xf32> to vector<16xf32>
        %max3A_890 = arith.maximumf %scan3A_870, %get3A_889 : vector<16xf32>
        %add3A_891 = arith.constant 2 : i32
        %add3A_892 = arith.addi %mul3A_872, %add3A_891 : i32
        %get3A_893 = arith.index_cast %rem3A_421 : i32 to index
        %get3A_894 = arith.index_cast %add3A_892 : i32 to index
        %get3A_895 = arith.constant 64 : index
        %get3A_896 = tpu.vector_load %arg6[%get3A_893, %get3A_894, %get3A_895] {strides = array<i32>} : memref<2x256x128xf32, #tpu.memory_space<vmem>>, vector<1x1x16xf32>,
        %get3A_897 = vector.shape_cast %get3A_896 : vector<1x1x16xf32> to vector<16xf32>
        %max3A_898 = arith.maximumf %max3A_880, %get3A_897 : vector<16xf32>
        %add3A_899 = arith.constant 2 : i32
        %add3A_900 = arith.addi %mul3A_872, %add3A_899 : i32
        %add3A_901 = arith.constant 1 : i32
        %add3A_902 = arith.addi %add3A_900, %add3A_901 : i32
        %get3A_903 = arith.index_cast %rem3A_421 : i32 to index
        %get3A_904 = arith.index_cast %add3A_902 : i32 to index
        %get3A_905 = arith.constant 64 : index
        %get3A_906 = tpu.vector_load %arg6[%get3A_903, %get3A_904, %get3A_905] {strides = array<i32>} : memref<2x256x128xf32, #tpu.memory_space<vmem>>, vector<1x1x16xf32>,
        %get3A_907 = vector.shape_cast %get3A_906 : vector<1x1x16xf32> to vector<16xf32>
        %max3A_908 = arith.maximumf %max3A_890, %get3A_907 : vector<16xf32>
        %add3A_909 = arith.constant 4 : i32
        %add3A_910 = arith.addi %mul3A_872, %add3A_909 : i32
        %get3A_911 = arith.index_cast %rem3A_421 : i32 to index
        %get3A_912 = arith.index_cast %add3A_910 : i32 to index
        %get3A_913 = arith.constant 64 : index
        %get3A_914 = tpu.vector_load %arg6[%get3A_911, %get3A_912, %get3A_913] {strides = array<i32>} : memref<2x256x128xf32, #tpu.memory_space<vmem>>, vector<1x1x16xf32>,
        %get3A_915 = vector.shape_cast %get3A_914 : vector<1x1x16xf32> to vector<16xf32>
        %max3A_916 = arith.maximumf %max3A_898, %get3A_915 : vector<16xf32>
        %add3A_917 = arith.constant 4 : i32
        %add3A_918 = arith.addi %mul3A_872, %add3A_917 : i32
        %add3A_919 = arith.constant 1 : i32
        %add3A_920 = arith.addi %add3A_918, %add3A_919 : i32
        %get3A_921 = arith.index_cast %rem3A_421 : i32 to index
        %get3A_922 = arith.index_cast %add3A_920 : i32 to index
        %get3A_923 = arith.constant 64 : index
        %get3A_924 = tpu.vector_load %arg6[%get3A_921, %get3A_922, %get3A_923] {strides = array<i32>} : memref<2x256x128xf32, #tpu.memory_space<vmem>>, vector<1x1x16xf32>,
        %get3A_925 = vector.shape_cast %get3A_924 : vector<1x1x16xf32> to vector<16xf32>
        %max3A_926 = arith.maximumf %max3A_908, %get3A_925 : vector<16xf32>
        %add3A_927 = arith.constant 6 : i32
        %add3A_928 = arith.addi %mul3A_872, %add3A_927 : i32
        %get3A_929 = arith.index_cast %rem3A_421 : i32 to index
        %get3A_930 = arith.index_cast %add3A_928 : i32 to index
        %get3A_931 = arith.constant 64 : index
        %get3A_932 = tpu.vector_load %arg6[%get3A_929, %get3A_930, %get3A_931] {strides = array<i32>} : memref<2x256x128xf32, #tpu.memory_space<vmem>>, vector<1x1x16xf32>,
        %get3A_933 = vector.shape_cast %get3A_932 : vector<1x1x16xf32> to vector<16xf32>
        %max3A_934 = arith.maximumf %max3A_916, %get3A_933 : vector<16xf32>
        %add3A_935 = arith.constant 6 : i32
        %add3A_936 = arith.addi %mul3A_872, %add3A_935 : i32
        %add3A_937 = arith.constant 1 : i32
        %add3A_938 = arith.addi %add3A_936, %add3A_937 : i32
        %get3A_939 = arith.index_cast %rem3A_421 : i32 to index
        %get3A_940 = arith.index_cast %add3A_938 : i32 to index
        %get3A_941 = arith.constant 64 : index
        %get3A_942 = tpu.vector_load %arg6[%get3A_939, %get3A_940, %get3A_941] {strides = array<i32>} : memref<2x256x128xf32, #tpu.memory_space<vmem>>, vector<1x1x16xf32>,
        %get3A_943 = vector.shape_cast %get3A_942 : vector<1x1x16xf32> to vector<16xf32>
        %max3A_944 = arith.maximumf %max3A_926, %get3A_943 : vector<16xf32>
        scf.yield %max3A_934, %max3A_944 : vector<16xf32>, vector<16xf32>
      }
      %scan3A_661 = arith.constant 32 : i32
      %max3A_662 = arith.maximumf %scan3A_660#0, %scan3A_660#1 : vector<16xf32>
      %get3A_663 = arith.constant 4 : i32
      %get3A_664 = arith.index_cast %get3A_663 : i32 to index
      %get3A_665 = arith.constant 0 : index
      %get3A_666 = tpu.vector_load %arg7[%get3A_664, %get3A_665] {strides = array<i32>} : memref<8x16xf32, #tpu.memory_space<vmem>>, vector<1x16xf32>,
      %get3A_667 = vector.shape_cast %get3A_666 : vector<1x16xf32> to vector<16xf32>
      %max3A_668 = arith.maximumf %get3A_667, %max3A_662 : vector<16xf32>
      %sub3A_669 = arith.subf %get3A_667, %max3A_668 : vector<16xf32>
      %exp3A_670 = math.exp %sub3A_669 : vector<16xf32>
      %get3A_671 = arith.constant 4 : i32
      %get3A_672 = arith.index_cast %get3A_671 : i32 to index
      %get3A_673 = arith.constant 0 : index
      %get3A_674 = tpu.vector_load %arg8[%get3A_672, %get3A_673] {strides = array<i32>} : memref<8x16xf32, #tpu.memory_space<vmem>>, vector<1x16xf32>,
      %get3A_675 = vector.shape_cast %get3A_674 : vector<1x16xf32> to vector<16xf32>
      %mul3A_676 = arith.mulf %get3A_675, %exp3A_670 : vector<16xf32>
      %get3A_677 = arith.constant 4 : i32
      %get3A_678 = arith.index_cast %get3A_677 : i32 to index
      %get3A_679 = arith.constant 0 : index
      %get3A_680 = tpu.vector_load %arg9[%get3A_678, %get3A_679] {strides = array<i32>} : memref<8x16xf32, #tpu.memory_space<vmem>>, vector<1x16xf32>,
      %get3A_681 = vector.shape_cast %get3A_680 : vector<1x16xf32> to vector<16xf32>
      %mul3A_682 = arith.mulf %get3A_681, %exp3A_670 : vector<16xf32>
      %scan3A_683 = arith.constant 0 : i32
      %scan3A_684 = arith.constant 32 : i32
      %scan3A_685 = arith.addi %scan3A_683, %scan3A_684 : i32
      %scan3A_686 = arith.constant 1 : i32
      %scan3A_687:4 = scf.for %scan3A_868 = %scan3A_683 to %scan3A_685 step %scan3A_686 iter_args(%scan3A_869 = %mul3A_676, %scan3A_870 = %mul3A_682, %scan3A_871 = %broadcast_in_dim3A_37, %scan3A_872 = %broadcast_in_dim3A_37) -> (vector<16xf32>, vector<16xf32>, vector<16xf32>, vector<16xf32>)  : i32 {
        %mul3A_873 = arith.constant 8 : i32
        %mul3A_874 = arith.muli %scan3A_868, %mul3A_873 : i32
        %add3A_875 = arith.constant 0 : i32
        %add3A_876 = arith.addi %mul3A_874, %add3A_875 : i32
        %get3A_877 = arith.index_cast %rem3A_421 : i32 to index
        %get3A_878 = arith.index_cast %add3A_876 : i32 to index
        %get3A_879 = arith.constant 64 : index
        %get3A_880 = tpu.vector_load %arg6[%get3A_877, %get3A_878, %get3A_879] {strides = array<i32>} : memref<2x256x128xf32, #tpu.memory_space<vmem>>, vector<1x1x16xf32>,
        %get3A_881 = vector.shape_cast %get3A_880 : vector<1x1x16xf32> to vector<16xf32>
        %add3A_882 = arith.constant 0 : i32
        %add3A_883 = arith.addi %mul3A_874, %add3A_882 : i32
        %add3A_884 = arith.constant 1 : i32
        %add3A_885 = arith.addi %add3A_883, %add3A_884 : i32
        %get3A_886 = arith.index_cast %rem3A_421 : i32 to index
        %get3A_887 = arith.index_cast %add3A_885 : i32 to index
        %get3A_888 = arith.constant 64 : index
        %get3A_889 = tpu.vector_load %arg6[%get3A_886, %get3A_887, %get3A_888] {strides = array<i32>} : memref<2x256x128xf32, #tpu.memory_space<vmem>>, vector<1x1x16xf32>,
        %get3A_890 = vector.shape_cast %get3A_889 : vector<1x1x16xf32> to vector<16xf32>
        %sub3A_891 = arith.subf %get3A_881, %max3A_668 : vector<16xf32>
        %exp3A_892 = math.exp %sub3A_891 : vector<16xf32>
        %sub3A_893 = arith.subf %get3A_890, %max3A_668 : vector<16xf32>
        %exp3A_894 = math.exp %sub3A_893 : vector<16xf32>
        %add3A_895 = arith.addf %scan3A_869, %exp3A_892 : vector<16xf32>
        %mul3A_896 = arith.mulf %get3A_881, %exp3A_892 : vector<16xf32>
        %add3A_897 = arith.addf %scan3A_870, %mul3A_896 : vector<16xf32>
        %add3A_898 = arith.addf %scan3A_871, %exp3A_894 : vector<16xf32>
        %mul3A_899 = arith.mulf %get3A_890, %exp3A_894 : vector<16xf32>
        %add3A_900 = arith.addf %scan3A_872, %mul3A_899 : vector<16xf32>
        %add3A_901 = arith.constant 2 : i32
        %add3A_902 = arith.addi %mul3A_874, %add3A_901 : i32
        %get3A_903 = arith.index_cast %rem3A_421 : i32 to index
        %get3A_904 = arith.index_cast %add3A_902 : i32 to index
        %get3A_905 = arith.constant 64 : index
        %get3A_906 = tpu.vector_load %arg6[%get3A_903, %get3A_904, %get3A_905] {strides = array<i32>} : memref<2x256x128xf32, #tpu.memory_space<vmem>>, vector<1x1x16xf32>,
        %get3A_907 = vector.shape_cast %get3A_906 : vector<1x1x16xf32> to vector<16xf32>
        %add3A_908 = arith.constant 2 : i32
        %add3A_909 = arith.addi %mul3A_874, %add3A_908 : i32
        %add3A_910 = arith.constant 1 : i32
        %add3A_911 = arith.addi %add3A_909, %add3A_910 : i32
        %get3A_912 = arith.index_cast %rem3A_421 : i32 to index
        %get3A_913 = arith.index_cast %add3A_911 : i32 to index
        %get3A_914 = arith.constant 64 : index
        %get3A_915 = tpu.vector_load %arg6[%get3A_912, %get3A_913, %get3A_914] {strides = array<i32>} : memref<2x256x128xf32, #tpu.memory_space<vmem>>, vector<1x1x16xf32>,
        %get3A_916 = vector.shape_cast %get3A_915 : vector<1x1x16xf32> to vector<16xf32>
        %sub3A_917 = arith.subf %get3A_907, %max3A_668 : vector<16xf32>
        %exp3A_918 = math.exp %sub3A_917 : vector<16xf32>
        %sub3A_919 = arith.subf %get3A_916, %max3A_668 : vector<16xf32>
        %exp3A_920 = math.exp %sub3A_919 : vector<16xf32>
        %add3A_921 = arith.addf %add3A_895, %exp3A_918 : vector<16xf32>
        %mul3A_922 = arith.mulf %get3A_907, %exp3A_918 : vector<16xf32>
        %add3A_923 = arith.addf %add3A_897, %mul3A_922 : vector<16xf32>
        %add3A_924 = arith.addf %add3A_898, %exp3A_920 : vector<16xf32>
        %mul3A_925 = arith.mulf %get3A_916, %exp3A_920 : vector<16xf32>
        %add3A_926 = arith.addf %add3A_900, %mul3A_925 : vector<16xf32>
        %add3A_927 = arith.constant 4 : i32
        %add3A_928 = arith.addi %mul3A_874, %add3A_927 : i32
        %get3A_929 = arith.index_cast %rem3A_421 : i32 to index
        %get3A_930 = arith.index_cast %add3A_928 : i32 to index
        %get3A_931 = arith.constant 64 : index
        %get3A_932 = tpu.vector_load %arg6[%get3A_929, %get3A_930, %get3A_931] {strides = array<i32>} : memref<2x256x128xf32, #tpu.memory_space<vmem>>, vector<1x1x16xf32>,
        %get3A_933 = vector.shape_cast %get3A_932 : vector<1x1x16xf32> to vector<16xf32>
        %add3A_934 = arith.constant 4 : i32
        %add3A_935 = arith.addi %mul3A_874, %add3A_934 : i32
        %add3A_936 = arith.constant 1 : i32
        %add3A_937 = arith.addi %add3A_935, %add3A_936 : i32
        %get3A_938 = arith.index_cast %rem3A_421 : i32 to index
        %get3A_939 = arith.index_cast %add3A_937 : i32 to index
        %get3A_940 = arith.constant 64 : index
        %get3A_941 = tpu.vector_load %arg6[%get3A_938, %get3A_939, %get3A_940] {strides = array<i32>} : memref<2x256x128xf32, #tpu.memory_space<vmem>>, vector<1x1x16xf32>,
        %get3A_942 = vector.shape_cast %get3A_941 : vector<1x1x16xf32> to vector<16xf32>
        %sub3A_943 = arith.subf %get3A_933, %max3A_668 : vector<16xf32>
        %exp3A_944 = math.exp %sub3A_943 : vector<16xf32>
        %sub3A_945 = arith.subf %get3A_942, %max3A_668 : vector<16xf32>
        %exp3A_946 = math.exp %sub3A_945 : vector<16xf32>
        %add3A_947 = arith.addf %add3A_921, %exp3A_944 : vector<16xf32>
        %mul3A_948 = arith.mulf %get3A_933, %exp3A_944 : vector<16xf32>
        %add3A_949 = arith.addf %add3A_923, %mul3A_948 : vector<16xf32>
        %add3A_950 = arith.addf %add3A_924, %exp3A_946 : vector<16xf32>
        %mul3A_951 = arith.mulf %get3A_942, %exp3A_946 : vector<16xf32>
        %add3A_952 = arith.addf %add3A_926, %mul3A_951 : vector<16xf32>
        %add3A_953 = arith.constant 6 : i32
        %add3A_954 = arith.addi %mul3A_874, %add3A_953 : i32
        %get3A_955 = arith.index_cast %rem3A_421 : i32 to index
        %get3A_956 = arith.index_cast %add3A_954 : i32 to index
        %get3A_957 = arith.constant 64 : index
        %get3A_958 = tpu.vector_load %arg6[%get3A_955, %get3A_956, %get3A_957] {strides = array<i32>} : memref<2x256x128xf32, #tpu.memory_space<vmem>>, vector<1x1x16xf32>,
        %get3A_959 = vector.shape_cast %get3A_958 : vector<1x1x16xf32> to vector<16xf32>
        %add3A_960 = arith.constant 6 : i32
        %add3A_961 = arith.addi %mul3A_874, %add3A_960 : i32
        %add3A_962 = arith.constant 1 : i32
        %add3A_963 = arith.addi %add3A_961, %add3A_962 : i32
        %get3A_964 = arith.index_cast %rem3A_421 : i32 to index
        %get3A_965 = arith.index_cast %add3A_963 : i32 to index
        %get3A_966 = arith.constant 64 : index
        %get3A_967 = tpu.vector_load %arg6[%get3A_964, %get3A_965, %get3A_966] {strides = array<i32>} : memref<2x256x128xf32, #tpu.memory_space<vmem>>, vector<1x1x16xf32>,
        %get3A_968 = vector.shape_cast %get3A_967 : vector<1x1x16xf32> to vector<16xf32>
        %sub3A_969 = arith.subf %get3A_959, %max3A_668 : vector<16xf32>
        %exp3A_970 = math.exp %sub3A_969 : vector<16xf32>
        %sub3A_971 = arith.subf %get3A_968, %max3A_668 : vector<16xf32>
        %exp3A_972 = math.exp %sub3A_971 : vector<16xf32>
        %add3A_973 = arith.addf %add3A_947, %exp3A_970 : vector<16xf32>
        %mul3A_974 = arith.mulf %get3A_959, %exp3A_970 : vector<16xf32>
        %add3A_975 = arith.addf %add3A_949, %mul3A_974 : vector<16xf32>
        %add3A_976 = arith.addf %add3A_950, %exp3A_972 : vector<16xf32>
        %mul3A_977 = arith.mulf %get3A_968, %exp3A_972 : vector<16xf32>
        %add3A_978 = arith.addf %add3A_952, %mul3A_977 : vector<16xf32>
        scf.yield %add3A_973, %add3A_975, %add3A_976, %add3A_978 : vector<16xf32>, vector<16xf32>, vector<16xf32>, vector<16xf32>
      }
      %scan3A_688 = arith.constant 32 : i32
      %swap3A_689 = arith.constant 4 : i32
      %swap3A_690 = arith.index_cast %swap3A_689 : i32 to index
      %swap3A_691 = arith.constant 0 : index
      %swap3A_692 = tpu.vector_load %arg7[%swap3A_690, %swap3A_691] {strides = array<i32>} : memref<8x16xf32, #tpu.memory_space<vmem>>, vector<1x16xf32>,
      %swap3A_693 = vector.shape_cast %swap3A_692 : vector<1x16xf32> to vector<16xf32>
      %swap3A_694 = vector.shape_cast %max3A_668 : vector<16xf32> to vector<1x16xf32>
      tpu.vector_store %arg7[%swap3A_690, %swap3A_691], %swap3A_694 {strides = array<i32>} : memref<8x16xf32, #tpu.memory_space<vmem>>, vector<1x16xf32>,
      %add3A_695 = arith.addf %scan3A_687#0, %scan3A_687#2 : vector<16xf32>
      %swap3A_696 = arith.constant 4 : i32
      %swap3A_697 = arith.index_cast %swap3A_696 : i32 to index
      %swap3A_698 = arith.constant 0 : index
      %swap3A_699 = tpu.vector_load %arg8[%swap3A_697, %swap3A_698] {strides = array<i32>} : memref<8x16xf32, #tpu.memory_space<vmem>>, vector<1x16xf32>,
      %swap3A_700 = vector.shape_cast %swap3A_699 : vector<1x16xf32> to vector<16xf32>
      %swap3A_701 = vector.shape_cast %add3A_695 : vector<16xf32> to vector<1x16xf32>
      tpu.vector_store %arg8[%swap3A_697, %swap3A_698], %swap3A_701 {strides = array<i32>} : memref<8x16xf32, #tpu.memory_space<vmem>>, vector<1x16xf32>,
      %add3A_702 = arith.addf %scan3A_687#1, %scan3A_687#3 : vector<16xf32>
      %swap3A_703 = arith.constant 4 : i32
      %swap3A_704 = arith.index_cast %swap3A_703 : i32 to index
      %swap3A_705 = arith.constant 0 : index
      %swap3A_706 = tpu.vector_load %arg9[%swap3A_704, %swap3A_705] {strides = array<i32>} : memref<8x16xf32, #tpu.memory_space<vmem>>, vector<1x16xf32>,
      %swap3A_707 = vector.shape_cast %swap3A_706 : vector<1x16xf32> to vector<16xf32>
      %swap3A_708 = vector.shape_cast %add3A_702 : vector<16xf32> to vector<1x16xf32>
      tpu.vector_store %arg9[%swap3A_704, %swap3A_705], %swap3A_708 {strides = array<i32>} : memref<8x16xf32, #tpu.memory_space<vmem>>, vector<1x16xf32>,
      %scan3A_709 = arith.constant 0 : i32
      %scan3A_710 = arith.constant 32 : i32
      %scan3A_711 = arith.addi %scan3A_709, %scan3A_710 : i32
      %scan3A_712 = arith.constant 1 : i32
      %scan3A_713:2 = scf.for %scan3A_868 = %scan3A_709 to %scan3A_711 step %scan3A_712 iter_args(%scan3A_869 = %broadcast_in_dim3A_35, %scan3A_870 = %broadcast_in_dim3A_35) -> (vector<16xf32>, vector<16xf32>)  : i32 {
        %mul3A_871 = arith.constant 8 : i32
        %mul3A_872 = arith.muli %scan3A_868, %mul3A_871 : i32
        %add3A_873 = arith.constant 0 : i32
        %add3A_874 = arith.addi %mul3A_872, %add3A_873 : i32
        %get3A_875 = arith.index_cast %rem3A_421 : i32 to index
        %get3A_876 = arith.index_cast %add3A_874 : i32 to index
        %get3A_877 = arith.constant 80 : index
        %get3A_878 = tpu.vector_load %arg6[%get3A_875, %get3A_876, %get3A_877] {strides = array<i32>} : memref<2x256x128xf32, #tpu.memory_space<vmem>>, vector<1x1x16xf32>,
        %get3A_879 = vector.shape_cast %get3A_878 : vector<1x1x16xf32> to vector<16xf32>
        %max3A_880 = arith.maximumf %scan3A_869, %get3A_879 : vector<16xf32>
        %add3A_881 = arith.constant 0 : i32
        %add3A_882 = arith.addi %mul3A_872, %add3A_881 : i32
        %add3A_883 = arith.constant 1 : i32
        %add3A_884 = arith.addi %add3A_882, %add3A_883 : i32
        %get3A_885 = arith.index_cast %rem3A_421 : i32 to index
        %get3A_886 = arith.index_cast %add3A_884 : i32 to index
        %get3A_887 = arith.constant 80 : index
        %get3A_888 = tpu.vector_load %arg6[%get3A_885, %get3A_886, %get3A_887] {strides = array<i32>} : memref<2x256x128xf32, #tpu.memory_space<vmem>>, vector<1x1x16xf32>,
        %get3A_889 = vector.shape_cast %get3A_888 : vector<1x1x16xf32> to vector<16xf32>
        %max3A_890 = arith.maximumf %scan3A_870, %get3A_889 : vector<16xf32>
        %add3A_891 = arith.constant 2 : i32
        %add3A_892 = arith.addi %mul3A_872, %add3A_891 : i32
        %get3A_893 = arith.index_cast %rem3A_421 : i32 to index
        %get3A_894 = arith.index_cast %add3A_892 : i32 to index
        %get3A_895 = arith.constant 80 : index
        %get3A_896 = tpu.vector_load %arg6[%get3A_893, %get3A_894, %get3A_895] {strides = array<i32>} : memref<2x256x128xf32, #tpu.memory_space<vmem>>, vector<1x1x16xf32>,
        %get3A_897 = vector.shape_cast %get3A_896 : vector<1x1x16xf32> to vector<16xf32>
        %max3A_898 = arith.maximumf %max3A_880, %get3A_897 : vector<16xf32>
        %add3A_899 = arith.constant 2 : i32
        %add3A_900 = arith.addi %mul3A_872, %add3A_899 : i32
        %add3A_901 = arith.constant 1 : i32
        %add3A_902 = arith.addi %add3A_900, %add3A_901 : i32
        %get3A_903 = arith.index_cast %rem3A_421 : i32 to index
        %get3A_904 = arith.index_cast %add3A_902 : i32 to index
        %get3A_905 = arith.constant 80 : index
        %get3A_906 = tpu.vector_load %arg6[%get3A_903, %get3A_904, %get3A_905] {strides = array<i32>} : memref<2x256x128xf32, #tpu.memory_space<vmem>>, vector<1x1x16xf32>,
        %get3A_907 = vector.shape_cast %get3A_906 : vector<1x1x16xf32> to vector<16xf32>
        %max3A_908 = arith.maximumf %max3A_890, %get3A_907 : vector<16xf32>
        %add3A_909 = arith.constant 4 : i32
        %add3A_910 = arith.addi %mul3A_872, %add3A_909 : i32
        %get3A_911 = arith.index_cast %rem3A_421 : i32 to index
        %get3A_912 = arith.index_cast %add3A_910 : i32 to index
        %get3A_913 = arith.constant 80 : index
        %get3A_914 = tpu.vector_load %arg6[%get3A_911, %get3A_912, %get3A_913] {strides = array<i32>} : memref<2x256x128xf32, #tpu.memory_space<vmem>>, vector<1x1x16xf32>,
        %get3A_915 = vector.shape_cast %get3A_914 : vector<1x1x16xf32> to vector<16xf32>
        %max3A_916 = arith.maximumf %max3A_898, %get3A_915 : vector<16xf32>
        %add3A_917 = arith.constant 4 : i32
        %add3A_918 = arith.addi %mul3A_872, %add3A_917 : i32
        %add3A_919 = arith.constant 1 : i32
        %add3A_920 = arith.addi %add3A_918, %add3A_919 : i32
        %get3A_921 = arith.index_cast %rem3A_421 : i32 to index
        %get3A_922 = arith.index_cast %add3A_920 : i32 to index
        %get3A_923 = arith.constant 80 : index
        %get3A_924 = tpu.vector_load %arg6[%get3A_921, %get3A_922, %get3A_923] {strides = array<i32>} : memref<2x256x128xf32, #tpu.memory_space<vmem>>, vector<1x1x16xf32>,
        %get3A_925 = vector.shape_cast %get3A_924 : vector<1x1x16xf32> to vector<16xf32>
        %max3A_926 = arith.maximumf %max3A_908, %get3A_925 : vector<16xf32>
        %add3A_927 = arith.constant 6 : i32
        %add3A_928 = arith.addi %mul3A_872, %add3A_927 : i32
        %get3A_929 = arith.index_cast %rem3A_421 : i32 to index
        %get3A_930 = arith.index_cast %add3A_928 : i32 to index
        %get3A_931 = arith.constant 80 : index
        %get3A_932 = tpu.vector_load %arg6[%get3A_929, %get3A_930, %get3A_931] {strides = array<i32>} : memref<2x256x128xf32, #tpu.memory_space<vmem>>, vector<1x1x16xf32>,
        %get3A_933 = vector.shape_cast %get3A_932 : vector<1x1x16xf32> to vector<16xf32>
        %max3A_934 = arith.maximumf %max3A_916, %get3A_933 : vector<16xf32>
        %add3A_935 = arith.constant 6 : i32
        %add3A_936 = arith.addi %mul3A_872, %add3A_935 : i32
        %add3A_937 = arith.constant 1 : i32
        %add3A_938 = arith.addi %add3A_936, %add3A_937 : i32
        %get3A_939 = arith.index_cast %rem3A_421 : i32 to index
        %get3A_940 = arith.index_cast %add3A_938 : i32 to index
        %get3A_941 = arith.constant 80 : index
        %get3A_942 = tpu.vector_load %arg6[%get3A_939, %get3A_940, %get3A_941] {strides = array<i32>} : memref<2x256x128xf32, #tpu.memory_space<vmem>>, vector<1x1x16xf32>,
        %get3A_943 = vector.shape_cast %get3A_942 : vector<1x1x16xf32> to vector<16xf32>
        %max3A_944 = arith.maximumf %max3A_926, %get3A_943 : vector<16xf32>
        scf.yield %max3A_934, %max3A_944 : vector<16xf32>, vector<16xf32>
      }
      %scan3A_714 = arith.constant 32 : i32
      %max3A_715 = arith.maximumf %scan3A_713#0, %scan3A_713#1 : vector<16xf32>
      %get3A_716 = arith.constant 5 : i32
      %get3A_717 = arith.index_cast %get3A_716 : i32 to index
      %get3A_718 = arith.constant 0 : index
      %get3A_719 = tpu.vector_load %arg7[%get3A_717, %get3A_718] {strides = array<i32>} : memref<8x16xf32, #tpu.memory_space<vmem>>, vector<1x16xf32>,
      %get3A_720 = vector.shape_cast %get3A_719 : vector<1x16xf32> to vector<16xf32>
      %max3A_721 = arith.maximumf %get3A_720, %max3A_715 : vector<16xf32>
      %sub3A_722 = arith.subf %get3A_720, %max3A_721 : vector<16xf32>
      %exp3A_723 = math.exp %sub3A_722 : vector<16xf32>
      %get3A_724 = arith.constant 5 : i32
      %get3A_725 = arith.index_cast %get3A_724 : i32 to index
      %get3A_726 = arith.constant 0 : index
      %get3A_727 = tpu.vector_load %arg8[%get3A_725, %get3A_726] {strides = array<i32>} : memref<8x16xf32, #tpu.memory_space<vmem>>, vector<1x16xf32>,
      %get3A_728 = vector.shape_cast %get3A_727 : vector<1x16xf32> to vector<16xf32>
      %mul3A_729 = arith.mulf %get3A_728, %exp3A_723 : vector<16xf32>
      %get3A_730 = arith.constant 5 : i32
      %get3A_731 = arith.index_cast %get3A_730 : i32 to index
      %get3A_732 = arith.constant 0 : index
      %get3A_733 = tpu.vector_load %arg9[%get3A_731, %get3A_732] {strides = array<i32>} : memref<8x16xf32, #tpu.memory_space<vmem>>, vector<1x16xf32>,
      %get3A_734 = vector.shape_cast %get3A_733 : vector<1x16xf32> to vector<16xf32>
      %mul3A_735 = arith.mulf %get3A_734, %exp3A_723 : vector<16xf32>
      %scan3A_736 = arith.constant 0 : i32
      %scan3A_737 = arith.constant 32 : i32
      %scan3A_738 = arith.addi %scan3A_736, %scan3A_737 : i32
      %scan3A_739 = arith.constant 1 : i32
      %scan3A_740:4 = scf.for %scan3A_868 = %scan3A_736 to %scan3A_738 step %scan3A_739 iter_args(%scan3A_869 = %mul3A_729, %scan3A_870 = %mul3A_735, %scan3A_871 = %broadcast_in_dim3A_37, %scan3A_872 = %broadcast_in_dim3A_37) -> (vector<16xf32>, vector<16xf32>, vector<16xf32>, vector<16xf32>)  : i32 {
        %mul3A_873 = arith.constant 8 : i32
        %mul3A_874 = arith.muli %scan3A_868, %mul3A_873 : i32
        %add3A_875 = arith.constant 0 : i32
        %add3A_876 = arith.addi %mul3A_874, %add3A_875 : i32
        %get3A_877 = arith.index_cast %rem3A_421 : i32 to index
        %get3A_878 = arith.index_cast %add3A_876 : i32 to index
        %get3A_879 = arith.constant 80 : index
        %get3A_880 = tpu.vector_load %arg6[%get3A_877, %get3A_878, %get3A_879] {strides = array<i32>} : memref<2x256x128xf32, #tpu.memory_space<vmem>>, vector<1x1x16xf32>,
        %get3A_881 = vector.shape_cast %get3A_880 : vector<1x1x16xf32> to vector<16xf32>
        %add3A_882 = arith.constant 0 : i32
        %add3A_883 = arith.addi %mul3A_874, %add3A_882 : i32
        %add3A_884 = arith.constant 1 : i32
        %add3A_885 = arith.addi %add3A_883, %add3A_884 : i32
        %get3A_886 = arith.index_cast %rem3A_421 : i32 to index
        %get3A_887 = arith.index_cast %add3A_885 : i32 to index
        %get3A_888 = arith.constant 80 : index
        %get3A_889 = tpu.vector_load %arg6[%get3A_886, %get3A_887, %get3A_888] {strides = array<i32>} : memref<2x256x128xf32, #tpu.memory_space<vmem>>, vector<1x1x16xf32>,
        %get3A_890 = vector.shape_cast %get3A_889 : vector<1x1x16xf32> to vector<16xf32>
        %sub3A_891 = arith.subf %get3A_881, %max3A_721 : vector<16xf32>
        %exp3A_892 = math.exp %sub3A_891 : vector<16xf32>
        %sub3A_893 = arith.subf %get3A_890, %max3A_721 : vector<16xf32>
        %exp3A_894 = math.exp %sub3A_893 : vector<16xf32>
        %add3A_895 = arith.addf %scan3A_869, %exp3A_892 : vector<16xf32>
        %mul3A_896 = arith.mulf %get3A_881, %exp3A_892 : vector<16xf32>
        %add3A_897 = arith.addf %scan3A_870, %mul3A_896 : vector<16xf32>
        %add3A_898 = arith.addf %scan3A_871, %exp3A_894 : vector<16xf32>
        %mul3A_899 = arith.mulf %get3A_890, %exp3A_894 : vector<16xf32>
        %add3A_900 = arith.addf %scan3A_872, %mul3A_899 : vector<16xf32>
        %add3A_901 = arith.constant 2 : i32
        %add3A_902 = arith.addi %mul3A_874, %add3A_901 : i32
        %get3A_903 = arith.index_cast %rem3A_421 : i32 to index
        %get3A_904 = arith.index_cast %add3A_902 : i32 to index
        %get3A_905 = arith.constant 80 : index
        %get3A_906 = tpu.vector_load %arg6[%get3A_903, %get3A_904, %get3A_905] {strides = array<i32>} : memref<2x256x128xf32, #tpu.memory_space<vmem>>, vector<1x1x16xf32>,
        %get3A_907 = vector.shape_cast %get3A_906 : vector<1x1x16xf32> to vector<16xf32>
        %add3A_908 = arith.constant 2 : i32
        %add3A_909 = arith.addi %mul3A_874, %add3A_908 : i32
        %add3A_910 = arith.constant 1 : i32
        %add3A_911 = arith.addi %add3A_909, %add3A_910 : i32
        %get3A_912 = arith.index_cast %rem3A_421 : i32 to index
        %get3A_913 = arith.index_cast %add3A_911 : i32 to index
        %get3A_914 = arith.constant 80 : index
        %get3A_915 = tpu.vector_load %arg6[%get3A_912, %get3A_913, %get3A_914] {strides = array<i32>} : memref<2x256x128xf32, #tpu.memory_space<vmem>>, vector<1x1x16xf32>,
        %get3A_916 = vector.shape_cast %get3A_915 : vector<1x1x16xf32> to vector<16xf32>
        %sub3A_917 = arith.subf %get3A_907, %max3A_721 : vector<16xf32>
        %exp3A_918 = math.exp %sub3A_917 : vector<16xf32>
        %sub3A_919 = arith.subf %get3A_916, %max3A_721 : vector<16xf32>
        %exp3A_920 = math.exp %sub3A_919 : vector<16xf32>
        %add3A_921 = arith.addf %add3A_895, %exp3A_918 : vector<16xf32>
        %mul3A_922 = arith.mulf %get3A_907, %exp3A_918 : vector<16xf32>
        %add3A_923 = arith.addf %add3A_897, %mul3A_922 : vector<16xf32>
        %add3A_924 = arith.addf %add3A_898, %exp3A_920 : vector<16xf32>
        %mul3A_925 = arith.mulf %get3A_916, %exp3A_920 : vector<16xf32>
        %add3A_926 = arith.addf %add3A_900, %mul3A_925 : vector<16xf32>
        %add3A_927 = arith.constant 4 : i32
        %add3A_928 = arith.addi %mul3A_874, %add3A_927 : i32
        %get3A_929 = arith.index_cast %rem3A_421 : i32 to index
        %get3A_930 = arith.index_cast %add3A_928 : i32 to index
        %get3A_931 = arith.constant 80 : index
        %get3A_932 = tpu.vector_load %arg6[%get3A_929, %get3A_930, %get3A_931] {strides = array<i32>} : memref<2x256x128xf32, #tpu.memory_space<vmem>>, vector<1x1x16xf32>,
        %get3A_933 = vector.shape_cast %get3A_932 : vector<1x1x16xf32> to vector<16xf32>
        %add3A_934 = arith.constant 4 : i32
        %add3A_935 = arith.addi %mul3A_874, %add3A_934 : i32
        %add3A_936 = arith.constant 1 : i32
        %add3A_937 = arith.addi %add3A_935, %add3A_936 : i32
        %get3A_938 = arith.index_cast %rem3A_421 : i32 to index
        %get3A_939 = arith.index_cast %add3A_937 : i32 to index
        %get3A_940 = arith.constant 80 : index
        %get3A_941 = tpu.vector_load %arg6[%get3A_938, %get3A_939, %get3A_940] {strides = array<i32>} : memref<2x256x128xf32, #tpu.memory_space<vmem>>, vector<1x1x16xf32>,
        %get3A_942 = vector.shape_cast %get3A_941 : vector<1x1x16xf32> to vector<16xf32>
        %sub3A_943 = arith.subf %get3A_933, %max3A_721 : vector<16xf32>
        %exp3A_944 = math.exp %sub3A_943 : vector<16xf32>
        %sub3A_945 = arith.subf %get3A_942, %max3A_721 : vector<16xf32>
        %exp3A_946 = math.exp %sub3A_945 : vector<16xf32>
        %add3A_947 = arith.addf %add3A_921, %exp3A_944 : vector<16xf32>
        %mul3A_948 = arith.mulf %get3A_933, %exp3A_944 : vector<16xf32>
        %add3A_949 = arith.addf %add3A_923, %mul3A_948 : vector<16xf32>
        %add3A_950 = arith.addf %add3A_924, %exp3A_946 : vector<16xf32>
        %mul3A_951 = arith.mulf %get3A_942, %exp3A_946 : vector<16xf32>
        %add3A_952 = arith.addf %add3A_926, %mul3A_951 : vector<16xf32>
        %add3A_953 = arith.constant 6 : i32
        %add3A_954 = arith.addi %mul3A_874, %add3A_953 : i32
        %get3A_955 = arith.index_cast %rem3A_421 : i32 to index
        %get3A_956 = arith.index_cast %add3A_954 : i32 to index
        %get3A_957 = arith.constant 80 : index
        %get3A_958 = tpu.vector_load %arg6[%get3A_955, %get3A_956, %get3A_957] {strides = array<i32>} : memref<2x256x128xf32, #tpu.memory_space<vmem>>, vector<1x1x16xf32>,
        %get3A_959 = vector.shape_cast %get3A_958 : vector<1x1x16xf32> to vector<16xf32>
        %add3A_960 = arith.constant 6 : i32
        %add3A_961 = arith.addi %mul3A_874, %add3A_960 : i32
        %add3A_962 = arith.constant 1 : i32
        %add3A_963 = arith.addi %add3A_961, %add3A_962 : i32
        %get3A_964 = arith.index_cast %rem3A_421 : i32 to index
        %get3A_965 = arith.index_cast %add3A_963 : i32 to index
        %get3A_966 = arith.constant 80 : index
        %get3A_967 = tpu.vector_load %arg6[%get3A_964, %get3A_965, %get3A_966] {strides = array<i32>} : memref<2x256x128xf32, #tpu.memory_space<vmem>>, vector<1x1x16xf32>,
        %get3A_968 = vector.shape_cast %get3A_967 : vector<1x1x16xf32> to vector<16xf32>
        %sub3A_969 = arith.subf %get3A_959, %max3A_721 : vector<16xf32>
        %exp3A_970 = math.exp %sub3A_969 : vector<16xf32>
        %sub3A_971 = arith.subf %get3A_968, %max3A_721 : vector<16xf32>
        %exp3A_972 = math.exp %sub3A_971 : vector<16xf32>
        %add3A_973 = arith.addf %add3A_947, %exp3A_970 : vector<16xf32>
        %mul3A_974 = arith.mulf %get3A_959, %exp3A_970 : vector<16xf32>
        %add3A_975 = arith.addf %add3A_949, %mul3A_974 : vector<16xf32>
        %add3A_976 = arith.addf %add3A_950, %exp3A_972 : vector<16xf32>
        %mul3A_977 = arith.mulf %get3A_968, %exp3A_972 : vector<16xf32>
        %add3A_978 = arith.addf %add3A_952, %mul3A_977 : vector<16xf32>
        scf.yield %add3A_973, %add3A_975, %add3A_976, %add3A_978 : vector<16xf32>, vector<16xf32>, vector<16xf32>, vector<16xf32>
      }
      %scan3A_741 = arith.constant 32 : i32
      %swap3A_742 = arith.constant 5 : i32
      %swap3A_743 = arith.index_cast %swap3A_742 : i32 to index
      %swap3A_744 = arith.constant 0 : index
      %swap3A_745 = tpu.vector_load %arg7[%swap3A_743, %swap3A_744] {strides = array<i32>} : memref<8x16xf32, #tpu.memory_space<vmem>>, vector<1x16xf32>,
      %swap3A_746 = vector.shape_cast %swap3A_745 : vector<1x16xf32> to vector<16xf32>
      %swap3A_747 = vector.shape_cast %max3A_721 : vector<16xf32> to vector<1x16xf32>
      tpu.vector_store %arg7[%swap3A_743, %swap3A_744], %swap3A_747 {strides = array<i32>} : memref<8x16xf32, #tpu.memory_space<vmem>>, vector<1x16xf32>,
      %add3A_748 = arith.addf %scan3A_740#0, %scan3A_740#2 : vector<16xf32>
      %swap3A_749 = arith.constant 5 : i32
      %swap3A_750 = arith.index_cast %swap3A_749 : i32 to index
      %swap3A_751 = arith.constant 0 : index
      %swap3A_752 = tpu.vector_load %arg8[%swap3A_750, %swap3A_751] {strides = array<i32>} : memref<8x16xf32, #tpu.memory_space<vmem>>, vector<1x16xf32>,
      %swap3A_753 = vector.shape_cast %swap3A_752 : vector<1x16xf32> to vector<16xf32>
      %swap3A_754 = vector.shape_cast %add3A_748 : vector<16xf32> to vector<1x16xf32>
      tpu.vector_store %arg8[%swap3A_750, %swap3A_751], %swap3A_754 {strides = array<i32>} : memref<8x16xf32, #tpu.memory_space<vmem>>, vector<1x16xf32>,
      %add3A_755 = arith.addf %scan3A_740#1, %scan3A_740#3 : vector<16xf32>
      %swap3A_756 = arith.constant 5 : i32
      %swap3A_757 = arith.index_cast %swap3A_756 : i32 to index
      %swap3A_758 = arith.constant 0 : index
      %swap3A_759 = tpu.vector_load %arg9[%swap3A_757, %swap3A_758] {strides = array<i32>} : memref<8x16xf32, #tpu.memory_space<vmem>>, vector<1x16xf32>,
      %swap3A_760 = vector.shape_cast %swap3A_759 : vector<1x16xf32> to vector<16xf32>
      %swap3A_761 = vector.shape_cast %add3A_755 : vector<16xf32> to vector<1x16xf32>
      tpu.vector_store %arg9[%swap3A_757, %swap3A_758], %swap3A_761 {strides = array<i32>} : memref<8x16xf32, #tpu.memory_space<vmem>>, vector<1x16xf32>,
      %scan3A_762 = arith.constant 0 : i32
      %scan3A_763 = arith.constant 32 : i32
      %scan3A_764 = arith.addi %scan3A_762, %scan3A_763 : i32
      %scan3A_765 = arith.constant 1 : i32
      %scan3A_766:2 = scf.for %scan3A_868 = %scan3A_762 to %scan3A_764 step %scan3A_765 iter_args(%scan3A_869 = %broadcast_in_dim3A_35, %scan3A_870 = %broadcast_in_dim3A_35) -> (vector<16xf32>, vector<16xf32>)  : i32 {
        %mul3A_871 = arith.constant 8 : i32
        %mul3A_872 = arith.muli %scan3A_868, %mul3A_871 : i32
        %add3A_873 = arith.constant 0 : i32
        %add3A_874 = arith.addi %mul3A_872, %add3A_873 : i32
        %get3A_875 = arith.index_cast %rem3A_421 : i32 to index
        %get3A_876 = arith.index_cast %add3A_874 : i32 to index
        %get3A_877 = arith.constant 96 : index
        %get3A_878 = tpu.vector_load %arg6[%get3A_875, %get3A_876, %get3A_877] {strides = array<i32>} : memref<2x256x128xf32, #tpu.memory_space<vmem>>, vector<1x1x16xf32>,
        %get3A_879 = vector.shape_cast %get3A_878 : vector<1x1x16xf32> to vector<16xf32>
        %max3A_880 = arith.maximumf %scan3A_869, %get3A_879 : vector<16xf32>
        %add3A_881 = arith.constant 0 : i32
        %add3A_882 = arith.addi %mul3A_872, %add3A_881 : i32
        %add3A_883 = arith.constant 1 : i32
        %add3A_884 = arith.addi %add3A_882, %add3A_883 : i32
        %get3A_885 = arith.index_cast %rem3A_421 : i32 to index
        %get3A_886 = arith.index_cast %add3A_884 : i32 to index
        %get3A_887 = arith.constant 96 : index
        %get3A_888 = tpu.vector_load %arg6[%get3A_885, %get3A_886, %get3A_887] {strides = array<i32>} : memref<2x256x128xf32, #tpu.memory_space<vmem>>, vector<1x1x16xf32>,
        %get3A_889 = vector.shape_cast %get3A_888 : vector<1x1x16xf32> to vector<16xf32>
        %max3A_890 = arith.maximumf %scan3A_870, %get3A_889 : vector<16xf32>
        %add3A_891 = arith.constant 2 : i32
        %add3A_892 = arith.addi %mul3A_872, %add3A_891 : i32
        %get3A_893 = arith.index_cast %rem3A_421 : i32 to index
        %get3A_894 = arith.index_cast %add3A_892 : i32 to index
        %get3A_895 = arith.constant 96 : index
        %get3A_896 = tpu.vector_load %arg6[%get3A_893, %get3A_894, %get3A_895] {strides = array<i32>} : memref<2x256x128xf32, #tpu.memory_space<vmem>>, vector<1x1x16xf32>,
        %get3A_897 = vector.shape_cast %get3A_896 : vector<1x1x16xf32> to vector<16xf32>
        %max3A_898 = arith.maximumf %max3A_880, %get3A_897 : vector<16xf32>
        %add3A_899 = arith.constant 2 : i32
        %add3A_900 = arith.addi %mul3A_872, %add3A_899 : i32
        %add3A_901 = arith.constant 1 : i32
        %add3A_902 = arith.addi %add3A_900, %add3A_901 : i32
        %get3A_903 = arith.index_cast %rem3A_421 : i32 to index
        %get3A_904 = arith.index_cast %add3A_902 : i32 to index
        %get3A_905 = arith.constant 96 : index
        %get3A_906 = tpu.vector_load %arg6[%get3A_903, %get3A_904, %get3A_905] {strides = array<i32>} : memref<2x256x128xf32, #tpu.memory_space<vmem>>, vector<1x1x16xf32>,
        %get3A_907 = vector.shape_cast %get3A_906 : vector<1x1x16xf32> to vector<16xf32>
        %max3A_908 = arith.maximumf %max3A_890, %get3A_907 : vector<16xf32>
        %add3A_909 = arith.constant 4 : i32
        %add3A_910 = arith.addi %mul3A_872, %add3A_909 : i32
        %get3A_911 = arith.index_cast %rem3A_421 : i32 to index
        %get3A_912 = arith.index_cast %add3A_910 : i32 to index
        %get3A_913 = arith.constant 96 : index
        %get3A_914 = tpu.vector_load %arg6[%get3A_911, %get3A_912, %get3A_913] {strides = array<i32>} : memref<2x256x128xf32, #tpu.memory_space<vmem>>, vector<1x1x16xf32>,
        %get3A_915 = vector.shape_cast %get3A_914 : vector<1x1x16xf32> to vector<16xf32>
        %max3A_916 = arith.maximumf %max3A_898, %get3A_915 : vector<16xf32>
        %add3A_917 = arith.constant 4 : i32
        %add3A_918 = arith.addi %mul3A_872, %add3A_917 : i32
        %add3A_919 = arith.constant 1 : i32
        %add3A_920 = arith.addi %add3A_918, %add3A_919 : i32
        %get3A_921 = arith.index_cast %rem3A_421 : i32 to index
        %get3A_922 = arith.index_cast %add3A_920 : i32 to index
        %get3A_923 = arith.constant 96 : index
        %get3A_924 = tpu.vector_load %arg6[%get3A_921, %get3A_922, %get3A_923] {strides = array<i32>} : memref<2x256x128xf32, #tpu.memory_space<vmem>>, vector<1x1x16xf32>,
        %get3A_925 = vector.shape_cast %get3A_924 : vector<1x1x16xf32> to vector<16xf32>
        %max3A_926 = arith.maximumf %max3A_908, %get3A_925 : vector<16xf32>
        %add3A_927 = arith.constant 6 : i32
        %add3A_928 = arith.addi %mul3A_872, %add3A_927 : i32
        %get3A_929 = arith.index_cast %rem3A_421 : i32 to index
        %get3A_930 = arith.index_cast %add3A_928 : i32 to index
        %get3A_931 = arith.constant 96 : index
        %get3A_932 = tpu.vector_load %arg6[%get3A_929, %get3A_930, %get3A_931] {strides = array<i32>} : memref<2x256x128xf32, #tpu.memory_space<vmem>>, vector<1x1x16xf32>,
        %get3A_933 = vector.shape_cast %get3A_932 : vector<1x1x16xf32> to vector<16xf32>
        %max3A_934 = arith.maximumf %max3A_916, %get3A_933 : vector<16xf32>
        %add3A_935 = arith.constant 6 : i32
        %add3A_936 = arith.addi %mul3A_872, %add3A_935 : i32
        %add3A_937 = arith.constant 1 : i32
        %add3A_938 = arith.addi %add3A_936, %add3A_937 : i32
        %get3A_939 = arith.index_cast %rem3A_421 : i32 to index
        %get3A_940 = arith.index_cast %add3A_938 : i32 to index
        %get3A_941 = arith.constant 96 : index
        %get3A_942 = tpu.vector_load %arg6[%get3A_939, %get3A_940, %get3A_941] {strides = array<i32>} : memref<2x256x128xf32, #tpu.memory_space<vmem>>, vector<1x1x16xf32>,
        %get3A_943 = vector.shape_cast %get3A_942 : vector<1x1x16xf32> to vector<16xf32>
        %max3A_944 = arith.maximumf %max3A_926, %get3A_943 : vector<16xf32>
        scf.yield %max3A_934, %max3A_944 : vector<16xf32>, vector<16xf32>
      }
      %scan3A_767 = arith.constant 32 : i32
      %max3A_768 = arith.maximumf %scan3A_766#0, %scan3A_766#1 : vector<16xf32>
      %get3A_769 = arith.constant 6 : i32
      %get3A_770 = arith.index_cast %get3A_769 : i32 to index
      %get3A_771 = arith.constant 0 : index
      %get3A_772 = tpu.vector_load %arg7[%get3A_770, %get3A_771] {strides = array<i32>} : memref<8x16xf32, #tpu.memory_space<vmem>>, vector<1x16xf32>,
      %get3A_773 = vector.shape_cast %get3A_772 : vector<1x16xf32> to vector<16xf32>
      %max3A_774 = arith.maximumf %get3A_773, %max3A_768 : vector<16xf32>
      %sub3A_775 = arith.subf %get3A_773, %max3A_774 : vector<16xf32>
      %exp3A_776 = math.exp %sub3A_775 : vector<16xf32>
      %get3A_777 = arith.constant 6 : i32
      %get3A_778 = arith.index_cast %get3A_777 : i32 to index
      %get3A_779 = arith.constant 0 : index
      %get3A_780 = tpu.vector_load %arg8[%get3A_778, %get3A_779] {strides = array<i32>} : memref<8x16xf32, #tpu.memory_space<vmem>>, vector<1x16xf32>,
      %get3A_781 = vector.shape_cast %get3A_780 : vector<1x16xf32> to vector<16xf32>
      %mul3A_782 = arith.mulf %get3A_781, %exp3A_776 : vector<16xf32>
      %get3A_783 = arith.constant 6 : i32
      %get3A_784 = arith.index_cast %get3A_783 : i32 to index
      %get3A_785 = arith.constant 0 : index
      %get3A_786 = tpu.vector_load %arg9[%get3A_784, %get3A_785] {strides = array<i32>} : memref<8x16xf32, #tpu.memory_space<vmem>>, vector<1x16xf32>,
      %get3A_787 = vector.shape_cast %get3A_786 : vector<1x16xf32> to vector<16xf32>
      %mul3A_788 = arith.mulf %get3A_787, %exp3A_776 : vector<16xf32>
      %scan3A_789 = arith.constant 0 : i32
      %scan3A_790 = arith.constant 32 : i32
      %scan3A_791 = arith.addi %scan3A_789, %scan3A_790 : i32
      %scan3A_792 = arith.constant 1 : i32
      %scan3A_793:4 = scf.for %scan3A_868 = %scan3A_789 to %scan3A_791 step %scan3A_792 iter_args(%scan3A_869 = %mul3A_782, %scan3A_870 = %mul3A_788, %scan3A_871 = %broadcast_in_dim3A_37, %scan3A_872 = %broadcast_in_dim3A_37) -> (vector<16xf32>, vector<16xf32>, vector<16xf32>, vector<16xf32>)  : i32 {
        %mul3A_873 = arith.constant 8 : i32
        %mul3A_874 = arith.muli %scan3A_868, %mul3A_873 : i32
        %add3A_875 = arith.constant 0 : i32
        %add3A_876 = arith.addi %mul3A_874, %add3A_875 : i32
        %get3A_877 = arith.index_cast %rem3A_421 : i32 to index
        %get3A_878 = arith.index_cast %add3A_876 : i32 to index
        %get3A_879 = arith.constant 96 : index
        %get3A_880 = tpu.vector_load %arg6[%get3A_877, %get3A_878, %get3A_879] {strides = array<i32>} : memref<2x256x128xf32, #tpu.memory_space<vmem>>, vector<1x1x16xf32>,
        %get3A_881 = vector.shape_cast %get3A_880 : vector<1x1x16xf32> to vector<16xf32>
        %add3A_882 = arith.constant 0 : i32
        %add3A_883 = arith.addi %mul3A_874, %add3A_882 : i32
        %add3A_884 = arith.constant 1 : i32
        %add3A_885 = arith.addi %add3A_883, %add3A_884 : i32
        %get3A_886 = arith.index_cast %rem3A_421 : i32 to index
        %get3A_887 = arith.index_cast %add3A_885 : i32 to index
        %get3A_888 = arith.constant 96 : index
        %get3A_889 = tpu.vector_load %arg6[%get3A_886, %get3A_887, %get3A_888] {strides = array<i32>} : memref<2x256x128xf32, #tpu.memory_space<vmem>>, vector<1x1x16xf32>,
        %get3A_890 = vector.shape_cast %get3A_889 : vector<1x1x16xf32> to vector<16xf32>
        %sub3A_891 = arith.subf %get3A_881, %max3A_774 : vector<16xf32>
        %exp3A_892 = math.exp %sub3A_891 : vector<16xf32>
        %sub3A_893 = arith.subf %get3A_890, %max3A_774 : vector<16xf32>
        %exp3A_894 = math.exp %sub3A_893 : vector<16xf32>
        %add3A_895 = arith.addf %scan3A_869, %exp3A_892 : vector<16xf32>
        %mul3A_896 = arith.mulf %get3A_881, %exp3A_892 : vector<16xf32>
        %add3A_897 = arith.addf %scan3A_870, %mul3A_896 : vector<16xf32>
        %add3A_898 = arith.addf %scan3A_871, %exp3A_894 : vector<16xf32>
        %mul3A_899 = arith.mulf %get3A_890, %exp3A_894 : vector<16xf32>
        %add3A_900 = arith.addf %scan3A_872, %mul3A_899 : vector<16xf32>
        %add3A_901 = arith.constant 2 : i32
        %add3A_902 = arith.addi %mul3A_874, %add3A_901 : i32
        %get3A_903 = arith.index_cast %rem3A_421 : i32 to index
        %get3A_904 = arith.index_cast %add3A_902 : i32 to index
        %get3A_905 = arith.constant 96 : index
        %get3A_906 = tpu.vector_load %arg6[%get3A_903, %get3A_904, %get3A_905] {strides = array<i32>} : memref<2x256x128xf32, #tpu.memory_space<vmem>>, vector<1x1x16xf32>,
        %get3A_907 = vector.shape_cast %get3A_906 : vector<1x1x16xf32> to vector<16xf32>
        %add3A_908 = arith.constant 2 : i32
        %add3A_909 = arith.addi %mul3A_874, %add3A_908 : i32
        %add3A_910 = arith.constant 1 : i32
        %add3A_911 = arith.addi %add3A_909, %add3A_910 : i32
        %get3A_912 = arith.index_cast %rem3A_421 : i32 to index
        %get3A_913 = arith.index_cast %add3A_911 : i32 to index
        %get3A_914 = arith.constant 96 : index
        %get3A_915 = tpu.vector_load %arg6[%get3A_912, %get3A_913, %get3A_914] {strides = array<i32>} : memref<2x256x128xf32, #tpu.memory_space<vmem>>, vector<1x1x16xf32>,
        %get3A_916 = vector.shape_cast %get3A_915 : vector<1x1x16xf32> to vector<16xf32>
        %sub3A_917 = arith.subf %get3A_907, %max3A_774 : vector<16xf32>
        %exp3A_918 = math.exp %sub3A_917 : vector<16xf32>
        %sub3A_919 = arith.subf %get3A_916, %max3A_774 : vector<16xf32>
        %exp3A_920 = math.exp %sub3A_919 : vector<16xf32>
        %add3A_921 = arith.addf %add3A_895, %exp3A_918 : vector<16xf32>
        %mul3A_922 = arith.mulf %get3A_907, %exp3A_918 : vector<16xf32>
        %add3A_923 = arith.addf %add3A_897, %mul3A_922 : vector<16xf32>
        %add3A_924 = arith.addf %add3A_898, %exp3A_920 : vector<16xf32>
        %mul3A_925 = arith.mulf %get3A_916, %exp3A_920 : vector<16xf32>
        %add3A_926 = arith.addf %add3A_900, %mul3A_925 : vector<16xf32>
        %add3A_927 = arith.constant 4 : i32
        %add3A_928 = arith.addi %mul3A_874, %add3A_927 : i32
        %get3A_929 = arith.index_cast %rem3A_421 : i32 to index
        %get3A_930 = arith.index_cast %add3A_928 : i32 to index
        %get3A_931 = arith.constant 96 : index
        %get3A_932 = tpu.vector_load %arg6[%get3A_929, %get3A_930, %get3A_931] {strides = array<i32>} : memref<2x256x128xf32, #tpu.memory_space<vmem>>, vector<1x1x16xf32>,
        %get3A_933 = vector.shape_cast %get3A_932 : vector<1x1x16xf32> to vector<16xf32>
        %add3A_934 = arith.constant 4 : i32
        %add3A_935 = arith.addi %mul3A_874, %add3A_934 : i32
        %add3A_936 = arith.constant 1 : i32
        %add3A_937 = arith.addi %add3A_935, %add3A_936 : i32
        %get3A_938 = arith.index_cast %rem3A_421 : i32 to index
        %get3A_939 = arith.index_cast %add3A_937 : i32 to index
        %get3A_940 = arith.constant 96 : index
        %get3A_941 = tpu.vector_load %arg6[%get3A_938, %get3A_939, %get3A_940] {strides = array<i32>} : memref<2x256x128xf32, #tpu.memory_space<vmem>>, vector<1x1x16xf32>,
        %get3A_942 = vector.shape_cast %get3A_941 : vector<1x1x16xf32> to vector<16xf32>
        %sub3A_943 = arith.subf %get3A_933, %max3A_774 : vector<16xf32>
        %exp3A_944 = math.exp %sub3A_943 : vector<16xf32>
        %sub3A_945 = arith.subf %get3A_942, %max3A_774 : vector<16xf32>
        %exp3A_946 = math.exp %sub3A_945 : vector<16xf32>
        %add3A_947 = arith.addf %add3A_921, %exp3A_944 : vector<16xf32>
        %mul3A_948 = arith.mulf %get3A_933, %exp3A_944 : vector<16xf32>
        %add3A_949 = arith.addf %add3A_923, %mul3A_948 : vector<16xf32>
        %add3A_950 = arith.addf %add3A_924, %exp3A_946 : vector<16xf32>
        %mul3A_951 = arith.mulf %get3A_942, %exp3A_946 : vector<16xf32>
        %add3A_952 = arith.addf %add3A_926, %mul3A_951 : vector<16xf32>
        %add3A_953 = arith.constant 6 : i32
        %add3A_954 = arith.addi %mul3A_874, %add3A_953 : i32
        %get3A_955 = arith.index_cast %rem3A_421 : i32 to index
        %get3A_956 = arith.index_cast %add3A_954 : i32 to index
        %get3A_957 = arith.constant 96 : index
        %get3A_958 = tpu.vector_load %arg6[%get3A_955, %get3A_956, %get3A_957] {strides = array<i32>} : memref<2x256x128xf32, #tpu.memory_space<vmem>>, vector<1x1x16xf32>,
        %get3A_959 = vector.shape_cast %get3A_958 : vector<1x1x16xf32> to vector<16xf32>
        %add3A_960 = arith.constant 6 : i32
        %add3A_961 = arith.addi %mul3A_874, %add3A_960 : i32
        %add3A_962 = arith.constant 1 : i32
        %add3A_963 = arith.addi %add3A_961, %add3A_962 : i32
        %get3A_964 = arith.index_cast %rem3A_421 : i32 to index
        %get3A_965 = arith.index_cast %add3A_963 : i32 to index
        %get3A_966 = arith.constant 96 : index
        %get3A_967 = tpu.vector_load %arg6[%get3A_964, %get3A_965, %get3A_966] {strides = array<i32>} : memref<2x256x128xf32, #tpu.memory_space<vmem>>, vector<1x1x16xf32>,
        %get3A_968 = vector.shape_cast %get3A_967 : vector<1x1x16xf32> to vector<16xf32>
        %sub3A_969 = arith.subf %get3A_959, %max3A_774 : vector<16xf32>
        %exp3A_970 = math.exp %sub3A_969 : vector<16xf32>
        %sub3A_971 = arith.subf %get3A_968, %max3A_774 : vector<16xf32>
        %exp3A_972 = math.exp %sub3A_971 : vector<16xf32>
        %add3A_973 = arith.addf %add3A_947, %exp3A_970 : vector<16xf32>
        %mul3A_974 = arith.mulf %get3A_959, %exp3A_970 : vector<16xf32>
        %add3A_975 = arith.addf %add3A_949, %mul3A_974 : vector<16xf32>
        %add3A_976 = arith.addf %add3A_950, %exp3A_972 : vector<16xf32>
        %mul3A_977 = arith.mulf %get3A_968, %exp3A_972 : vector<16xf32>
        %add3A_978 = arith.addf %add3A_952, %mul3A_977 : vector<16xf32>
        scf.yield %add3A_973, %add3A_975, %add3A_976, %add3A_978 : vector<16xf32>, vector<16xf32>, vector<16xf32>, vector<16xf32>
      }
      %scan3A_794 = arith.constant 32 : i32
      %swap3A_795 = arith.constant 6 : i32
      %swap3A_796 = arith.index_cast %swap3A_795 : i32 to index
      %swap3A_797 = arith.constant 0 : index
      %swap3A_798 = tpu.vector_load %arg7[%swap3A_796, %swap3A_797] {strides = array<i32>} : memref<8x16xf32, #tpu.memory_space<vmem>>, vector<1x16xf32>,
      %swap3A_799 = vector.shape_cast %swap3A_798 : vector<1x16xf32> to vector<16xf32>
      %swap3A_800 = vector.shape_cast %max3A_774 : vector<16xf32> to vector<1x16xf32>
      tpu.vector_store %arg7[%swap3A_796, %swap3A_797], %swap3A_800 {strides = array<i32>} : memref<8x16xf32, #tpu.memory_space<vmem>>, vector<1x16xf32>,
      %add3A_801 = arith.addf %scan3A_793#0, %scan3A_793#2 : vector<16xf32>
      %swap3A_802 = arith.constant 6 : i32
      %swap3A_803 = arith.index_cast %swap3A_802 : i32 to index
      %swap3A_804 = arith.constant 0 : index
      %swap3A_805 = tpu.vector_load %arg8[%swap3A_803, %swap3A_804] {strides = array<i32>} : memref<8x16xf32, #tpu.memory_space<vmem>>, vector<1x16xf32>,
      %swap3A_806 = vector.shape_cast %swap3A_805 : vector<1x16xf32> to vector<16xf32>
      %swap3A_807 = vector.shape_cast %add3A_801 : vector<16xf32> to vector<1x16xf32>
      tpu.vector_store %arg8[%swap3A_803, %swap3A_804], %swap3A_807 {strides = array<i32>} : memref<8x16xf32, #tpu.memory_space<vmem>>, vector<1x16xf32>,
      %add3A_808 = arith.addf %scan3A_793#1, %scan3A_793#3 : vector<16xf32>
      %swap3A_809 = arith.constant 6 : i32
      %swap3A_810 = arith.index_cast %swap3A_809 : i32 to index
      %swap3A_811 = arith.constant 0 : index
      %swap3A_812 = tpu.vector_load %arg9[%swap3A_810, %swap3A_811] {strides = array<i32>} : memref<8x16xf32, #tpu.memory_space<vmem>>, vector<1x16xf32>,
      %swap3A_813 = vector.shape_cast %swap3A_812 : vector<1x16xf32> to vector<16xf32>
      %swap3A_814 = vector.shape_cast %add3A_808 : vector<16xf32> to vector<1x16xf32>
      tpu.vector_store %arg9[%swap3A_810, %swap3A_811], %swap3A_814 {strides = array<i32>} : memref<8x16xf32, #tpu.memory_space<vmem>>, vector<1x16xf32>,
      %scan3A_815 = arith.constant 0 : i32
      %scan3A_816 = arith.constant 32 : i32
      %scan3A_817 = arith.addi %scan3A_815, %scan3A_816 : i32
      %scan3A_818 = arith.constant 1 : i32
      %scan3A_819:2 = scf.for %scan3A_868 = %scan3A_815 to %scan3A_817 step %scan3A_818 iter_args(%scan3A_869 = %broadcast_in_dim3A_35, %scan3A_870 = %broadcast_in_dim3A_35) -> (vector<16xf32>, vector<16xf32>)  : i32 {
        %mul3A_871 = arith.constant 8 : i32
        %mul3A_872 = arith.muli %scan3A_868, %mul3A_871 : i32
        %add3A_873 = arith.constant 0 : i32
        %add3A_874 = arith.addi %mul3A_872, %add3A_873 : i32
        %get3A_875 = arith.index_cast %rem3A_421 : i32 to index
        %get3A_876 = arith.index_cast %add3A_874 : i32 to index
        %get3A_877 = arith.constant 112 : index
        %get3A_878 = tpu.vector_load %arg6[%get3A_875, %get3A_876, %get3A_877] {strides = array<i32>} : memref<2x256x128xf32, #tpu.memory_space<vmem>>, vector<1x1x16xf32>,
        %get3A_879 = vector.shape_cast %get3A_878 : vector<1x1x16xf32> to vector<16xf32>
        %max3A_880 = arith.maximumf %scan3A_869, %get3A_879 : vector<16xf32>
        %add3A_881 = arith.constant 0 : i32
        %add3A_882 = arith.addi %mul3A_872, %add3A_881 : i32
        %add3A_883 = arith.constant 1 : i32
        %add3A_884 = arith.addi %add3A_882, %add3A_883 : i32
        %get3A_885 = arith.index_cast %rem3A_421 : i32 to index
        %get3A_886 = arith.index_cast %add3A_884 : i32 to index
        %get3A_887 = arith.constant 112 : index
        %get3A_888 = tpu.vector_load %arg6[%get3A_885, %get3A_886, %get3A_887] {strides = array<i32>} : memref<2x256x128xf32, #tpu.memory_space<vmem>>, vector<1x1x16xf32>,
        %get3A_889 = vector.shape_cast %get3A_888 : vector<1x1x16xf32> to vector<16xf32>
        %max3A_890 = arith.maximumf %scan3A_870, %get3A_889 : vector<16xf32>
        %add3A_891 = arith.constant 2 : i32
        %add3A_892 = arith.addi %mul3A_872, %add3A_891 : i32
        %get3A_893 = arith.index_cast %rem3A_421 : i32 to index
        %get3A_894 = arith.index_cast %add3A_892 : i32 to index
        %get3A_895 = arith.constant 112 : index
        %get3A_896 = tpu.vector_load %arg6[%get3A_893, %get3A_894, %get3A_895] {strides = array<i32>} : memref<2x256x128xf32, #tpu.memory_space<vmem>>, vector<1x1x16xf32>,
        %get3A_897 = vector.shape_cast %get3A_896 : vector<1x1x16xf32> to vector<16xf32>
        %max3A_898 = arith.maximumf %max3A_880, %get3A_897 : vector<16xf32>
        %add3A_899 = arith.constant 2 : i32
        %add3A_900 = arith.addi %mul3A_872, %add3A_899 : i32
        %add3A_901 = arith.constant 1 : i32
        %add3A_902 = arith.addi %add3A_900, %add3A_901 : i32
        %get3A_903 = arith.index_cast %rem3A_421 : i32 to index
        %get3A_904 = arith.index_cast %add3A_902 : i32 to index
        %get3A_905 = arith.constant 112 : index
        %get3A_906 = tpu.vector_load %arg6[%get3A_903, %get3A_904, %get3A_905] {strides = array<i32>} : memref<2x256x128xf32, #tpu.memory_space<vmem>>, vector<1x1x16xf32>,
        %get3A_907 = vector.shape_cast %get3A_906 : vector<1x1x16xf32> to vector<16xf32>
        %max3A_908 = arith.maximumf %max3A_890, %get3A_907 : vector<16xf32>
        %add3A_909 = arith.constant 4 : i32
        %add3A_910 = arith.addi %mul3A_872, %add3A_909 : i32
        %get3A_911 = arith.index_cast %rem3A_421 : i32 to index
        %get3A_912 = arith.index_cast %add3A_910 : i32 to index
        %get3A_913 = arith.constant 112 : index
        %get3A_914 = tpu.vector_load %arg6[%get3A_911, %get3A_912, %get3A_913] {strides = array<i32>} : memref<2x256x128xf32, #tpu.memory_space<vmem>>, vector<1x1x16xf32>,
        %get3A_915 = vector.shape_cast %get3A_914 : vector<1x1x16xf32> to vector<16xf32>
        %max3A_916 = arith.maximumf %max3A_898, %get3A_915 : vector<16xf32>
        %add3A_917 = arith.constant 4 : i32
        %add3A_918 = arith.addi %mul3A_872, %add3A_917 : i32
        %add3A_919 = arith.constant 1 : i32
        %add3A_920 = arith.addi %add3A_918, %add3A_919 : i32
        %get3A_921 = arith.index_cast %rem3A_421 : i32 to index
        %get3A_922 = arith.index_cast %add3A_920 : i32 to index
        %get3A_923 = arith.constant 112 : index
        %get3A_924 = tpu.vector_load %arg6[%get3A_921, %get3A_922, %get3A_923] {strides = array<i32>} : memref<2x256x128xf32, #tpu.memory_space<vmem>>, vector<1x1x16xf32>,
        %get3A_925 = vector.shape_cast %get3A_924 : vector<1x1x16xf32> to vector<16xf32>
        %max3A_926 = arith.maximumf %max3A_908, %get3A_925 : vector<16xf32>
        %add3A_927 = arith.constant 6 : i32
        %add3A_928 = arith.addi %mul3A_872, %add3A_927 : i32
        %get3A_929 = arith.index_cast %rem3A_421 : i32 to index
        %get3A_930 = arith.index_cast %add3A_928 : i32 to index
        %get3A_931 = arith.constant 112 : index
        %get3A_932 = tpu.vector_load %arg6[%get3A_929, %get3A_930, %get3A_931] {strides = array<i32>} : memref<2x256x128xf32, #tpu.memory_space<vmem>>, vector<1x1x16xf32>,
        %get3A_933 = vector.shape_cast %get3A_932 : vector<1x1x16xf32> to vector<16xf32>
        %max3A_934 = arith.maximumf %max3A_916, %get3A_933 : vector<16xf32>
        %add3A_935 = arith.constant 6 : i32
        %add3A_936 = arith.addi %mul3A_872, %add3A_935 : i32
        %add3A_937 = arith.constant 1 : i32
        %add3A_938 = arith.addi %add3A_936, %add3A_937 : i32
        %get3A_939 = arith.index_cast %rem3A_421 : i32 to index
        %get3A_940 = arith.index_cast %add3A_938 : i32 to index
        %get3A_941 = arith.constant 112 : index
        %get3A_942 = tpu.vector_load %arg6[%get3A_939, %get3A_940, %get3A_941] {strides = array<i32>} : memref<2x256x128xf32, #tpu.memory_space<vmem>>, vector<1x1x16xf32>,
        %get3A_943 = vector.shape_cast %get3A_942 : vector<1x1x16xf32> to vector<16xf32>
        %max3A_944 = arith.maximumf %max3A_926, %get3A_943 : vector<16xf32>
        scf.yield %max3A_934, %max3A_944 : vector<16xf32>, vector<16xf32>
      }
      %scan3A_820 = arith.constant 32 : i32
      %max3A_821 = arith.maximumf %scan3A_819#0, %scan3A_819#1 : vector<16xf32>
      %get3A_822 = arith.constant 7 : i32
      %get3A_823 = arith.index_cast %get3A_822 : i32 to index
      %get3A_824 = arith.constant 0 : index
      %get3A_825 = tpu.vector_load %arg7[%get3A_823, %get3A_824] {strides = array<i32>} : memref<8x16xf32, #tpu.memory_space<vmem>>, vector<1x16xf32>,
      %get3A_826 = vector.shape_cast %get3A_825 : vector<1x16xf32> to vector<16xf32>
      %max3A_827 = arith.maximumf %get3A_826, %max3A_821 : vector<16xf32>
      %sub3A_828 = arith.subf %get3A_826, %max3A_827 : vector<16xf32>
      %exp3A_829 = math.exp %sub3A_828 : vector<16xf32>
      %get3A_830 = arith.constant 7 : i32
      %get3A_831 = arith.index_cast %get3A_830 : i32 to index
      %get3A_832 = arith.constant 0 : index
      %get3A_833 = tpu.vector_load %arg8[%get3A_831, %get3A_832] {strides = array<i32>} : memref<8x16xf32, #tpu.memory_space<vmem>>, vector<1x16xf32>,
      %get3A_834 = vector.shape_cast %get3A_833 : vector<1x16xf32> to vector<16xf32>
      %mul3A_835 = arith.mulf %get3A_834, %exp3A_829 : vector<16xf32>
      %get3A_836 = arith.constant 7 : i32
      %get3A_837 = arith.index_cast %get3A_836 : i32 to index
      %get3A_838 = arith.constant 0 : index
      %get3A_839 = tpu.vector_load %arg9[%get3A_837, %get3A_838] {strides = array<i32>} : memref<8x16xf32, #tpu.memory_space<vmem>>, vector<1x16xf32>,
      %get3A_840 = vector.shape_cast %get3A_839 : vector<1x16xf32> to vector<16xf32>
      %mul3A_841 = arith.mulf %get3A_840, %exp3A_829 : vector<16xf32>
      %scan3A_842 = arith.constant 0 : i32
      %scan3A_843 = arith.constant 32 : i32
      %scan3A_844 = arith.addi %scan3A_842, %scan3A_843 : i32
      %scan3A_845 = arith.constant 1 : i32
      %scan3A_846:4 = scf.for %scan3A_868 = %scan3A_842 to %scan3A_844 step %scan3A_845 iter_args(%scan3A_869 = %mul3A_835, %scan3A_870 = %mul3A_841, %scan3A_871 = %broadcast_in_dim3A_37, %scan3A_872 = %broadcast_in_dim3A_37) -> (vector<16xf32>, vector<16xf32>, vector<16xf32>, vector<16xf32>)  : i32 {
        %mul3A_873 = arith.constant 8 : i32
        %mul3A_874 = arith.muli %scan3A_868, %mul3A_873 : i32
        %add3A_875 = arith.constant 0 : i32
        %add3A_876 = arith.addi %mul3A_874, %add3A_875 : i32
        %get3A_877 = arith.index_cast %rem3A_421 : i32 to index
        %get3A_878 = arith.index_cast %add3A_876 : i32 to index
        %get3A_879 = arith.constant 112 : index
        %get3A_880 = tpu.vector_load %arg6[%get3A_877, %get3A_878, %get3A_879] {strides = array<i32>} : memref<2x256x128xf32, #tpu.memory_space<vmem>>, vector<1x1x16xf32>,
        %get3A_881 = vector.shape_cast %get3A_880 : vector<1x1x16xf32> to vector<16xf32>
        %add3A_882 = arith.constant 0 : i32
        %add3A_883 = arith.addi %mul3A_874, %add3A_882 : i32
        %add3A_884 = arith.constant 1 : i32
        %add3A_885 = arith.addi %add3A_883, %add3A_884 : i32
        %get3A_886 = arith.index_cast %rem3A_421 : i32 to index
        %get3A_887 = arith.index_cast %add3A_885 : i32 to index
        %get3A_888 = arith.constant 112 : index
        %get3A_889 = tpu.vector_load %arg6[%get3A_886, %get3A_887, %get3A_888] {strides = array<i32>} : memref<2x256x128xf32, #tpu.memory_space<vmem>>, vector<1x1x16xf32>,
        %get3A_890 = vector.shape_cast %get3A_889 : vector<1x1x16xf32> to vector<16xf32>
        %sub3A_891 = arith.subf %get3A_881, %max3A_827 : vector<16xf32>
        %exp3A_892 = math.exp %sub3A_891 : vector<16xf32>
        %sub3A_893 = arith.subf %get3A_890, %max3A_827 : vector<16xf32>
        %exp3A_894 = math.exp %sub3A_893 : vector<16xf32>
        %add3A_895 = arith.addf %scan3A_869, %exp3A_892 : vector<16xf32>
        %mul3A_896 = arith.mulf %get3A_881, %exp3A_892 : vector<16xf32>
        %add3A_897 = arith.addf %scan3A_870, %mul3A_896 : vector<16xf32>
        %add3A_898 = arith.addf %scan3A_871, %exp3A_894 : vector<16xf32>
        %mul3A_899 = arith.mulf %get3A_890, %exp3A_894 : vector<16xf32>
        %add3A_900 = arith.addf %scan3A_872, %mul3A_899 : vector<16xf32>
        %add3A_901 = arith.constant 2 : i32
        %add3A_902 = arith.addi %mul3A_874, %add3A_901 : i32
        %get3A_903 = arith.index_cast %rem3A_421 : i32 to index
        %get3A_904 = arith.index_cast %add3A_902 : i32 to index
        %get3A_905 = arith.constant 112 : index
        %get3A_906 = tpu.vector_load %arg6[%get3A_903, %get3A_904, %get3A_905] {strides = array<i32>} : memref<2x256x128xf32, #tpu.memory_space<vmem>>, vector<1x1x16xf32>,
        %get3A_907 = vector.shape_cast %get3A_906 : vector<1x1x16xf32> to vector<16xf32>
        %add3A_908 = arith.constant 2 : i32
        %add3A_909 = arith.addi %mul3A_874, %add3A_908 : i32
        %add3A_910 = arith.constant 1 : i32
        %add3A_911 = arith.addi %add3A_909, %add3A_910 : i32
        %get3A_912 = arith.index_cast %rem3A_421 : i32 to index
        %get3A_913 = arith.index_cast %add3A_911 : i32 to index
        %get3A_914 = arith.constant 112 : index
        %get3A_915 = tpu.vector_load %arg6[%get3A_912, %get3A_913, %get3A_914] {strides = array<i32>} : memref<2x256x128xf32, #tpu.memory_space<vmem>>, vector<1x1x16xf32>,
        %get3A_916 = vector.shape_cast %get3A_915 : vector<1x1x16xf32> to vector<16xf32>
        %sub3A_917 = arith.subf %get3A_907, %max3A_827 : vector<16xf32>
        %exp3A_918 = math.exp %sub3A_917 : vector<16xf32>
        %sub3A_919 = arith.subf %get3A_916, %max3A_827 : vector<16xf32>
        %exp3A_920 = math.exp %sub3A_919 : vector<16xf32>
        %add3A_921 = arith.addf %add3A_895, %exp3A_918 : vector<16xf32>
        %mul3A_922 = arith.mulf %get3A_907, %exp3A_918 : vector<16xf32>
        %add3A_923 = arith.addf %add3A_897, %mul3A_922 : vector<16xf32>
        %add3A_924 = arith.addf %add3A_898, %exp3A_920 : vector<16xf32>
        %mul3A_925 = arith.mulf %get3A_916, %exp3A_920 : vector<16xf32>
        %add3A_926 = arith.addf %add3A_900, %mul3A_925 : vector<16xf32>
        %add3A_927 = arith.constant 4 : i32
        %add3A_928 = arith.addi %mul3A_874, %add3A_927 : i32
        %get3A_929 = arith.index_cast %rem3A_421 : i32 to index
        %get3A_930 = arith.index_cast %add3A_928 : i32 to index
        %get3A_931 = arith.constant 112 : index
        %get3A_932 = tpu.vector_load %arg6[%get3A_929, %get3A_930, %get3A_931] {strides = array<i32>} : memref<2x256x128xf32, #tpu.memory_space<vmem>>, vector<1x1x16xf32>,
        %get3A_933 = vector.shape_cast %get3A_932 : vector<1x1x16xf32> to vector<16xf32>
        %add3A_934 = arith.constant 4 : i32
        %add3A_935 = arith.addi %mul3A_874, %add3A_934 : i32
        %add3A_936 = arith.constant 1 : i32
        %add3A_937 = arith.addi %add3A_935, %add3A_936 : i32
        %get3A_938 = arith.index_cast %rem3A_421 : i32 to index
        %get3A_939 = arith.index_cast %add3A_937 : i32 to index
        %get3A_940 = arith.constant 112 : index
        %get3A_941 = tpu.vector_load %arg6[%get3A_938, %get3A_939, %get3A_940] {strides = array<i32>} : memref<2x256x128xf32, #tpu.memory_space<vmem>>, vector<1x1x16xf32>,
        %get3A_942 = vector.shape_cast %get3A_941 : vector<1x1x16xf32> to vector<16xf32>
        %sub3A_943 = arith.subf %get3A_933, %max3A_827 : vector<16xf32>
        %exp3A_944 = math.exp %sub3A_943 : vector<16xf32>
        %sub3A_945 = arith.subf %get3A_942, %max3A_827 : vector<16xf32>
        %exp3A_946 = math.exp %sub3A_945 : vector<16xf32>
        %add3A_947 = arith.addf %add3A_921, %exp3A_944 : vector<16xf32>
        %mul3A_948 = arith.mulf %get3A_933, %exp3A_944 : vector<16xf32>
        %add3A_949 = arith.addf %add3A_923, %mul3A_948 : vector<16xf32>
        %add3A_950 = arith.addf %add3A_924, %exp3A_946 : vector<16xf32>
        %mul3A_951 = arith.mulf %get3A_942, %exp3A_946 : vector<16xf32>
        %add3A_952 = arith.addf %add3A_926, %mul3A_951 : vector<16xf32>
        %add3A_953 = arith.constant 6 : i32
        %add3A_954 = arith.addi %mul3A_874, %add3A_953 : i32
        %get3A_955 = arith.index_cast %rem3A_421 : i32 to index
        %get3A_956 = arith.index_cast %add3A_954 : i32 to index
        %get3A_957 = arith.constant 112 : index
        %get3A_958 = tpu.vector_load %arg6[%get3A_955, %get3A_956, %get3A_957] {strides = array<i32>} : memref<2x256x128xf32, #tpu.memory_space<vmem>>, vector<1x1x16xf32>,
        %get3A_959 = vector.shape_cast %get3A_958 : vector<1x1x16xf32> to vector<16xf32>
        %add3A_960 = arith.constant 6 : i32
        %add3A_961 = arith.addi %mul3A_874, %add3A_960 : i32
        %add3A_962 = arith.constant 1 : i32
        %add3A_963 = arith.addi %add3A_961, %add3A_962 : i32
        %get3A_964 = arith.index_cast %rem3A_421 : i32 to index
        %get3A_965 = arith.index_cast %add3A_963 : i32 to index
        %get3A_966 = arith.constant 112 : index
        %get3A_967 = tpu.vector_load %arg6[%get3A_964, %get3A_965, %get3A_966] {strides = array<i32>} : memref<2x256x128xf32, #tpu.memory_space<vmem>>, vector<1x1x16xf32>,
        %get3A_968 = vector.shape_cast %get3A_967 : vector<1x1x16xf32> to vector<16xf32>
        %sub3A_969 = arith.subf %get3A_959, %max3A_827 : vector<16xf32>
        %exp3A_970 = math.exp %sub3A_969 : vector<16xf32>
        %sub3A_971 = arith.subf %get3A_968, %max3A_827 : vector<16xf32>
        %exp3A_972 = math.exp %sub3A_971 : vector<16xf32>
        %add3A_973 = arith.addf %add3A_947, %exp3A_970 : vector<16xf32>
        %mul3A_974 = arith.mulf %get3A_959, %exp3A_970 : vector<16xf32>
        %add3A_975 = arith.addf %add3A_949, %mul3A_974 : vector<16xf32>
        %add3A_976 = arith.addf %add3A_950, %exp3A_972 : vector<16xf32>
        %mul3A_977 = arith.mulf %get3A_968, %exp3A_972 : vector<16xf32>
        %add3A_978 = arith.addf %add3A_952, %mul3A_977 : vector<16xf32>
        scf.yield %add3A_973, %add3A_975, %add3A_976, %add3A_978 : vector<16xf32>, vector<16xf32>, vector<16xf32>, vector<16xf32>
      }
      %scan3A_847 = arith.constant 32 : i32
      %swap3A_848 = arith.constant 7 : i32
      %swap3A_849 = arith.index_cast %swap3A_848 : i32 to index
      %swap3A_850 = arith.constant 0 : index
      %swap3A_851 = tpu.vector_load %arg7[%swap3A_849, %swap3A_850] {strides = array<i32>} : memref<8x16xf32, #tpu.memory_space<vmem>>, vector<1x16xf32>,
      %swap3A_852 = vector.shape_cast %swap3A_851 : vector<1x16xf32> to vector<16xf32>
      %swap3A_853 = vector.shape_cast %max3A_827 : vector<16xf32> to vector<1x16xf32>
      tpu.vector_store %arg7[%swap3A_849, %swap3A_850], %swap3A_853 {strides = array<i32>} : memref<8x16xf32, #tpu.memory_space<vmem>>, vector<1x16xf32>,
      %add3A_854 = arith.addf %scan3A_846#0, %scan3A_846#2 : vector<16xf32>
      %swap3A_855 = arith.constant 7 : i32
      %swap3A_856 = arith.index_cast %swap3A_855 : i32 to index
      %swap3A_857 = arith.constant 0 : index
      %swap3A_858 = tpu.vector_load %arg8[%swap3A_856, %swap3A_857] {strides = array<i32>} : memref<8x16xf32, #tpu.memory_space<vmem>>, vector<1x16xf32>,
      %swap3A_859 = vector.shape_cast %swap3A_858 : vector<1x16xf32> to vector<16xf32>
      %swap3A_860 = vector.shape_cast %add3A_854 : vector<16xf32> to vector<1x16xf32>
      tpu.vector_store %arg8[%swap3A_856, %swap3A_857], %swap3A_860 {strides = array<i32>} : memref<8x16xf32, #tpu.memory_space<vmem>>, vector<1x16xf32>,
      %add3A_861 = arith.addf %scan3A_846#1, %scan3A_846#3 : vector<16xf32>
      %swap3A_862 = arith.constant 7 : i32
      %swap3A_863 = arith.index_cast %swap3A_862 : i32 to index
      %swap3A_864 = arith.constant 0 : index
      %swap3A_865 = tpu.vector_load %arg9[%swap3A_863, %swap3A_864] {strides = array<i32>} : memref<8x16xf32, #tpu.memory_space<vmem>>, vector<1x16xf32>,
      %swap3A_866 = vector.shape_cast %swap3A_865 : vector<1x16xf32> to vector<16xf32>
      %swap3A_867 = vector.shape_cast %add3A_861 : vector<16xf32> to vector<1x16xf32>
      tpu.vector_store %arg9[%swap3A_863, %swap3A_864], %swap3A_867 {strides = array<i32>} : memref<8x16xf32, #tpu.memory_space<vmem>>, vector<1x16xf32>,
    }
    %scan3A_198 = arith.constant 8 : i32
    %get3A = arith.constant 0 : i32
    %get3A_199 = arith.index_cast %get3A : i32 to index
    %get3A_200 = arith.constant 0 : index
    %get3A_201 = tpu.vector_load %arg7[%get3A_199, %get3A_200] {strides = array<i32>} : memref<8x16xf32, #tpu.memory_space<vmem>>, vector<1x16xf32>,
    %get3A_202 = vector.shape_cast %get3A_201 : vector<1x16xf32> to vector<16xf32>
    %swap3A_203 = arith.constant 0 : index
    %swap3A_204 = tpu.vector_load %arg10[%swap3A_203] {strides = array<i32>} : memref<128xf32, #tpu.memory_space<vmem>>, vector<16xf32>,
    %swap3A_205 = vector.shape_cast %swap3A_204 : vector<16xf32> to vector<16xf32>
    %swap3A_206 = vector.shape_cast %get3A_202 : vector<16xf32> to vector<16xf32>
    tpu.vector_store %arg10[%swap3A_203], %swap3A_206 {strides = array<i32>} : memref<128xf32, #tpu.memory_space<vmem>>, vector<16xf32>,
    %get3A_207 = arith.constant 0 : i32
    %get3A_208 = arith.index_cast %get3A_207 : i32 to index
    %get3A_209 = arith.constant 0 : index
    %get3A_210 = tpu.vector_load %arg8[%get3A_208, %get3A_209] {strides = array<i32>} : memref<8x16xf32, #tpu.memory_space<vmem>>, vector<1x16xf32>,
    %get3A_211 = vector.shape_cast %get3A_210 : vector<1x16xf32> to vector<16xf32>
    %swap3A_212 = arith.constant 0 : index
    %swap3A_213 = tpu.vector_load %arg11[%swap3A_212] {strides = array<i32>} : memref<128xf32, #tpu.memory_space<vmem>>, vector<16xf32>,
    %swap3A_214 = vector.shape_cast %swap3A_213 : vector<16xf32> to vector<16xf32>
    %swap3A_215 = vector.shape_cast %get3A_211 : vector<16xf32> to vector<16xf32>
    tpu.vector_store %arg11[%swap3A_212], %swap3A_215 {strides = array<i32>} : memref<128xf32, #tpu.memory_space<vmem>>, vector<16xf32>,
    %get3A_216 = arith.constant 0 : i32
    %get3A_217 = arith.index_cast %get3A_216 : i32 to index
    %get3A_218 = arith.constant 0 : index
    %get3A_219 = tpu.vector_load %arg9[%get3A_217, %get3A_218] {strides = array<i32>} : memref<8x16xf32, #tpu.memory_space<vmem>>, vector<1x16xf32>,
    %get3A_220 = vector.shape_cast %get3A_219 : vector<1x16xf32> to vector<16xf32>
    %swap3A_221 = arith.constant 0 : index
    %swap3A_222 = tpu.vector_load %arg12[%swap3A_221] {strides = array<i32>} : memref<128xf32, #tpu.memory_space<vmem>>, vector<16xf32>,
    %swap3A_223 = vector.shape_cast %swap3A_222 : vector<16xf32> to vector<16xf32>
    %swap3A_224 = vector.shape_cast %get3A_220 : vector<16xf32> to vector<16xf32>
    tpu.vector_store %arg12[%swap3A_221], %swap3A_224 {strides = array<i32>} : memref<128xf32, #tpu.memory_space<vmem>>, vector<16xf32>,
    %get3A_225 = arith.constant 1 : i32
    %get3A_226 = arith.index_cast %get3A_225 : i32 to index
    %get3A_227 = arith.constant 0 : index
    %get3A_228 = tpu.vector_load %arg7[%get3A_226, %get3A_227] {strides = array<i32>} : memref<8x16xf32, #tpu.memory_space<vmem>>, vector<1x16xf32>,
    %get3A_229 = vector.shape_cast %get3A_228 : vector<1x16xf32> to vector<16xf32>
    %swap3A_230 = arith.constant 16 : index
    %swap3A_231 = tpu.vector_load %arg10[%swap3A_230] {strides = array<i32>} : memref<128xf32, #tpu.memory_space<vmem>>, vector<16xf32>,
    %swap3A_232 = vector.shape_cast %swap3A_231 : vector<16xf32> to vector<16xf32>
    %swap3A_233 = vector.shape_cast %get3A_229 : vector<16xf32> to vector<16xf32>
    tpu.vector_store %arg10[%swap3A_230], %swap3A_233 {strides = array<i32>} : memref<128xf32, #tpu.memory_space<vmem>>, vector<16xf32>,
    %get3A_234 = arith.constant 1 : i32
    %get3A_235 = arith.index_cast %get3A_234 : i32 to index
    %get3A_236 = arith.constant 0 : index
    %get3A_237 = tpu.vector_load %arg8[%get3A_235, %get3A_236] {strides = array<i32>} : memref<8x16xf32, #tpu.memory_space<vmem>>, vector<1x16xf32>,
    %get3A_238 = vector.shape_cast %get3A_237 : vector<1x16xf32> to vector<16xf32>
    %swap3A_239 = arith.constant 16 : index
    %swap3A_240 = tpu.vector_load %arg11[%swap3A_239] {strides = array<i32>} : memref<128xf32, #tpu.memory_space<vmem>>, vector<16xf32>,
    %swap3A_241 = vector.shape_cast %swap3A_240 : vector<16xf32> to vector<16xf32>
    %swap3A_242 = vector.shape_cast %get3A_238 : vector<16xf32> to vector<16xf32>
    tpu.vector_store %arg11[%swap3A_239], %swap3A_242 {strides = array<i32>} : memref<128xf32, #tpu.memory_space<vmem>>, vector<16xf32>,
    %get3A_243 = arith.constant 1 : i32
    %get3A_244 = arith.index_cast %get3A_243 : i32 to index
    %get3A_245 = arith.constant 0 : index
    %get3A_246 = tpu.vector_load %arg9[%get3A_244, %get3A_245] {strides = array<i32>} : memref<8x16xf32, #tpu.memory_space<vmem>>, vector<1x16xf32>,
    %get3A_247 = vector.shape_cast %get3A_246 : vector<1x16xf32> to vector<16xf32>
    %swap3A_248 = arith.constant 16 : index
    %swap3A_249 = tpu.vector_load %arg12[%swap3A_248] {strides = array<i32>} : memref<128xf32, #tpu.memory_space<vmem>>, vector<16xf32>,
    %swap3A_250 = vector.shape_cast %swap3A_249 : vector<16xf32> to vector<16xf32>
    %swap3A_251 = vector.shape_cast %get3A_247 : vector<16xf32> to vector<16xf32>
    tpu.vector_store %arg12[%swap3A_248], %swap3A_251 {strides = array<i32>} : memref<128xf32, #tpu.memory_space<vmem>>, vector<16xf32>,
    %get3A_252 = arith.constant 2 : i32
    %get3A_253 = arith.index_cast %get3A_252 : i32 to index
    %get3A_254 = arith.constant 0 : index
    %get3A_255 = tpu.vector_load %arg7[%get3A_253, %get3A_254] {strides = array<i32>} : memref<8x16xf32, #tpu.memory_space<vmem>>, vector<1x16xf32>,
    %get3A_256 = vector.shape_cast %get3A_255 : vector<1x16xf32> to vector<16xf32>
    %swap3A_257 = arith.constant 32 : index
    %swap3A_258 = tpu.vector_load %arg10[%swap3A_257] {strides = array<i32>} : memref<128xf32, #tpu.memory_space<vmem>>, vector<16xf32>,
    %swap3A_259 = vector.shape_cast %swap3A_258 : vector<16xf32> to vector<16xf32>
    %swap3A_260 = vector.shape_cast %get3A_256 : vector<16xf32> to vector<16xf32>
    tpu.vector_store %arg10[%swap3A_257], %swap3A_260 {strides = array<i32>} : memref<128xf32, #tpu.memory_space<vmem>>, vector<16xf32>,
    %get3A_261 = arith.constant 2 : i32
    %get3A_262 = arith.index_cast %get3A_261 : i32 to index
    %get3A_263 = arith.constant 0 : index
    %get3A_264 = tpu.vector_load %arg8[%get3A_262, %get3A_263] {strides = array<i32>} : memref<8x16xf32, #tpu.memory_space<vmem>>, vector<1x16xf32>,
    %get3A_265 = vector.shape_cast %get3A_264 : vector<1x16xf32> to vector<16xf32>
    %swap3A_266 = arith.constant 32 : index
    %swap3A_267 = tpu.vector_load %arg11[%swap3A_266] {strides = array<i32>} : memref<128xf32, #tpu.memory_space<vmem>>, vector<16xf32>,
    %swap3A_268 = vector.shape_cast %swap3A_267 : vector<16xf32> to vector<16xf32>
    %swap3A_269 = vector.shape_cast %get3A_265 : vector<16xf32> to vector<16xf32>
    tpu.vector_store %arg11[%swap3A_266], %swap3A_269 {strides = array<i32>} : memref<128xf32, #tpu.memory_space<vmem>>, vector<16xf32>,
    %get3A_270 = arith.constant 2 : i32
    %get3A_271 = arith.index_cast %get3A_270 : i32 to index
    %get3A_272 = arith.constant 0 : index
    %get3A_273 = tpu.vector_load %arg9[%get3A_271, %get3A_272] {strides = array<i32>} : memref<8x16xf32, #tpu.memory_space<vmem>>, vector<1x16xf32>,
    %get3A_274 = vector.shape_cast %get3A_273 : vector<1x16xf32> to vector<16xf32>
    %swap3A_275 = arith.constant 32 : index
    %swap3A_276 = tpu.vector_load %arg12[%swap3A_275] {strides = array<i32>} : memref<128xf32, #tpu.memory_space<vmem>>, vector<16xf32>,
    %swap3A_277 = vector.shape_cast %swap3A_276 : vector<16xf32> to vector<16xf32>
    %swap3A_278 = vector.shape_cast %get3A_274 : vector<16xf32> to vector<16xf32>
    tpu.vector_store %arg12[%swap3A_275], %swap3A_278 {strides = array<i32>} : memref<128xf32, #tpu.memory_space<vmem>>, vector<16xf32>,
    %get3A_279 = arith.constant 3 : i32
    %get3A_280 = arith.index_cast %get3A_279 : i32 to index
    %get3A_281 = arith.constant 0 : index
    %get3A_282 = tpu.vector_load %arg7[%get3A_280, %get3A_281] {strides = array<i32>} : memref<8x16xf32, #tpu.memory_space<vmem>>, vector<1x16xf32>,
    %get3A_283 = vector.shape_cast %get3A_282 : vector<1x16xf32> to vector<16xf32>
    %swap3A_284 = arith.constant 48 : index
    %swap3A_285 = tpu.vector_load %arg10[%swap3A_284] {strides = array<i32>} : memref<128xf32, #tpu.memory_space<vmem>>, vector<16xf32>,
    %swap3A_286 = vector.shape_cast %swap3A_285 : vector<16xf32> to vector<16xf32>
    %swap3A_287 = vector.shape_cast %get3A_283 : vector<16xf32> to vector<16xf32>
    tpu.vector_store %arg10[%swap3A_284], %swap3A_287 {strides = array<i32>} : memref<128xf32, #tpu.memory_space<vmem>>, vector<16xf32>,
    %get3A_288 = arith.constant 3 : i32
    %get3A_289 = arith.index_cast %get3A_288 : i32 to index
    %get3A_290 = arith.constant 0 : index
    %get3A_291 = tpu.vector_load %arg8[%get3A_289, %get3A_290] {strides = array<i32>} : memref<8x16xf32, #tpu.memory_space<vmem>>, vector<1x16xf32>,
    %get3A_292 = vector.shape_cast %get3A_291 : vector<1x16xf32> to vector<16xf32>
    %swap3A_293 = arith.constant 48 : index
    %swap3A_294 = tpu.vector_load %arg11[%swap3A_293] {strides = array<i32>} : memref<128xf32, #tpu.memory_space<vmem>>, vector<16xf32>,
    %swap3A_295 = vector.shape_cast %swap3A_294 : vector<16xf32> to vector<16xf32>
    %swap3A_296 = vector.shape_cast %get3A_292 : vector<16xf32> to vector<16xf32>
    tpu.vector_store %arg11[%swap3A_293], %swap3A_296 {strides = array<i32>} : memref<128xf32, #tpu.memory_space<vmem>>, vector<16xf32>,
    %get3A_297 = arith.constant 3 : i32
    %get3A_298 = arith.index_cast %get3A_297 : i32 to index
    %get3A_299 = arith.constant 0 : index
    %get3A_300 = tpu.vector_load %arg9[%get3A_298, %get3A_299] {strides = array<i32>} : memref<8x16xf32, #tpu.memory_space<vmem>>, vector<1x16xf32>,
    %get3A_301 = vector.shape_cast %get3A_300 : vector<1x16xf32> to vector<16xf32>
    %swap3A_302 = arith.constant 48 : index
    %swap3A_303 = tpu.vector_load %arg12[%swap3A_302] {strides = array<i32>} : memref<128xf32, #tpu.memory_space<vmem>>, vector<16xf32>,
    %swap3A_304 = vector.shape_cast %swap3A_303 : vector<16xf32> to vector<16xf32>
    %swap3A_305 = vector.shape_cast %get3A_301 : vector<16xf32> to vector<16xf32>
    tpu.vector_store %arg12[%swap3A_302], %swap3A_305 {strides = array<i32>} : memref<128xf32, #tpu.memory_space<vmem>>, vector<16xf32>,
    %get3A_306 = arith.constant 4 : i32
    %get3A_307 = arith.index_cast %get3A_306 : i32 to index
    %get3A_308 = arith.constant 0 : index
    %get3A_309 = tpu.vector_load %arg7[%get3A_307, %get3A_308] {strides = array<i32>} : memref<8x16xf32, #tpu.memory_space<vmem>>, vector<1x16xf32>,
    %get3A_310 = vector.shape_cast %get3A_309 : vector<1x16xf32> to vector<16xf32>
    %swap3A_311 = arith.constant 64 : index
    %swap3A_312 = tpu.vector_load %arg10[%swap3A_311] {strides = array<i32>} : memref<128xf32, #tpu.memory_space<vmem>>, vector<16xf32>,
    %swap3A_313 = vector.shape_cast %swap3A_312 : vector<16xf32> to vector<16xf32>
    %swap3A_314 = vector.shape_cast %get3A_310 : vector<16xf32> to vector<16xf32>
    tpu.vector_store %arg10[%swap3A_311], %swap3A_314 {strides = array<i32>} : memref<128xf32, #tpu.memory_space<vmem>>, vector<16xf32>,
    %get3A_315 = arith.constant 4 : i32
    %get3A_316 = arith.index_cast %get3A_315 : i32 to index
    %get3A_317 = arith.constant 0 : index
    %get3A_318 = tpu.vector_load %arg8[%get3A_316, %get3A_317] {strides = array<i32>} : memref<8x16xf32, #tpu.memory_space<vmem>>, vector<1x16xf32>,
    %get3A_319 = vector.shape_cast %get3A_318 : vector<1x16xf32> to vector<16xf32>
    %swap3A_320 = arith.constant 64 : index
    %swap3A_321 = tpu.vector_load %arg11[%swap3A_320] {strides = array<i32>} : memref<128xf32, #tpu.memory_space<vmem>>, vector<16xf32>,
    %swap3A_322 = vector.shape_cast %swap3A_321 : vector<16xf32> to vector<16xf32>
    %swap3A_323 = vector.shape_cast %get3A_319 : vector<16xf32> to vector<16xf32>
    tpu.vector_store %arg11[%swap3A_320], %swap3A_323 {strides = array<i32>} : memref<128xf32, #tpu.memory_space<vmem>>, vector<16xf32>,
    %get3A_324 = arith.constant 4 : i32
    %get3A_325 = arith.index_cast %get3A_324 : i32 to index
    %get3A_326 = arith.constant 0 : index
    %get3A_327 = tpu.vector_load %arg9[%get3A_325, %get3A_326] {strides = array<i32>} : memref<8x16xf32, #tpu.memory_space<vmem>>, vector<1x16xf32>,
    %get3A_328 = vector.shape_cast %get3A_327 : vector<1x16xf32> to vector<16xf32>
    %swap3A_329 = arith.constant 64 : index
    %swap3A_330 = tpu.vector_load %arg12[%swap3A_329] {strides = array<i32>} : memref<128xf32, #tpu.memory_space<vmem>>, vector<16xf32>,
    %swap3A_331 = vector.shape_cast %swap3A_330 : vector<16xf32> to vector<16xf32>
    %swap3A_332 = vector.shape_cast %get3A_328 : vector<16xf32> to vector<16xf32>
    tpu.vector_store %arg12[%swap3A_329], %swap3A_332 {strides = array<i32>} : memref<128xf32, #tpu.memory_space<vmem>>, vector<16xf32>,
    %get3A_333 = arith.constant 5 : i32
    %get3A_334 = arith.index_cast %get3A_333 : i32 to index
    %get3A_335 = arith.constant 0 : index
    %get3A_336 = tpu.vector_load %arg7[%get3A_334, %get3A_335] {strides = array<i32>} : memref<8x16xf32, #tpu.memory_space<vmem>>, vector<1x16xf32>,
    %get3A_337 = vector.shape_cast %get3A_336 : vector<1x16xf32> to vector<16xf32>
    %swap3A_338 = arith.constant 80 : index
    %swap3A_339 = tpu.vector_load %arg10[%swap3A_338] {strides = array<i32>} : memref<128xf32, #tpu.memory_space<vmem>>, vector<16xf32>,
    %swap3A_340 = vector.shape_cast %swap3A_339 : vector<16xf32> to vector<16xf32>
    %swap3A_341 = vector.shape_cast %get3A_337 : vector<16xf32> to vector<16xf32>
    tpu.vector_store %arg10[%swap3A_338], %swap3A_341 {strides = array<i32>} : memref<128xf32, #tpu.memory_space<vmem>>, vector<16xf32>,
    %get3A_342 = arith.constant 5 : i32
    %get3A_343 = arith.index_cast %get3A_342 : i32 to index
    %get3A_344 = arith.constant 0 : index
    %get3A_345 = tpu.vector_load %arg8[%get3A_343, %get3A_344] {strides = array<i32>} : memref<8x16xf32, #tpu.memory_space<vmem>>, vector<1x16xf32>,
    %get3A_346 = vector.shape_cast %get3A_345 : vector<1x16xf32> to vector<16xf32>
    %swap3A_347 = arith.constant 80 : index
    %swap3A_348 = tpu.vector_load %arg11[%swap3A_347] {strides = array<i32>} : memref<128xf32, #tpu.memory_space<vmem>>, vector<16xf32>,
    %swap3A_349 = vector.shape_cast %swap3A_348 : vector<16xf32> to vector<16xf32>
    %swap3A_350 = vector.shape_cast %get3A_346 : vector<16xf32> to vector<16xf32>
    tpu.vector_store %arg11[%swap3A_347], %swap3A_350 {strides = array<i32>} : memref<128xf32, #tpu.memory_space<vmem>>, vector<16xf32>,
    %get3A_351 = arith.constant 5 : i32
    %get3A_352 = arith.index_cast %get3A_351 : i32 to index
    %get3A_353 = arith.constant 0 : index
    %get3A_354 = tpu.vector_load %arg9[%get3A_352, %get3A_353] {strides = array<i32>} : memref<8x16xf32, #tpu.memory_space<vmem>>, vector<1x16xf32>,
    %get3A_355 = vector.shape_cast %get3A_354 : vector<1x16xf32> to vector<16xf32>
    %swap3A_356 = arith.constant 80 : index
    %swap3A_357 = tpu.vector_load %arg12[%swap3A_356] {strides = array<i32>} : memref<128xf32, #tpu.memory_space<vmem>>, vector<16xf32>,
    %swap3A_358 = vector.shape_cast %swap3A_357 : vector<16xf32> to vector<16xf32>
    %swap3A_359 = vector.shape_cast %get3A_355 : vector<16xf32> to vector<16xf32>
    tpu.vector_store %arg12[%swap3A_356], %swap3A_359 {strides = array<i32>} : memref<128xf32, #tpu.memory_space<vmem>>, vector<16xf32>,
    %get3A_360 = arith.constant 6 : i32
    %get3A_361 = arith.index_cast %get3A_360 : i32 to index
    %get3A_362 = arith.constant 0 : index
    %get3A_363 = tpu.vector_load %arg7[%get3A_361, %get3A_362] {strides = array<i32>} : memref<8x16xf32, #tpu.memory_space<vmem>>, vector<1x16xf32>,
    %get3A_364 = vector.shape_cast %get3A_363 : vector<1x16xf32> to vector<16xf32>
    %swap3A_365 = arith.constant 96 : index
    %swap3A_366 = tpu.vector_load %arg10[%swap3A_365] {strides = array<i32>} : memref<128xf32, #tpu.memory_space<vmem>>, vector<16xf32>,
    %swap3A_367 = vector.shape_cast %swap3A_366 : vector<16xf32> to vector<16xf32>
    %swap3A_368 = vector.shape_cast %get3A_364 : vector<16xf32> to vector<16xf32>
    tpu.vector_store %arg10[%swap3A_365], %swap3A_368 {strides = array<i32>} : memref<128xf32, #tpu.memory_space<vmem>>, vector<16xf32>,
    %get3A_369 = arith.constant 6 : i32
    %get3A_370 = arith.index_cast %get3A_369 : i32 to index
    %get3A_371 = arith.constant 0 : index
    %get3A_372 = tpu.vector_load %arg8[%get3A_370, %get3A_371] {strides = array<i32>} : memref<8x16xf32, #tpu.memory_space<vmem>>, vector<1x16xf32>,
    %get3A_373 = vector.shape_cast %get3A_372 : vector<1x16xf32> to vector<16xf32>
    %swap3A_374 = arith.constant 96 : index
    %swap3A_375 = tpu.vector_load %arg11[%swap3A_374] {strides = array<i32>} : memref<128xf32, #tpu.memory_space<vmem>>, vector<16xf32>,
    %swap3A_376 = vector.shape_cast %swap3A_375 : vector<16xf32> to vector<16xf32>
    %swap3A_377 = vector.shape_cast %get3A_373 : vector<16xf32> to vector<16xf32>
    tpu.vector_store %arg11[%swap3A_374], %swap3A_377 {strides = array<i32>} : memref<128xf32, #tpu.memory_space<vmem>>, vector<16xf32>,
    %get3A_378 = arith.constant 6 : i32
    %get3A_379 = arith.index_cast %get3A_378 : i32 to index
    %get3A_380 = arith.constant 0 : index
    %get3A_381 = tpu.vector_load %arg9[%get3A_379, %get3A_380] {strides = array<i32>} : memref<8x16xf32, #tpu.memory_space<vmem>>, vector<1x16xf32>,
    %get3A_382 = vector.shape_cast %get3A_381 : vector<1x16xf32> to vector<16xf32>
    %swap3A_383 = arith.constant 96 : index
    %swap3A_384 = tpu.vector_load %arg12[%swap3A_383] {strides = array<i32>} : memref<128xf32, #tpu.memory_space<vmem>>, vector<16xf32>,
    %swap3A_385 = vector.shape_cast %swap3A_384 : vector<16xf32> to vector<16xf32>
    %swap3A_386 = vector.shape_cast %get3A_382 : vector<16xf32> to vector<16xf32>
    tpu.vector_store %arg12[%swap3A_383], %swap3A_386 {strides = array<i32>} : memref<128xf32, #tpu.memory_space<vmem>>, vector<16xf32>,
    %get3A_387 = arith.constant 7 : i32
    %get3A_388 = arith.index_cast %get3A_387 : i32 to index
    %get3A_389 = arith.constant 0 : index
    %get3A_390 = tpu.vector_load %arg7[%get3A_388, %get3A_389] {strides = array<i32>} : memref<8x16xf32, #tpu.memory_space<vmem>>, vector<1x16xf32>,
    %get3A_391 = vector.shape_cast %get3A_390 : vector<1x16xf32> to vector<16xf32>
    %swap3A_392 = arith.constant 112 : index
    %swap3A_393 = tpu.vector_load %arg10[%swap3A_392] {strides = array<i32>} : memref<128xf32, #tpu.memory_space<vmem>>, vector<16xf32>,
    %swap3A_394 = vector.shape_cast %swap3A_393 : vector<16xf32> to vector<16xf32>
    %swap3A_395 = vector.shape_cast %get3A_391 : vector<16xf32> to vector<16xf32>
    tpu.vector_store %arg10[%swap3A_392], %swap3A_395 {strides = array<i32>} : memref<128xf32, #tpu.memory_space<vmem>>, vector<16xf32>,
    %get3A_396 = arith.constant 7 : i32
    %get3A_397 = arith.index_cast %get3A_396 : i32 to index
    %get3A_398 = arith.constant 0 : index
    %get3A_399 = tpu.vector_load %arg8[%get3A_397, %get3A_398] {strides = array<i32>} : memref<8x16xf32, #tpu.memory_space<vmem>>, vector<1x16xf32>,
    %get3A_400 = vector.shape_cast %get3A_399 : vector<1x16xf32> to vector<16xf32>
    %swap3A_401 = arith.constant 112 : index
    %swap3A_402 = tpu.vector_load %arg11[%swap3A_401] {strides = array<i32>} : memref<128xf32, #tpu.memory_space<vmem>>, vector<16xf32>,
    %swap3A_403 = vector.shape_cast %swap3A_402 : vector<16xf32> to vector<16xf32>
    %swap3A_404 = vector.shape_cast %get3A_400 : vector<16xf32> to vector<16xf32>
    tpu.vector_store %arg11[%swap3A_401], %swap3A_404 {strides = array<i32>} : memref<128xf32, #tpu.memory_space<vmem>>, vector<16xf32>,
    %get3A_405 = arith.constant 7 : i32
    %get3A_406 = arith.index_cast %get3A_405 : i32 to index
    %get3A_407 = arith.constant 0 : index
    %get3A_408 = tpu.vector_load %arg9[%get3A_406, %get3A_407] {strides = array<i32>} : memref<8x16xf32, #tpu.memory_space<vmem>>, vector<1x16xf32>,
    %get3A_409 = vector.shape_cast %get3A_408 : vector<1x16xf32> to vector<16xf32>
    %swap3A_410 = arith.constant 112 : index
    %swap3A_411 = tpu.vector_load %arg12[%swap3A_410] {strides = array<i32>} : memref<128xf32, #tpu.memory_space<vmem>>, vector<16xf32>,
    %swap3A_412 = vector.shape_cast %swap3A_411 : vector<16xf32> to vector<16xf32>
    %swap3A_413 = vector.shape_cast %get3A_409 : vector<16xf32> to vector<16xf32>
    tpu.vector_store %arg12[%swap3A_410], %swap3A_413 {strides = array<i32>} : memref<128xf32, #tpu.memory_space<vmem>>, vector<16xf32>,
    %mul3A_414 = arith.constant 1024 : i32
    %mul3A_415 = arith.muli %select_n3A, %mul3A_414 : i32
    %add3A_416 = arith.addi %mul3A_415, %multiple_of3A : i32
    "tpu.region"() ({
      %run_scoped3A = tpu.sem_alloc : memref<!tpu.dma_semaphore, #tpu.memory_space<semaphore_mem>>
      %dma_start3A_417 = tpu.memref_slice %arg3[%add3A_416] : memref<4096xf32, #tpu.memory_space<hbm>> -> memref<128xf32, #tpu.memory_space<hbm>>
      %dma_start3A_418 = tpu.memref_slice %arg3[%add3A_416] : memref<4096xf32, #tpu.memory_space<hbm>> -> memref<128xf32, #tpu.memory_space<hbm>>
      tpu.enqueue_dma source(%arg10 : memref<128xf32, #tpu.memory_space<vmem>>) target(%dma_start3A_418 : memref<128xf32, #tpu.memory_space<hbm>>) target_semaphore(%run_scoped3A : memref<!tpu.dma_semaphore, #tpu.memory_space<semaphore_mem>>)
      %dma_wait3A = tpu.memref_slice %arg3[%add3A_416] : memref<4096xf32, #tpu.memory_space<hbm>> -> memref<128xf32, #tpu.memory_space<hbm>>
      %dma_wait3A_419 = tpu.memref_slice %arg3[%add3A_416] : memref<4096xf32, #tpu.memory_space<hbm>> -> memref<128xf32, #tpu.memory_space<hbm>>
      tpu.wait_dma2 semaphore(%run_scoped3A : memref<!tpu.dma_semaphore, #tpu.memory_space<semaphore_mem>>) src(%arg10 : memref<128xf32, #tpu.memory_space<vmem>>) dst(%dma_wait3A_419 : memref<128xf32, #tpu.memory_space<hbm>>)
      tpu.yield
    }) : () -> ()
    "tpu.region"() ({
      %run_scoped3A = tpu.sem_alloc : memref<!tpu.dma_semaphore, #tpu.memory_space<semaphore_mem>>
      %dma_start3A_417 = tpu.memref_slice %arg4[%add3A_416] : memref<4096xf32, #tpu.memory_space<hbm>> -> memref<128xf32, #tpu.memory_space<hbm>>
      %dma_start3A_418 = tpu.memref_slice %arg4[%add3A_416] : memref<4096xf32, #tpu.memory_space<hbm>> -> memref<128xf32, #tpu.memory_space<hbm>>
      tpu.enqueue_dma source(%arg11 : memref<128xf32, #tpu.memory_space<vmem>>) target(%dma_start3A_418 : memref<128xf32, #tpu.memory_space<hbm>>) target_semaphore(%run_scoped3A : memref<!tpu.dma_semaphore, #tpu.memory_space<semaphore_mem>>)
      %dma_wait3A = tpu.memref_slice %arg4[%add3A_416] : memref<4096xf32, #tpu.memory_space<hbm>> -> memref<128xf32, #tpu.memory_space<hbm>>
      %dma_wait3A_419 = tpu.memref_slice %arg4[%add3A_416] : memref<4096xf32, #tpu.memory_space<hbm>> -> memref<128xf32, #tpu.memory_space<hbm>>
      tpu.wait_dma2 semaphore(%run_scoped3A : memref<!tpu.dma_semaphore, #tpu.memory_space<semaphore_mem>>) src(%arg11 : memref<128xf32, #tpu.memory_space<vmem>>) dst(%dma_wait3A_419 : memref<128xf32, #tpu.memory_space<hbm>>)
      tpu.yield
    }) : () -> ()
    "tpu.region"() ({
      %run_scoped3A = tpu.sem_alloc : memref<!tpu.dma_semaphore, #tpu.memory_space<semaphore_mem>>
      %dma_start3A_417 = tpu.memref_slice %arg5[%add3A_416] : memref<4096xf32, #tpu.memory_space<hbm>> -> memref<128xf32, #tpu.memory_space<hbm>>
      %dma_start3A_418 = tpu.memref_slice %arg5[%add3A_416] : memref<4096xf32, #tpu.memory_space<hbm>> -> memref<128xf32, #tpu.memory_space<hbm>>
      tpu.enqueue_dma source(%arg12 : memref<128xf32, #tpu.memory_space<vmem>>) target(%dma_start3A_418 : memref<128xf32, #tpu.memory_space<hbm>>) target_semaphore(%run_scoped3A : memref<!tpu.dma_semaphore, #tpu.memory_space<semaphore_mem>>)
      %dma_wait3A = tpu.memref_slice %arg5[%add3A_416] : memref<4096xf32, #tpu.memory_space<hbm>> -> memref<128xf32, #tpu.memory_space<hbm>>
      %dma_wait3A_419 = tpu.memref_slice %arg5[%add3A_416] : memref<4096xf32, #tpu.memory_space<hbm>> -> memref<128xf32, #tpu.memory_space<hbm>>
      tpu.wait_dma2 semaphore(%run_scoped3A : memref<!tpu.dma_semaphore, #tpu.memory_space<semaphore_mem>>) src(%arg12 : memref<128xf32, #tpu.memory_space<vmem>>) dst(%dma_wait3A_419 : memref<128xf32, #tpu.memory_space<hbm>>)
      tpu.yield
    }) : () -> ()
    return
  }
}

module attributes {stable_mosaic.version = 14 : i64} {
  func.func @_tc_pool_body(%arg0: i32, %arg1: i32, %arg2: memref<1x2048x1024xf32, #tpu.memory_space<vmem>>, %arg3: memref<1x1x1024xf32, #tpu.memory_space<vmem>>, %arg4: memref<1x1x1024xf32, #tpu.memory_space<vmem>>, %arg5: memref<1x1x1024xf32, #tpu.memory_space<vmem>>, %arg6: memref<1x1024xf32, #tpu.memory_space<vmem>>, %arg7: memref<1x1024xf32, #tpu.memory_space<vmem>>, %arg8: memref<1x1024xf32, #tpu.memory_space<vmem>>) attributes {dimension_semantics = [#tpu.dimension_semantics<arbitrary>, #tpu.dimension_semantics<arbitrary>], iteration_bounds = array<i64: 4, 3>, scalar_prefetch = 0 : i64, scratch_operands = 3 : i64, tpu.core_type = #tpu.core_type<tc>, window_params = [{transform_indices = @transform_0, window_bounds = array<i64: 1, 2048, 1024>}, {transform_indices = @transform_1, window_bounds = array<i64: 1, 1, 1024>}, {transform_indices = @transform_2, window_bounds = array<i64: 1, 1, 1024>}, {transform_indices = @transform_3, window_bounds = array<i64: 1, 1, 1024>}]} {
    %eq3A = arith.constant 0 : i32
    %eq3A_0 = arith.cmpi eq, %arg1, %eq3A : i32
    %convert_element_type3A = arith.extui %eq3A_0 : i1 to i32
    %cond3A = arith.constant 0 : i32
    %cond3A_1 = arith.cmpi ne, %convert_element_type3A, %cond3A : i32
    scf.if %cond3A_1 {
      %broadcast_in_dim3A_40 = arith.constant 0xFF800000 : f32
      %broadcast_in_dim3A_41 = vector.broadcast %broadcast_in_dim3A_40 : f32 to vector<1x1024xf32>
      %swap3A_42 = arith.constant 0 : index
      %swap3A_43 = arith.constant 0 : index
      %swap3A_44 = vector.load %arg6[%swap3A_42, %swap3A_43] : memref<1x1024xf32, #tpu.memory_space<vmem>>, vector<1x1024xf32>
      tpu.vector_store %arg6[%swap3A_42, %swap3A_43], %broadcast_in_dim3A_41 {strides = array<i32>} : memref<1x1024xf32, #tpu.memory_space<vmem>>, vector<1x1024xf32>,
      %broadcast_in_dim3A_45 = arith.constant 0.000000e+00 : f32
      %broadcast_in_dim3A_46 = vector.broadcast %broadcast_in_dim3A_45 : f32 to vector<1x1024xf32>
      %swap3A_47 = arith.constant 0 : index
      %swap3A_48 = arith.constant 0 : index
      %swap3A_49 = vector.load %arg7[%swap3A_47, %swap3A_48] : memref<1x1024xf32, #tpu.memory_space<vmem>>, vector<1x1024xf32>
      tpu.vector_store %arg7[%swap3A_47, %swap3A_48], %broadcast_in_dim3A_46 {strides = array<i32>} : memref<1x1024xf32, #tpu.memory_space<vmem>>, vector<1x1024xf32>,
      %broadcast_in_dim3A_50 = arith.constant 0.000000e+00 : f32
      %broadcast_in_dim3A_51 = vector.broadcast %broadcast_in_dim3A_50 : f32 to vector<1x1024xf32>
      %swap3A_52 = arith.constant 0 : index
      %swap3A_53 = arith.constant 0 : index
      %swap3A_54 = vector.load %arg8[%swap3A_52, %swap3A_53] : memref<1x1024xf32, #tpu.memory_space<vmem>>, vector<1x1024xf32>
      tpu.vector_store %arg8[%swap3A_52, %swap3A_53], %broadcast_in_dim3A_51 {strides = array<i32>} : memref<1x1024xf32, #tpu.memory_space<vmem>>, vector<1x1024xf32>,
    } else {
    }
    %get3A = arith.constant 0 : index
    %get3A_2 = arith.constant 0 : index
    %get3A_3 = arith.constant 0 : index
    %get3A_4 = vector.load %arg2[%get3A, %get3A_2, %get3A_3] : memref<1x2048x1024xf32, #tpu.memory_space<vmem>>, vector<1x2048x1024xf32>
    %get3A_5 = vector.shape_cast %get3A_4 : vector<1x2048x1024xf32> to vector<2048x1024xf32>
    %reduce_max3A = arith.constant dense<0xFF800000> : vector<1024xf32>
    %reduce_max3A_6 = vector.multi_reduction <maximumf>, %get3A_5, %reduce_max3A [0] : vector<2048x1024xf32> to vector<1024xf32>
    %broadcast_in_dim3A = vector.shape_cast %reduce_max3A_6 : vector<1024xf32> to vector<1x1024xf32>
    %get3A_7 = arith.constant 0 : index
    %get3A_8 = arith.constant 0 : index
    %get3A_9 = vector.load %arg6[%get3A_7, %get3A_8] : memref<1x1024xf32, #tpu.memory_space<vmem>>, vector<1x1024xf32>
    %max3A = arith.maximumf %get3A_9, %broadcast_in_dim3A : vector<1x1024xf32>
    %sub3A = arith.subf %get3A_9, %max3A : vector<1x1024xf32>
    %exp3A = math.exp %sub3A : vector<1x1024xf32>
    %sub3A_10 = vector.broadcast %max3A : vector<1x1024xf32> to vector<2048x1024xf32>
    %sub3A_11 = arith.subf %get3A_5, %sub3A_10 : vector<2048x1024xf32>
    %exp3A_12 = math.exp %sub3A_11 : vector<2048x1024xf32>
    %broadcast_in_dim3A_13 = arith.constant 1.000000e+00 : f32
    %broadcast_in_dim3A_14 = vector.broadcast %broadcast_in_dim3A_13 : f32 to vector<1x2048xf32>
    %dot_general3A = arith.constant dense<0.000000e+00> : vector<1x1024xf32>
    %dot_general3A_15 = tpu.matmul %broadcast_in_dim3A_14, %exp3A_12, %dot_general3A {dimension_numbers = #tpu.dot_dimension_numbers<[1], [0], [0], [1], [0, 0, 1, 1], [], []>, transpose_lhs_hint = false} : vector<1x2048xf32>, vector<2048x1024xf32>, vector<1x1024xf32> -> vector<1x1024xf32>
    %mul3A = arith.mulf %get3A_5, %exp3A_12 : vector<2048x1024xf32>
    %dot_general3A_16 = arith.constant dense<0.000000e+00> : vector<1x1024xf32>
    %dot_general3A_17 = tpu.matmul %broadcast_in_dim3A_14, %mul3A, %dot_general3A_16 {dimension_numbers = #tpu.dot_dimension_numbers<[1], [0], [0], [1], [0, 0, 1, 1], [], []>, transpose_lhs_hint = false} : vector<1x2048xf32>, vector<2048x1024xf32>, vector<1x1024xf32> -> vector<1x1024xf32>
    %get3A_18 = arith.constant 0 : index
    %get3A_19 = arith.constant 0 : index
    %get3A_20 = vector.load %arg7[%get3A_18, %get3A_19] : memref<1x1024xf32, #tpu.memory_space<vmem>>, vector<1x1024xf32>
    %mul3A_21 = arith.mulf %get3A_20, %exp3A : vector<1x1024xf32>
    %add3A = arith.addf %mul3A_21, %dot_general3A_15 : vector<1x1024xf32>
    %swap3A = arith.constant 0 : index
    %swap3A_22 = arith.constant 0 : index
    %swap3A_23 = vector.load %arg7[%swap3A, %swap3A_22] : memref<1x1024xf32, #tpu.memory_space<vmem>>, vector<1x1024xf32>
    tpu.vector_store %arg7[%swap3A, %swap3A_22], %add3A {strides = array<i32>} : memref<1x1024xf32, #tpu.memory_space<vmem>>, vector<1x1024xf32>,
    %get3A_24 = arith.constant 0 : index
    %get3A_25 = arith.constant 0 : index
    %get3A_26 = vector.load %arg8[%get3A_24, %get3A_25] : memref<1x1024xf32, #tpu.memory_space<vmem>>, vector<1x1024xf32>
    %mul3A_27 = arith.mulf %get3A_26, %exp3A : vector<1x1024xf32>
    %add3A_28 = arith.addf %mul3A_27, %dot_general3A_17 : vector<1x1024xf32>
    %swap3A_29 = arith.constant 0 : index
    %swap3A_30 = arith.constant 0 : index
    %swap3A_31 = vector.load %arg8[%swap3A_29, %swap3A_30] : memref<1x1024xf32, #tpu.memory_space<vmem>>, vector<1x1024xf32>
    tpu.vector_store %arg8[%swap3A_29, %swap3A_30], %add3A_28 {strides = array<i32>} : memref<1x1024xf32, #tpu.memory_space<vmem>>, vector<1x1024xf32>,
    %swap3A_32 = arith.constant 0 : index
    %swap3A_33 = arith.constant 0 : index
    %swap3A_34 = vector.load %arg6[%swap3A_32, %swap3A_33] : memref<1x1024xf32, #tpu.memory_space<vmem>>, vector<1x1024xf32>
    tpu.vector_store %arg6[%swap3A_32, %swap3A_33], %max3A {strides = array<i32>} : memref<1x1024xf32, #tpu.memory_space<vmem>>, vector<1x1024xf32>,
    %eq3A_35 = arith.constant 2 : i32
    %eq3A_36 = arith.cmpi eq, %arg1, %eq3A_35 : i32
    %convert_element_type3A_37 = arith.extui %eq3A_36 : i1 to i32
    %cond3A_38 = arith.constant 0 : i32
    %cond3A_39 = arith.cmpi ne, %convert_element_type3A_37, %cond3A_38 : i32
    scf.if %cond3A_39 {
      %get3A_40 = arith.constant 0 : index
      %get3A_41 = arith.constant 0 : index
      %get3A_42 = vector.load %arg6[%get3A_40, %get3A_41] : memref<1x1024xf32, #tpu.memory_space<vmem>>, vector<1x1024xf32>
      %swap3A_43 = arith.constant 0 : index
      %swap3A_44 = arith.constant 0 : index
      %swap3A_45 = arith.constant 0 : index
      %swap3A_46 = vector.load %arg3[%swap3A_43, %swap3A_44, %swap3A_45] : memref<1x1x1024xf32, #tpu.memory_space<vmem>>, vector<1x1x1024xf32>
      %swap3A_47 = vector.shape_cast %swap3A_46 : vector<1x1x1024xf32> to vector<1x1024xf32>
      %swap3A_48 = vector.shape_cast %get3A_42 : vector<1x1024xf32> to vector<1x1x1024xf32>
      tpu.vector_store %arg3[%swap3A_43, %swap3A_44, %swap3A_45], %swap3A_48 {strides = array<i32>} : memref<1x1x1024xf32, #tpu.memory_space<vmem>>, vector<1x1x1024xf32>,
      %get3A_49 = arith.constant 0 : index
      %get3A_50 = arith.constant 0 : index
      %get3A_51 = vector.load %arg7[%get3A_49, %get3A_50] : memref<1x1024xf32, #tpu.memory_space<vmem>>, vector<1x1024xf32>
      %swap3A_52 = arith.constant 0 : index
      %swap3A_53 = arith.constant 0 : index
      %swap3A_54 = arith.constant 0 : index
      %swap3A_55 = vector.load %arg4[%swap3A_52, %swap3A_53, %swap3A_54] : memref<1x1x1024xf32, #tpu.memory_space<vmem>>, vector<1x1x1024xf32>
      %swap3A_56 = vector.shape_cast %swap3A_55 : vector<1x1x1024xf32> to vector<1x1024xf32>
      %swap3A_57 = vector.shape_cast %get3A_51 : vector<1x1024xf32> to vector<1x1x1024xf32>
      tpu.vector_store %arg4[%swap3A_52, %swap3A_53, %swap3A_54], %swap3A_57 {strides = array<i32>} : memref<1x1x1024xf32, #tpu.memory_space<vmem>>, vector<1x1x1024xf32>,
      %get3A_58 = arith.constant 0 : index
      %get3A_59 = arith.constant 0 : index
      %get3A_60 = vector.load %arg8[%get3A_58, %get3A_59] : memref<1x1024xf32, #tpu.memory_space<vmem>>, vector<1x1024xf32>
      %swap3A_61 = arith.constant 0 : index
      %swap3A_62 = arith.constant 0 : index
      %swap3A_63 = arith.constant 0 : index
      %swap3A_64 = vector.load %arg5[%swap3A_61, %swap3A_62, %swap3A_63] : memref<1x1x1024xf32, #tpu.memory_space<vmem>>, vector<1x1x1024xf32>
      %swap3A_65 = vector.shape_cast %swap3A_64 : vector<1x1x1024xf32> to vector<1x1024xf32>
      %swap3A_66 = vector.shape_cast %get3A_60 : vector<1x1024xf32> to vector<1x1x1024xf32>
      tpu.vector_store %arg5[%swap3A_61, %swap3A_62, %swap3A_63], %swap3A_66 {strides = array<i32>} : memref<1x1x1024xf32, #tpu.memory_space<vmem>>, vector<1x1x1024xf32>,
    } else {
    }
    return
  }
  func.func @transform_0(%arg0: i32, %arg1: i32) -> (i32, i32, i32) {
    %add3A = arith.constant 1 : i32
    %add3A_0 = arith.addi %add3A, %arg1 : i32
    %c0_i32 = arith.constant 0 : i32
    %c0_i32_1 = arith.constant 0 : i32
    return %arg0, %add3A_0, %c0_i32 : i32, i32, i32
  }
  func.func @transform_1(%arg0: i32, %arg1: i32) -> (i32, i32, i32) {
    %c0_i32 = arith.constant 0 : i32
    %c0_i32_0 = arith.constant 0 : i32
    %c0_i32_1 = arith.constant 0 : i32
    return %arg0, %c0_i32, %c0_i32_0 : i32, i32, i32
  }
  func.func @transform_2(%arg0: i32, %arg1: i32) -> (i32, i32, i32) {
    %c0_i32 = arith.constant 0 : i32
    %c0_i32_0 = arith.constant 0 : i32
    %c0_i32_1 = arith.constant 0 : i32
    return %arg0, %c0_i32, %c0_i32_0 : i32, i32, i32
  }
  func.func @transform_3(%arg0: i32, %arg1: i32) -> (i32, i32, i32) {
    %c0_i32 = arith.constant 0 : i32
    %c0_i32_0 = arith.constant 0 : i32
    %c0_i32_1 = arith.constant 0 : i32
    return %arg0, %c0_i32, %c0_i32_0 : i32, i32, i32
  }
}

module attributes {stable_mosaic.version = 14 : i64} {
  func.func @_tc_final_body(%arg0: memref<4096xf32, #tpu.memory_space<vmem>>, %arg1: memref<4096xf32, #tpu.memory_space<vmem>>, %arg2: memref<4096xf32, #tpu.memory_space<vmem>>, %arg3: memref<4x1x1024xf32, #tpu.memory_space<vmem>>, %arg4: memref<4x1x1024xf32, #tpu.memory_space<vmem>>, %arg5: memref<4x1x1024xf32, #tpu.memory_space<vmem>>, %arg6: memref<1024x1024xf32, #tpu.memory_space<vmem>>, %arg7: memref<1x1024xf32, #tpu.memory_space<vmem>>, %arg8: memref<4x1024xf32, #tpu.memory_space<vmem>>) attributes {dimension_semantics = [], scalar_prefetch = 0 : i64, scratch_operands = 0 : i64, tpu.core_type = #tpu.core_type<tc>} {
    %get3A = arith.constant 0 : index
    %get3A_0 = vector.load %arg0[%get3A] : memref<4096xf32, #tpu.memory_space<vmem>>, vector<4096xf32>
    %reshape3A = vector.shape_cast %get3A_0 : vector<4096xf32> to vector<4x1024xf32>
    %get3A_1 = arith.constant 0 : index
    %get3A_2 = arith.constant 0 : index
    %get3A_3 = arith.constant 0 : index
    %get3A_4 = vector.load %arg3[%get3A_1, %get3A_2, %get3A_3] : memref<4x1x1024xf32, #tpu.memory_space<vmem>>, vector<4x1x1024xf32>
    %reshape3A_5 = vector.shape_cast %get3A_4 : vector<4x1x1024xf32> to vector<4x1024xf32>
    %max3A = arith.maximumf %reshape3A, %reshape3A_5 : vector<4x1024xf32>
    %sub3A = arith.subf %reshape3A, %max3A : vector<4x1024xf32>
    %exp3A = math.exp %sub3A : vector<4x1024xf32>
    %sub3A_6 = arith.subf %reshape3A_5, %max3A : vector<4x1024xf32>
    %exp3A_7 = math.exp %sub3A_6 : vector<4x1024xf32>
    %get3A_8 = arith.constant 0 : index
    %get3A_9 = vector.load %arg1[%get3A_8] : memref<4096xf32, #tpu.memory_space<vmem>>, vector<4096xf32>
    %reshape3A_10 = vector.shape_cast %get3A_9 : vector<4096xf32> to vector<4x1024xf32>
    %mul3A = arith.mulf %reshape3A_10, %exp3A : vector<4x1024xf32>
    %get3A_11 = arith.constant 0 : index
    %get3A_12 = arith.constant 0 : index
    %get3A_13 = arith.constant 0 : index
    %get3A_14 = vector.load %arg4[%get3A_11, %get3A_12, %get3A_13] : memref<4x1x1024xf32, #tpu.memory_space<vmem>>, vector<4x1x1024xf32>
    %reshape3A_15 = vector.shape_cast %get3A_14 : vector<4x1x1024xf32> to vector<4x1024xf32>
    %mul3A_16 = arith.mulf %reshape3A_15, %exp3A_7 : vector<4x1024xf32>
    %add3A = arith.addf %mul3A, %mul3A_16 : vector<4x1024xf32>
    %get3A_17 = arith.constant 0 : index
    %get3A_18 = vector.load %arg2[%get3A_17] : memref<4096xf32, #tpu.memory_space<vmem>>, vector<4096xf32>
    %reshape3A_19 = vector.shape_cast %get3A_18 : vector<4096xf32> to vector<4x1024xf32>
    %mul3A_20 = arith.mulf %reshape3A_19, %exp3A : vector<4x1024xf32>
    %get3A_21 = arith.constant 0 : index
    %get3A_22 = arith.constant 0 : index
    %get3A_23 = arith.constant 0 : index
    %get3A_24 = vector.load %arg5[%get3A_21, %get3A_22, %get3A_23] : memref<4x1x1024xf32, #tpu.memory_space<vmem>>, vector<4x1x1024xf32>
    %reshape3A_25 = vector.shape_cast %get3A_24 : vector<4x1x1024xf32> to vector<4x1024xf32>
    %mul3A_26 = arith.mulf %reshape3A_25, %exp3A_7 : vector<4x1024xf32>
    %add3A_27 = arith.addf %mul3A_20, %mul3A_26 : vector<4x1024xf32>
    %div3A = arith.divf %add3A_27, %add3A : vector<4x1024xf32>
    %get3A_28 = arith.constant 0 : index
    %get3A_29 = arith.constant 0 : index
    %get3A_30 = vector.load %arg6[%get3A_28, %get3A_29] : memref<1024x1024xf32, #tpu.memory_space<vmem>>, vector<1024x1024xf32>
    %dot_general3A = arith.constant dense<0.000000e+00> : vector<4x1024xf32>
    %dot_general3A_31 = tpu.matmul %div3A, %get3A_30, %dot_general3A {dimension_numbers = #tpu.dot_dimension_numbers<[1], [1], [0], [0], [0, 0, 1, 0], [], []>, transpose_lhs_hint = false} : vector<4x1024xf32>, vector<1024x1024xf32>, vector<4x1024xf32> -> vector<4x1024xf32>
    %get3A_32 = arith.constant 0 : index
    %get3A_33 = arith.constant 0 : index
    %get3A_34 = vector.load %arg7[%get3A_32, %get3A_33] : memref<1x1024xf32, #tpu.memory_space<vmem>>, vector<1x1024xf32>
    %add3A_35 = vector.broadcast %get3A_34 : vector<1x1024xf32> to vector<4x1024xf32>
    %add3A_36 = arith.addf %dot_general3A_31, %add3A_35 : vector<4x1024xf32>
    %tanh3A = math.tanh %add3A_36 : vector<4x1024xf32>
    %swap3A = arith.constant 0 : index
    %swap3A_37 = arith.constant 0 : index
    %swap3A_38 = vector.load %arg8[%swap3A, %swap3A_37] : memref<4x1024xf32, #tpu.memory_space<vmem>>, vector<4x1024xf32>
    tpu.vector_store %arg8[%swap3A, %swap3A_37], %tanh3A {strides = array<i32>} : memref<4x1024xf32, #tpu.memory_space<vmem>>, vector<4x1024xf32>,
    return
  }
}

</mosaic_0001>

<sc_bundles>
// kernel: kernel.5.cloned.1.call-start
scs
__scs_entry_jumppad:
0x0: {  	(pc) =	sbr.rel $0x88, $3  }
0x1: {  	(tag) =	ssettag $0x0;
	lr =	simm.s32 $0x1  }
0x2: {  	[smem:$0x3F9E] =	sst lr;
	_ =	strace $0xD0000000  }
0x3: {  	_ = 	snop  }
0x4: {  	_ = 	snop  }
0x5: {  	_ = 	snop  }
0x6: {  	_ = 	snop  }
0x7: {  	_ = 	snop  }
__scs_overlays_trampoline_lowered:
0x8: {  	[smem:$0x3FAD] =	sst s0  }
0x9: {  	[smem:$0x3FAE] =	sst s1  }
0xa: {  	[smem:$0x3FAF] =	sst s2  }
0xb: {  	[smem:$0x3FB0] =	sst s3  }
0xc: {  	[smem:$0x3FB1] =	sst s4  }
0xd: {  	[smem:$0x3FB2] =	sst s5  }
0xe: {  	[smem:$0x3FB3] =	sst s6  }
0xf: {  	[smem:$0x3FB4] =	sst s7  }
0x10: {  	[smem:$0x3FB5] =	sst s8  }
0x11: {  	[smem:$0x3FB6] =	sst s9;
	s0 =	simm.s32 @!p0 $0x0  }
0x12: {  	s1 =	sld [smem:$0x3F9C];
	s0 =	simm.s32 @p0 $0x1  }
0x13: {  	[smem:$0x3FB7] =	sst s0;
	s0 =	simm.s32 @!p1 $0x0  }
0x14: {  	s2 =	sld [smem:$0x3F9B];
	s0 =	simm.s32 @p1 $0x1  }
0x15: {  	[smem:$0x3FB8] =	sst s0;
	s0 =	simm.s32 @!p2 $0x0  }
0x16: {  	s3 =	sld [smem:$0x3FDB];
	s0 =	simm.s32 @p2 $0x1  }
0x17: {  	s4 =	simm.s32 $0x1BF5;
	[smem:$0x3FBA] =	sst s0  }
0x18: {  	s0 =	sld [smem:$0x3F9D];
	_ =	swait.ge [sflag:s4], $0x0  }
0x19: {  	s7 =	sld [smem:$0x3F9E]  }
0x1a: {  	s8 =	sadd.s32 $0xFFFFE003, lr  }
0x1b: {  	s9 =	sadd.s32 $0xFFFFFEF7, lr;
	s5 =	simm.s32 $0xFFFFFFFF;
	p2 =	slt.u32 s8, $0xFFFFF086  }
0x1c: {  	p1 =	slt.u32 s9, $0xF7A;
	s5 =	simm.s32 @!p2 $0x0  }
0x1d: {  	s5 =	simm.s32 @p1 $0x1;
	p0 =	seq.s32 s7, s2  }
0x1e: {  	s7 =	smul.u32 @!p0 $0xF7A, s2;
	p2 =	seq.s32 @!p0 s5, $0x0  }
0x1f: {  	s9 =	smul.u32 $0xF7A, s1;
	s8 =	simm.s32 @!p0 $0x1BF5;
	p2 =	por !p2, p0  }
0x20: {  	[sflag:s8] =	ssyncset.s32 @!p0 $0xFFFFF086;
	s6 =	sadd.s32 @!p0 s3, s7;
	s7 =	simm.s32 @!p0 $0x108  }
0x21: {  	s3 =	sadd.s32 s3, s9;
	s6 =	sadd.s32 @!p0 $0x88, s6;
	s7 =	simm.s32 @p2 $0x1082  }
0x22: {  	[simem:s7], [sflag:s8] =	dma.local @!p0 [hbm:s6], $0xF7A  }
0x23: {  	s9 =	sor.u32 $0xD0000000, s2;
	s6 =	simm.s32 $0x108;
	_ =	swait.ge @!p0 [sflag:s8], $0x0  }
0x24: {  	s3 =	sadd.s32 $0x88, s3;
	s6 =	simm.s32 @!p1 $0x1082;
	[sflag:s4] =	ssyncset.s32 $0xFFFFF086  }
0x25: {  	[simem:s6], [sflag:s4] =	dma.local [hbm:s3], $0xF7A  }
0x26: {  	[smem:$0x3F9E] =	sst s1;
	(tag) =	ssettag s2;
	_ =	strace s9  }
0x27: {  	s1 =	sld [smem:$0x3FAE]  }
0x28: {  	s2 =	sld [smem:$0x3FAF]  }
0x29: {  	s4 =	sld [smem:$0x3FB1]  }
0x2a: {  	p0 =	seq.s32 s5, $0x0;
	s5 =	sld [smem:$0x3FB2]  }
0x2b: {  	s6 =	sld [smem:$0x3FB3]  }
0x2c: {  	s7 =	sld [smem:$0x3FB4]  }
0x2d: {  	s3 =	simm.s32 $0x108;
	s8 =	sld [smem:$0x3FB5]  }
0x2e: {  	s3 =	simm.s32 @!p0 $0x1082;
	s9 =	sld [smem:$0x3FB6]  }
0x2f: {  	lr =	sadd.s32 s0, s3;
	s0 =	sld [smem:$0x3FAD]  }
0x30: {  	s3 =	sld [smem:$0x3FB0]  }
0x31: {  	[smem:$0x3FB9] =	sst s10  }
0x32: {  	s10 =	sld [smem:$0x3FB7];
	_ =	sdelay $0x3  }
0x33: {  	p0 =	seq.s32 s10, $0x1;
	s10 =	sld [smem:$0x3FB9];
	_ =	sdelay $0x3  }
0x34: {  	[smem:$0x3FB9] =	sst s10  }
0x35: {  	s10 =	sld [smem:$0x3FB8];
	_ =	sdelay $0x3  }
0x36: {  	p1 =	seq.s32 s10, $0x1;
	s10 =	sld [smem:$0x3FB9];
	_ =	sdelay $0x3  }
0x37: {  	[smem:$0x3FB9] =	sst s10  }
0x38: {  	s10 =	sld [smem:$0x3FBA]  }
0x39: {  	_ = 	snop;
	(pc) =	sbr.ind lr, $3  }
0x3a: {  	_ = 	snop  }
0x3b: {  	_ = 	snop  }
0x3c: {  	p2 =	seq.s32 s10, $0x1;
	s10 =	sld [smem:$0x3FB9]  }
0x3d: {  	_ =	shalt  }
0x3e: {  	_ =	shalt  }
0x3f: {  	_ =	shalt  }
0x40: {  	_ =	shalt  }
0x41: {  	_ =	shalt  }
0x42: {  	_ =	shalt  }
0x43: {  	_ =	shalt  }
0x44: {  	_ =	shalt  }
0x45: {  	_ =	shalt  }
0x46: {  	_ =	shalt  }
0x47: {  	_ =	shalt  }
0x48: {  	_ =	shalt  }
0x49: {  	_ =	shalt  }
0x4a: {  	_ =	shalt  }
0x4b: {  	_ =	shalt  }
0x4c: {  	_ =	shalt  }
0x4d: {  	_ =	shalt  }
0x4e: {  	_ =	shalt  }
0x4f: {  	_ =	shalt  }
0x50: {  	_ =	shalt  }
0x51: {  	_ =	shalt  }
0x52: {  	_ =	shalt  }
0x53: {  	_ =	shalt  }
0x54: {  	_ =	shalt  }
0x55: {  	_ =	shalt  }
0x56: {  	_ =	shalt  }
0x57: {  	_ =	shalt  }
0x58: {  	_ =	shalt  }
0x59: {  	_ =	shalt  }
0x5a: {  	_ =	shalt  }
0x5b: {  	_ =	shalt  }
0x5c: {  	_ =	shalt  }
0x5d: {  	_ =	shalt  }
0x5e: {  	_ =	shalt  }
0x5f: {  	_ =	shalt  }
0x60: {  	_ =	shalt  }
0x61: {  	_ =	shalt  }
0x62: {  	_ =	shalt  }
0x63: {  	_ =	shalt  }
0x64: {  	_ =	shalt  }
0x65: {  	_ =	shalt  }
0x66: {  	_ =	shalt  }
0x67: {  	_ =	shalt  }
0x68: {  	_ =	shalt  }
0x69: {  	_ =	shalt  }
0x6a: {  	_ =	shalt  }
0x6b: {  	_ =	shalt  }
0x6c: {  	_ =	shalt  }
0x6d: {  	_ =	shalt  }
0x6e: {  	_ =	shalt  }
0x6f: {  	_ =	shalt  }
0x70: {  	_ =	shalt  }
0x71: {  	_ =	shalt  }
0x72: {  	_ =	shalt  }
0x73: {  	_ =	shalt  }
0x74: {  	_ =	shalt  }
0x75: {  	_ =	shalt  }
0x76: {  	_ =	shalt  }
0x77: {  	_ =	shalt  }
0x78: {  	_ =	shalt  }
0x79: {  	_ =	shalt  }
0x7a: {  	_ =	shalt  }
0x7b: {  	_ =	shalt  }
0x7c: {  	_ =	shalt  }
0x7d: {  	_ =	shalt  }
0x7e: {  	_ =	shalt  }
0x7f: {  	_ =	shalt  }
0x80: {  	_ =	shalt  }
0x81: {  	_ =	shalt  }
0x82: {  	_ =	shalt  }
0x83: {  	_ =	shalt  }
0x84: {  	_ =	shalt  }
0x85: {  	_ =	shalt  }
0x86: {  	_ =	shalt  }
0x87: {  	_ =	shalt  }
.Lfunc_end0:
.L_simem_size_0:
called_computation_lowered:
.L_overlay_start_0:
0x88: {  	s2 =	sld [smem:$0x3FD9]  }
0x89: {  	s3 =	sld [smem:$0x3FFE];
	_ =	sdelay $0x1  }
0x8a: {  	s1 =	srdreg.scid  }
0x8b: {  	s0 =	sand.u32 $0x1, s1  }
0x8c: {  	s17 =	sshll.u32 s0, $0xA;
	s2 =	sadd.s32 s3, s2  }
0x8d: {  	s2 =	sadd.s32 s2, s17  }
0x8e: {  	[smem:$0x3FC5] =	sst s2  }
0x8f: {  	_ = 	snop  }
0x90: {  	s2 =	sld [smem:$0x3FC9]  }
0x91: {  	s18 =	sld [smem:$0x3FD0];
	(tm) =	ssettm $0x1  }
0x92: {  	s4 =	sld [smem:$0x3FFB];
	_ =	sdelay $0x3  }
0x93: {  	_ =	strace s4  }
0x94: {  	s4 =	sld [smem:$0x3FFC];
	_ =	sdelay $0x3  }
0x95: {  	_ =	strace s4  }
0x96: {  	s4 =	sld [smem:$0x3FFD];
	_ =	sdelay $0x3  }
0x97: {  	_ =	strace s4  }
0x98: {  	_ =	strace $0x8FFFFFFF  }
0x99: {  	s19 =	sld [smem:$0x3FDB];
	_ =	sdelay $0x1  }
0x9a: {  	s5 =	simm.s32 $_scs_section_size  }
0x9b: {  	s6 =	simm.s32 $_size__tile_overlayer_lowered;
	s7 =	simm.s32 $_tile_overlayer_lowered  }
0x9c: {  	s22 =	simm.s32 $0x1BFF;
	s21 =	sshll.u32 s7, $0x1;
	s4 =	sadd.s32 s5, s19  }
0x9d: {  	s8 =	simm.s32 $0x0;
	s20 =	sshll.u32 s6, $0x1;
	s6 =	sadd.s32 s21, s4  }
0x9e: {  	[timem:s8], [sflag:s22] =	dma.local [hbm:s6], s20  }
0x9f: {  	_ =	swait.ge [sflag:s22], s20  }
0xa0: {  	s5 =	ssub.s32 $0x0, s20;
	[sflag:s22] =	ssyncset.done $0x0  }
0xa1: {  	[sflag:s22] =	ssyncadd.s32 s5;
	_ =	sdelay $0x1  }
0xa2: {  	s23 =	simm.s32 $0x1B8B  }
0xa3: {  	_ =	swait.ge [sflag:s23], $0x1  }
0xa4: {  	[sflag:s23] =	ssyncset.done $0x0  }
0xa5: {  	s25 =	simm.s32 $0x1B8E;
	s24 =	sld [smem:$0x3FFE];
	[sflag:s23] =	ssyncadd.s32 $0xFFFFFFFF  }
0xa6: {  	s26 =	simm.s32 $execute0_lowered;
	[smem:$0x3FD2] =	sst s25  }
0xa7: {  	s6 =	sshll.u32 s26, $0x1;
	_ =	strace $0x80000046;
	[dreg:$0x1] =	wrdreg $0xFFFFFFFF  }
0xa8: {  	s28 =	simm.s32 $_size_execute0_lowered;
	s4 =	sadd.s32 s4, s6;
	[dreg:$0x0] =	wrdreg $0x0  }
0xa9: {  	s6 =	sshll.u32 s28, $0x1;
	[dreg:$0x2] =	wrdreg s4  }
0xaa: {  	[dreg:$0x3] =	wrdreg s6  }
0xab: {  	[dreg:$0x4] =	wrdreg $0xC0  }
0xac: {  	_ =	task [dreg:s8], $0x5FFFF  }
0xad: {  	[dreg:$0x1] =	wrdreg $0xFFFFFFFF  }
0xae: {  	[dreg:$0x0] =	wrdreg $0x60  }
0xaf: {  	[dreg:$0x2] =	wrdreg s2  }
0xb0: {  	[dreg:$0x3] =	wrdreg s18  }
0xb1: {  	[dreg:$0x4] =	wrdreg s24  }
0xb2: {  	[dreg:$0x5] =	wrdreg $0x9  }
0xb3: {  	_ =	task.clear_ibuf [dreg:s8], $0x6FFFF;
	_ =	strace $0x90000046  }
0xb4: {  	s29 =	simm.s32 $0x9;
	_ =	strace $0x80000048  }
0xb5: {  	_ =	swait.ge [sflag:s29], $0x1  }
0xb6: {  	[sflag:s29] =	ssyncadd.s32 $0xFFFFFFFF  }
0xb7: {  	_ =	strace $0x90000048  }
0xb8: {  	_ =	sfence  }
0xb9: {  	s30 =	sld [smem:$0x0];
	_ =	sdelay $0x2  }
0xba: {  	s31 =	sshll.u32 s1, $0xD;
	s1 =	sshrl.u32 s1, $0x2  }
0xbb: {  	s3 =	sand.u32 $0x4000, s31;
	s1 =	sadd.s32 s1, s30  }
0xbc: {  	s0 =	sor.u32 s3, s0;
	s1 =	sshll.u32 s1, $0x11  }
0xbd: {  	s0 =	sor.u32 s1, s0  }
0xbe: {  	s0 =	sadd.s32 $0x8F2B, s0  }
0xbf: {  	[sflag:s0] =	ssyncadd.remote.s32 $0x1  }
0xc0: {  	_ =	sfence.sel $0xFFFF  }
0xc1: {  	[dreg:$0x0] =	wrdreg $0xFFFFFFFF;
	(pc) =	sbr.abs _section_cstart, $3  }
0xc2: {  	[dreg:$0x1] =	wrdreg $0xFFFFFFFF  }
0xc3: {  	_ =	task.clear_ibuf [dreg:s8], $0x2FFFF;
	_ =	strace $0x9FFFFFFF  }
0xc4: {  	(tm) =	ssettm $0x7FFFFFFF  }
0xc5: {  	_ =	shalt  }
tec
execute0_lowered:
.L_overlay_start_1:
0x0: {  	(tag) =	ssettag $0x1  }
0x1: {  	s3 =	rddreg [dreg:$0x0]  }
0x2: {  	s4 =	rddreg [dreg:$0x1]  }
0x3: {  	s0 =	stileid.u32;
	s5 =	rddreg [dreg:$0x2]  }
0x4: {  	s2 =	srdreg.scid;
	s1 =	rddreg [dreg:$0x3]  }
0x5: {  	s12 =	simm.s32 $0x10C80;
	s13 =	simm.s32 $0x10D00;
	s14 =	simm.s32 $0x0  }
0x6: {  	s6 =	sshll.u32 s0, $0x1;
	s7 =	sand.u32 $0x1, s2;
	s2 =	simm.s32 $0x0  }
0x7: {  	s8 =	sshrl.u32 s0, $0x2;
	s6 =	sand.u32 $0x6, s6;
	[smem:$0x7FF] =	sst s2  }
0x8: {  	s9 =	sshll.u32 s8, $0xA;
	s8 =	sshll.u32 s8, $0x14;
	s6 =	sor.u32 s7, s6  }
0x9: {  	_ =	strace $0x80000047;
	s7 =	ssub.s32 $0x2, s7;
	s3 =	sadd.s32 s3, s8  }
0xa: {  	s8 =	simm.s32 $0x400;
	s6 =	sshll.u32 s6, $0x7;
	s10 =	sshrl.u32 s7, $0x1  }
0xb: {  	s9 =	sor.u32 s9, s6;
	s7 =	ssub.s32 s7, s10;
	s3 =	sadd.s32 s6, s3  }
0xc: {  	s10 =	simm.s32 $0x10C00;
	s9 =	sshrl.u32 s9, $0x3;
	s7 =	smax.u32 s7, $0x1  }
0xd: {  	s11 =	sadd.s32 s9, s5;
	s4 =	sadd.s32 s4, s9;
	s9 =	simm.s32 $0x2000  }
0xe: {  	v0 =	vimm.f32 $-Inf;
	v1 =	vimm.f32 $0.0e+00;
	s5 =	sadd.s32 $0x1400, s11;
	s6 =	sadd.s32 $0x1600, s11;
	s11 =	simm.s32 $0x3  }
.LBB2_1:
0xf: {  	[tilespmem:$0x10000] =	vst v0  }
0x10: {  	[tilespmem:$0x10400] =	vst v1  }
0x11: {  	[tilespmem:$0x10800] =	vst v1  }
0x12: {  	[tilespmem:$0x10080] =	vst v0  }
0x13: {  	[tilespmem:$0x10480] =	vst v1  }
0x14: {  	[tilespmem:$0x10880] =	vst v1  }
0x15: {  	[tilespmem:$0x10100] =	vst v0  }
0x16: {  	[tilespmem:$0x10500] =	vst v1  }
0x17: {  	[tilespmem:$0x10900] =	vst v1  }
0x18: {  	[tilespmem:$0x10180] =	vst v0  }
0x19: {  	[tilespmem:$0x10580] =	vst v1  }
0x1a: {  	[tilespmem:$0x10980] =	vst v1  }
0x1b: {  	[tilespmem:$0x10200] =	vst v0  }
0x1c: {  	[tilespmem:$0x10600] =	vst v1  }
0x1d: {  	[tilespmem:$0x10A00] =	vst v1  }
0x1e: {  	[tilespmem:$0x10280] =	vst v0  }
0x1f: {  	[tilespmem:$0x10680] =	vst v1  }
0x20: {  	[tilespmem:$0x10A80] =	vst v1  }
0x21: {  	[tilespmem:$0x10300] =	vst v0  }
0x22: {  	[tilespmem:$0x10700] =	vst v1  }
0x23: {  	[tilespmem:$0x10B00] =	vst v1  }
0x24: {  	[tilespmem:$0x10380] =	vst v0  }
0x25: {  	[tilespmem:$0x10780] =	vst v1  }
0x26: {  	[tilespmem:$0x10B80] =	vst v1;
	p0 =	por $0x0, $0x0;
	s15 =	simm.s32 $0x0  }
0x27: {  	[tilespmem:s2], [sflag:$0x1] =	stream.strided.gather [hbm4b:s3+s8], $0x8000, s9, s8, $0x38;
	[tilespmem:$0x10D80] =	vst v63  }
.LBB2_2:
0x28: {  	s17 =	sand.u32 $0x1, s15  }
0x29: {  	s16 =	smov.u32 s15;
	s15 =	sadd.s32 $0x1, s15;
	p1 =	seq.s32 s17, $0x1  }
0x2a: {  	p2 =	seq.s32 s16, $0x7;
	s18 =	sshll.u32 @!p1 s15, $0xF  }
0x2b: {  	s19 =	simm.s32 @!p1 $0x400;
	s20 =	simm.s32 @!p1 $0x2000;
	p2 =	por !p1, p2  }
0x2c: {  	s21 =	simm.s32 @!p1 $0x8000;
	s18 =	sadd.s32 @!p1 s18, s3;
	s16 =	sshll.u32 @!p2 s15, $0xF  }
0x2d: {  	[tilespmem:s21], [sflag:$0x2] =	stream.strided.gather @!p1 [hbm4b:s18+s19], $0x8000, s20, s19, $0x38;
	[tilespmem:$0x10D80] =	vst v63  }
0x2e: {  	s18 =	simm.s32 $0x1;
	s16 =	sadd.s32 @!p2 s16, s3  }
0x2f: {  	s19 =	simm.s32 @!p2 $0x400;
	s20 =	simm.s32 @!p2 $0x2000;
	s21 =	simm.s32 @!p2 $0x0  }
0x30: {  	[tilespmem:s21], [sflag:$0x1] =	stream.strided.gather @!p2 [hbm4b:s16+s19], $0x8000, s20, s19, $0x38;
	[tilespmem:$0x10D80] =	vst v63  }
0x31: {  	s18 =	simm.s32 @!p0 $0x0;
	p2 =	sne.s32 s17, $0x0  }
0x32: {  	s22 =	sshll.u32 s18, $0xF;
	s16 =	simm.s32 @!p2 $0x1  }
0x33: {  	s30 =	sor.u32 $0x200, s22;
	_ =	swait.ge @!p2 [sflag:s16], $0x8000  }
0x34: {  	v2 =	vmov s30;
	[sflag:s16] =	ssyncset.done @!p2 $0x0  }
0x35: {  	[sflag:s16] =	ssyncadd.s32 @!p2 $0xFFFF8000;
	s16 =	simm.s32 @p1 $0x2  }
0x36: {  	_ =	swait.ge @p1 [sflag:s16], $0x8000  }
0x37: {  	[sflag:s16] =	ssyncset.done @p1 $0x0  }
0x38: {  	s31 =	simm.s32 $0x0;
	[sflag:s16] =	ssyncadd.s32 @p1 $0xFFFF8000  }
0x39: {  	v3 =	vld.idx.msk [tilespmem:v2+s31+$0x100 ss:$0x1], $0xffff  }
0x3a: {  	v8 =	vld.idx.msk [tilespmem:v2+s31+$0x0 ss:$0x1], $0xffff  }
0x3b: {  	v11 =	vld.idx.msk [tilespmem:v2+s31+$0xFFFFFF00 ss:$0x1], $0xffff  }
0x3c: {  	v10 =	vld.idx.msk [tilespmem:v2+s31+$0xFFFFFE00 ss:$0x1], $0xffff  }
0x3d: {  	v12 =	vld.idx.msk [tilespmem:v2+s31+$0xFFFFFE80 ss:$0x1], $0xffff  }
0x3e: {  	v13 =	vld.idx.msk [tilespmem:v2+s31+$0xFFFFFF80 ss:$0x1], $0xffff  }
0x3f: {  	v7 =	vld.idx.msk [tilespmem:v2+s31+$0x80 ss:$0x1], $0xffff  }
0x40: {  	s23 =	simm.s32 $0x400;
	v6 =	vld.idx.msk [tilespmem:v2+s31+$0x180 ss:$0x1], $0xffff  }
0x41: {  	v4 =	vld.idx.msk [tilespmem:v2+s23+$0x100 ss:$0x1], $0xffff  }
0x42: {  	v14 =	vimm.f32 $-Inf;
	s24 =	simm.s32 $0x2000;
	s17 =	sor.u32 $0x260, s22;
	v5 =	vld.idx.msk [tilespmem:v2+s23+$0x0 ss:$0x1], $0xffff  }
0x43: {  	s18 =	sor.u32 $0x250, s22;
	s19 =	sor.u32 $0x240, s22;
	s20 =	sor.u32 $0x230, s22;
	v9 =	vld.idx.msk [tilespmem:v2+s23+$0xFFFFFF00 ss:$0x1], $0xffff;
	v15 =	vmax.f32 v14, v10;
	v12 =	vmax.f32 v14, v12  }
0x44: {  	s21 =	sor.u32 $0x220, s22;
	s16 =	sor.u32 $0x270, s22;
	s22 =	sor.u32 $0x210, s22;
	v10 =	vld.idx.msk [tilespmem:v2+s23+$0xFFFFFE00 ss:$0x1], $0xffff;
	v11 =	vmax.f32 v15, v11;
	v12 =	vmax.f32 v12, v13  }
.LBB2_3:
0x45: {  	p1 =	sne.s32 s24, $0x1F000;
	v13 =	vld.idx.msk [tilespmem:v2+s23+$0xFFFFFE80 ss:$0x1], $0xffff;
	v8 =	vmax.f32 v11, v8;
	v7 =	vmax.f32 v12, v7  }
0x46: {  	v12 =	vld.idx.msk [tilespmem:v2+s23+$0xFFFFFF80 ss:$0x1], $0xffff;
	v11 =	vmax.f32 v8, v3;
	v14 =	vmax.f32 v7, v6  }
0x47: {  	v3 =	vmov v4;
	v7 =	vld.idx.msk [tilespmem:v2+s23+$0x80 ss:$0x1], $0xffff  }
.Ltmp0:
0x48: {  	v6 =	vld.idx.msk [tilespmem:v2+s23+$0x180 ss:$0x1], $0xffff;
	s23 =	sshra.s32 s24, $0x2;
	v8 =	vmov v5;
	(pc) =	sbr.rel @p1 .LBB2_3-.Ltmp0, $4  }
0x49: {  	v15 =	vmov v9;
	v4 =	vld.idx.msk [tilespmem:v2+s23+$0x100 ss:$0x1], $0xffff  }
0x4a: {  	v5 =	vld.idx.msk [tilespmem:v2+s23+$0x0 ss:$0x1], $0xffff  }
0x4b: {  	v11 =	vmax.f32 v11, v10;
	v13 =	vmax.f32 v14, v13;
	v9 =	vld.idx.msk [tilespmem:v2+s23+$0xFFFFFF00 ss:$0x1], $0xffff  }
0x4c: {  	s24 =	sadd.s32 $0x1000, s24;
	v11 =	vmax.f32 v11, v15;
	v12 =	vmax.f32 v13, v12;
	v10 =	vld.idx.msk [tilespmem:v2+s23+$0xFFFFFE00 ss:$0x1], $0xffff  }
0x4d: {  	_ =	sdelay $0x3  }
0x4e: {  	v13 =	vld.idx.msk [tilespmem:v2+s23+$0xFFFFFE80 ss:$0x1], $0xffff  }
0x4f: {  	v14 =	vld.idx.msk [tilespmem:v2+s23+$0xFFFFFF80 ss:$0x1], $0xffff  }
0x50: {  	v15 =	vld.idx.msk [tilespmem:v2+s23+$0x80 ss:$0x1], $0xffff  }
0x51: {  	v8 =	vmax.f32 v11, v8;
	v7 =	vmax.f32 v12, v7;
	v11 =	vld.idx.msk [tilespmem:v2+s23+$0x180 ss:$0x1], $0xffff  }
0x52: {  	v3 =	vmax.f32 v8, v3;
	v6 =	vmax.f32 v7, v6  }
0x53: {  	v7 =	vld [tilespmem:$0x10000];
	v3 =	vmax.f32 v3, v10;
	v6 =	vmax.f32 v6, v13  }
0x54: {  	v3 =	vmax.f32 v3, v9;
	v6 =	vmax.f32 v6, v14  }
0x55: {  	v3 =	vmax.f32 v3, v5;
	v5 =	vmax.f32 v6, v15  }
0x56: {  	v3 =	vmax.f32 v3, v4;
	v4 =	vmax.f32 v5, v11  }
0x57: {  	v3 =	vmax.f32 v3, v4  }
0x58: {  	s30 =	simm.s32 $0x0;
	v3 =	vmax.f32 v7, v3  }
0x59: {  	v24 =	vld.idx.msk [tilespmem:v2+s30+$0xFFFFFF80 ss:$0x1], $0xffff;
	v4 =	vsub.f32 v7, v3  }
0x5a: {  	v26 =	vld.idx.msk [tilespmem:v2+s30+$0xFFFFFE00 ss:$0x1], $0xffff  }
0x5b: {  	v28 =	vld.idx.msk [tilespmem:v2+s30+$0xFFFFFE80 ss:$0x1], $0xffff;
	v4 =	vmul.f32 $1.442695020e+00, v4  }
0x5c: {  	v19 =	vld.idx.msk [tilespmem:v2+s30+$0xFFFFFF00 ss:$0x1], $0xffff  }
0x5d: {  	v12 =	vld.idx.msk [tilespmem:v2+s30+$0x80 ss:$0x1], $0xffff;
	(erf) = vpow2.f32 v4  }
0x5e: {  	v8 =	vld [tilespmem:$0x10400];
	v4 =	vsub.f32 v24, v3  }
0x5f: {  	v6 =	vld.idx.msk [tilespmem:v2+s30+$0x180 ss:$0x1], $0xffff;
	v5 =	vsub.f32 v26, v3  }
0x60: {  	v10 =	vld [tilespmem:$0x10800];
	v11 =	vsub.f32 v28, v3;
	v4 =	vmul.f32 $1.442695020e+00, v4  }
0x61: {  	v9 =	vld.idx.msk [tilespmem:v2+s30+$0x100 ss:$0x1], $0xffff;
	v13 =	vsub.f32 v19, v3;
	v5 =	vmul.f32 $1.442695020e+00, v5  }
0x62: {  	s31 =	simm.s32 $0x400;
	v7 =	vld.idx.msk [tilespmem:v2+s30+$0x0 ss:$0x1], $0xffff;
	v15 =	vsub.f32 v12, v3;
	v11 =	vmul.f32 $1.442695020e+00, v11;
	(erf) = vpow2.f32 v4  }
0x63: {  	v13 =	vmul.f32 $1.442695020e+00, v13;
	v4 =	vld.idx.msk [tilespmem:v2+s31+$0x180 ss:$0x1], $0xffff;
	(erf) = vpow2.f32 v5  }
0x64: {  	v16 =	vsub.f32 v6, v3;
	v15 =	vmul.f32 $1.442695020e+00, v15;
	v5 =	vld.idx.msk [tilespmem:v2+s31+$0x100 ss:$0x1], $0xffff;
	(erf) = vpow2.f32 v11  }
0x65: {  	v11 =	vld.idx.msk [tilespmem:v2+s31+$0xFFFFFF00 ss:$0x1], $0xffff;
	(erf) = vpow2.f32 v13  }
0x66: {  	v16 =	vmul.f32 $1.442695020e+00, v16;
	v13 =	vld.idx.msk [tilespmem:v2+s31+$0xFFFFFE80 ss:$0x1], $0xffff;
	(erf) = vpow2.f32 v15;
	v14 =	vpop (erf)  }
0x67: {  	v15 =	vld.idx.msk [tilespmem:v2+s31+$0xFFFFFF80 ss:$0x1], $0xffff;
	v25 =	vmul.f32 v14, v8;
	v22 =	vmul.f32 v14, v10;
	v14 =	vsub.f32 v7, v3  }
0x68: {  	v20 =	vimm.f32 $0.0e+00;
	v17 =	vsub.f32 v9, v3;
	v8 =	vld.idx.msk [tilespmem:v2+s31+$0x0 ss:$0x1], $0xffff  }
0x69: {  	(erf) = vpow2.f32 v16;
	v16 =	vld.idx.msk [tilespmem:v2+s31+$0xFFFFFE00 ss:$0x1], $0xffff;
	v21 =	vsub.f32 v5, v3;
	v14 =	vmul.f32 $1.442695020e+00, v14  }
0x6a: {  	v17 =	vmul.f32 $1.442695020e+00, v17;
	v18 =	vsub.f32 v4, v3;
	v10 =	vld.idx.msk [tilespmem:v2+s31+$0x80 ss:$0x1], $0xffff;
	v30 =	vsub.f32 v11, v3  }
0x6b: {  	v29 =	vsub.f32 v13, v3;
	v23 =	vpop (erf);
	(erf) = vpow2.f32 v14;
	v14 =	vmul.f32 $1.442695020e+00, v21  }
0x6c: {  	v32 =	vsub.f32 v15, v3;
	v31 =	vpop (erf);
	v21 =	vmul.f32 $1.442695020e+00, v30;
	(erf) = vpow2.f32 v17  }
0x6d: {  	v24 =	vmul.f32 v23, v24;
	v27 =	vsub.f32 v8, v3;
	v25 =	vadd.f32 v31, v25;
	v33 =	vpop (erf)  }
0x6e: {  	v30 =	vmul.f32 v31, v26;
	v31 =	vsub.f32 v16, v3;
	v26 =	vmul.f32 v33, v28  }
0x6f: {  	s23 =	simm.s32 $0x2000;
	v28 =	vadd.f32 v33, v20;
	v17 =	vmul.f32 $1.442695020e+00, v27;
	v27 =	vsub.f32 v10, v3  }
.LBB2_5:
0x70: {  	v29 =	vmul.f32 $1.442695020e+00, v29;
	v22 =	vadd.f32 v30, v22;
	v30 =	vpop (erf)  }
0x71: {  	s24 =	sshra.s32 s23, $0x2;
	p1 =	sne.s32 s23, $0x1F000;
	s23 =	sadd.s32 $0x1000, s23;
	v32 =	vmul.f32 $1.442695020e+00, v32;
	v33 =	vmovc v11;
	v34 =	vmovc v13;
	v35 =	vmov v16;
	v36 =	vmov v15  }
0x72: {  	v27 =	vmul.f32 $1.442695020e+00, v27;
	v37 =	vld.idx.msk [tilespmem:v2+s24+$0x180 ss:$0x1], $0xffff;
	v11 =	vmul.f32 $1.442695020e+00, v31;
	v15 =	vadd.f32 v23, v28;
	v16 =	vpop (erf)  }
0x73: {  	v13 =	vadd.f32 v30, v25;
	v19 =	vmul.f32 v30, v19;
	v23 =	vld.idx.msk [tilespmem:v2+s24+$0x100 ss:$0x1], $0xffff;
	(erf) = vpow2.f32 v32;
	v25 =	vpop (erf)  }
0x74: {  	v20 =	vadd.f32 v26, v20;
	v12 =	vmul.f32 v16, v12;
	v28 =	vld.idx.msk [tilespmem:v2+s24+$0x0 ss:$0x1], $0xffff;
	(erf) = vpow2.f32 v11;
	v26 =	vpop (erf)  }
0x75: {  	v19 =	vadd.f32 v19, v22;
	v31 =	vld.idx.msk [tilespmem:v2+s24+$0x80 ss:$0x1], $0xffff;
	(erf) = vpow2.f32 v29;
	v22 =	vadd.f32 v26, v13;
	v29 =	vpop (erf)  }
0x76: {  	v30 =	vmul.f32 $1.442695020e+00, v18;
	v18 =	vadd.f32 v24, v20;
	v20 =	vmul.f32 v26, v7;
	v7 =	vmovc v8;
	v11 =	vld.idx.msk [tilespmem:v2+s24+$0xFFFFFF00 ss:$0x1], $0xffff  }
0x77: {  	v32 =	vmul.f32 v25, v6;
	v8 =	vadd.f32 v16, v15;
	v24 =	vmul.f32 v29, v9;
	v13 =	vld.idx.msk [tilespmem:v2+s24+$0xFFFFFE80 ss:$0x1], $0xffff  }
0x78: {  	v6 =	vmovc v4;
	v38 =	vadd.f32 v12, v18;
	v26 =	vadd.f32 v29, v22;
	v16 =	vld.idx.msk [tilespmem:v2+s24+$0xFFFFFE00 ss:$0x1], $0xffff;
	(erf) = vpow2.f32 v21  }
0x79: {  	v18 =	vsub.f32 v37, v3;
	v4 =	vmovc v37;
	v21 =	vsub.f32 v23, v3;
	v15 =	vld.idx.msk [tilespmem:v2+s24+$0xFFFFFF80 ss:$0x1], $0xffff;
	(erf) = vpow2.f32 v27  }
0x7a: {  	v9 =	vmovc v5;
	v29 =	vadd.f32 v20, v19;
	v20 =	vadd.f32 v32, v38;
	v5 =	vmovc v23;
	(erf) = vpow2.f32 v30  }
0x7b: {  	v37 =	vadd.f32 v25, v8;
	v12 =	vmovc v10;
	v27 =	vsub.f32 v28, v3;
	v8 =	vmovc v28;
	(erf) = vpow2.f32 v17  }
.Ltmp1:
0x7c: {  	v22 =	vadd.f32 v24, v29;
	v28 =	vsub.f32 v11, v3;
	v23 =	vpop (erf);
	(erf) = vpow2.f32 v14;
	(pc) =	sbr.rel @p1 .LBB2_5-.Ltmp1, $4  }
0x7d: {  	v17 =	vmul.f32 $1.442695020e+00, v27;
	v27 =	vsub.f32 v31, v3;
	v14 =	vmul.f32 $1.442695020e+00, v21;
	v19 =	vpop (erf)  }
0x7e: {  	v29 =	vsub.f32 v13, v3;
	v21 =	vmul.f32 $1.442695020e+00, v28;
	v25 =	vadd.f32 v19, v26;
	v24 =	vpop (erf)  }
0x7f: {  	v10 =	vmovc v31;
	v32 =	vsub.f32 v15, v3;
	v30 =	vmul.f32 v19, v35;
	v26 =	vmul.f32 v24, v34  }
0x80: {  	v31 =	vsub.f32 v16, v3;
	v19 =	vmovc v33;
	v28 =	vadd.f32 v24, v37;
	v24 =	vmul.f32 v23, v36  }
0x81: {  	v2 =	vmul.f32 $1.442695020e+00, v32  }
0x82: {  	v31 =	vmul.f32 $1.442695020e+00, v31  }
0x83: {  	v29 =	vmul.f32 $1.442695020e+00, v29;
	(erf) = vpow2.f32 v2  }
0x84: {  	v18 =	vmul.f32 $1.442695020e+00, v18;
	(erf) = vpow2.f32 v31  }
0x85: {  	v2 =	vmul.f32 $1.442695020e+00, v27;
	(erf) = vpow2.f32 v29  }
0x86: {  	v55 =	vadd.f32 v30, v22;
	v56 =	vpop (erf);
	v20 =	vadd.f32 v26, v20;
	(erf) = vpow2.f32 v21  }
0x87: {  	v57 =	vpop (erf);
	v58 =	vadd.f32 v56, v25;
	v19 =	vmul.f32 v56, v19;
	(erf) = vpow2.f32 v2  }
0x88: {  	v59 =	vpop (erf);
	v12 =	vmul.f32 v57, v12;
	v20 =	vadd.f32 v24, v20;
	(erf) = vpow2.f32 v18  }
0x89: {  	v60 =	vpop (erf);
	v19 =	vadd.f32 v19, v55;
	v2 =	vadd.f32 v23, v28;
	(erf) = vpow2.f32 v17  }
0x8a: {  	v7 =	vmul.f32 v60, v7;
	v12 =	vadd.f32 v12, v20;
	v18 =	vadd.f32 v60, v58  }
0x8b: {  	v6 =	vmul.f32 v59, v6;
	v2 =	vadd.f32 v57, v2;
	(erf) = vpow2.f32 v14;
	v14 =	vpop (erf)  }
0x8c: {  	v7 =	vadd.f32 v7, v19;
	v9 =	vmul.f32 v14, v9;
	v14 =	vadd.f32 v14, v18;
	v61 =	vpop (erf)  }
0x8d: {  	v6 =	vadd.f32 v6, v12;
	v2 =	vadd.f32 v59, v2;
	v62 =	vpop (erf)  }
0x8e: {  	v7 =	vadd.f32 v9, v7;
	v12 =	vpop (erf);
	v9 =	vmul.f32 v62, v16;
	v14 =	vadd.f32 v62, v14  }
0x8f: {  	v13 =	vmul.f32 v12, v13;
	v63 =	vpop (erf);
	v2 =	vadd.f32 v12, v2  }
0x90: {  	v12 =	vmul.f32 v61, v15;
	v15 =	vpop (erf);
	v7 =	vadd.f32 v9, v7;
	v9 =	vmul.f32 v63, v11  }
0x91: {  	v11 =	vpop (erf);
	v6 =	vadd.f32 v13, v6  }
0x92: {  	v2 =	vadd.f32 v61, v2;
	v13 =	vadd.f32 v63, v14;
	v10 =	vmul.f32 v15, v10;
	v14 =	vpop (erf)  }
0x93: {  	v7 =	vadd.f32 v9, v7;
	v6 =	vadd.f32 v12, v6;
	v8 =	vmul.f32 v14, v8  }
0x94: {  	v4 =	vmul.f32 v11, v4;
	v12 =	vadd.f32 v14, v13;
	v2 =	vadd.f32 v15, v2;
	v9 =	vpop (erf)  }
0x95: {  	v5 =	vmul.f32 v9, v5;
	v6 =	vadd.f32 v10, v6;
	v7 =	vadd.f32 v8, v7  }
0x96: {  	v8 =	vadd.f32 v9, v12;
	v9 =	vadd.f32 v11, v2  }
0x97: {  	v2 =	vmov s22;
	v4 =	vadd.f32 v4, v6;
	v5 =	vadd.f32 v5, v7  }
0x98: {  	v6 =	vadd.f32 v9, v8  }
0x99: {  	[tilespmem:$0x10000] =	vst v3;
	v3 =	vadd.f32 v4, v5  }
0x9a: {  	[tilespmem:$0x10400] =	vst v6  }
0x9b: {  	s23 =	simm.s32 $0x0;
	[tilespmem:$0x10800] =	vst v3  }
0x9c: {  	v3 =	vld.idx.msk [tilespmem:v2+s23+$0x100 ss:$0x1], $0xffff  }
0x9d: {  	v9 =	vld.idx.msk [tilespmem:v2+s23+$0x0 ss:$0x1], $0xffff  }
0x9e: {  	v11 =	vld.idx.msk [tilespmem:v2+s23+$0xFFFFFF00 ss:$0x1], $0xffff  }
0x9f: {  	v10 =	vld.idx.msk [tilespmem:v2+s23+$0xFFFFFE00 ss:$0x1], $0xffff  }
0xa0: {  	v12 =	vld.idx.msk [tilespmem:v2+s23+$0xFFFFFE80 ss:$0x1], $0xffff  }
0xa1: {  	v13 =	vld.idx.msk [tilespmem:v2+s23+$0xFFFFFF80 ss:$0x1], $0xffff  }
0xa2: {  	v8 =	vld.idx.msk [tilespmem:v2+s23+$0x80 ss:$0x1], $0xffff  }
0xa3: {  	s22 =	simm.s32 $0x400;
	v7 =	vld.idx.msk [tilespmem:v2+s23+$0x180 ss:$0x1], $0xffff  }
0xa4: {  	v4 =	vld.idx.msk [tilespmem:v2+s22+$0x100 ss:$0x1], $0xffff  }
0xa5: {  	v14 =	vimm.f32 $-Inf;
	v5 =	vld.idx.msk [tilespmem:v2+s22+$0x0 ss:$0x1], $0xffff  }
0xa6: {  	v6 =	vld.idx.msk [tilespmem:v2+s22+$0xFFFFFF00 ss:$0x1], $0xffff;
	v15 =	vmax.f32 v14, v10;
	v12 =	vmax.f32 v14, v12  }
0xa7: {  	s23 =	simm.s32 $0x2000;
	v10 =	vld.idx.msk [tilespmem:v2+s22+$0xFFFFFE00 ss:$0x1], $0xffff;
	v11 =	vmax.f32 v15, v11;
	v12 =	vmax.f32 v12, v13  }
.LBB2_7:
0xa8: {  	p1 =	sne.s32 s23, $0x1F000;
	v13 =	vld.idx.msk [tilespmem:v2+s22+$0xFFFFFE80 ss:$0x1], $0xffff;
	v9 =	vmax.f32 v11, v9;
	v8 =	vmax.f32 v12, v8  }
0xa9: {  	v12 =	vld.idx.msk [tilespmem:v2+s22+$0xFFFFFF80 ss:$0x1], $0xffff;
	v11 =	vmax.f32 v9, v3;
	v14 =	vmax.f32 v8, v7  }
0xaa: {  	v3 =	vmov v4;
	v8 =	vld.idx.msk [tilespmem:v2+s22+$0x80 ss:$0x1], $0xffff  }
.Ltmp2:
0xab: {  	v7 =	vld.idx.msk [tilespmem:v2+s22+$0x180 ss:$0x1], $0xffff;
	s22 =	sshra.s32 s23, $0x2;
	v9 =	vmov v5;
	(pc) =	sbr.rel @p1 .LBB2_7-.Ltmp2, $4  }
0xac: {  	v15 =	vmov v6;
	v4 =	vld.idx.msk [tilespmem:v2+s22+$0x100 ss:$0x1], $0xffff  }
0xad: {  	v5 =	vld.idx.msk [tilespmem:v2+s22+$0x0 ss:$0x1], $0xffff  }
0xae: {  	v11 =	vmax.f32 v11, v10;
	v13 =	vmax.f32 v14, v13;
	v6 =	vld.idx.msk [tilespmem:v2+s22+$0xFFFFFF00 ss:$0x1], $0xffff  }
0xaf: {  	s23 =	sadd.s32 $0x1000, s23;
	v11 =	vmax.f32 v11, v15;
	v12 =	vmax.f32 v13, v12;
	v10 =	vld.idx.msk [tilespmem:v2+s22+$0xFFFFFE00 ss:$0x1], $0xffff  }
0xb0: {  	_ =	sdelay $0x3  }
0xb1: {  	v13 =	vld.idx.msk [tilespmem:v2+s22+$0xFFFFFE80 ss:$0x1], $0xffff  }
0xb2: {  	v14 =	vld.idx.msk [tilespmem:v2+s22+$0xFFFFFF80 ss:$0x1], $0xffff  }
0xb3: {  	v15 =	vld.idx.msk [tilespmem:v2+s22+$0x80 ss:$0x1], $0xffff  }
0xb4: {  	v9 =	vmax.f32 v11, v9;
	v8 =	vmax.f32 v12, v8;
	v11 =	vld.idx.msk [tilespmem:v2+s22+$0x180 ss:$0x1], $0xffff  }
0xb5: {  	v3 =	vmax.f32 v9, v3;
	v7 =	vmax.f32 v8, v7  }
0xb6: {  	v8 =	vld [tilespmem:$0x10080];
	v3 =	vmax.f32 v3, v10;
	v7 =	vmax.f32 v7, v13  }
0xb7: {  	v3 =	vmax.f32 v3, v6;
	v6 =	vmax.f32 v7, v14  }
0xb8: {  	v3 =	vmax.f32 v3, v5;
	v5 =	vmax.f32 v6, v15  }
0xb9: {  	v3 =	vmax.f32 v3, v4;
	v4 =	vmax.f32 v5, v11  }
0xba: {  	v3 =	vmax.f32 v3, v4  }
0xbb: {  	s30 =	simm.s32 $0x0;
	v3 =	vmax.f32 v8, v3  }
0xbc: {  	v24 =	vld.idx.msk [tilespmem:v2+s30+$0xFFFFFF80 ss:$0x1], $0xffff;
	v4 =	vsub.f32 v8, v3  }
0xbd: {  	v26 =	vld.idx.msk [tilespmem:v2+s30+$0xFFFFFE00 ss:$0x1], $0xffff  }
0xbe: {  	v28 =	vld.idx.msk [tilespmem:v2+s30+$0xFFFFFE80 ss:$0x1], $0xffff;
	v4 =	vmul.f32 $1.442695020e+00, v4  }
0xbf: {  	v19 =	vld.idx.msk [tilespmem:v2+s30+$0xFFFFFF00 ss:$0x1], $0xffff  }
0xc0: {  	v12 =	vld.idx.msk [tilespmem:v2+s30+$0x80 ss:$0x1], $0xffff;
	(erf) = vpow2.f32 v4  }
0xc1: {  	v9 =	vld.idx.msk [tilespmem:v2+s30+$0x100 ss:$0x1], $0xffff;
	v4 =	vsub.f32 v24, v3  }
0xc2: {  	v6 =	vld.idx.msk [tilespmem:v2+s30+$0x180 ss:$0x1], $0xffff;
	v5 =	vsub.f32 v26, v3  }
0xc3: {  	v10 =	vld [tilespmem:$0x10880];
	v11 =	vsub.f32 v28, v3;
	v4 =	vmul.f32 $1.442695020e+00, v4  }
0xc4: {  	v7 =	vld.idx.msk [tilespmem:v2+s30+$0x0 ss:$0x1], $0xffff;
	v13 =	vsub.f32 v19, v3;
	v5 =	vmul.f32 $1.442695020e+00, v5  }
0xc5: {  	s31 =	simm.s32 $0x400;
	v8 =	vld [tilespmem:$0x10480];
	v15 =	vsub.f32 v12, v3;
	v11 =	vmul.f32 $1.442695020e+00, v11;
	(erf) = vpow2.f32 v4  }
0xc6: {  	v13 =	vmul.f32 $1.442695020e+00, v13;
	v4 =	vld.idx.msk [tilespmem:v2+s31+$0x180 ss:$0x1], $0xffff;
	(erf) = vpow2.f32 v5  }
0xc7: {  	v16 =	vsub.f32 v6, v3;
	v15 =	vmul.f32 $1.442695020e+00, v15;
	v5 =	vld.idx.msk [tilespmem:v2+s31+$0x100 ss:$0x1], $0xffff;
	(erf) = vpow2.f32 v11  }
0xc8: {  	v11 =	vld.idx.msk [tilespmem:v2+s31+$0xFFFFFF00 ss:$0x1], $0xffff;
	(erf) = vpow2.f32 v13  }
0xc9: {  	v16 =	vmul.f32 $1.442695020e+00, v16;
	v13 =	vld.idx.msk [tilespmem:v2+s31+$0xFFFFFE80 ss:$0x1], $0xffff;
	(erf) = vpow2.f32 v15;
	v14 =	vpop (erf)  }
0xca: {  	v15 =	vld.idx.msk [tilespmem:v2+s31+$0xFFFFFF80 ss:$0x1], $0xffff;
	v25 =	vmul.f32 v14, v8;
	v22 =	vmul.f32 v14, v10;
	v14 =	vsub.f32 v7, v3  }
0xcb: {  	v20 =	vimm.f32 $0.0e+00;
	v17 =	vsub.f32 v9, v3;
	v8 =	vld.idx.msk [tilespmem:v2+s31+$0x0 ss:$0x1], $0xffff  }
0xcc: {  	(erf) = vpow2.f32 v16;
	v16 =	vld.idx.msk [tilespmem:v2+s31+$0xFFFFFE00 ss:$0x1], $0xffff;
	v21 =	vsub.f32 v5, v3;
	v14 =	vmul.f32 $1.442695020e+00, v14  }
0xcd: {  	v17 =	vmul.f32 $1.442695020e+00, v17;
	v18 =	vsub.f32 v4, v3;
	v10 =	vld.idx.msk [tilespmem:v2+s31+$0x80 ss:$0x1], $0xffff;
	v30 =	vsub.f32 v11, v3  }
0xce: {  	v29 =	vsub.f32 v13, v3;
	v23 =	vpop (erf);
	(erf) = vpow2.f32 v14;
	v14 =	vmul.f32 $1.442695020e+00, v21  }
0xcf: {  	v32 =	vsub.f32 v15, v3;
	v31 =	vpop (erf);
	v21 =	vmul.f32 $1.442695020e+00, v30;
	(erf) = vpow2.f32 v17  }
0xd0: {  	v24 =	vmul.f32 v23, v24;
	v27 =	vsub.f32 v8, v3;
	v25 =	vadd.f32 v31, v25;
	v33 =	vpop (erf)  }
0xd1: {  	v30 =	vmul.f32 v31, v26;
	v31 =	vsub.f32 v16, v3;
	v26 =	vmul.f32 v33, v28  }
0xd2: {  	s22 =	simm.s32 $0x2000;
	v28 =	vadd.f32 v33, v20;
	v17 =	vmul.f32 $1.442695020e+00, v27;
	v27 =	vsub.f32 v10, v3  }
.LBB2_9:
0xd3: {  	v29 =	vmul.f32 $1.442695020e+00, v29;
	v22 =	vadd.f32 v30, v22;
	v30 =	vpop (erf)  }
0xd4: {  	s23 =	sshra.s32 s22, $0x2;
	p1 =	sne.s32 s22, $0x1F000;
	s22 =	sadd.s32 $0x1000, s22;
	v32 =	vmul.f32 $1.442695020e+00, v32;
	v33 =	vmovc v11;
	v34 =	vmovc v13;
	v35 =	vmov v16;
	v36 =	vmov v15  }
0xd5: {  	v27 =	vmul.f32 $1.442695020e+00, v27;
	v37 =	vld.idx.msk [tilespmem:v2+s23+$0x180 ss:$0x1], $0xffff;
	v11 =	vmul.f32 $1.442695020e+00, v31;
	v15 =	vadd.f32 v23, v28;
	v16 =	vpop (erf)  }
0xd6: {  	v13 =	vadd.f32 v30, v25;
	v19 =	vmul.f32 v30, v19;
	v23 =	vld.idx.msk [tilespmem:v2+s23+$0x100 ss:$0x1], $0xffff;
	(erf) = vpow2.f32 v32;
	v25 =	vpop (erf)  }
0xd7: {  	v20 =	vadd.f32 v26, v20;
	v12 =	vmul.f32 v16, v12;
	v28 =	vld.idx.msk [tilespmem:v2+s23+$0x0 ss:$0x1], $0xffff;
	(erf) = vpow2.f32 v11;
	v26 =	vpop (erf)  }
0xd8: {  	v19 =	vadd.f32 v19, v22;
	v31 =	vld.idx.msk [tilespmem:v2+s23+$0x80 ss:$0x1], $0xffff;
	(erf) = vpow2.f32 v29;
	v22 =	vadd.f32 v26, v13;
	v29 =	vpop (erf)  }
0xd9: {  	v30 =	vmul.f32 $1.442695020e+00, v18;
	v18 =	vadd.f32 v24, v20;
	v20 =	vmul.f32 v26, v7;
	v7 =	vmovc v8;
	v11 =	vld.idx.msk [tilespmem:v2+s23+$0xFFFFFF00 ss:$0x1], $0xffff  }
0xda: {  	v32 =	vmul.f32 v25, v6;
	v8 =	vadd.f32 v16, v15;
	v24 =	vmul.f32 v29, v9;
	v13 =	vld.idx.msk [tilespmem:v2+s23+$0xFFFFFE80 ss:$0x1], $0xffff  }
0xdb: {  	v6 =	vmovc v4;
	v38 =	vadd.f32 v12, v18;
	v26 =	vadd.f32 v29, v22;
	v16 =	vld.idx.msk [tilespmem:v2+s23+$0xFFFFFE00 ss:$0x1], $0xffff;
	(erf) = vpow2.f32 v21  }
0xdc: {  	v18 =	vsub.f32 v37, v3;
	v4 =	vmovc v37;
	v21 =	vsub.f32 v23, v3;
	v15 =	vld.idx.msk [tilespmem:v2+s23+$0xFFFFFF80 ss:$0x1], $0xffff;
	(erf) = vpow2.f32 v27  }
0xdd: {  	v9 =	vmovc v5;
	v29 =	vadd.f32 v20, v19;
	v20 =	vadd.f32 v32, v38;
	v5 =	vmovc v23;
	(erf) = vpow2.f32 v30  }
0xde: {  	v37 =	vadd.f32 v25, v8;
	v12 =	vmovc v10;
	v27 =	vsub.f32 v28, v3;
	v8 =	vmovc v28;
	(erf) = vpow2.f32 v17  }
.Ltmp3:
0xdf: {  	v22 =	vadd.f32 v24, v29;
	v28 =	vsub.f32 v11, v3;
	v23 =	vpop (erf);
	(erf) = vpow2.f32 v14;
	(pc) =	sbr.rel @p1 .LBB2_9-.Ltmp3, $4  }
0xe0: {  	v17 =	vmul.f32 $1.442695020e+00, v27;
	v27 =	vsub.f32 v31, v3;
	v14 =	vmul.f32 $1.442695020e+00, v21;
	v19 =	vpop (erf)  }
0xe1: {  	v29 =	vsub.f32 v13, v3;
	v21 =	vmul.f32 $1.442695020e+00, v28;
	v25 =	vadd.f32 v19, v26;
	v24 =	vpop (erf)  }
0xe2: {  	v10 =	vmovc v31;
	v32 =	vsub.f32 v15, v3;
	v30 =	vmul.f32 v19, v35;
	v26 =	vmul.f32 v24, v34  }
0xe3: {  	v31 =	vsub.f32 v16, v3;
	v19 =	vmovc v33;
	v28 =	vadd.f32 v24, v37;
	v24 =	vmul.f32 v23, v36  }
0xe4: {  	v2 =	vmul.f32 $1.442695020e+00, v32  }
0xe5: {  	v31 =	vmul.f32 $1.442695020e+00, v31  }
0xe6: {  	v29 =	vmul.f32 $1.442695020e+00, v29;
	(erf) = vpow2.f32 v2  }
0xe7: {  	v18 =	vmul.f32 $1.442695020e+00, v18;
	(erf) = vpow2.f32 v31  }
0xe8: {  	v2 =	vmul.f32 $1.442695020e+00, v27;
	(erf) = vpow2.f32 v29  }
0xe9: {  	v55 =	vadd.f32 v30, v22;
	v56 =	vpop (erf);
	v20 =	vadd.f32 v26, v20;
	(erf) = vpow2.f32 v21  }
0xea: {  	v57 =	vpop (erf);
	v58 =	vadd.f32 v56, v25;
	v19 =	vmul.f32 v56, v19;
	(erf) = vpow2.f32 v2  }
0xeb: {  	v59 =	vpop (erf);
	v12 =	vmul.f32 v57, v12;
	v20 =	vadd.f32 v24, v20;
	(erf) = vpow2.f32 v18  }
0xec: {  	v60 =	vpop (erf);
	v19 =	vadd.f32 v19, v55;
	v2 =	vadd.f32 v23, v28;
	(erf) = vpow2.f32 v17  }
0xed: {  	v7 =	vmul.f32 v60, v7;
	v12 =	vadd.f32 v12, v20;
	v18 =	vadd.f32 v60, v58  }
0xee: {  	v6 =	vmul.f32 v59, v6;
	v2 =	vadd.f32 v57, v2;
	(erf) = vpow2.f32 v14;
	v14 =	vpop (erf)  }
0xef: {  	v7 =	vadd.f32 v7, v19;
	v9 =	vmul.f32 v14, v9;
	v14 =	vadd.f32 v14, v18;
	v61 =	vpop (erf)  }
0xf0: {  	v6 =	vadd.f32 v6, v12;
	v2 =	vadd.f32 v59, v2;
	v62 =	vpop (erf)  }
0xf1: {  	v7 =	vadd.f32 v9, v7;
	v12 =	vpop (erf);
	v9 =	vmul.f32 v62, v16;
	v14 =	vadd.f32 v62, v14  }
0xf2: {  	v13 =	vmul.f32 v12, v13;
	v63 =	vpop (erf);
	v2 =	vadd.f32 v12, v2  }
0xf3: {  	v12 =	vmul.f32 v61, v15;
	v15 =	vpop (erf);
	v7 =	vadd.f32 v9, v7;
	v9 =	vmul.f32 v63, v11  }
0xf4: {  	v11 =	vpop (erf);
	v6 =	vadd.f32 v13, v6  }
0xf5: {  	v2 =	vadd.f32 v61, v2;
	v13 =	vadd.f32 v63, v14;
	v10 =	vmul.f32 v15, v10;
	v14 =	vpop (erf)  }
0xf6: {  	v7 =	vadd.f32 v9, v7;
	v6 =	vadd.f32 v12, v6;
	v8 =	vmul.f32 v14, v8  }
0xf7: {  	v4 =	vmul.f32 v11, v4;
	v12 =	vadd.f32 v14, v13;
	v2 =	vadd.f32 v15, v2;
	v9 =	vpop (erf)  }
0xf8: {  	v5 =	vmul.f32 v9, v5;
	v6 =	vadd.f32 v10, v6;
	v7 =	vadd.f32 v8, v7  }
0xf9: {  	v8 =	vadd.f32 v9, v12;
	v9 =	vadd.f32 v11, v2  }
0xfa: {  	v2 =	vmov s21;
	v4 =	vadd.f32 v4, v6;
	v5 =	vadd.f32 v5, v7  }
0xfb: {  	v6 =	vadd.f32 v9, v8  }
0xfc: {  	[tilespmem:$0x10080] =	vst v3;
	v3 =	vadd.f32 v4, v5  }
0xfd: {  	[tilespmem:$0x10480] =	vst v6  }
0xfe: {  	s22 =	simm.s32 $0x0;
	[tilespmem:$0x10880] =	vst v3  }
0xff: {  	v3 =	vld.idx.msk [tilespmem:v2+s22+$0x100 ss:$0x1], $0xffff  }
0x100: {  	v9 =	vld.idx.msk [tilespmem:v2+s22+$0x0 ss:$0x1], $0xffff  }
0x101: {  	v11 =	vld.idx.msk [tilespmem:v2+s22+$0xFFFFFF00 ss:$0x1], $0xffff  }
0x102: {  	v10 =	vld.idx.msk [tilespmem:v2+s22+$0xFFFFFE00 ss:$0x1], $0xffff  }
0x103: {  	v12 =	vld.idx.msk [tilespmem:v2+s22+$0xFFFFFE80 ss:$0x1], $0xffff  }
0x104: {  	v13 =	vld.idx.msk [tilespmem:v2+s22+$0xFFFFFF80 ss:$0x1], $0xffff  }
0x105: {  	v8 =	vld.idx.msk [tilespmem:v2+s22+$0x80 ss:$0x1], $0xffff  }
0x106: {  	s21 =	simm.s32 $0x400;
	v7 =	vld.idx.msk [tilespmem:v2+s22+$0x180 ss:$0x1], $0xffff  }
0x107: {  	v4 =	vld.idx.msk [tilespmem:v2+s21+$0x100 ss:$0x1], $0xffff  }
0x108: {  	v14 =	vimm.f32 $-Inf;
	v5 =	vld.idx.msk [tilespmem:v2+s21+$0x0 ss:$0x1], $0xffff  }
0x109: {  	v6 =	vld.idx.msk [tilespmem:v2+s21+$0xFFFFFF00 ss:$0x1], $0xffff;
	v15 =	vmax.f32 v14, v10;
	v12 =	vmax.f32 v14, v12  }
0x10a: {  	s22 =	simm.s32 $0x2000;
	v10 =	vld.idx.msk [tilespmem:v2+s21+$0xFFFFFE00 ss:$0x1], $0xffff;
	v11 =	vmax.f32 v15, v11;
	v12 =	vmax.f32 v12, v13  }
.LBB2_11:
0x10b: {  	p1 =	sne.s32 s22, $0x1F000;
	v13 =	vld.idx.msk [tilespmem:v2+s21+$0xFFFFFE80 ss:$0x1], $0xffff;
	v9 =	vmax.f32 v11, v9;
	v8 =	vmax.f32 v12, v8  }
0x10c: {  	v12 =	vld.idx.msk [tilespmem:v2+s21+$0xFFFFFF80 ss:$0x1], $0xffff;
	v11 =	vmax.f32 v9, v3;
	v14 =	vmax.f32 v8, v7  }
0x10d: {  	v3 =	vmov v4;
	v8 =	vld.idx.msk [tilespmem:v2+s21+$0x80 ss:$0x1], $0xffff  }
.Ltmp4:
0x10e: {  	v7 =	vld.idx.msk [tilespmem:v2+s21+$0x180 ss:$0x1], $0xffff;
	s21 =	sshra.s32 s22, $0x2;
	v9 =	vmov v5;
	(pc) =	sbr.rel @p1 .LBB2_11-.Ltmp4, $4  }
0x10f: {  	v15 =	vmov v6;
	v4 =	vld.idx.msk [tilespmem:v2+s21+$0x100 ss:$0x1], $0xffff  }
0x110: {  	v5 =	vld.idx.msk [tilespmem:v2+s21+$0x0 ss:$0x1], $0xffff  }
0x111: {  	v11 =	vmax.f32 v11, v10;
	v13 =	vmax.f32 v14, v13;
	v6 =	vld.idx.msk [tilespmem:v2+s21+$0xFFFFFF00 ss:$0x1], $0xffff  }
0x112: {  	s22 =	sadd.s32 $0x1000, s22;
	v11 =	vmax.f32 v11, v15;
	v12 =	vmax.f32 v13, v12;
	v10 =	vld.idx.msk [tilespmem:v2+s21+$0xFFFFFE00 ss:$0x1], $0xffff  }
0x113: {  	_ =	sdelay $0x3  }
0x114: {  	v13 =	vld.idx.msk [tilespmem:v2+s21+$0xFFFFFE80 ss:$0x1], $0xffff  }
0x115: {  	v14 =	vld.idx.msk [tilespmem:v2+s21+$0xFFFFFF80 ss:$0x1], $0xffff  }
0x116: {  	v15 =	vld.idx.msk [tilespmem:v2+s21+$0x80 ss:$0x1], $0xffff  }
0x117: {  	v9 =	vmax.f32 v11, v9;
	v8 =	vmax.f32 v12, v8;
	v11 =	vld.idx.msk [tilespmem:v2+s21+$0x180 ss:$0x1], $0xffff  }
0x118: {  	v3 =	vmax.f32 v9, v3;
	v7 =	vmax.f32 v8, v7  }
0x119: {  	v8 =	vld [tilespmem:$0x10100];
	v3 =	vmax.f32 v3, v10;
	v7 =	vmax.f32 v7, v13  }
0x11a: {  	v3 =	vmax.f32 v3, v6;
	v6 =	vmax.f32 v7, v14  }
0x11b: {  	v3 =	vmax.f32 v3, v5;
	v5 =	vmax.f32 v6, v15  }
0x11c: {  	v3 =	vmax.f32 v3, v4;
	v4 =	vmax.f32 v5, v11  }
0x11d: {  	v3 =	vmax.f32 v3, v4  }
0x11e: {  	s30 =	simm.s32 $0x0;
	v3 =	vmax.f32 v8, v3  }
0x11f: {  	v24 =	vld.idx.msk [tilespmem:v2+s30+$0xFFFFFF80 ss:$0x1], $0xffff;
	v4 =	vsub.f32 v8, v3  }
0x120: {  	v26 =	vld.idx.msk [tilespmem:v2+s30+$0xFFFFFE00 ss:$0x1], $0xffff  }
0x121: {  	v28 =	vld.idx.msk [tilespmem:v2+s30+$0xFFFFFE80 ss:$0x1], $0xffff;
	v4 =	vmul.f32 $1.442695020e+00, v4  }
0x122: {  	v19 =	vld.idx.msk [tilespmem:v2+s30+$0xFFFFFF00 ss:$0x1], $0xffff  }
0x123: {  	v12 =	vld.idx.msk [tilespmem:v2+s30+$0x80 ss:$0x1], $0xffff;
	(erf) = vpow2.f32 v4  }
0x124: {  	v9 =	vld.idx.msk [tilespmem:v2+s30+$0x100 ss:$0x1], $0xffff;
	v4 =	vsub.f32 v24, v3  }
0x125: {  	v6 =	vld.idx.msk [tilespmem:v2+s30+$0x180 ss:$0x1], $0xffff;
	v5 =	vsub.f32 v26, v3  }
0x126: {  	v10 =	vld [tilespmem:$0x10900];
	v11 =	vsub.f32 v28, v3;
	v4 =	vmul.f32 $1.442695020e+00, v4  }
0x127: {  	v7 =	vld.idx.msk [tilespmem:v2+s30+$0x0 ss:$0x1], $0xffff;
	v13 =	vsub.f32 v19, v3;
	v5 =	vmul.f32 $1.442695020e+00, v5  }
0x128: {  	s31 =	simm.s32 $0x400;
	v8 =	vld [tilespmem:$0x10500];
	v15 =	vsub.f32 v12, v3;
	v11 =	vmul.f32 $1.442695020e+00, v11;
	(erf) = vpow2.f32 v4  }
0x129: {  	v13 =	vmul.f32 $1.442695020e+00, v13;
	v4 =	vld.idx.msk [tilespmem:v2+s31+$0x180 ss:$0x1], $0xffff;
	(erf) = vpow2.f32 v5  }
0x12a: {  	v16 =	vsub.f32 v6, v3;
	v15 =	vmul.f32 $1.442695020e+00, v15;
	v5 =	vld.idx.msk [tilespmem:v2+s31+$0x100 ss:$0x1], $0xffff;
	(erf) = vpow2.f32 v11  }
0x12b: {  	v11 =	vld.idx.msk [tilespmem:v2+s31+$0xFFFFFF00 ss:$0x1], $0xffff;
	(erf) = vpow2.f32 v13  }
0x12c: {  	v16 =	vmul.f32 $1.442695020e+00, v16;
	v13 =	vld.idx.msk [tilespmem:v2+s31+$0xFFFFFE80 ss:$0x1], $0xffff;
	(erf) = vpow2.f32 v15;
	v14 =	vpop (erf)  }
0x12d: {  	v15 =	vld.idx.msk [tilespmem:v2+s31+$0xFFFFFF80 ss:$0x1], $0xffff;
	v25 =	vmul.f32 v14, v8;
	v22 =	vmul.f32 v14, v10;
	v14 =	vsub.f32 v7, v3  }
0x12e: {  	v20 =	vimm.f32 $0.0e+00;
	v17 =	vsub.f32 v9, v3;
	v8 =	vld.idx.msk [tilespmem:v2+s31+$0x0 ss:$0x1], $0xffff  }
0x12f: {  	(erf) = vpow2.f32 v16;
	v16 =	vld.idx.msk [tilespmem:v2+s31+$0xFFFFFE00 ss:$0x1], $0xffff;
	v21 =	vsub.f32 v5, v3;
	v14 =	vmul.f32 $1.442695020e+00, v14  }
0x130: {  	v17 =	vmul.f32 $1.442695020e+00, v17;
	v18 =	vsub.f32 v4, v3;
	v10 =	vld.idx.msk [tilespmem:v2+s31+$0x80 ss:$0x1], $0xffff;
	v30 =	vsub.f32 v11, v3  }
0x131: {  	v29 =	vsub.f32 v13, v3;
	v23 =	vpop (erf);
	(erf) = vpow2.f32 v14;
	v14 =	vmul.f32 $1.442695020e+00, v21  }
0x132: {  	v32 =	vsub.f32 v15, v3;
	v31 =	vpop (erf);
	v21 =	vmul.f32 $1.442695020e+00, v30;
	(erf) = vpow2.f32 v17  }
0x133: {  	v24 =	vmul.f32 v23, v24;
	v27 =	vsub.f32 v8, v3;
	v25 =	vadd.f32 v31, v25;
	v33 =	vpop (erf)  }
0x134: {  	v30 =	vmul.f32 v31, v26;
	v31 =	vsub.f32 v16, v3;
	v26 =	vmul.f32 v33, v28  }
0x135: {  	s21 =	simm.s32 $0x2000;
	v28 =	vadd.f32 v33, v20;
	v17 =	vmul.f32 $1.442695020e+00, v27;
	v27 =	vsub.f32 v10, v3  }
.LBB2_13:
0x136: {  	v29 =	vmul.f32 $1.442695020e+00, v29;
	v22 =	vadd.f32 v30, v22;
	v30 =	vpop (erf)  }
0x137: {  	s22 =	sshra.s32 s21, $0x2;
	p1 =	sne.s32 s21, $0x1F000;
	s21 =	sadd.s32 $0x1000, s21;
	v32 =	vmul.f32 $1.442695020e+00, v32;
	v33 =	vmovc v11;
	v34 =	vmovc v13;
	v35 =	vmov v16;
	v36 =	vmov v15  }
0x138: {  	v27 =	vmul.f32 $1.442695020e+00, v27;
	v37 =	vld.idx.msk [tilespmem:v2+s22+$0x180 ss:$0x1], $0xffff;
	v11 =	vmul.f32 $1.442695020e+00, v31;
	v15 =	vadd.f32 v23, v28;
	v16 =	vpop (erf)  }
0x139: {  	v13 =	vadd.f32 v30, v25;
	v19 =	vmul.f32 v30, v19;
	v23 =	vld.idx.msk [tilespmem:v2+s22+$0x100 ss:$0x1], $0xffff;
	(erf) = vpow2.f32 v32;
	v25 =	vpop (erf)  }
0x13a: {  	v20 =	vadd.f32 v26, v20;
	v12 =	vmul.f32 v16, v12;
	v28 =	vld.idx.msk [tilespmem:v2+s22+$0x0 ss:$0x1], $0xffff;
	(erf) = vpow2.f32 v11;
	v26 =	vpop (erf)  }
0x13b: {  	v19 =	vadd.f32 v19, v22;
	v31 =	vld.idx.msk [tilespmem:v2+s22+$0x80 ss:$0x1], $0xffff;
	(erf) = vpow2.f32 v29;
	v22 =	vadd.f32 v26, v13;
	v29 =	vpop (erf)  }
0x13c: {  	v30 =	vmul.f32 $1.442695020e+00, v18;
	v18 =	vadd.f32 v24, v20;
	v20 =	vmul.f32 v26, v7;
	v7 =	vmovc v8;
	v11 =	vld.idx.msk [tilespmem:v2+s22+$0xFFFFFF00 ss:$0x1], $0xffff  }
0x13d: {  	v32 =	vmul.f32 v25, v6;
	v8 =	vadd.f32 v16, v15;
	v24 =	vmul.f32 v29, v9;
	v13 =	vld.idx.msk [tilespmem:v2+s22+$0xFFFFFE80 ss:$0x1], $0xffff  }
0x13e: {  	v6 =	vmovc v4;
	v38 =	vadd.f32 v12, v18;
	v26 =	vadd.f32 v29, v22;
	v16 =	vld.idx.msk [tilespmem:v2+s22+$0xFFFFFE00 ss:$0x1], $0xffff;
	(erf) = vpow2.f32 v21  }
0x13f: {  	v18 =	vsub.f32 v37, v3;
	v4 =	vmovc v37;
	v21 =	vsub.f32 v23, v3;
	v15 =	vld.idx.msk [tilespmem:v2+s22+$0xFFFFFF80 ss:$0x1], $0xffff;
	(erf) = vpow2.f32 v27  }
0x140: {  	v9 =	vmovc v5;
	v29 =	vadd.f32 v20, v19;
	v20 =	vadd.f32 v32, v38;
	v5 =	vmovc v23;
	(erf) = vpow2.f32 v30  }
0x141: {  	v37 =	vadd.f32 v25, v8;
	v12 =	vmovc v10;
	v27 =	vsub.f32 v28, v3;
	v8 =	vmovc v28;
	(erf) = vpow2.f32 v17  }
.Ltmp5:
0x142: {  	v22 =	vadd.f32 v24, v29;
	v28 =	vsub.f32 v11, v3;
	v23 =	vpop (erf);
	(erf) = vpow2.f32 v14;
	(pc) =	sbr.rel @p1 .LBB2_13-.Ltmp5, $4  }
0x143: {  	v17 =	vmul.f32 $1.442695020e+00, v27;
	v27 =	vsub.f32 v31, v3;
	v14 =	vmul.f32 $1.442695020e+00, v21;
	v19 =	vpop (erf)  }
0x144: {  	v29 =	vsub.f32 v13, v3;
	v21 =	vmul.f32 $1.442695020e+00, v28;
	v25 =	vadd.f32 v19, v26;
	v24 =	vpop (erf)  }
0x145: {  	v10 =	vmovc v31;
	v32 =	vsub.f32 v15, v3;
	v30 =	vmul.f32 v19, v35;
	v26 =	vmul.f32 v24, v34  }
0x146: {  	v31 =	vsub.f32 v16, v3;
	v19 =	vmovc v33;
	v28 =	vadd.f32 v24, v37;
	v24 =	vmul.f32 v23, v36  }
0x147: {  	v2 =	vmul.f32 $1.442695020e+00, v32  }
0x148: {  	v31 =	vmul.f32 $1.442695020e+00, v31  }
0x149: {  	v29 =	vmul.f32 $1.442695020e+00, v29;
	(erf) = vpow2.f32 v2  }
0x14a: {  	v18 =	vmul.f32 $1.442695020e+00, v18;
	(erf) = vpow2.f32 v31  }
0x14b: {  	v2 =	vmul.f32 $1.442695020e+00, v27;
	(erf) = vpow2.f32 v29  }
0x14c: {  	v55 =	vadd.f32 v30, v22;
	v56 =	vpop (erf);
	v20 =	vadd.f32 v26, v20;
	(erf) = vpow2.f32 v21  }
0x14d: {  	v57 =	vpop (erf);
	v58 =	vadd.f32 v56, v25;
	v19 =	vmul.f32 v56, v19;
	(erf) = vpow2.f32 v2  }
0x14e: {  	v59 =	vpop (erf);
	v12 =	vmul.f32 v57, v12;
	v20 =	vadd.f32 v24, v20;
	(erf) = vpow2.f32 v18  }
0x14f: {  	v60 =	vpop (erf);
	v19 =	vadd.f32 v19, v55;
	v2 =	vadd.f32 v23, v28;
	(erf) = vpow2.f32 v17  }
0x150: {  	v7 =	vmul.f32 v60, v7;
	v12 =	vadd.f32 v12, v20;
	v18 =	vadd.f32 v60, v58  }
0x151: {  	v6 =	vmul.f32 v59, v6;
	v2 =	vadd.f32 v57, v2;
	(erf) = vpow2.f32 v14;
	v14 =	vpop (erf)  }
0x152: {  	v7 =	vadd.f32 v7, v19;
	v9 =	vmul.f32 v14, v9;
	v14 =	vadd.f32 v14, v18;
	v61 =	vpop (erf)  }
0x153: {  	v6 =	vadd.f32 v6, v12;
	v2 =	vadd.f32 v59, v2;
	v62 =	vpop (erf)  }
0x154: {  	v7 =	vadd.f32 v9, v7;
	v12 =	vpop (erf);
	v9 =	vmul.f32 v62, v16;
	v14 =	vadd.f32 v62, v14  }
0x155: {  	v13 =	vmul.f32 v12, v13;
	v63 =	vpop (erf);
	v2 =	vadd.f32 v12, v2  }
0x156: {  	v12 =	vmul.f32 v61, v15;
	v15 =	vpop (erf);
	v7 =	vadd.f32 v9, v7;
	v9 =	vmul.f32 v63, v11  }
0x157: {  	v11 =	vpop (erf);
	v6 =	vadd.f32 v13, v6  }
0x158: {  	v2 =	vadd.f32 v61, v2;
	v13 =	vadd.f32 v63, v14;
	v10 =	vmul.f32 v15, v10;
	v14 =	vpop (erf)  }
0x159: {  	v7 =	vadd.f32 v9, v7;
	v6 =	vadd.f32 v12, v6;
	v8 =	vmul.f32 v14, v8  }
0x15a: {  	v4 =	vmul.f32 v11, v4;
	v12 =	vadd.f32 v14, v13;
	v2 =	vadd.f32 v15, v2;
	v9 =	vpop (erf)  }
0x15b: {  	v5 =	vmul.f32 v9, v5;
	v6 =	vadd.f32 v10, v6;
	v7 =	vadd.f32 v8, v7  }
0x15c: {  	v8 =	vadd.f32 v9, v12;
	v9 =	vadd.f32 v11, v2  }
0x15d: {  	v2 =	vmov s20;
	v4 =	vadd.f32 v4, v6;
	v5 =	vadd.f32 v5, v7  }
0x15e: {  	v6 =	vadd.f32 v9, v8  }
0x15f: {  	[tilespmem:$0x10100] =	vst v3;
	v3 =	vadd.f32 v4, v5  }
0x160: {  	[tilespmem:$0x10500] =	vst v6  }
0x161: {  	s21 =	simm.s32 $0x0;
	[tilespmem:$0x10900] =	vst v3  }
0x162: {  	v3 =	vld.idx.msk [tilespmem:v2+s21+$0x100 ss:$0x1], $0xffff  }
0x163: {  	v9 =	vld.idx.msk [tilespmem:v2+s21+$0x0 ss:$0x1], $0xffff  }
0x164: {  	v11 =	vld.idx.msk [tilespmem:v2+s21+$0xFFFFFF00 ss:$0x1], $0xffff  }
0x165: {  	v10 =	vld.idx.msk [tilespmem:v2+s21+$0xFFFFFE00 ss:$0x1], $0xffff  }
0x166: {  	v12 =	vld.idx.msk [tilespmem:v2+s21+$0xFFFFFE80 ss:$0x1], $0xffff  }
0x167: {  	v13 =	vld.idx.msk [tilespmem:v2+s21+$0xFFFFFF80 ss:$0x1], $0xffff  }
0x168: {  	v8 =	vld.idx.msk [tilespmem:v2+s21+$0x80 ss:$0x1], $0xffff  }
0x169: {  	s20 =	simm.s32 $0x400;
	v7 =	vld.idx.msk [tilespmem:v2+s21+$0x180 ss:$0x1], $0xffff  }
0x16a: {  	v4 =	vld.idx.msk [tilespmem:v2+s20+$0x100 ss:$0x1], $0xffff  }
0x16b: {  	v14 =	vimm.f32 $-Inf;
	v5 =	vld.idx.msk [tilespmem:v2+s20+$0x0 ss:$0x1], $0xffff  }
0x16c: {  	v6 =	vld.idx.msk [tilespmem:v2+s20+$0xFFFFFF00 ss:$0x1], $0xffff;
	v15 =	vmax.f32 v14, v10;
	v12 =	vmax.f32 v14, v12  }
0x16d: {  	s21 =	simm.s32 $0x2000;
	v10 =	vld.idx.msk [tilespmem:v2+s20+$0xFFFFFE00 ss:$0x1], $0xffff;
	v11 =	vmax.f32 v15, v11;
	v12 =	vmax.f32 v12, v13  }
.LBB2_15:
0x16e: {  	p1 =	sne.s32 s21, $0x1F000;
	v13 =	vld.idx.msk [tilespmem:v2+s20+$0xFFFFFE80 ss:$0x1], $0xffff;
	v9 =	vmax.f32 v11, v9;
	v8 =	vmax.f32 v12, v8  }
0x16f: {  	v12 =	vld.idx.msk [tilespmem:v2+s20+$0xFFFFFF80 ss:$0x1], $0xffff;
	v11 =	vmax.f32 v9, v3;
	v14 =	vmax.f32 v8, v7  }
0x170: {  	v3 =	vmov v4;
	v8 =	vld.idx.msk [tilespmem:v2+s20+$0x80 ss:$0x1], $0xffff  }
.Ltmp6:
0x171: {  	v7 =	vld.idx.msk [tilespmem:v2+s20+$0x180 ss:$0x1], $0xffff;
	s20 =	sshra.s32 s21, $0x2;
	v9 =	vmov v5;
	(pc) =	sbr.rel @p1 .LBB2_15-.Ltmp6, $4  }
0x172: {  	v15 =	vmov v6;
	v4 =	vld.idx.msk [tilespmem:v2+s20+$0x100 ss:$0x1], $0xffff  }
0x173: {  	v5 =	vld.idx.msk [tilespmem:v2+s20+$0x0 ss:$0x1], $0xffff  }
0x174: {  	v11 =	vmax.f32 v11, v10;
	v13 =	vmax.f32 v14, v13;
	v6 =	vld.idx.msk [tilespmem:v2+s20+$0xFFFFFF00 ss:$0x1], $0xffff  }
0x175: {  	s21 =	sadd.s32 $0x1000, s21;
	v11 =	vmax.f32 v11, v15;
	v12 =	vmax.f32 v13, v12;
	v10 =	vld.idx.msk [tilespmem:v2+s20+$0xFFFFFE00 ss:$0x1], $0xffff  }
0x176: {  	_ =	sdelay $0x3  }
0x177: {  	v13 =	vld.idx.msk [tilespmem:v2+s20+$0xFFFFFE80 ss:$0x1], $0xffff  }
0x178: {  	v14 =	vld.idx.msk [tilespmem:v2+s20+$0xFFFFFF80 ss:$0x1], $0xffff  }
0x179: {  	v15 =	vld.idx.msk [tilespmem:v2+s20+$0x80 ss:$0x1], $0xffff  }
0x17a: {  	v9 =	vmax.f32 v11, v9;
	v8 =	vmax.f32 v12, v8;
	v11 =	vld.idx.msk [tilespmem:v2+s20+$0x180 ss:$0x1], $0xffff  }
0x17b: {  	v3 =	vmax.f32 v9, v3;
	v7 =	vmax.f32 v8, v7  }
0x17c: {  	v8 =	vld [tilespmem:$0x10180];
	v3 =	vmax.f32 v3, v10;
	v7 =	vmax.f32 v7, v13  }
0x17d: {  	v3 =	vmax.f32 v3, v6;
	v6 =	vmax.f32 v7, v14  }
0x17e: {  	v3 =	vmax.f32 v3, v5;
	v5 =	vmax.f32 v6, v15  }
0x17f: {  	v3 =	vmax.f32 v3, v4;
	v4 =	vmax.f32 v5, v11  }
0x180: {  	v3 =	vmax.f32 v3, v4  }
0x181: {  	s30 =	simm.s32 $0x0;
	v3 =	vmax.f32 v8, v3  }
0x182: {  	v24 =	vld.idx.msk [tilespmem:v2+s30+$0xFFFFFF80 ss:$0x1], $0xffff;
	v4 =	vsub.f32 v8, v3  }
0x183: {  	v26 =	vld.idx.msk [tilespmem:v2+s30+$0xFFFFFE00 ss:$0x1], $0xffff  }
0x184: {  	v28 =	vld.idx.msk [tilespmem:v2+s30+$0xFFFFFE80 ss:$0x1], $0xffff;
	v4 =	vmul.f32 $1.442695020e+00, v4  }
0x185: {  	v19 =	vld.idx.msk [tilespmem:v2+s30+$0xFFFFFF00 ss:$0x1], $0xffff  }
0x186: {  	v12 =	vld.idx.msk [tilespmem:v2+s30+$0x80 ss:$0x1], $0xffff;
	(erf) = vpow2.f32 v4  }
0x187: {  	v9 =	vld.idx.msk [tilespmem:v2+s30+$0x100 ss:$0x1], $0xffff;
	v4 =	vsub.f32 v24, v3  }
0x188: {  	v6 =	vld.idx.msk [tilespmem:v2+s30+$0x180 ss:$0x1], $0xffff;
	v5 =	vsub.f32 v26, v3  }
0x189: {  	v10 =	vld [tilespmem:$0x10980];
	v11 =	vsub.f32 v28, v3;
	v4 =	vmul.f32 $1.442695020e+00, v4  }
0x18a: {  	v7 =	vld.idx.msk [tilespmem:v2+s30+$0x0 ss:$0x1], $0xffff;
	v13 =	vsub.f32 v19, v3;
	v5 =	vmul.f32 $1.442695020e+00, v5  }
0x18b: {  	s31 =	simm.s32 $0x400;
	v8 =	vld [tilespmem:$0x10580];
	v15 =	vsub.f32 v12, v3;
	v11 =	vmul.f32 $1.442695020e+00, v11;
	(erf) = vpow2.f32 v4  }
0x18c: {  	v13 =	vmul.f32 $1.442695020e+00, v13;
	v4 =	vld.idx.msk [tilespmem:v2+s31+$0x180 ss:$0x1], $0xffff;
	(erf) = vpow2.f32 v5  }
0x18d: {  	v16 =	vsub.f32 v6, v3;
	v15 =	vmul.f32 $1.442695020e+00, v15;
	v5 =	vld.idx.msk [tilespmem:v2+s31+$0x100 ss:$0x1], $0xffff;
	(erf) = vpow2.f32 v11  }
0x18e: {  	v11 =	vld.idx.msk [tilespmem:v2+s31+$0xFFFFFF00 ss:$0x1], $0xffff;
	(erf) = vpow2.f32 v13  }
0x18f: {  	v16 =	vmul.f32 $1.442695020e+00, v16;
	v13 =	vld.idx.msk [tilespmem:v2+s31+$0xFFFFFE80 ss:$0x1], $0xffff;
	(erf) = vpow2.f32 v15;
	v14 =	vpop (erf)  }
0x190: {  	v15 =	vld.idx.msk [tilespmem:v2+s31+$0xFFFFFF80 ss:$0x1], $0xffff;
	v25 =	vmul.f32 v14, v8;
	v22 =	vmul.f32 v14, v10;
	v14 =	vsub.f32 v7, v3  }
0x191: {  	v20 =	vimm.f32 $0.0e+00;
	v17 =	vsub.f32 v9, v3;
	v8 =	vld.idx.msk [tilespmem:v2+s31+$0x0 ss:$0x1], $0xffff  }
0x192: {  	(erf) = vpow2.f32 v16;
	v16 =	vld.idx.msk [tilespmem:v2+s31+$0xFFFFFE00 ss:$0x1], $0xffff;
	v21 =	vsub.f32 v5, v3;
	v14 =	vmul.f32 $1.442695020e+00, v14  }
0x193: {  	v17 =	vmul.f32 $1.442695020e+00, v17;
	v18 =	vsub.f32 v4, v3;
	v10 =	vld.idx.msk [tilespmem:v2+s31+$0x80 ss:$0x1], $0xffff;
	v30 =	vsub.f32 v11, v3  }
0x194: {  	v29 =	vsub.f32 v13, v3;
	v23 =	vpop (erf);
	(erf) = vpow2.f32 v14;
	v14 =	vmul.f32 $1.442695020e+00, v21  }
0x195: {  	v32 =	vsub.f32 v15, v3;
	v31 =	vpop (erf);
	v21 =	vmul.f32 $1.442695020e+00, v30;
	(erf) = vpow2.f32 v17  }
0x196: {  	v24 =	vmul.f32 v23, v24;
	v27 =	vsub.f32 v8, v3;
	v25 =	vadd.f32 v31, v25;
	v33 =	vpop (erf)  }
0x197: {  	v30 =	vmul.f32 v31, v26;
	v31 =	vsub.f32 v16, v3;
	v26 =	vmul.f32 v33, v28  }
0x198: {  	s20 =	simm.s32 $0x2000;
	v28 =	vadd.f32 v33, v20;
	v17 =	vmul.f32 $1.442695020e+00, v27;
	v27 =	vsub.f32 v10, v3  }
.LBB2_17:
0x199: {  	v29 =	vmul.f32 $1.442695020e+00, v29;
	v22 =	vadd.f32 v30, v22;
	v30 =	vpop (erf)  }
0x19a: {  	s21 =	sshra.s32 s20, $0x2;
	p1 =	sne.s32 s20, $0x1F000;
	s20 =	sadd.s32 $0x1000, s20;
	v32 =	vmul.f32 $1.442695020e+00, v32;
	v33 =	vmovc v11;
	v34 =	vmovc v13;
	v35 =	vmov v16;
	v36 =	vmov v15  }
0x19b: {  	v27 =	vmul.f32 $1.442695020e+00, v27;
	v37 =	vld.idx.msk [tilespmem:v2+s21+$0x180 ss:$0x1], $0xffff;
	v11 =	vmul.f32 $1.442695020e+00, v31;
	v15 =	vadd.f32 v23, v28;
	v16 =	vpop (erf)  }
0x19c: {  	v13 =	vadd.f32 v30, v25;
	v19 =	vmul.f32 v30, v19;
	v23 =	vld.idx.msk [tilespmem:v2+s21+$0x100 ss:$0x1], $0xffff;
	(erf) = vpow2.f32 v32;
	v25 =	vpop (erf)  }
0x19d: {  	v20 =	vadd.f32 v26, v20;
	v12 =	vmul.f32 v16, v12;
	v28 =	vld.idx.msk [tilespmem:v2+s21+$0x0 ss:$0x1], $0xffff;
	(erf) = vpow2.f32 v11;
	v26 =	vpop (erf)  }
0x19e: {  	v19 =	vadd.f32 v19, v22;
	v31 =	vld.idx.msk [tilespmem:v2+s21+$0x80 ss:$0x1], $0xffff;
	(erf) = vpow2.f32 v29;
	v22 =	vadd.f32 v26, v13;
	v29 =	vpop (erf)  }
0x19f: {  	v30 =	vmul.f32 $1.442695020e+00, v18;
	v18 =	vadd.f32 v24, v20;
	v20 =	vmul.f32 v26, v7;
	v7 =	vmovc v8;
	v11 =	vld.idx.msk [tilespmem:v2+s21+$0xFFFFFF00 ss:$0x1], $0xffff  }
0x1a0: {  	v32 =	vmul.f32 v25, v6;
	v8 =	vadd.f32 v16, v15;
	v24 =	vmul.f32 v29, v9;
	v13 =	vld.idx.msk [tilespmem:v2+s21+$0xFFFFFE80 ss:$0x1], $0xffff  }
0x1a1: {  	v6 =	vmovc v4;
	v38 =	vadd.f32 v12, v18;
	v26 =	vadd.f32 v29, v22;
	v16 =	vld.idx.msk [tilespmem:v2+s21+$0xFFFFFE00 ss:$0x1], $0xffff;
	(erf) = vpow2.f32 v21  }
0x1a2: {  	v18 =	vsub.f32 v37, v3;
	v4 =	vmovc v37;
	v21 =	vsub.f32 v23, v3;
	v15 =	vld.idx.msk [tilespmem:v2+s21+$0xFFFFFF80 ss:$0x1], $0xffff;
	(erf) = vpow2.f32 v27  }
0x1a3: {  	v9 =	vmovc v5;
	v29 =	vadd.f32 v20, v19;
	v20 =	vadd.f32 v32, v38;
	v5 =	vmovc v23;
	(erf) = vpow2.f32 v30  }
0x1a4: {  	v37 =	vadd.f32 v25, v8;
	v12 =	vmovc v10;
	v27 =	vsub.f32 v28, v3;
	v8 =	vmovc v28;
	(erf) = vpow2.f32 v17  }
.Ltmp7:
0x1a5: {  	v22 =	vadd.f32 v24, v29;
	v28 =	vsub.f32 v11, v3;
	v23 =	vpop (erf);
	(erf) = vpow2.f32 v14;
	(pc) =	sbr.rel @p1 .LBB2_17-.Ltmp7, $4  }
0x1a6: {  	v17 =	vmul.f32 $1.442695020e+00, v27;
	v27 =	vsub.f32 v31, v3;
	v14 =	vmul.f32 $1.442695020e+00, v21;
	v19 =	vpop (erf)  }
0x1a7: {  	v29 =	vsub.f32 v13, v3;
	v21 =	vmul.f32 $1.442695020e+00, v28;
	v25 =	vadd.f32 v19, v26;
	v24 =	vpop (erf)  }
0x1a8: {  	v10 =	vmovc v31;
	v32 =	vsub.f32 v15, v3;
	v30 =	vmul.f32 v19, v35;
	v26 =	vmul.f32 v24, v34  }
0x1a9: {  	v31 =	vsub.f32 v16, v3;
	v19 =	vmovc v33;
	v28 =	vadd.f32 v24, v37;
	v24 =	vmul.f32 v23, v36  }
0x1aa: {  	v2 =	vmul.f32 $1.442695020e+00, v32  }
0x1ab: {  	v31 =	vmul.f32 $1.442695020e+00, v31  }
0x1ac: {  	v29 =	vmul.f32 $1.442695020e+00, v29;
	(erf) = vpow2.f32 v2  }
0x1ad: {  	v18 =	vmul.f32 $1.442695020e+00, v18;
	(erf) = vpow2.f32 v31  }
0x1ae: {  	v2 =	vmul.f32 $1.442695020e+00, v27;
	(erf) = vpow2.f32 v29  }
0x1af: {  	v55 =	vadd.f32 v30, v22;
	v56 =	vpop (erf);
	v20 =	vadd.f32 v26, v20;
	(erf) = vpow2.f32 v21  }
0x1b0: {  	v57 =	vpop (erf);
	v58 =	vadd.f32 v56, v25;
	v19 =	vmul.f32 v56, v19;
	(erf) = vpow2.f32 v2  }
0x1b1: {  	v59 =	vpop (erf);
	v12 =	vmul.f32 v57, v12;
	v20 =	vadd.f32 v24, v20;
	(erf) = vpow2.f32 v18  }
0x1b2: {  	v60 =	vpop (erf);
	v19 =	vadd.f32 v19, v55;
	v2 =	vadd.f32 v23, v28;
	(erf) = vpow2.f32 v17  }
0x1b3: {  	v7 =	vmul.f32 v60, v7;
	v12 =	vadd.f32 v12, v20;
	v18 =	vadd.f32 v60, v58  }
0x1b4: {  	v6 =	vmul.f32 v59, v6;
	v2 =	vadd.f32 v57, v2;
	(erf) = vpow2.f32 v14;
	v14 =	vpop (erf)  }
0x1b5: {  	v7 =	vadd.f32 v7, v19;
	v9 =	vmul.f32 v14, v9;
	v14 =	vadd.f32 v14, v18;
	v61 =	vpop (erf)  }
0x1b6: {  	v6 =	vadd.f32 v6, v12;
	v2 =	vadd.f32 v59, v2;
	v62 =	vpop (erf)  }
0x1b7: {  	v7 =	vadd.f32 v9, v7;
	v12 =	vpop (erf);
	v9 =	vmul.f32 v62, v16;
	v14 =	vadd.f32 v62, v14  }
0x1b8: {  	v13 =	vmul.f32 v12, v13;
	v63 =	vpop (erf);
	v2 =	vadd.f32 v12, v2  }
0x1b9: {  	v12 =	vmul.f32 v61, v15;
	v15 =	vpop (erf);
	v7 =	vadd.f32 v9, v7;
	v9 =	vmul.f32 v63, v11  }
0x1ba: {  	v11 =	vpop (erf);
	v6 =	vadd.f32 v13, v6  }
0x1bb: {  	v2 =	vadd.f32 v61, v2;
	v13 =	vadd.f32 v63, v14;
	v10 =	vmul.f32 v15, v10;
	v14 =	vpop (erf)  }
0x1bc: {  	v7 =	vadd.f32 v9, v7;
	v6 =	vadd.f32 v12, v6;
	v8 =	vmul.f32 v14, v8  }
0x1bd: {  	v4 =	vmul.f32 v11, v4;
	v12 =	vadd.f32 v14, v13;
	v2 =	vadd.f32 v15, v2;
	v9 =	vpop (erf)  }
0x1be: {  	v5 =	vmul.f32 v9, v5;
	v6 =	vadd.f32 v10, v6;
	v7 =	vadd.f32 v8, v7  }
0x1bf: {  	v8 =	vadd.f32 v9, v12;
	v9 =	vadd.f32 v11, v2  }
0x1c0: {  	v2 =	vmov s19;
	v4 =	vadd.f32 v4, v6;
	v5 =	vadd.f32 v5, v7  }
0x1c1: {  	v6 =	vadd.f32 v9, v8  }
0x1c2: {  	[tilespmem:$0x10180] =	vst v3;
	v3 =	vadd.f32 v4, v5  }
0x1c3: {  	[tilespmem:$0x10580] =	vst v6  }
0x1c4: {  	s20 =	simm.s32 $0x0;
	[tilespmem:$0x10980] =	vst v3  }
0x1c5: {  	v3 =	vld.idx.msk [tilespmem:v2+s20+$0x100 ss:$0x1], $0xffff  }
0x1c6: {  	v9 =	vld.idx.msk [tilespmem:v2+s20+$0x0 ss:$0x1], $0xffff  }
0x1c7: {  	v11 =	vld.idx.msk [tilespmem:v2+s20+$0xFFFFFF00 ss:$0x1], $0xffff  }
0x1c8: {  	v10 =	vld.idx.msk [tilespmem:v2+s20+$0xFFFFFE00 ss:$0x1], $0xffff  }
0x1c9: {  	v12 =	vld.idx.msk [tilespmem:v2+s20+$0xFFFFFE80 ss:$0x1], $0xffff  }
0x1ca: {  	v13 =	vld.idx.msk [tilespmem:v2+s20+$0xFFFFFF80 ss:$0x1], $0xffff  }
0x1cb: {  	v8 =	vld.idx.msk [tilespmem:v2+s20+$0x80 ss:$0x1], $0xffff  }
0x1cc: {  	s19 =	simm.s32 $0x400;
	v7 =	vld.idx.msk [tilespmem:v2+s20+$0x180 ss:$0x1], $0xffff  }
0x1cd: {  	v4 =	vld.idx.msk [tilespmem:v2+s19+$0x100 ss:$0x1], $0xffff  }
0x1ce: {  	v14 =	vimm.f32 $-Inf;
	v5 =	vld.idx.msk [tilespmem:v2+s19+$0x0 ss:$0x1], $0xffff  }
0x1cf: {  	v6 =	vld.idx.msk [tilespmem:v2+s19+$0xFFFFFF00 ss:$0x1], $0xffff;
	v15 =	vmax.f32 v14, v10;
	v12 =	vmax.f32 v14, v12  }
0x1d0: {  	s20 =	simm.s32 $0x2000;
	v10 =	vld.idx.msk [tilespmem:v2+s19+$0xFFFFFE00 ss:$0x1], $0xffff;
	v11 =	vmax.f32 v15, v11;
	v12 =	vmax.f32 v12, v13  }
.LBB2_19:
0x1d1: {  	p1 =	sne.s32 s20, $0x1F000;
	v13 =	vld.idx.msk [tilespmem:v2+s19+$0xFFFFFE80 ss:$0x1], $0xffff;
	v9 =	vmax.f32 v11, v9;
	v8 =	vmax.f32 v12, v8  }
0x1d2: {  	v12 =	vld.idx.msk [tilespmem:v2+s19+$0xFFFFFF80 ss:$0x1], $0xffff;
	v11 =	vmax.f32 v9, v3;
	v14 =	vmax.f32 v8, v7  }
0x1d3: {  	v3 =	vmov v4;
	v8 =	vld.idx.msk [tilespmem:v2+s19+$0x80 ss:$0x1], $0xffff  }
.Ltmp8:
0x1d4: {  	v7 =	vld.idx.msk [tilespmem:v2+s19+$0x180 ss:$0x1], $0xffff;
	s19 =	sshra.s32 s20, $0x2;
	v9 =	vmov v5;
	(pc) =	sbr.rel @p1 .LBB2_19-.Ltmp8, $4  }
0x1d5: {  	v15 =	vmov v6;
	v4 =	vld.idx.msk [tilespmem:v2+s19+$0x100 ss:$0x1], $0xffff  }
0x1d6: {  	v5 =	vld.idx.msk [tilespmem:v2+s19+$0x0 ss:$0x1], $0xffff  }
0x1d7: {  	v11 =	vmax.f32 v11, v10;
	v13 =	vmax.f32 v14, v13;
	v6 =	vld.idx.msk [tilespmem:v2+s19+$0xFFFFFF00 ss:$0x1], $0xffff  }
0x1d8: {  	s20 =	sadd.s32 $0x1000, s20;
	v11 =	vmax.f32 v11, v15;
	v12 =	vmax.f32 v13, v12;
	v10 =	vld.idx.msk [tilespmem:v2+s19+$0xFFFFFE00 ss:$0x1], $0xffff  }
0x1d9: {  	_ =	sdelay $0x3  }
0x1da: {  	v13 =	vld.idx.msk [tilespmem:v2+s19+$0xFFFFFE80 ss:$0x1], $0xffff  }
0x1db: {  	v14 =	vld.idx.msk [tilespmem:v2+s19+$0xFFFFFF80 ss:$0x1], $0xffff  }
0x1dc: {  	v15 =	vld.idx.msk [tilespmem:v2+s19+$0x80 ss:$0x1], $0xffff  }
0x1dd: {  	v9 =	vmax.f32 v11, v9;
	v8 =	vmax.f32 v12, v8;
	v11 =	vld.idx.msk [tilespmem:v2+s19+$0x180 ss:$0x1], $0xffff  }
0x1de: {  	v3 =	vmax.f32 v9, v3;
	v7 =	vmax.f32 v8, v7  }
0x1df: {  	v8 =	vld [tilespmem:$0x10200];
	v3 =	vmax.f32 v3, v10;
	v7 =	vmax.f32 v7, v13  }
0x1e0: {  	v3 =	vmax.f32 v3, v6;
	v6 =	vmax.f32 v7, v14  }
0x1e1: {  	v3 =	vmax.f32 v3, v5;
	v5 =	vmax.f32 v6, v15  }
0x1e2: {  	v3 =	vmax.f32 v3, v4;
	v4 =	vmax.f32 v5, v11  }
0x1e3: {  	v3 =	vmax.f32 v3, v4  }
0x1e4: {  	s30 =	simm.s32 $0x0;
	v3 =	vmax.f32 v8, v3  }
0x1e5: {  	v24 =	vld.idx.msk [tilespmem:v2+s30+$0xFFFFFF80 ss:$0x1], $0xffff;
	v4 =	vsub.f32 v8, v3  }
0x1e6: {  	v26 =	vld.idx.msk [tilespmem:v2+s30+$0xFFFFFE00 ss:$0x1], $0xffff  }
0x1e7: {  	v28 =	vld.idx.msk [tilespmem:v2+s30+$0xFFFFFE80 ss:$0x1], $0xffff;
	v4 =	vmul.f32 $1.442695020e+00, v4  }
0x1e8: {  	v19 =	vld.idx.msk [tilespmem:v2+s30+$0xFFFFFF00 ss:$0x1], $0xffff  }
0x1e9: {  	v12 =	vld.idx.msk [tilespmem:v2+s30+$0x80 ss:$0x1], $0xffff;
	(erf) = vpow2.f32 v4  }
0x1ea: {  	v9 =	vld.idx.msk [tilespmem:v2+s30+$0x100 ss:$0x1], $0xffff;
	v4 =	vsub.f32 v24, v3  }
0x1eb: {  	v6 =	vld.idx.msk [tilespmem:v2+s30+$0x180 ss:$0x1], $0xffff;
	v5 =	vsub.f32 v26, v3  }
0x1ec: {  	v10 =	vld [tilespmem:$0x10A00];
	v11 =	vsub.f32 v28, v3;
	v4 =	vmul.f32 $1.442695020e+00, v4  }
0x1ed: {  	v7 =	vld.idx.msk [tilespmem:v2+s30+$0x0 ss:$0x1], $0xffff;
	v13 =	vsub.f32 v19, v3;
	v5 =	vmul.f32 $1.442695020e+00, v5  }
0x1ee: {  	s31 =	simm.s32 $0x400;
	v8 =	vld [tilespmem:$0x10600];
	v15 =	vsub.f32 v12, v3;
	v11 =	vmul.f32 $1.442695020e+00, v11;
	(erf) = vpow2.f32 v4  }
0x1ef: {  	v13 =	vmul.f32 $1.442695020e+00, v13;
	v4 =	vld.idx.msk [tilespmem:v2+s31+$0x180 ss:$0x1], $0xffff;
	(erf) = vpow2.f32 v5  }
0x1f0: {  	v16 =	vsub.f32 v6, v3;
	v15 =	vmul.f32 $1.442695020e+00, v15;
	v5 =	vld.idx.msk [tilespmem:v2+s31+$0x100 ss:$0x1], $0xffff;
	(erf) = vpow2.f32 v11  }
0x1f1: {  	v11 =	vld.idx.msk [tilespmem:v2+s31+$0xFFFFFF00 ss:$0x1], $0xffff;
	(erf) = vpow2.f32 v13  }
0x1f2: {  	v16 =	vmul.f32 $1.442695020e+00, v16;
	v13 =	vld.idx.msk [tilespmem:v2+s31+$0xFFFFFE80 ss:$0x1], $0xffff;
	(erf) = vpow2.f32 v15;
	v14 =	vpop (erf)  }
0x1f3: {  	v15 =	vld.idx.msk [tilespmem:v2+s31+$0xFFFFFF80 ss:$0x1], $0xffff;
	v25 =	vmul.f32 v14, v8;
	v22 =	vmul.f32 v14, v10;
	v14 =	vsub.f32 v7, v3  }
0x1f4: {  	v20 =	vimm.f32 $0.0e+00;
	v17 =	vsub.f32 v9, v3;
	v8 =	vld.idx.msk [tilespmem:v2+s31+$0x0 ss:$0x1], $0xffff  }
0x1f5: {  	(erf) = vpow2.f32 v16;
	v16 =	vld.idx.msk [tilespmem:v2+s31+$0xFFFFFE00 ss:$0x1], $0xffff;
	v21 =	vsub.f32 v5, v3;
	v14 =	vmul.f32 $1.442695020e+00, v14  }
0x1f6: {  	v17 =	vmul.f32 $1.442695020e+00, v17;
	v18 =	vsub.f32 v4, v3;
	v10 =	vld.idx.msk [tilespmem:v2+s31+$0x80 ss:$0x1], $0xffff;
	v30 =	vsub.f32 v11, v3  }
0x1f7: {  	v29 =	vsub.f32 v13, v3;
	v23 =	vpop (erf);
	(erf) = vpow2.f32 v14;
	v14 =	vmul.f32 $1.442695020e+00, v21  }
0x1f8: {  	v32 =	vsub.f32 v15, v3;
	v31 =	vpop (erf);
	v21 =	vmul.f32 $1.442695020e+00, v30;
	(erf) = vpow2.f32 v17  }
0x1f9: {  	v24 =	vmul.f32 v23, v24;
	v27 =	vsub.f32 v8, v3;
	v25 =	vadd.f32 v31, v25;
	v33 =	vpop (erf)  }
0x1fa: {  	v30 =	vmul.f32 v31, v26;
	v31 =	vsub.f32 v16, v3;
	v26 =	vmul.f32 v33, v28  }
0x1fb: {  	s19 =	simm.s32 $0x2000;
	v28 =	vadd.f32 v33, v20;
	v17 =	vmul.f32 $1.442695020e+00, v27;
	v27 =	vsub.f32 v10, v3  }
.LBB2_21:
0x1fc: {  	v29 =	vmul.f32 $1.442695020e+00, v29;
	v22 =	vadd.f32 v30, v22;
	v30 =	vpop (erf)  }
0x1fd: {  	s20 =	sshra.s32 s19, $0x2;
	p1 =	sne.s32 s19, $0x1F000;
	s19 =	sadd.s32 $0x1000, s19;
	v32 =	vmul.f32 $1.442695020e+00, v32;
	v33 =	vmovc v11;
	v34 =	vmovc v13;
	v35 =	vmov v16;
	v36 =	vmov v15  }
0x1fe: {  	v27 =	vmul.f32 $1.442695020e+00, v27;
	v37 =	vld.idx.msk [tilespmem:v2+s20+$0x180 ss:$0x1], $0xffff;
	v11 =	vmul.f32 $1.442695020e+00, v31;
	v15 =	vadd.f32 v23, v28;
	v16 =	vpop (erf)  }
0x1ff: {  	v13 =	vadd.f32 v30, v25;
	v19 =	vmul.f32 v30, v19;
	v23 =	vld.idx.msk [tilespmem:v2+s20+$0x100 ss:$0x1], $0xffff;
	(erf) = vpow2.f32 v32;
	v25 =	vpop (erf)  }
0x200: {  	v20 =	vadd.f32 v26, v20;
	v12 =	vmul.f32 v16, v12;
	v28 =	vld.idx.msk [tilespmem:v2+s20+$0x0 ss:$0x1], $0xffff;
	(erf) = vpow2.f32 v11;
	v26 =	vpop (erf)  }
0x201: {  	v19 =	vadd.f32 v19, v22;
	v31 =	vld.idx.msk [tilespmem:v2+s20+$0x80 ss:$0x1], $0xffff;
	(erf) = vpow2.f32 v29;
	v22 =	vadd.f32 v26, v13;
	v29 =	vpop (erf)  }
0x202: {  	v30 =	vmul.f32 $1.442695020e+00, v18;
	v18 =	vadd.f32 v24, v20;
	v20 =	vmul.f32 v26, v7;
	v7 =	vmovc v8;
	v11 =	vld.idx.msk [tilespmem:v2+s20+$0xFFFFFF00 ss:$0x1], $0xffff  }
0x203: {  	v32 =	vmul.f32 v25, v6;
	v8 =	vadd.f32 v16, v15;
	v24 =	vmul.f32 v29, v9;
	v13 =	vld.idx.msk [tilespmem:v2+s20+$0xFFFFFE80 ss:$0x1], $0xffff  }
0x204: {  	v6 =	vmovc v4;
	v38 =	vadd.f32 v12, v18;
	v26 =	vadd.f32 v29, v22;
	v16 =	vld.idx.msk [tilespmem:v2+s20+$0xFFFFFE00 ss:$0x1], $0xffff;
	(erf) = vpow2.f32 v21  }
0x205: {  	v18 =	vsub.f32 v37, v3;
	v4 =	vmovc v37;
	v21 =	vsub.f32 v23, v3;
	v15 =	vld.idx.msk [tilespmem:v2+s20+$0xFFFFFF80 ss:$0x1], $0xffff;
	(erf) = vpow2.f32 v27  }
0x206: {  	v9 =	vmovc v5;
	v29 =	vadd.f32 v20, v19;
	v20 =	vadd.f32 v32, v38;
	v5 =	vmovc v23;
	(erf) = vpow2.f32 v30  }
0x207: {  	v37 =	vadd.f32 v25, v8;
	v12 =	vmovc v10;
	v27 =	vsub.f32 v28, v3;
	v8 =	vmovc v28;
	(erf) = vpow2.f32 v17  }
.Ltmp9:
0x208: {  	v22 =	vadd.f32 v24, v29;
	v28 =	vsub.f32 v11, v3;
	v23 =	vpop (erf);
	(erf) = vpow2.f32 v14;
	(pc) =	sbr.rel @p1 .LBB2_21-.Ltmp9, $4  }
0x209: {  	v17 =	vmul.f32 $1.442695020e+00, v27;
	v27 =	vsub.f32 v31, v3;
	v14 =	vmul.f32 $1.442695020e+00, v21;
	v19 =	vpop (erf)  }
0x20a: {  	v29 =	vsub.f32 v13, v3;
	v21 =	vmul.f32 $1.442695020e+00, v28;
	v25 =	vadd.f32 v19, v26;
	v24 =	vpop (erf)  }
0x20b: {  	v10 =	vmovc v31;
	v32 =	vsub.f32 v15, v3;
	v30 =	vmul.f32 v19, v35;
	v26 =	vmul.f32 v24, v34  }
0x20c: {  	v31 =	vsub.f32 v16, v3;
	v19 =	vmovc v33;
	v28 =	vadd.f32 v24, v37;
	v24 =	vmul.f32 v23, v36  }
0x20d: {  	v2 =	vmul.f32 $1.442695020e+00, v32  }
0x20e: {  	v31 =	vmul.f32 $1.442695020e+00, v31  }
0x20f: {  	v29 =	vmul.f32 $1.442695020e+00, v29;
	(erf) = vpow2.f32 v2  }
0x210: {  	v18 =	vmul.f32 $1.442695020e+00, v18;
	(erf) = vpow2.f32 v31  }
0x211: {  	v2 =	vmul.f32 $1.442695020e+00, v27;
	(erf) = vpow2.f32 v29  }
0x212: {  	v55 =	vadd.f32 v30, v22;
	v56 =	vpop (erf);
	v20 =	vadd.f32 v26, v20;
	(erf) = vpow2.f32 v21  }
0x213: {  	v57 =	vpop (erf);
	v58 =	vadd.f32 v56, v25;
	v19 =	vmul.f32 v56, v19;
	(erf) = vpow2.f32 v2  }
0x214: {  	v59 =	vpop (erf);
	v12 =	vmul.f32 v57, v12;
	v20 =	vadd.f32 v24, v20;
	(erf) = vpow2.f32 v18  }
0x215: {  	v60 =	vpop (erf);
	v19 =	vadd.f32 v19, v55;
	v2 =	vadd.f32 v23, v28;
	(erf) = vpow2.f32 v17  }
0x216: {  	v7 =	vmul.f32 v60, v7;
	v12 =	vadd.f32 v12, v20;
	v18 =	vadd.f32 v60, v58  }
0x217: {  	v6 =	vmul.f32 v59, v6;
	v2 =	vadd.f32 v57, v2;
	(erf) = vpow2.f32 v14;
	v14 =	vpop (erf)  }
0x218: {  	v7 =	vadd.f32 v7, v19;
	v9 =	vmul.f32 v14, v9;
	v14 =	vadd.f32 v14, v18;
	v61 =	vpop (erf)  }
0x219: {  	v6 =	vadd.f32 v6, v12;
	v2 =	vadd.f32 v59, v2;
	v62 =	vpop (erf)  }
0x21a: {  	v7 =	vadd.f32 v9, v7;
	v12 =	vpop (erf);
	v9 =	vmul.f32 v62, v16;
	v14 =	vadd.f32 v62, v14  }
0x21b: {  	v13 =	vmul.f32 v12, v13;
	v63 =	vpop (erf);
	v2 =	vadd.f32 v12, v2  }
0x21c: {  	v12 =	vmul.f32 v61, v15;
	v15 =	vpop (erf);
	v7 =	vadd.f32 v9, v7;
	v9 =	vmul.f32 v63, v11  }
0x21d: {  	v11 =	vpop (erf);
	v6 =	vadd.f32 v13, v6  }
0x21e: {  	v2 =	vadd.f32 v61, v2;
	v13 =	vadd.f32 v63, v14;
	v10 =	vmul.f32 v15, v10;
	v14 =	vpop (erf)  }
0x21f: {  	v7 =	vadd.f32 v9, v7;
	v6 =	vadd.f32 v12, v6;
	v8 =	vmul.f32 v14, v8  }
0x220: {  	v4 =	vmul.f32 v11, v4;
	v12 =	vadd.f32 v14, v13;
	v2 =	vadd.f32 v15, v2;
	v9 =	vpop (erf)  }
0x221: {  	v5 =	vmul.f32 v9, v5;
	v6 =	vadd.f32 v10, v6;
	v7 =	vadd.f32 v8, v7  }
0x222: {  	v8 =	vadd.f32 v9, v12;
	v9 =	vadd.f32 v11, v2  }
0x223: {  	v2 =	vmov s18;
	v4 =	vadd.f32 v4, v6;
	v5 =	vadd.f32 v5, v7  }
0x224: {  	v6 =	vadd.f32 v9, v8  }
0x225: {  	[tilespmem:$0x10200] =	vst v3;
	v3 =	vadd.f32 v4, v5  }
0x226: {  	[tilespmem:$0x10600] =	vst v6  }
0x227: {  	s19 =	simm.s32 $0x0;
	[tilespmem:$0x10A00] =	vst v3  }
0x228: {  	v3 =	vld.idx.msk [tilespmem:v2+s19+$0x100 ss:$0x1], $0xffff  }
0x229: {  	v9 =	vld.idx.msk [tilespmem:v2+s19+$0x0 ss:$0x1], $0xffff  }
0x22a: {  	v11 =	vld.idx.msk [tilespmem:v2+s19+$0xFFFFFF00 ss:$0x1], $0xffff  }
0x22b: {  	v10 =	vld.idx.msk [tilespmem:v2+s19+$0xFFFFFE00 ss:$0x1], $0xffff  }
0x22c: {  	v12 =	vld.idx.msk [tilespmem:v2+s19+$0xFFFFFE80 ss:$0x1], $0xffff  }
0x22d: {  	v13 =	vld.idx.msk [tilespmem:v2+s19+$0xFFFFFF80 ss:$0x1], $0xffff  }
0x22e: {  	v8 =	vld.idx.msk [tilespmem:v2+s19+$0x80 ss:$0x1], $0xffff  }
0x22f: {  	s18 =	simm.s32 $0x400;
	v7 =	vld.idx.msk [tilespmem:v2+s19+$0x180 ss:$0x1], $0xffff  }
0x230: {  	v4 =	vld.idx.msk [tilespmem:v2+s18+$0x100 ss:$0x1], $0xffff  }
0x231: {  	v14 =	vimm.f32 $-Inf;
	v5 =	vld.idx.msk [tilespmem:v2+s18+$0x0 ss:$0x1], $0xffff  }
0x232: {  	v6 =	vld.idx.msk [tilespmem:v2+s18+$0xFFFFFF00 ss:$0x1], $0xffff;
	v15 =	vmax.f32 v14, v10;
	v12 =	vmax.f32 v14, v12  }
0x233: {  	s19 =	simm.s32 $0x2000;
	v10 =	vld.idx.msk [tilespmem:v2+s18+$0xFFFFFE00 ss:$0x1], $0xffff;
	v11 =	vmax.f32 v15, v11;
	v12 =	vmax.f32 v12, v13  }
.LBB2_23:
0x234: {  	p1 =	sne.s32 s19, $0x1F000;
	v13 =	vld.idx.msk [tilespmem:v2+s18+$0xFFFFFE80 ss:$0x1], $0xffff;
	v9 =	vmax.f32 v11, v9;
	v8 =	vmax.f32 v12, v8  }
0x235: {  	v12 =	vld.idx.msk [tilespmem:v2+s18+$0xFFFFFF80 ss:$0x1], $0xffff;
	v11 =	vmax.f32 v9, v3;
	v14 =	vmax.f32 v8, v7  }
0x236: {  	v3 =	vmov v4;
	v8 =	vld.idx.msk [tilespmem:v2+s18+$0x80 ss:$0x1], $0xffff  }
.Ltmp10:
0x237: {  	v7 =	vld.idx.msk [tilespmem:v2+s18+$0x180 ss:$0x1], $0xffff;
	s18 =	sshra.s32 s19, $0x2;
	v9 =	vmov v5;
	(pc) =	sbr.rel @p1 .LBB2_23-.Ltmp10, $4  }
0x238: {  	v15 =	vmov v6;
	v4 =	vld.idx.msk [tilespmem:v2+s18+$0x100 ss:$0x1], $0xffff  }
0x239: {  	v5 =	vld.idx.msk [tilespmem:v2+s18+$0x0 ss:$0x1], $0xffff  }
0x23a: {  	v11 =	vmax.f32 v11, v10;
	v13 =	vmax.f32 v14, v13;
	v6 =	vld.idx.msk [tilespmem:v2+s18+$0xFFFFFF00 ss:$0x1], $0xffff  }
0x23b: {  	s19 =	sadd.s32 $0x1000, s19;
	v11 =	vmax.f32 v11, v15;
	v12 =	vmax.f32 v13, v12;
	v10 =	vld.idx.msk [tilespmem:v2+s18+$0xFFFFFE00 ss:$0x1], $0xffff  }
0x23c: {  	_ =	sdelay $0x3  }
0x23d: {  	v13 =	vld.idx.msk [tilespmem:v2+s18+$0xFFFFFE80 ss:$0x1], $0xffff  }
0x23e: {  	v14 =	vld.idx.msk [tilespmem:v2+s18+$0xFFFFFF80 ss:$0x1], $0xffff  }
0x23f: {  	v15 =	vld.idx.msk [tilespmem:v2+s18+$0x80 ss:$0x1], $0xffff  }
0x240: {  	v9 =	vmax.f32 v11, v9;
	v8 =	vmax.f32 v12, v8;
	v11 =	vld.idx.msk [tilespmem:v2+s18+$0x180 ss:$0x1], $0xffff  }
0x241: {  	v3 =	vmax.f32 v9, v3;
	v7 =	vmax.f32 v8, v7  }
0x242: {  	v8 =	vld [tilespmem:$0x10280];
	v3 =	vmax.f32 v3, v10;
	v7 =	vmax.f32 v7, v13  }
0x243: {  	v3 =	vmax.f32 v3, v6;
	v6 =	vmax.f32 v7, v14  }
0x244: {  	v3 =	vmax.f32 v3, v5;
	v5 =	vmax.f32 v6, v15  }
0x245: {  	v3 =	vmax.f32 v3, v4;
	v4 =	vmax.f32 v5, v11  }
0x246: {  	v3 =	vmax.f32 v3, v4  }
0x247: {  	s30 =	simm.s32 $0x0;
	v3 =	vmax.f32 v8, v3  }
0x248: {  	v24 =	vld.idx.msk [tilespmem:v2+s30+$0xFFFFFF80 ss:$0x1], $0xffff;
	v4 =	vsub.f32 v8, v3  }
0x249: {  	v26 =	vld.idx.msk [tilespmem:v2+s30+$0xFFFFFE00 ss:$0x1], $0xffff  }
0x24a: {  	v28 =	vld.idx.msk [tilespmem:v2+s30+$0xFFFFFE80 ss:$0x1], $0xffff;
	v4 =	vmul.f32 $1.442695020e+00, v4  }
0x24b: {  	v19 =	vld.idx.msk [tilespmem:v2+s30+$0xFFFFFF00 ss:$0x1], $0xffff  }
0x24c: {  	v12 =	vld.idx.msk [tilespmem:v2+s30+$0x80 ss:$0x1], $0xffff;
	(erf) = vpow2.f32 v4  }
0x24d: {  	v9 =	vld.idx.msk [tilespmem:v2+s30+$0x100 ss:$0x1], $0xffff;
	v4 =	vsub.f32 v24, v3  }
0x24e: {  	v6 =	vld.idx.msk [tilespmem:v2+s30+$0x180 ss:$0x1], $0xffff;
	v5 =	vsub.f32 v26, v3  }
0x24f: {  	v10 =	vld [tilespmem:$0x10A80];
	v11 =	vsub.f32 v28, v3;
	v4 =	vmul.f32 $1.442695020e+00, v4  }
0x250: {  	v7 =	vld.idx.msk [tilespmem:v2+s30+$0x0 ss:$0x1], $0xffff;
	v13 =	vsub.f32 v19, v3;
	v5 =	vmul.f32 $1.442695020e+00, v5  }
0x251: {  	s31 =	simm.s32 $0x400;
	v8 =	vld [tilespmem:$0x10680];
	v15 =	vsub.f32 v12, v3;
	v11 =	vmul.f32 $1.442695020e+00, v11;
	(erf) = vpow2.f32 v4  }
0x252: {  	v13 =	vmul.f32 $1.442695020e+00, v13;
	v4 =	vld.idx.msk [tilespmem:v2+s31+$0x180 ss:$0x1], $0xffff;
	(erf) = vpow2.f32 v5  }
0x253: {  	v16 =	vsub.f32 v6, v3;
	v15 =	vmul.f32 $1.442695020e+00, v15;
	v5 =	vld.idx.msk [tilespmem:v2+s31+$0x100 ss:$0x1], $0xffff;
	(erf) = vpow2.f32 v11  }
0x254: {  	v11 =	vld.idx.msk [tilespmem:v2+s31+$0xFFFFFF00 ss:$0x1], $0xffff;
	(erf) = vpow2.f32 v13  }
0x255: {  	v16 =	vmul.f32 $1.442695020e+00, v16;
	v13 =	vld.idx.msk [tilespmem:v2+s31+$0xFFFFFE80 ss:$0x1], $0xffff;
	(erf) = vpow2.f32 v15;
	v14 =	vpop (erf)  }
0x256: {  	v15 =	vld.idx.msk [tilespmem:v2+s31+$0xFFFFFF80 ss:$0x1], $0xffff;
	v25 =	vmul.f32 v14, v8;
	v22 =	vmul.f32 v14, v10;
	v14 =	vsub.f32 v7, v3  }
0x257: {  	v20 =	vimm.f32 $0.0e+00;
	v17 =	vsub.f32 v9, v3;
	v8 =	vld.idx.msk [tilespmem:v2+s31+$0x0 ss:$0x1], $0xffff  }
0x258: {  	(erf) = vpow2.f32 v16;
	v16 =	vld.idx.msk [tilespmem:v2+s31+$0xFFFFFE00 ss:$0x1], $0xffff;
	v21 =	vsub.f32 v5, v3;
	v14 =	vmul.f32 $1.442695020e+00, v14  }
0x259: {  	v17 =	vmul.f32 $1.442695020e+00, v17;
	v18 =	vsub.f32 v4, v3;
	v10 =	vld.idx.msk [tilespmem:v2+s31+$0x80 ss:$0x1], $0xffff;
	v30 =	vsub.f32 v11, v3  }
0x25a: {  	v29 =	vsub.f32 v13, v3;
	v23 =	vpop (erf);
	(erf) = vpow2.f32 v14;
	v14 =	vmul.f32 $1.442695020e+00, v21  }
0x25b: {  	v32 =	vsub.f32 v15, v3;
	v31 =	vpop (erf);
	v21 =	vmul.f32 $1.442695020e+00, v30;
	(erf) = vpow2.f32 v17  }
0x25c: {  	v24 =	vmul.f32 v23, v24;
	v27 =	vsub.f32 v8, v3;
	v25 =	vadd.f32 v31, v25;
	v33 =	vpop (erf)  }
0x25d: {  	v30 =	vmul.f32 v31, v26;
	v31 =	vsub.f32 v16, v3;
	v26 =	vmul.f32 v33, v28  }
0x25e: {  	s18 =	simm.s32 $0x2000;
	v28 =	vadd.f32 v33, v20;
	v17 =	vmul.f32 $1.442695020e+00, v27;
	v27 =	vsub.f32 v10, v3  }
.LBB2_25:
0x25f: {  	v29 =	vmul.f32 $1.442695020e+00, v29;
	v22 =	vadd.f32 v30, v22;
	v30 =	vpop (erf)  }
0x260: {  	s19 =	sshra.s32 s18, $0x2;
	p1 =	sne.s32 s18, $0x1F000;
	s18 =	sadd.s32 $0x1000, s18;
	v32 =	vmul.f32 $1.442695020e+00, v32;
	v33 =	vmovc v11;
	v34 =	vmovc v13;
	v35 =	vmov v16;
	v36 =	vmov v15  }
0x261: {  	v27 =	vmul.f32 $1.442695020e+00, v27;
	v37 =	vld.idx.msk [tilespmem:v2+s19+$0x180 ss:$0x1], $0xffff;
	v11 =	vmul.f32 $1.442695020e+00, v31;
	v15 =	vadd.f32 v23, v28;
	v16 =	vpop (erf)  }
0x262: {  	v13 =	vadd.f32 v30, v25;
	v19 =	vmul.f32 v30, v19;
	v23 =	vld.idx.msk [tilespmem:v2+s19+$0x100 ss:$0x1], $0xffff;
	(erf) = vpow2.f32 v32;
	v25 =	vpop (erf)  }
0x263: {  	v20 =	vadd.f32 v26, v20;
	v12 =	vmul.f32 v16, v12;
	v28 =	vld.idx.msk [tilespmem:v2+s19+$0x0 ss:$0x1], $0xffff;
	(erf) = vpow2.f32 v11;
	v26 =	vpop (erf)  }
0x264: {  	v19 =	vadd.f32 v19, v22;
	v31 =	vld.idx.msk [tilespmem:v2+s19+$0x80 ss:$0x1], $0xffff;
	(erf) = vpow2.f32 v29;
	v22 =	vadd.f32 v26, v13;
	v29 =	vpop (erf)  }
0x265: {  	v30 =	vmul.f32 $1.442695020e+00, v18;
	v18 =	vadd.f32 v24, v20;
	v20 =	vmul.f32 v26, v7;
	v7 =	vmovc v8;
	v11 =	vld.idx.msk [tilespmem:v2+s19+$0xFFFFFF00 ss:$0x1], $0xffff  }
0x266: {  	v32 =	vmul.f32 v25, v6;
	v8 =	vadd.f32 v16, v15;
	v24 =	vmul.f32 v29, v9;
	v13 =	vld.idx.msk [tilespmem:v2+s19+$0xFFFFFE80 ss:$0x1], $0xffff  }
0x267: {  	v6 =	vmovc v4;
	v38 =	vadd.f32 v12, v18;
	v26 =	vadd.f32 v29, v22;
	v16 =	vld.idx.msk [tilespmem:v2+s19+$0xFFFFFE00 ss:$0x1], $0xffff;
	(erf) = vpow2.f32 v21  }
0x268: {  	v18 =	vsub.f32 v37, v3;
	v4 =	vmovc v37;
	v21 =	vsub.f32 v23, v3;
	v15 =	vld.idx.msk [tilespmem:v2+s19+$0xFFFFFF80 ss:$0x1], $0xffff;
	(erf) = vpow2.f32 v27  }
0x269: {  	v9 =	vmovc v5;
	v29 =	vadd.f32 v20, v19;
	v20 =	vadd.f32 v32, v38;
	v5 =	vmovc v23;
	(erf) = vpow2.f32 v30  }
0x26a: {  	v37 =	vadd.f32 v25, v8;
	v12 =	vmovc v10;
	v27 =	vsub.f32 v28, v3;
	v8 =	vmovc v28;
	(erf) = vpow2.f32 v17  }
.Ltmp11:
0x26b: {  	v22 =	vadd.f32 v24, v29;
	v28 =	vsub.f32 v11, v3;
	v23 =	vpop (erf);
	(erf) = vpow2.f32 v14;
	(pc) =	sbr.rel @p1 .LBB2_25-.Ltmp11, $4  }
0x26c: {  	v17 =	vmul.f32 $1.442695020e+00, v27;
	v27 =	vsub.f32 v31, v3;
	v14 =	vmul.f32 $1.442695020e+00, v21;
	v19 =	vpop (erf)  }
0x26d: {  	v29 =	vsub.f32 v13, v3;
	v21 =	vmul.f32 $1.442695020e+00, v28;
	v25 =	vadd.f32 v19, v26;
	v24 =	vpop (erf)  }
0x26e: {  	v10 =	vmovc v31;
	v32 =	vsub.f32 v15, v3;
	v30 =	vmul.f32 v19, v35;
	v26 =	vmul.f32 v24, v34  }
0x26f: {  	v31 =	vsub.f32 v16, v3;
	v19 =	vmovc v33;
	v28 =	vadd.f32 v24, v37;
	v24 =	vmul.f32 v23, v36  }
0x270: {  	v2 =	vmul.f32 $1.442695020e+00, v32  }
0x271: {  	v31 =	vmul.f32 $1.442695020e+00, v31  }
0x272: {  	v29 =	vmul.f32 $1.442695020e+00, v29;
	(erf) = vpow2.f32 v2  }
0x273: {  	v18 =	vmul.f32 $1.442695020e+00, v18;
	(erf) = vpow2.f32 v31  }
0x274: {  	v2 =	vmul.f32 $1.442695020e+00, v27;
	(erf) = vpow2.f32 v29  }
0x275: {  	v55 =	vadd.f32 v30, v22;
	v56 =	vpop (erf);
	v20 =	vadd.f32 v26, v20;
	(erf) = vpow2.f32 v21  }
0x276: {  	v57 =	vpop (erf);
	v58 =	vadd.f32 v56, v25;
	v19 =	vmul.f32 v56, v19;
	(erf) = vpow2.f32 v2  }
0x277: {  	v59 =	vpop (erf);
	v12 =	vmul.f32 v57, v12;
	v20 =	vadd.f32 v24, v20;
	(erf) = vpow2.f32 v18  }
0x278: {  	v60 =	vpop (erf);
	v19 =	vadd.f32 v19, v55;
	v2 =	vadd.f32 v23, v28;
	(erf) = vpow2.f32 v17  }
0x279: {  	v7 =	vmul.f32 v60, v7;
	v12 =	vadd.f32 v12, v20;
	v18 =	vadd.f32 v60, v58  }
0x27a: {  	v6 =	vmul.f32 v59, v6;
	v2 =	vadd.f32 v57, v2;
	(erf) = vpow2.f32 v14;
	v14 =	vpop (erf)  }
0x27b: {  	v7 =	vadd.f32 v7, v19;
	v9 =	vmul.f32 v14, v9;
	v14 =	vadd.f32 v14, v18;
	v61 =	vpop (erf)  }
0x27c: {  	v6 =	vadd.f32 v6, v12;
	v2 =	vadd.f32 v59, v2;
	v62 =	vpop (erf)  }
0x27d: {  	v7 =	vadd.f32 v9, v7;
	v12 =	vpop (erf);
	v9 =	vmul.f32 v62, v16;
	v14 =	vadd.f32 v62, v14  }
0x27e: {  	v13 =	vmul.f32 v12, v13;
	v63 =	vpop (erf);
	v2 =	vadd.f32 v12, v2  }
0x27f: {  	v12 =	vmul.f32 v61, v15;
	v15 =	vpop (erf);
	v7 =	vadd.f32 v9, v7;
	v9 =	vmul.f32 v63, v11  }
0x280: {  	v11 =	vpop (erf);
	v6 =	vadd.f32 v13, v6  }
0x281: {  	v2 =	vadd.f32 v61, v2;
	v13 =	vadd.f32 v63, v14;
	v10 =	vmul.f32 v15, v10;
	v14 =	vpop (erf)  }
0x282: {  	v7 =	vadd.f32 v9, v7;
	v6 =	vadd.f32 v12, v6;
	v8 =	vmul.f32 v14, v8  }
0x283: {  	v4 =	vmul.f32 v11, v4;
	v12 =	vadd.f32 v14, v13;
	v2 =	vadd.f32 v15, v2;
	v9 =	vpop (erf)  }
0x284: {  	v5 =	vmul.f32 v9, v5;
	v6 =	vadd.f32 v10, v6;
	v7 =	vadd.f32 v8, v7  }
0x285: {  	v8 =	vadd.f32 v9, v12;
	v9 =	vadd.f32 v11, v2  }
0x286: {  	v2 =	vmov s17;
	v4 =	vadd.f32 v4, v6;
	v5 =	vadd.f32 v5, v7  }
0x287: {  	v6 =	vadd.f32 v9, v8  }
0x288: {  	[tilespmem:$0x10280] =	vst v3;
	v3 =	vadd.f32 v4, v5  }
0x289: {  	[tilespmem:$0x10680] =	vst v6  }
0x28a: {  	s18 =	simm.s32 $0x0;
	[tilespmem:$0x10A80] =	vst v3  }
0x28b: {  	v3 =	vld.idx.msk [tilespmem:v2+s18+$0x100 ss:$0x1], $0xffff  }
0x28c: {  	v9 =	vld.idx.msk [tilespmem:v2+s18+$0x0 ss:$0x1], $0xffff  }
0x28d: {  	v11 =	vld.idx.msk [tilespmem:v2+s18+$0xFFFFFF00 ss:$0x1], $0xffff  }
0x28e: {  	v10 =	vld.idx.msk [tilespmem:v2+s18+$0xFFFFFE00 ss:$0x1], $0xffff  }
0x28f: {  	v12 =	vld.idx.msk [tilespmem:v2+s18+$0xFFFFFE80 ss:$0x1], $0xffff  }
0x290: {  	v13 =	vld.idx.msk [tilespmem:v2+s18+$0xFFFFFF80 ss:$0x1], $0xffff  }
0x291: {  	v8 =	vld.idx.msk [tilespmem:v2+s18+$0x80 ss:$0x1], $0xffff  }
0x292: {  	s17 =	simm.s32 $0x400;
	v7 =	vld.idx.msk [tilespmem:v2+s18+$0x180 ss:$0x1], $0xffff  }
0x293: {  	v4 =	vld.idx.msk [tilespmem:v2+s17+$0x100 ss:$0x1], $0xffff  }
0x294: {  	v14 =	vimm.f32 $-Inf;
	v5 =	vld.idx.msk [tilespmem:v2+s17+$0x0 ss:$0x1], $0xffff  }
0x295: {  	v6 =	vld.idx.msk [tilespmem:v2+s17+$0xFFFFFF00 ss:$0x1], $0xffff;
	v15 =	vmax.f32 v14, v10;
	v12 =	vmax.f32 v14, v12  }
0x296: {  	s18 =	simm.s32 $0x2000;
	v10 =	vld.idx.msk [tilespmem:v2+s17+$0xFFFFFE00 ss:$0x1], $0xffff;
	v11 =	vmax.f32 v15, v11;
	v12 =	vmax.f32 v12, v13  }
.LBB2_27:
0x297: {  	p1 =	sne.s32 s18, $0x1F000;
	v13 =	vld.idx.msk [tilespmem:v2+s17+$0xFFFFFE80 ss:$0x1], $0xffff;
	v9 =	vmax.f32 v11, v9;
	v8 =	vmax.f32 v12, v8  }
0x298: {  	v12 =	vld.idx.msk [tilespmem:v2+s17+$0xFFFFFF80 ss:$0x1], $0xffff;
	v11 =	vmax.f32 v9, v3;
	v14 =	vmax.f32 v8, v7  }
0x299: {  	v3 =	vmov v4;
	v8 =	vld.idx.msk [tilespmem:v2+s17+$0x80 ss:$0x1], $0xffff  }
.Ltmp12:
0x29a: {  	v7 =	vld.idx.msk [tilespmem:v2+s17+$0x180 ss:$0x1], $0xffff;
	s17 =	sshra.s32 s18, $0x2;
	v9 =	vmov v5;
	(pc) =	sbr.rel @p1 .LBB2_27-.Ltmp12, $4  }
0x29b: {  	v15 =	vmov v6;
	v4 =	vld.idx.msk [tilespmem:v2+s17+$0x100 ss:$0x1], $0xffff  }
0x29c: {  	v5 =	vld.idx.msk [tilespmem:v2+s17+$0x0 ss:$0x1], $0xffff  }
0x29d: {  	v11 =	vmax.f32 v11, v10;
	v13 =	vmax.f32 v14, v13;
	v6 =	vld.idx.msk [tilespmem:v2+s17+$0xFFFFFF00 ss:$0x1], $0xffff  }
0x29e: {  	s18 =	sadd.s32 $0x1000, s18;
	v11 =	vmax.f32 v11, v15;
	v12 =	vmax.f32 v13, v12;
	v10 =	vld.idx.msk [tilespmem:v2+s17+$0xFFFFFE00 ss:$0x1], $0xffff  }
0x29f: {  	_ =	sdelay $0x3  }
0x2a0: {  	v13 =	vld.idx.msk [tilespmem:v2+s17+$0xFFFFFE80 ss:$0x1], $0xffff  }
0x2a1: {  	v14 =	vld.idx.msk [tilespmem:v2+s17+$0xFFFFFF80 ss:$0x1], $0xffff  }
0x2a2: {  	v15 =	vld.idx.msk [tilespmem:v2+s17+$0x80 ss:$0x1], $0xffff  }
0x2a3: {  	v9 =	vmax.f32 v11, v9;
	v8 =	vmax.f32 v12, v8;
	v11 =	vld.idx.msk [tilespmem:v2+s17+$0x180 ss:$0x1], $0xffff  }
0x2a4: {  	v3 =	vmax.f32 v9, v3;
	v7 =	vmax.f32 v8, v7  }
0x2a5: {  	v8 =	vld [tilespmem:$0x10300];
	v3 =	vmax.f32 v3, v10;
	v7 =	vmax.f32 v7, v13  }
0x2a6: {  	v3 =	vmax.f32 v3, v6;
	v6 =	vmax.f32 v7, v14  }
0x2a7: {  	v3 =	vmax.f32 v3, v5;
	v5 =	vmax.f32 v6, v15  }
0x2a8: {  	v3 =	vmax.f32 v3, v4;
	v4 =	vmax.f32 v5, v11  }
0x2a9: {  	v3 =	vmax.f32 v3, v4  }
0x2aa: {  	s30 =	simm.s32 $0x0;
	v3 =	vmax.f32 v8, v3  }
0x2ab: {  	v24 =	vld.idx.msk [tilespmem:v2+s30+$0xFFFFFF80 ss:$0x1], $0xffff;
	v4 =	vsub.f32 v8, v3  }
0x2ac: {  	v26 =	vld.idx.msk [tilespmem:v2+s30+$0xFFFFFE00 ss:$0x1], $0xffff  }
0x2ad: {  	v28 =	vld.idx.msk [tilespmem:v2+s30+$0xFFFFFE80 ss:$0x1], $0xffff;
	v4 =	vmul.f32 $1.442695020e+00, v4  }
0x2ae: {  	v19 =	vld.idx.msk [tilespmem:v2+s30+$0xFFFFFF00 ss:$0x1], $0xffff  }
0x2af: {  	v12 =	vld.idx.msk [tilespmem:v2+s30+$0x80 ss:$0x1], $0xffff;
	(erf) = vpow2.f32 v4  }
0x2b0: {  	v9 =	vld.idx.msk [tilespmem:v2+s30+$0x100 ss:$0x1], $0xffff;
	v4 =	vsub.f32 v24, v3  }
0x2b1: {  	v6 =	vld.idx.msk [tilespmem:v2+s30+$0x180 ss:$0x1], $0xffff;
	v5 =	vsub.f32 v26, v3  }
0x2b2: {  	v10 =	vld [tilespmem:$0x10B00];
	v11 =	vsub.f32 v28, v3;
	v4 =	vmul.f32 $1.442695020e+00, v4  }
0x2b3: {  	v7 =	vld.idx.msk [tilespmem:v2+s30+$0x0 ss:$0x1], $0xffff;
	v13 =	vsub.f32 v19, v3;
	v5 =	vmul.f32 $1.442695020e+00, v5  }
0x2b4: {  	s31 =	simm.s32 $0x400;
	v8 =	vld [tilespmem:$0x10700];
	v15 =	vsub.f32 v12, v3;
	v11 =	vmul.f32 $1.442695020e+00, v11;
	(erf) = vpow2.f32 v4  }
0x2b5: {  	v13 =	vmul.f32 $1.442695020e+00, v13;
	v4 =	vld.idx.msk [tilespmem:v2+s31+$0x180 ss:$0x1], $0xffff;
	(erf) = vpow2.f32 v5  }
0x2b6: {  	v16 =	vsub.f32 v6, v3;
	v15 =	vmul.f32 $1.442695020e+00, v15;
	v5 =	vld.idx.msk [tilespmem:v2+s31+$0x100 ss:$0x1], $0xffff;
	(erf) = vpow2.f32 v11  }
0x2b7: {  	v11 =	vld.idx.msk [tilespmem:v2+s31+$0xFFFFFF00 ss:$0x1], $0xffff;
	(erf) = vpow2.f32 v13  }
0x2b8: {  	v16 =	vmul.f32 $1.442695020e+00, v16;
	v13 =	vld.idx.msk [tilespmem:v2+s31+$0xFFFFFE80 ss:$0x1], $0xffff;
	(erf) = vpow2.f32 v15;
	v14 =	vpop (erf)  }
0x2b9: {  	v15 =	vld.idx.msk [tilespmem:v2+s31+$0xFFFFFF80 ss:$0x1], $0xffff;
	v25 =	vmul.f32 v14, v8;
	v22 =	vmul.f32 v14, v10;
	v14 =	vsub.f32 v7, v3  }
0x2ba: {  	v20 =	vimm.f32 $0.0e+00;
	v17 =	vsub.f32 v9, v3;
	v8 =	vld.idx.msk [tilespmem:v2+s31+$0x0 ss:$0x1], $0xffff  }
0x2bb: {  	(erf) = vpow2.f32 v16;
	v16 =	vld.idx.msk [tilespmem:v2+s31+$0xFFFFFE00 ss:$0x1], $0xffff;
	v21 =	vsub.f32 v5, v3;
	v14 =	vmul.f32 $1.442695020e+00, v14  }
0x2bc: {  	v17 =	vmul.f32 $1.442695020e+00, v17;
	v18 =	vsub.f32 v4, v3;
	v10 =	vld.idx.msk [tilespmem:v2+s31+$0x80 ss:$0x1], $0xffff;
	v30 =	vsub.f32 v11, v3  }
0x2bd: {  	v29 =	vsub.f32 v13, v3;
	v23 =	vpop (erf);
	(erf) = vpow2.f32 v14;
	v14 =	vmul.f32 $1.442695020e+00, v21  }
0x2be: {  	v32 =	vsub.f32 v15, v3;
	v31 =	vpop (erf);
	v21 =	vmul.f32 $1.442695020e+00, v30;
	(erf) = vpow2.f32 v17  }
0x2bf: {  	v24 =	vmul.f32 v23, v24;
	v27 =	vsub.f32 v8, v3;
	v25 =	vadd.f32 v31, v25;
	v33 =	vpop (erf)  }
0x2c0: {  	v30 =	vmul.f32 v31, v26;
	v31 =	vsub.f32 v16, v3;
	v26 =	vmul.f32 v33, v28  }
0x2c1: {  	s17 =	simm.s32 $0x2000;
	v28 =	vadd.f32 v33, v20;
	v17 =	vmul.f32 $1.442695020e+00, v27;
	v27 =	vsub.f32 v10, v3  }
.LBB2_29:
0x2c2: {  	v29 =	vmul.f32 $1.442695020e+00, v29;
	v22 =	vadd.f32 v30, v22;
	v30 =	vpop (erf)  }
0x2c3: {  	s18 =	sshra.s32 s17, $0x2;
	p1 =	sne.s32 s17, $0x1F000;
	s17 =	sadd.s32 $0x1000, s17;
	v32 =	vmul.f32 $1.442695020e+00, v32;
	v33 =	vmovc v11;
	v34 =	vmovc v13;
	v35 =	vmov v16;
	v36 =	vmov v15  }
0x2c4: {  	v27 =	vmul.f32 $1.442695020e+00, v27;
	v37 =	vld.idx.msk [tilespmem:v2+s18+$0x180 ss:$0x1], $0xffff;
	v11 =	vmul.f32 $1.442695020e+00, v31;
	v15 =	vadd.f32 v23, v28;
	v16 =	vpop (erf)  }
0x2c5: {  	v13 =	vadd.f32 v30, v25;
	v19 =	vmul.f32 v30, v19;
	v23 =	vld.idx.msk [tilespmem:v2+s18+$0x100 ss:$0x1], $0xffff;
	(erf) = vpow2.f32 v32;
	v25 =	vpop (erf)  }
0x2c6: {  	v20 =	vadd.f32 v26, v20;
	v12 =	vmul.f32 v16, v12;
	v28 =	vld.idx.msk [tilespmem:v2+s18+$0x0 ss:$0x1], $0xffff;
	(erf) = vpow2.f32 v11;
	v26 =	vpop (erf)  }
0x2c7: {  	v19 =	vadd.f32 v19, v22;
	v31 =	vld.idx.msk [tilespmem:v2+s18+$0x80 ss:$0x1], $0xffff;
	(erf) = vpow2.f32 v29;
	v22 =	vadd.f32 v26, v13;
	v29 =	vpop (erf)  }
0x2c8: {  	v30 =	vmul.f32 $1.442695020e+00, v18;
	v18 =	vadd.f32 v24, v20;
	v20 =	vmul.f32 v26, v7;
	v7 =	vmovc v8;
	v11 =	vld.idx.msk [tilespmem:v2+s18+$0xFFFFFF00 ss:$0x1], $0xffff  }
0x2c9: {  	v32 =	vmul.f32 v25, v6;
	v8 =	vadd.f32 v16, v15;
	v24 =	vmul.f32 v29, v9;
	v13 =	vld.idx.msk [tilespmem:v2+s18+$0xFFFFFE80 ss:$0x1], $0xffff  }
0x2ca: {  	v6 =	vmovc v4;
	v38 =	vadd.f32 v12, v18;
	v26 =	vadd.f32 v29, v22;
	v16 =	vld.idx.msk [tilespmem:v2+s18+$0xFFFFFE00 ss:$0x1], $0xffff;
	(erf) = vpow2.f32 v21  }
0x2cb: {  	v18 =	vsub.f32 v37, v3;
	v4 =	vmovc v37;
	v21 =	vsub.f32 v23, v3;
	v15 =	vld.idx.msk [tilespmem:v2+s18+$0xFFFFFF80 ss:$0x1], $0xffff;
	(erf) = vpow2.f32 v27  }
0x2cc: {  	v9 =	vmovc v5;
	v29 =	vadd.f32 v20, v19;
	v20 =	vadd.f32 v32, v38;
	v5 =	vmovc v23;
	(erf) = vpow2.f32 v30  }
0x2cd: {  	v37 =	vadd.f32 v25, v8;
	v12 =	vmovc v10;
	v27 =	vsub.f32 v28, v3;
	v8 =	vmovc v28;
	(erf) = vpow2.f32 v17  }
.Ltmp13:
0x2ce: {  	v22 =	vadd.f32 v24, v29;
	v28 =	vsub.f32 v11, v3;
	v23 =	vpop (erf);
	(erf) = vpow2.f32 v14;
	(pc) =	sbr.rel @p1 .LBB2_29-.Ltmp13, $4  }
0x2cf: {  	v17 =	vmul.f32 $1.442695020e+00, v27;
	v27 =	vsub.f32 v31, v3;
	v14 =	vmul.f32 $1.442695020e+00, v21;
	v19 =	vpop (erf)  }
0x2d0: {  	v29 =	vsub.f32 v13, v3;
	v21 =	vmul.f32 $1.442695020e+00, v28;
	v25 =	vadd.f32 v19, v26;
	v24 =	vpop (erf)  }
0x2d1: {  	v10 =	vmovc v31;
	v32 =	vsub.f32 v15, v3;
	v30 =	vmul.f32 v19, v35;
	v26 =	vmul.f32 v24, v34  }
0x2d2: {  	v31 =	vsub.f32 v16, v3;
	v19 =	vmovc v33;
	v28 =	vadd.f32 v24, v37;
	v24 =	vmul.f32 v23, v36  }
0x2d3: {  	v2 =	vmul.f32 $1.442695020e+00, v32  }
0x2d4: {  	v31 =	vmul.f32 $1.442695020e+00, v31  }
0x2d5: {  	v29 =	vmul.f32 $1.442695020e+00, v29;
	(erf) = vpow2.f32 v2  }
0x2d6: {  	v18 =	vmul.f32 $1.442695020e+00, v18;
	(erf) = vpow2.f32 v31  }
0x2d7: {  	v2 =	vmul.f32 $1.442695020e+00, v27;
	(erf) = vpow2.f32 v29  }
0x2d8: {  	v55 =	vadd.f32 v30, v22;
	v56 =	vpop (erf);
	v20 =	vadd.f32 v26, v20;
	(erf) = vpow2.f32 v21  }
0x2d9: {  	v57 =	vpop (erf);
	v58 =	vadd.f32 v56, v25;
	v19 =	vmul.f32 v56, v19;
	(erf) = vpow2.f32 v2  }
0x2da: {  	v59 =	vpop (erf);
	v12 =	vmul.f32 v57, v12;
	v20 =	vadd.f32 v24, v20;
	(erf) = vpow2.f32 v18  }
0x2db: {  	v60 =	vpop (erf);
	v19 =	vadd.f32 v19, v55;
	v2 =	vadd.f32 v23, v28;
	(erf) = vpow2.f32 v17  }
0x2dc: {  	v7 =	vmul.f32 v60, v7;
	v12 =	vadd.f32 v12, v20;
	v18 =	vadd.f32 v60, v58  }
0x2dd: {  	v6 =	vmul.f32 v59, v6;
	v2 =	vadd.f32 v57, v2;
	(erf) = vpow2.f32 v14;
	v14 =	vpop (erf)  }
0x2de: {  	v7 =	vadd.f32 v7, v19;
	v9 =	vmul.f32 v14, v9;
	v14 =	vadd.f32 v14, v18;
	v61 =	vpop (erf)  }
0x2df: {  	v6 =	vadd.f32 v6, v12;
	v2 =	vadd.f32 v59, v2;
	v62 =	vpop (erf)  }
0x2e0: {  	v7 =	vadd.f32 v9, v7;
	v12 =	vpop (erf);
	v9 =	vmul.f32 v62, v16;
	v14 =	vadd.f32 v62, v14  }
0x2e1: {  	v13 =	vmul.f32 v12, v13;
	v63 =	vpop (erf);
	v2 =	vadd.f32 v12, v2  }
0x2e2: {  	v12 =	vmul.f32 v61, v15;
	v15 =	vpop (erf);
	v7 =	vadd.f32 v9, v7;
	v9 =	vmul.f32 v63, v11  }
0x2e3: {  	v11 =	vpop (erf);
	v6 =	vadd.f32 v13, v6  }
0x2e4: {  	v2 =	vadd.f32 v61, v2;
	v13 =	vadd.f32 v63, v14;
	v10 =	vmul.f32 v15, v10;
	v14 =	vpop (erf)  }
0x2e5: {  	v7 =	vadd.f32 v9, v7;
	v6 =	vadd.f32 v12, v6;
	v8 =	vmul.f32 v14, v8  }
0x2e6: {  	v4 =	vmul.f32 v11, v4;
	v12 =	vadd.f32 v14, v13;
	v2 =	vadd.f32 v15, v2;
	v9 =	vpop (erf)  }
0x2e7: {  	v5 =	vmul.f32 v9, v5;
	v6 =	vadd.f32 v10, v6;
	v7 =	vadd.f32 v8, v7  }
0x2e8: {  	v8 =	vadd.f32 v9, v12;
	v9 =	vadd.f32 v11, v2  }
0x2e9: {  	v2 =	vmov s16;
	v4 =	vadd.f32 v4, v6;
	v5 =	vadd.f32 v5, v7  }
0x2ea: {  	v6 =	vadd.f32 v9, v8  }
0x2eb: {  	[tilespmem:$0x10300] =	vst v3;
	v3 =	vadd.f32 v4, v5  }
0x2ec: {  	[tilespmem:$0x10700] =	vst v6  }
0x2ed: {  	s17 =	simm.s32 $0x0;
	[tilespmem:$0x10B00] =	vst v3  }
0x2ee: {  	v3 =	vld.idx.msk [tilespmem:v2+s17+$0x100 ss:$0x1], $0xffff  }
0x2ef: {  	v9 =	vld.idx.msk [tilespmem:v2+s17+$0x0 ss:$0x1], $0xffff  }
0x2f0: {  	v11 =	vld.idx.msk [tilespmem:v2+s17+$0xFFFFFF00 ss:$0x1], $0xffff  }
0x2f1: {  	v10 =	vld.idx.msk [tilespmem:v2+s17+$0xFFFFFE00 ss:$0x1], $0xffff  }
0x2f2: {  	v12 =	vld.idx.msk [tilespmem:v2+s17+$0xFFFFFE80 ss:$0x1], $0xffff  }
0x2f3: {  	v13 =	vld.idx.msk [tilespmem:v2+s17+$0xFFFFFF80 ss:$0x1], $0xffff  }
0x2f4: {  	v8 =	vld.idx.msk [tilespmem:v2+s17+$0x80 ss:$0x1], $0xffff  }
0x2f5: {  	s16 =	simm.s32 $0x400;
	v7 =	vld.idx.msk [tilespmem:v2+s17+$0x180 ss:$0x1], $0xffff  }
0x2f6: {  	v4 =	vld.idx.msk [tilespmem:v2+s16+$0x100 ss:$0x1], $0xffff  }
0x2f7: {  	v14 =	vimm.f32 $-Inf;
	v5 =	vld.idx.msk [tilespmem:v2+s16+$0x0 ss:$0x1], $0xffff  }
0x2f8: {  	v6 =	vld.idx.msk [tilespmem:v2+s16+$0xFFFFFF00 ss:$0x1], $0xffff;
	v15 =	vmax.f32 v14, v10;
	v12 =	vmax.f32 v14, v12  }
0x2f9: {  	s17 =	simm.s32 $0x2000;
	v10 =	vld.idx.msk [tilespmem:v2+s16+$0xFFFFFE00 ss:$0x1], $0xffff;
	v11 =	vmax.f32 v15, v11;
	v12 =	vmax.f32 v12, v13  }
.LBB2_31:
0x2fa: {  	p1 =	sne.s32 s17, $0x1F000;
	v13 =	vld.idx.msk [tilespmem:v2+s16+$0xFFFFFE80 ss:$0x1], $0xffff;
	v9 =	vmax.f32 v11, v9;
	v8 =	vmax.f32 v12, v8  }
0x2fb: {  	v12 =	vld.idx.msk [tilespmem:v2+s16+$0xFFFFFF80 ss:$0x1], $0xffff;
	v11 =	vmax.f32 v9, v3;
	v14 =	vmax.f32 v8, v7  }
0x2fc: {  	v3 =	vmov v4;
	v8 =	vld.idx.msk [tilespmem:v2+s16+$0x80 ss:$0x1], $0xffff  }
.Ltmp14:
0x2fd: {  	v7 =	vld.idx.msk [tilespmem:v2+s16+$0x180 ss:$0x1], $0xffff;
	s16 =	sshra.s32 s17, $0x2;
	v9 =	vmov v5;
	(pc) =	sbr.rel @p1 .LBB2_31-.Ltmp14, $4  }
0x2fe: {  	v15 =	vmov v6;
	v4 =	vld.idx.msk [tilespmem:v2+s16+$0x100 ss:$0x1], $0xffff  }
0x2ff: {  	v5 =	vld.idx.msk [tilespmem:v2+s16+$0x0 ss:$0x1], $0xffff  }
0x300: {  	v11 =	vmax.f32 v11, v10;
	v13 =	vmax.f32 v14, v13;
	v6 =	vld.idx.msk [tilespmem:v2+s16+$0xFFFFFF00 ss:$0x1], $0xffff  }
0x301: {  	s17 =	sadd.s32 $0x1000, s17;
	v11 =	vmax.f32 v11, v15;
	v12 =	vmax.f32 v13, v12;
	v10 =	vld.idx.msk [tilespmem:v2+s16+$0xFFFFFE00 ss:$0x1], $0xffff  }
0x302: {  	_ =	sdelay $0x3  }
0x303: {  	v13 =	vld.idx.msk [tilespmem:v2+s16+$0xFFFFFE80 ss:$0x1], $0xffff  }
0x304: {  	v14 =	vld.idx.msk [tilespmem:v2+s16+$0xFFFFFF80 ss:$0x1], $0xffff  }
0x305: {  	v15 =	vld.idx.msk [tilespmem:v2+s16+$0x80 ss:$0x1], $0xffff  }
0x306: {  	v9 =	vmax.f32 v11, v9;
	v8 =	vmax.f32 v12, v8;
	v11 =	vld.idx.msk [tilespmem:v2+s16+$0x180 ss:$0x1], $0xffff  }
0x307: {  	v3 =	vmax.f32 v9, v3;
	v7 =	vmax.f32 v8, v7  }
0x308: {  	v8 =	vld [tilespmem:$0x10380];
	v3 =	vmax.f32 v3, v10;
	v7 =	vmax.f32 v7, v13  }
0x309: {  	v3 =	vmax.f32 v3, v6;
	v6 =	vmax.f32 v7, v14  }
0x30a: {  	v3 =	vmax.f32 v3, v5;
	v5 =	vmax.f32 v6, v15  }
0x30b: {  	v3 =	vmax.f32 v3, v4;
	v4 =	vmax.f32 v5, v11  }
0x30c: {  	v3 =	vmax.f32 v3, v4  }
0x30d: {  	s30 =	simm.s32 $0x0;
	v3 =	vmax.f32 v8, v3  }
0x30e: {  	v24 =	vld.idx.msk [tilespmem:v2+s30+$0xFFFFFF80 ss:$0x1], $0xffff;
	v4 =	vsub.f32 v8, v3  }
0x30f: {  	v26 =	vld.idx.msk [tilespmem:v2+s30+$0xFFFFFE00 ss:$0x1], $0xffff  }
0x310: {  	v28 =	vld.idx.msk [tilespmem:v2+s30+$0xFFFFFE80 ss:$0x1], $0xffff;
	v4 =	vmul.f32 $1.442695020e+00, v4  }
0x311: {  	v19 =	vld.idx.msk [tilespmem:v2+s30+$0xFFFFFF00 ss:$0x1], $0xffff  }
0x312: {  	v12 =	vld.idx.msk [tilespmem:v2+s30+$0x80 ss:$0x1], $0xffff;
	(erf) = vpow2.f32 v4  }
0x313: {  	v9 =	vld.idx.msk [tilespmem:v2+s30+$0x100 ss:$0x1], $0xffff;
	v4 =	vsub.f32 v24, v3  }
0x314: {  	v6 =	vld.idx.msk [tilespmem:v2+s30+$0x180 ss:$0x1], $0xffff;
	v5 =	vsub.f32 v26, v3  }
0x315: {  	v10 =	vld [tilespmem:$0x10B80];
	v11 =	vsub.f32 v28, v3;
	v4 =	vmul.f32 $1.442695020e+00, v4  }
0x316: {  	v7 =	vld.idx.msk [tilespmem:v2+s30+$0x0 ss:$0x1], $0xffff;
	v13 =	vsub.f32 v19, v3;
	v5 =	vmul.f32 $1.442695020e+00, v5  }
0x317: {  	s31 =	simm.s32 $0x400;
	v8 =	vld [tilespmem:$0x10780];
	v15 =	vsub.f32 v12, v3;
	v11 =	vmul.f32 $1.442695020e+00, v11;
	(erf) = vpow2.f32 v4  }
0x318: {  	v13 =	vmul.f32 $1.442695020e+00, v13;
	v4 =	vld.idx.msk [tilespmem:v2+s31+$0x180 ss:$0x1], $0xffff;
	(erf) = vpow2.f32 v5  }
0x319: {  	v16 =	vsub.f32 v6, v3;
	v15 =	vmul.f32 $1.442695020e+00, v15;
	v5 =	vld.idx.msk [tilespmem:v2+s31+$0x100 ss:$0x1], $0xffff;
	(erf) = vpow2.f32 v11  }
0x31a: {  	v11 =	vld.idx.msk [tilespmem:v2+s31+$0xFFFFFF00 ss:$0x1], $0xffff;
	(erf) = vpow2.f32 v13  }
0x31b: {  	v16 =	vmul.f32 $1.442695020e+00, v16;
	v13 =	vld.idx.msk [tilespmem:v2+s31+$0xFFFFFE80 ss:$0x1], $0xffff;
	(erf) = vpow2.f32 v15;
	v14 =	vpop (erf)  }
0x31c: {  	v15 =	vld.idx.msk [tilespmem:v2+s31+$0xFFFFFF80 ss:$0x1], $0xffff;
	v25 =	vmul.f32 v14, v8;
	v22 =	vmul.f32 v14, v10;
	v14 =	vsub.f32 v7, v3  }
0x31d: {  	v20 =	vimm.f32 $0.0e+00;
	v17 =	vsub.f32 v9, v3;
	v8 =	vld.idx.msk [tilespmem:v2+s31+$0x0 ss:$0x1], $0xffff  }
0x31e: {  	(erf) = vpow2.f32 v16;
	v16 =	vld.idx.msk [tilespmem:v2+s31+$0xFFFFFE00 ss:$0x1], $0xffff;
	v21 =	vsub.f32 v5, v3;
	v14 =	vmul.f32 $1.442695020e+00, v14  }
0x31f: {  	v17 =	vmul.f32 $1.442695020e+00, v17;
	v18 =	vsub.f32 v4, v3;
	v10 =	vld.idx.msk [tilespmem:v2+s31+$0x80 ss:$0x1], $0xffff;
	v30 =	vsub.f32 v11, v3  }
0x320: {  	v29 =	vsub.f32 v13, v3;
	v23 =	vpop (erf);
	(erf) = vpow2.f32 v14;
	v14 =	vmul.f32 $1.442695020e+00, v21  }
0x321: {  	v32 =	vsub.f32 v15, v3;
	v31 =	vpop (erf);
	v21 =	vmul.f32 $1.442695020e+00, v30;
	(erf) = vpow2.f32 v17  }
0x322: {  	v24 =	vmul.f32 v23, v24;
	v27 =	vsub.f32 v8, v3;
	v25 =	vadd.f32 v31, v25;
	v33 =	vpop (erf)  }
0x323: {  	v30 =	vmul.f32 v31, v26;
	v31 =	vsub.f32 v16, v3;
	v26 =	vmul.f32 v33, v28  }
0x324: {  	s16 =	simm.s32 $0x2000;
	v28 =	vadd.f32 v33, v20;
	v17 =	vmul.f32 $1.442695020e+00, v27;
	v27 =	vsub.f32 v10, v3  }
.LBB2_33:
0x325: {  	v29 =	vmul.f32 $1.442695020e+00, v29;
	v22 =	vadd.f32 v30, v22;
	v30 =	vpop (erf)  }
0x326: {  	s17 =	sshra.s32 s16, $0x2;
	p1 =	sne.s32 s16, $0x1F000;
	s16 =	sadd.s32 $0x1000, s16;
	v32 =	vmul.f32 $1.442695020e+00, v32;
	v33 =	vmovc v11;
	v34 =	vmovc v13;
	v35 =	vmov v16;
	v36 =	vmov v15  }
0x327: {  	v27 =	vmul.f32 $1.442695020e+00, v27;
	v37 =	vld.idx.msk [tilespmem:v2+s17+$0x180 ss:$0x1], $0xffff;
	v11 =	vmul.f32 $1.442695020e+00, v31;
	v15 =	vadd.f32 v23, v28;
	v16 =	vpop (erf)  }
0x328: {  	v13 =	vadd.f32 v30, v25;
	v19 =	vmul.f32 v30, v19;
	v23 =	vld.idx.msk [tilespmem:v2+s17+$0x100 ss:$0x1], $0xffff;
	(erf) = vpow2.f32 v32;
	v25 =	vpop (erf)  }
0x329: {  	v20 =	vadd.f32 v26, v20;
	v12 =	vmul.f32 v16, v12;
	v28 =	vld.idx.msk [tilespmem:v2+s17+$0x0 ss:$0x1], $0xffff;
	(erf) = vpow2.f32 v11;
	v26 =	vpop (erf)  }
0x32a: {  	v19 =	vadd.f32 v19, v22;
	v31 =	vld.idx.msk [tilespmem:v2+s17+$0x80 ss:$0x1], $0xffff;
	(erf) = vpow2.f32 v29;
	v22 =	vadd.f32 v26, v13;
	v29 =	vpop (erf)  }
0x32b: {  	v30 =	vmul.f32 $1.442695020e+00, v18;
	v18 =	vadd.f32 v24, v20;
	v20 =	vmul.f32 v26, v7;
	v7 =	vmovc v8;
	v11 =	vld.idx.msk [tilespmem:v2+s17+$0xFFFFFF00 ss:$0x1], $0xffff  }
0x32c: {  	v32 =	vmul.f32 v25, v6;
	v8 =	vadd.f32 v16, v15;
	v24 =	vmul.f32 v29, v9;
	v13 =	vld.idx.msk [tilespmem:v2+s17+$0xFFFFFE80 ss:$0x1], $0xffff  }
0x32d: {  	v6 =	vmovc v4;
	v38 =	vadd.f32 v12, v18;
	v26 =	vadd.f32 v29, v22;
	v16 =	vld.idx.msk [tilespmem:v2+s17+$0xFFFFFE00 ss:$0x1], $0xffff;
	(erf) = vpow2.f32 v21  }
0x32e: {  	v18 =	vsub.f32 v37, v3;
	v4 =	vmovc v37;
	v21 =	vsub.f32 v23, v3;
	v15 =	vld.idx.msk [tilespmem:v2+s17+$0xFFFFFF80 ss:$0x1], $0xffff;
	(erf) = vpow2.f32 v27  }
0x32f: {  	v9 =	vmovc v5;
	v29 =	vadd.f32 v20, v19;
	v20 =	vadd.f32 v32, v38;
	v5 =	vmovc v23;
	(erf) = vpow2.f32 v30  }
0x330: {  	v37 =	vadd.f32 v25, v8;
	v12 =	vmovc v10;
	v27 =	vsub.f32 v28, v3;
	v8 =	vmovc v28;
	(erf) = vpow2.f32 v17  }
.Ltmp15:
0x331: {  	v22 =	vadd.f32 v24, v29;
	v28 =	vsub.f32 v11, v3;
	v23 =	vpop (erf);
	(erf) = vpow2.f32 v14;
	(pc) =	sbr.rel @p1 .LBB2_33-.Ltmp15, $4  }
0x332: {  	v17 =	vmul.f32 $1.442695020e+00, v27;
	v27 =	vsub.f32 v31, v3;
	v14 =	vmul.f32 $1.442695020e+00, v21;
	v19 =	vpop (erf)  }
0x333: {  	v29 =	vsub.f32 v13, v3;
	v21 =	vmul.f32 $1.442695020e+00, v28;
	v25 =	vadd.f32 v19, v26;
	v24 =	vpop (erf)  }
0x334: {  	v10 =	vmovc v31;
	v32 =	vsub.f32 v15, v3;
	v30 =	vmul.f32 v19, v35;
	v26 =	vmul.f32 v24, v34  }
0x335: {  	v31 =	vsub.f32 v16, v3;
	v19 =	vmovc v33;
	v28 =	vadd.f32 v24, v37;
	v24 =	vmul.f32 v23, v36  }
0x336: {  	v2 =	vmul.f32 $1.442695020e+00, v32  }
0x337: {  	v31 =	vmul.f32 $1.442695020e+00, v31  }
0x338: {  	v29 =	vmul.f32 $1.442695020e+00, v29;
	(erf) = vpow2.f32 v2  }
0x339: {  	(erf) = vpow2.f32 v31  }
0x33a: {  	v2 =	vmul.f32 $1.442695020e+00, v27;
	(erf) = vpow2.f32 v29  }
0x33b: {  	v18 =	vmul.f32 $1.442695020e+00, v18;
	(erf) = vpow2.f32 v21  }
0x33c: {  	v43 =	vadd.f32 v30, v22;
	v44 =	vpop (erf);
	v20 =	vadd.f32 v26, v20;
	(erf) = vpow2.f32 v2  }
0x33d: {  	v45 =	vpop (erf);
	v46 =	vadd.f32 v44, v25;
	v19 =	vmul.f32 v44, v19;
	(erf) = vpow2.f32 v18  }
0x33e: {  	v47 =	vpop (erf);
	v12 =	vmul.f32 v45, v12;
	v20 =	vadd.f32 v24, v20;
	(erf) = vpow2.f32 v17  }
0x33f: {  	v48 =	vpop (erf);
	v19 =	vadd.f32 v19, v43;
	v6 =	vmul.f32 v47, v6;
	v2 =	vadd.f32 v23, v28  }
0x340: {  	v49 =	vpop (erf);
	v7 =	vmul.f32 v48, v7;
	v12 =	vadd.f32 v12, v20;
	(erf) = vpow2.f32 v14  }
0x341: {  	v18 =	vadd.f32 v48, v46;
	v2 =	vadd.f32 v45, v2;
	v50 =	vpop (erf)  }
0x342: {  	v9 =	vmul.f32 v49, v9;
	v7 =	vadd.f32 v7, v19;
	v6 =	vadd.f32 v6, v12;
	v51 =	vpop (erf)  }
0x343: {  	v14 =	vadd.f32 v49, v18;
	v2 =	vadd.f32 v47, v2;
	v52 =	vpop (erf)  }
0x344: {  	v7 =	vadd.f32 v9, v7;
	v53 =	vmul.f32 v51, v16;
	v13 =	vmul.f32 v52, v13;
	v54 =	vpop (erf)  }
0x345: {  	v55 =	vmul.f32 v50, v15;
	v14 =	vadd.f32 v51, v14;
	v2 =	vadd.f32 v52, v2;
	v56 =	vpop (erf)  }
0x346: {  	v7 =	vadd.f32 v53, v7;
	v57 =	vmul.f32 v54, v11;
	v58 =	vpop (erf);
	v6 =	vadd.f32 v13, v6  }
0x347: {  	v59 =	vadd.f32 v54, v14;
	v2 =	vadd.f32 v50, v2;
	v10 =	vmul.f32 v56, v10;
	v60 =	vpop (erf)  }
0x348: {  	v7 =	vadd.f32 v57, v7;
	v6 =	vadd.f32 v55, v6;
	v8 =	vmul.f32 v60, v8  }
0x349: {  	v4 =	vmul.f32 v58, v4;
	v61 =	vpop (erf);
	v62 =	vadd.f32 v60, v59;
	v2 =	vadd.f32 v56, v2  }
0x34a: {  	v5 =	vmul.f32 v61, v5;
	v6 =	vadd.f32 v10, v6;
	v7 =	vadd.f32 v8, v7  }
0x34b: {  	p1 =	sne.s32 s15, $0x8;
	v63 =	vadd.f32 v61, v62;
	v2 =	vadd.f32 v58, v2  }
.Ltmp16:
0x34c: {  	v4 =	vadd.f32 v4, v6;
	v5 =	vadd.f32 v5, v7;
	(pc) =	sbr.rel @p1 .LBB2_2-.Ltmp16, $4  }
0x34d: {  	v2 =	vadd.f32 v2, v63  }
0x34e: {  	[tilespmem:$0x10380] =	vst v3;
	v3 =	vadd.f32 v4, v5  }
0x34f: {  	[tilespmem:$0x10780] =	vst v2  }
0x350: {  	p0 =	por !p0, !p0;
	[tilespmem:$0x10B80] =	vst v3  }
0x351: {  	v2 =	vld [tilespmem:$0x10000]  }
0x352: {  	v3 =	vld [tilespmem:$0x10400]  }
0x353: {  	v4 =	vld [tilespmem:$0x10800]  }
0x354: {  	v5 =	vld [tilespmem:$0x10080]  }
0x355: {  	v6 =	vld [tilespmem:$0x10480]  }
0x356: {  	v53 =	vld [tilespmem:$0x10500];
	[tilespmem:$0x10C00] =	vst v2  }
0x357: {  	v54 =	vld [tilespmem:$0x10900];
	[tilespmem:$0x10C80] =	vst v3  }
0x358: {  	v2 =	vld [tilespmem:$0x10880];
	[tilespmem:$0x10D00] =	vst v4  }
0x359: {  	v3 =	vld [tilespmem:$0x10100];
	[tilespmem:$0x10C10] =	vst v5  }
0x35a: {  	v55 =	vld [tilespmem:$0x10180];
	[tilespmem:$0x10C90] =	vst v6  }
0x35b: {  	v56 =	vld [tilespmem:$0x10200];
	[tilespmem:$0x10CA0] =	vst v53  }
0x35c: {  	v57 =	vld [tilespmem:$0x10600];
	[tilespmem:$0x10D20] =	vst v54  }
0x35d: {  	[tilespmem:$0x10D10] =	vst v2;
	v2 =	vld [tilespmem:$0x10580]  }
0x35e: {  	[tilespmem:$0x10C20] =	vst v3;
	v3 =	vld [tilespmem:$0x10980]  }
0x35f: {  	v58 =	vld [tilespmem:$0x10A00];
	[tilespmem:$0x10C30] =	vst v55  }
0x360: {  	v59 =	vld [tilespmem:$0x10A80];
	[tilespmem:$0x10C40] =	vst v56  }
0x361: {  	v60 =	vld [tilespmem:$0x10300];
	[tilespmem:$0x10CC0] =	vst v57  }
0x362: {  	[tilespmem:$0x10CB0] =	vst v2;
	v2 =	vld [tilespmem:$0x10280]  }
0x363: {  	[tilespmem:$0x10D30] =	vst v3;
	v3 =	vld [tilespmem:$0x10680]  }
0x364: {  	v61 =	vld [tilespmem:$0x10700];
	[tilespmem:$0x10D40] =	vst v58  }
0x365: {  	v62 =	vld [tilespmem:$0x10780];
	[tilespmem:$0x10D50] =	vst v59  }
0x366: {  	v63 =	vld [tilespmem:$0x10B80];
	[tilespmem:$0x10C60] =	vst v60  }
0x367: {  	[tilespmem:$0x10C50] =	vst v2;
	v2 =	vld [tilespmem:$0x10B00]  }
0x368: {  	[tilespmem:$0x10CD0] =	vst v3;
	v3 =	vld [tilespmem:$0x10380]  }
0x369: {  	[tilespmem:$0x10CE0] =	vst v61  }
0x36a: {  	[tilespmem:$0x10CF0] =	vst v62  }
0x36b: {  	[tilespmem:$0x10D70] =	vst v63  }
0x36c: {  	[tilespmem:$0x10D60] =	vst v2  }
0x36d: {  	[tilespmem:$0x10C70] =	vst v3  }
0x36e: {  	[hbm4b:s4+s2] =	stream.linear.scatter [tilespmem:s10], [sflag:$0x3], $0x80, $0x38;
	[tilespmem:$0x10D80] =	vst v63  }
0x36f: {  	_ =	swait.ge [sflag:s11], $0x80  }
0x370: {  	[sflag:s11] =	ssyncset.done $0x0  }
0x371: {  	[sflag:s11] =	ssyncadd.s32 $0xFFFFFF80  }
0x372: {  	[hbm4b:s5+s2] =	stream.linear.scatter [tilespmem:s12], [sflag:$0x3], $0x80, $0x38;
	[tilespmem:$0x10D80] =	vst v63  }
0x373: {  	s14 =	sadd.s32 $0x1, s14;
	_ =	swait.ge [sflag:s11], $0x80  }
0x374: {  	p0 =	sne.s32 s14, s7;
	[sflag:s11] =	ssyncset.done $0x0  }
.Ltmp17:
0x375: {  	[sflag:s11] =	ssyncadd.s32 $0xFFFFFF80;
	(pc) =	sbr.rel @p0 .LBB2_1-.Ltmp17, $4  }
0x376: {  	[hbm4b:s6+s2] =	stream.linear.scatter [tilespmem:s13], [sflag:$0x3], $0x80, $0x38;
	[tilespmem:$0x10D80] =	vst v63  }
0x377: {  	_ =	swait.ge [sflag:s11], $0x80  }
0x378: {  	[sflag:s11] =	ssyncset.done $0x0  }
0x379: {  	[sflag:s11] =	ssyncadd.s32 $0xFFFFFF80  }
0x37a: {  	_ =	sfence.sel $0x180000  }
0x37b: {  	[bflag:$0x0] =	sbarrier.arrive $0xFFFF  }
0x37c: {  	p0 =	sne.s32 s0, $0x0;
	_ =	strace $0x90000047  }
0x37d: {  	s0 =	sadd.s32 @!p0 $0x100000, s1;
	[bflag:$0x2] =	sbarrier.arrive $0xFFFF  }
0x37e: {  	[sflag:s0] =	ssyncadd.tile.s32 @!p0 $0x1;
	_ =	shalt  }
.Lfunc_end2:
_tile_overlayer_lowered:
.L_overlay_start_2:
0x37f: {  	(tag) =	ssettag $0x2  }
0x380: {  	s0 =	rddreg [dreg:$0x0];
	s2 =	stileid.u32  }
0x381: {  	s1 =	rddreg [dreg:$0x1];
	p0 =	sne.s32 s2, $0x0  }
0x382: {  	s3 =	rddreg [dreg:$0x2];
	[bflag:$0x3] =	sbarrier.arrive $0xFFFF;
	s2 =	simm.s32 @!p0 $0x1C03  }
0x383: {  	[timem:s3], [sflag:s2] =	dma.local @!p0 [hbm:s0], s1  }
0x384: {  	s0 =	simm.s32 @!p0 $0x3  }
0x385: {  	_ =	swait.ge @!p0 [sflag:s0], s1  }
0x386: {  	s1 =	ssub.s32 @!p0 $0x0, s1;
	[sflag:s0] =	ssyncset.done @!p0 $0x0  }
0x387: {  	[sflag:s0] =	ssyncadd.s32 @!p0 s1  }
0x388: {  	[bflag:$0x3] =	sbarrier.arrive $0xFFFF  }
0x389: {  	_ =	shalt  }

</sc_bundles>
